<compile_context>
chip_gen: v7x
topology: tpu7x:2x2x1
jax: 0.10.2.dev20260603
libtpu: 0.0.44.dev20260713+nightly
codegen_flags: <defaults>
</compile_context>

<pallas_src>
import jax
import jax.numpy as jnp
from jax import lax
from jax.experimental import pallas as pl
from jax.experimental.pallas import tpu as pltpu
import jax.experimental.pallas.tpu_sc as plsc

N = 1000000
L = 16
NW = 16
SB = 256
NSB = 244
CHUNK = SB * NSB
LAST = N - (NW - 1) * CHUNK
BUF = SB * SB
NPIECE = 4
GP = 4
PIECES = [CHUNK // NPIECE] * 3 + [CHUNK - 3 * (CHUNK // NPIECE)]


def _lane():
    return lax.iota(jnp.int32, L)


def _splat_sum(v):
    for k in (1, 2, 4, 8):
        v = v + jnp.take_along_axis(v, _lane() ^ k, axis=0)
    return v


def _last_lane(v):
    return jnp.take_along_axis(v, jnp.full((L,), L - 1, jnp.int32), axis=0)


def _body(p_hbm, c_hbm, out_hbm, data_v, c_v, sb_v, parts_f, parts_i, stage_f,
          stage_i, shared_f, shared_i):
    w = lax.axis_index("s") * 1 + lax.axis_index("c")
    zero = jnp.zeros((L,), jnp.float32)

    def zero_body(i, _):
        data_v[pl.ds(LAST + i * L, L)] = zero
        return 0

    lax.fori_loop(0, (BUF - LAST) // L, zero_body, 0)

    @pl.when(w != NW - 1)
    def _():
        def zb(i, _):
            data_v[pl.ds(CHUNK + i * L, L)] = zero
            return 0
        lax.fori_loop(0, (LAST - CHUNK) // L, zb, 0)

    @pl.when(w == NW - 1)
    def _():
        pltpu.sync_copy(p_hbm.at[pl.ds((NW - 1) * CHUNK + CHUNK, LAST - CHUNK)],
                        data_v.at[pl.ds(CHUNK, LAST - CHUNK)])

    pltpu.sync_copy(p_hbm.at[pl.ds(w * CHUNK, CHUNK)], data_v.at[pl.ds(0, CHUNK)])
    pltpu.sync_copy(c_hbm, c_v)

    def group_body(g, acc_tot):
        lane = _lane()
        packed = zero
        base = g * (SB * L)
        for j in range(L):
            sb_base = base + j * SB
            vs = [data_v[pl.ds(sb_base + k * L, L)] for k in range(SB // L)]
            while len(vs) > 1:
                vs = [a + b for a, b in zip(vs[0::2], vs[1::2])]
            s = jnp.sum(vs[0])
            packed = packed + jnp.where(lane == j, s, zero)
        sb_v[pl.ds(g * L, L)] = packed
        return acc_tot + packed

    acc_tot = lax.fori_loop(0, L, group_body, zero)
    local_vec = _splat_sum(acc_tot)

    stage_f[...] = local_vec
    pltpu.sync_copy(stage_f, shared_f.at[pl.ds(w * L, L)])
    plsc.subcore_barrier()
    pltpu.sync_copy(shared_f, parts_f)

    total_vec = zero
    prefix_vec = zero
    for i in range(NW):
        row = parts_f[pl.ds(i * L, L)]
        total_vec = total_vec + row
        prefix_vec = prefix_vec + jnp.where(i < w, row, zero)

    r_vec = c_v[...] * total_vec - prefix_vec

    run_vec = zero
    j_vec = jnp.zeros((L,), jnp.int32)
    below_vec = zero
    for t in range(L):
        v = sb_v[pl.ds(t * L, L)]
        cs = plsc.cumsum(v) + run_vec
        m = cs <= r_vec
        j_vec = j_vec + plsc.all_reduce_population_count(m)
        below_vec = below_vec + jnp.where(m, v, zero)
        run_vec = _last_lane(cs)

    bd_run_vec = _splat_sum(below_vec)
    limit_vec = jnp.where(w == NW - 1, BUF // SB - 9, NSB)

    base = jnp.minimum(jnp.max(j_vec), BUF // SB - 10) * SB
    fc_vec = bd_run_vec
    fcnt_vec = jnp.zeros((L,), jnp.int32)
    for k in range(SB // L):
        v = data_v[pl.ds(base + k * L, L)]
        cs = plsc.cumsum(v) + fc_vec
        fcnt_vec = fcnt_vec + plsc.all_reduce_population_count(cs <= r_vec)
        fc_vec = _last_lane(cs)

    count_vec = SB * jnp.minimum(j_vec, limit_vec) + jnp.where(
        j_vec < limit_vec, fcnt_vec, 0)

    stage_i[...] = count_vec
    pltpu.sync_copy(stage_i, shared_i.at[pl.ds(w * L, L)])
    plsc.subcore_barrier()
    pltpu.sync_copy(shared_i, parts_i)

    idx_vec = jnp.zeros((L,), jnp.int32)
    for i in range(NW):
        idx_vec = idx_vec + parts_i[pl.ds(i * L, L)]
    idx_vec = jnp.minimum(idx_vec, N - 1)

    @pl.when(w == 0)
    def _():
        stage_i[...] = idx_vec
        pltpu.sync_copy(stage_i, out_hbm)


@jax.jit
def _sc_count(p, c_vec):
    mesh = plsc.VectorSubcoreMesh(
        core_axis_name="c", subcore_axis_name="s", num_cores=1, num_subcores=NW
    )
    f = pl.kernel(
        _body,
        out_type=jax.ShapeDtypeStruct((L,), jnp.int32),
        mesh=mesh,
        compiler_params=pltpu.CompilerParams(needs_layout_passes=False),
        scratch_types=[
            pltpu.VMEM((BUF,), jnp.float32),
            pltpu.VMEM((L,), jnp.float32),
            pltpu.VMEM((SB,), jnp.float32),
            pltpu.VMEM((NW * L,), jnp.float32),
            pltpu.VMEM((NW * L,), jnp.int32),
            pltpu.VMEM((L,), jnp.float32),
            pltpu.VMEM((L,), jnp.int32),
            pltpu.VMEM_SHARED((NW * L,), jnp.float32),
            pltpu.VMEM_SHARED((NW * L,), jnp.int32),
        ],
    )
    return f(p, c_vec)


def kernel(probabilities):
    c = jax.random.uniform(jax.random.key(42), (), dtype=jnp.float32)
    res = _sc_count(probabilities, jnp.full((L,), c, jnp.float32))
    return res[0]

# --- scband reference (transcript-rebuilt; emitter-appended) ---
"""Pipeline reference for scband-multinomial-sampler-26474178412893 (READ-ONLY COPY).

The authoritative reference and input builder live on the scoring server;
editing this copy changes nothing except your own understanding.
"""

import jax, jax.numpy as jnp
import numpy as np


def setup_inputs(seed: int = 0) -> dict:
    key = jax.random.key(seed)
    # unnormalized non-negative weights, like torch.multinomial accepts
    probabilities = jax.random.uniform(key, (1000000,), dtype=jnp.float32)
    return {"probabilities": probabilities}


def reference(probabilities):
    # Faithful to torch.multinomial(probabilities, 1).item():
    # draw one index i with probability probabilities[i] / sum(probabilities).
    # Implemented via inverse-CDF sampling: cumsum + searchsorted.
    cdf = jnp.cumsum(probabilities)
    total = cdf[-1]
    u = jax.random.uniform(jax.random.key(42), (), dtype=jnp.float32) * total
    idx = jnp.searchsorted(cdf, u, side="right")
    idx = jnp.clip(idx, 0, probabilities.shape[0] - 1)
    return idx

if __name__ == "__main__":
    import jax
    _d = setup_inputs()
    print(jax.jit(kernel)(*tuple(_d.values())))

</pallas_src>

<mosaic_0001>
#map = affine_map<(d0, d1) -> (0)>
module attributes {stable_mosaic.version = 14 : i64} {
  func.func @_body(%arg0: i32, %arg1: i32, %arg2: memref<1000000xf32, #tpu.memory_space<hbm>>, %arg3: memref<16xf32, #tpu.memory_space<hbm>>, %arg4: memref<16xi32, #tpu.memory_space<hbm>>, %arg5: memref<65536xf32, #tpu.memory_space<vmem>>, %arg6: memref<16xf32, #tpu.memory_space<vmem>>, %arg7: memref<256xf32, #tpu.memory_space<vmem>>, %arg8: memref<256xf32, #tpu.memory_space<vmem>>, %arg9: memref<256xi32, #tpu.memory_space<vmem>>, %arg10: memref<16xf32, #tpu.memory_space<vmem>>, %arg11: memref<16xi32, #tpu.memory_space<vmem>>, %arg12: memref<256xf32, #tpu.memory_space<vmem_shared>>, %arg13: memref<256xi32, #tpu.memory_space<vmem_shared>>) attributes {dimension_semantics = [#tpu.dimension_semantics<core_parallel>, #tpu.dimension_semantics<subcore_parallel>], iteration_bounds = array<i64: 1, 16>, scalar_prefetch = 0 : i64, scratch_operands = 9 : i64, tpu.core_type = #tpu.core_type<sc_vector_subcore>, window_params = [{transform_indices = #map}, {transform_indices = #map}, {transform_indices = #map}]} {
    %mul3A = arith.constant 1 : i32
    %mul3A_0 = arith.muli %arg1, %mul3A : i32
    %add3A = arith.addi %mul3A_0, %arg0 : i32
    %broadcast_in_dim3A = arith.constant 0.000000e+00 : f32
    %broadcast_in_dim3A_1 = vector.broadcast %broadcast_in_dim3A : f32 to vector<16xf32>
    %scan3A = arith.constant 0 : i32
    %scan3A_2 = arith.constant 0 : i32
    %scan3A_3 = arith.constant 156 : i32
    %scan3A_4 = arith.addi %scan3A_2, %scan3A_3 : i32
    %scan3A_5 = arith.constant 1 : i32
    %scan3A_6 = scf.for %scan3A_1077 = %scan3A_2 to %scan3A_4 step %scan3A_5 iter_args(%scan3A_1078 = %scan3A) -> (i32)  : i32 {
      %mul3A_1079 = arith.constant 16 : i32
      %mul3A_1080 = arith.muli %scan3A_1077, %mul3A_1079 : i32
      %add3A_1081 = arith.constant 63040 : i32
      %add3A_1082 = arith.addi %add3A_1081, %mul3A_1080 : i32
      %swap3A_1083 = arith.index_cast %add3A_1082 : i32 to index
      %swap3A_1084 = tpu.vector_load %arg5[%swap3A_1083] {strides = array<i32>} : memref<65536xf32, #tpu.memory_space<vmem>>, vector<16xf32>,
      tpu.vector_store %arg5[%swap3A_1083], %broadcast_in_dim3A_1 {strides = array<i32>} : memref<65536xf32, #tpu.memory_space<vmem>>, vector<16xf32>,
      %scan3A_1085 = arith.constant 0 : i32
      scf.yield %scan3A_1085 : i32
    }
    %scan3A_7 = arith.constant 156 : i32
    %ne3A = arith.constant 15 : i32
    %ne3A_8 = arith.cmpi ne, %add3A, %ne3A : i32
    %convert_element_type3A = arith.extui %ne3A_8 : i1 to i32
    %cond3A = arith.constant 0 : i32
    %cond3A_9 = arith.cmpi ne, %convert_element_type3A, %cond3A : i32
    scf.if %cond3A_9 {
      %scan3A_1077 = arith.constant 0 : i32
      %scan3A_1078 = arith.constant 0 : i32
      %scan3A_1079 = arith.constant 36 : i32
      %scan3A_1080 = arith.addi %scan3A_1078, %scan3A_1079 : i32
      %scan3A_1081 = arith.constant 1 : i32
      %scan3A_1082 = scf.for %scan3A_1084 = %scan3A_1078 to %scan3A_1080 step %scan3A_1081 iter_args(%scan3A_1085 = %scan3A_1077) -> (i32)  : i32 {
        %mul3A_1086 = arith.constant 16 : i32
        %mul3A_1087 = arith.muli %scan3A_1084, %mul3A_1086 : i32
        %add3A_1088 = arith.constant 62464 : i32
        %add3A_1089 = arith.addi %add3A_1088, %mul3A_1087 : i32
        %swap3A_1090 = arith.index_cast %add3A_1089 : i32 to index
        %swap3A_1091 = tpu.vector_load %arg5[%swap3A_1090] {strides = array<i32>} : memref<65536xf32, #tpu.memory_space<vmem>>, vector<16xf32>,
        tpu.vector_store %arg5[%swap3A_1090], %broadcast_in_dim3A_1 {strides = array<i32>} : memref<65536xf32, #tpu.memory_space<vmem>>, vector<16xf32>,
        %scan3A_1092 = arith.constant 0 : i32
        scf.yield %scan3A_1092 : i32
      }
      %scan3A_1083 = arith.constant 36 : i32
    } else {
    }
    %eq3A = arith.constant 15 : i32
    %eq3A_10 = arith.cmpi eq, %add3A, %eq3A : i32
    %convert_element_type3A_11 = arith.extui %eq3A_10 : i1 to i32
    %cond3A_12 = arith.constant 0 : i32
    %cond3A_13 = arith.cmpi ne, %convert_element_type3A_11, %cond3A_12 : i32
    scf.if %cond3A_13 {
      "tpu.region"() ({
        %run_scoped3A = tpu.sem_alloc : memref<!tpu.dma_semaphore, #tpu.memory_space<semaphore_mem>>
        %dma_start3A = arith.constant 62464 : i32
        %dma_start3A_1077 = tpu.memref_slice %arg5[%dma_start3A] : memref<65536xf32, #tpu.memory_space<vmem>> -> memref<576xf32, #tpu.memory_space<vmem>>
        %dma_start3A_1078 = arith.constant 999424 : i32
        %dma_start3A_1079 = tpu.memref_slice %arg2[%dma_start3A_1078] : memref<1000000xf32, #tpu.memory_space<hbm>> -> memref<576xf32, #tpu.memory_space<hbm>>
        %dma_start3A_1080 = arith.constant 62464 : i32
        %dma_start3A_1081 = tpu.memref_slice %arg5[%dma_start3A_1080] : memref<65536xf32, #tpu.memory_space<vmem>> -> memref<576xf32, #tpu.memory_space<vmem>>
        %dma_start3A_1082 = arith.constant 999424 : i32
        %dma_start3A_1083 = tpu.memref_slice %arg2[%dma_start3A_1082] : memref<1000000xf32, #tpu.memory_space<hbm>> -> memref<576xf32, #tpu.memory_space<hbm>>
        tpu.enqueue_dma source(%dma_start3A_1083 : memref<576xf32, #tpu.memory_space<hbm>>) target(%dma_start3A_1081 : memref<576xf32, #tpu.memory_space<vmem>>) target_semaphore(%run_scoped3A : memref<!tpu.dma_semaphore, #tpu.memory_space<semaphore_mem>>)
        %dma_wait3A = arith.constant 62464 : i32
        %dma_wait3A_1084 = tpu.memref_slice %arg5[%dma_wait3A] : memref<65536xf32, #tpu.memory_space<vmem>> -> memref<576xf32, #tpu.memory_space<vmem>>
        %dma_wait3A_1085 = arith.constant 999424 : i32
        %dma_wait3A_1086 = tpu.memref_slice %arg2[%dma_wait3A_1085] : memref<1000000xf32, #tpu.memory_space<hbm>> -> memref<576xf32, #tpu.memory_space<hbm>>
        %dma_wait3A_1087 = arith.constant 62464 : i32
        %dma_wait3A_1088 = tpu.memref_slice %arg5[%dma_wait3A_1087] : memref<65536xf32, #tpu.memory_space<vmem>> -> memref<576xf32, #tpu.memory_space<vmem>>
        %dma_wait3A_1089 = arith.constant 999424 : i32
        %dma_wait3A_1090 = tpu.memref_slice %arg2[%dma_wait3A_1089] : memref<1000000xf32, #tpu.memory_space<hbm>> -> memref<576xf32, #tpu.memory_space<hbm>>
        tpu.wait_dma2 semaphore(%run_scoped3A : memref<!tpu.dma_semaphore, #tpu.memory_space<semaphore_mem>>) src(%dma_wait3A_1090 : memref<576xf32, #tpu.memory_space<hbm>>) dst(%dma_wait3A_1088 : memref<576xf32, #tpu.memory_space<vmem>>)
        tpu.yield
      }) : () -> ()
    } else {
    }
    %mul3A_14 = arith.constant 62464 : i32
    %mul3A_15 = arith.muli %add3A, %mul3A_14 : i32
    "tpu.region"() ({
      %run_scoped3A = tpu.sem_alloc : memref<!tpu.dma_semaphore, #tpu.memory_space<semaphore_mem>>
      %dma_start3A = arith.constant 0 : i32
      %dma_start3A_1077 = tpu.memref_slice %arg5[%dma_start3A] : memref<65536xf32, #tpu.memory_space<vmem>> -> memref<62464xf32, #tpu.memory_space<vmem>>
      %dma_start3A_1078 = tpu.memref_slice %arg2[%mul3A_15] : memref<1000000xf32, #tpu.memory_space<hbm>> -> memref<62464xf32, #tpu.memory_space<hbm>>
      %dma_start3A_1079 = arith.constant 0 : i32
      %dma_start3A_1080 = tpu.memref_slice %arg5[%dma_start3A_1079] : memref<65536xf32, #tpu.memory_space<vmem>> -> memref<62464xf32, #tpu.memory_space<vmem>>
      %dma_start3A_1081 = tpu.memref_slice %arg2[%mul3A_15] : memref<1000000xf32, #tpu.memory_space<hbm>> -> memref<62464xf32, #tpu.memory_space<hbm>>
      tpu.enqueue_dma source(%dma_start3A_1081 : memref<62464xf32, #tpu.memory_space<hbm>>) target(%dma_start3A_1080 : memref<62464xf32, #tpu.memory_space<vmem>>) target_semaphore(%run_scoped3A : memref<!tpu.dma_semaphore, #tpu.memory_space<semaphore_mem>>)
      %dma_wait3A = arith.constant 0 : i32
      %dma_wait3A_1082 = tpu.memref_slice %arg5[%dma_wait3A] : memref<65536xf32, #tpu.memory_space<vmem>> -> memref<62464xf32, #tpu.memory_space<vmem>>
      %dma_wait3A_1083 = tpu.memref_slice %arg2[%mul3A_15] : memref<1000000xf32, #tpu.memory_space<hbm>> -> memref<62464xf32, #tpu.memory_space<hbm>>
      %dma_wait3A_1084 = arith.constant 0 : i32
      %dma_wait3A_1085 = tpu.memref_slice %arg5[%dma_wait3A_1084] : memref<65536xf32, #tpu.memory_space<vmem>> -> memref<62464xf32, #tpu.memory_space<vmem>>
      %dma_wait3A_1086 = tpu.memref_slice %arg2[%mul3A_15] : memref<1000000xf32, #tpu.memory_space<hbm>> -> memref<62464xf32, #tpu.memory_space<hbm>>
      tpu.wait_dma2 semaphore(%run_scoped3A : memref<!tpu.dma_semaphore, #tpu.memory_space<semaphore_mem>>) src(%dma_wait3A_1086 : memref<62464xf32, #tpu.memory_space<hbm>>) dst(%dma_wait3A_1085 : memref<62464xf32, #tpu.memory_space<vmem>>)
      tpu.yield
    }) : () -> ()
    "tpu.region"() ({
      %run_scoped3A = tpu.sem_alloc : memref<!tpu.dma_semaphore, #tpu.memory_space<semaphore_mem>>
      tpu.enqueue_dma source(%arg3 : memref<16xf32, #tpu.memory_space<hbm>>) target(%arg6 : memref<16xf32, #tpu.memory_space<vmem>>) target_semaphore(%run_scoped3A : memref<!tpu.dma_semaphore, #tpu.memory_space<semaphore_mem>>)
      tpu.wait_dma2 semaphore(%run_scoped3A : memref<!tpu.dma_semaphore, #tpu.memory_space<semaphore_mem>>) src(%arg3 : memref<16xf32, #tpu.memory_space<hbm>>) dst(%arg6 : memref<16xf32, #tpu.memory_space<vmem>>)
      tpu.yield
    }) : () -> ()
    %scan3A_16 = arith.constant 0 : i32
    %scan3A_17 = arith.constant 16 : i32
    %scan3A_18 = arith.addi %scan3A_16, %scan3A_17 : i32
    %scan3A_19 = arith.constant 1 : i32
    %scan3A_20 = scf.for %scan3A_1077 = %scan3A_16 to %scan3A_18 step %scan3A_19 iter_args(%scan3A_1078 = %broadcast_in_dim3A_1) -> (vector<16xf32>)  : i32 {
      %iota3A_1079 = tpu.iota {dimensions = array<i32: 0>} : vector<16xi32>
      %mul3A_1080 = arith.constant 4096 : i32
      %mul3A_1081 = arith.muli %scan3A_1077, %mul3A_1080 : i32
      %add3A_1082 = arith.constant 0 : i32
      %add3A_1083 = arith.addi %mul3A_1081, %add3A_1082 : i32
      %add3A_1084 = arith.constant 0 : i32
      %add3A_1085 = arith.addi %add3A_1083, %add3A_1084 : i32
      %get3A_1086 = arith.index_cast %add3A_1085 : i32 to index
      %get3A_1087 = tpu.vector_load %arg5[%get3A_1086] {strides = array<i32>} : memref<65536xf32, #tpu.memory_space<vmem>>, vector<16xf32>,
      %add3A_1088 = arith.constant 16 : i32
      %add3A_1089 = arith.addi %add3A_1083, %add3A_1088 : i32
      %get3A_1090 = arith.index_cast %add3A_1089 : i32 to index
      %get3A_1091 = tpu.vector_load %arg5[%get3A_1090] {strides = array<i32>} : memref<65536xf32, #tpu.memory_space<vmem>>, vector<16xf32>,
      %add3A_1092 = arith.constant 32 : i32
      %add3A_1093 = arith.addi %add3A_1083, %add3A_1092 : i32
      %get3A_1094 = arith.index_cast %add3A_1093 : i32 to index
      %get3A_1095 = tpu.vector_load %arg5[%get3A_1094] {strides = array<i32>} : memref<65536xf32, #tpu.memory_space<vmem>>, vector<16xf32>,
      %add3A_1096 = arith.constant 48 : i32
      %add3A_1097 = arith.addi %add3A_1083, %add3A_1096 : i32
      %get3A_1098 = arith.index_cast %add3A_1097 : i32 to index
      %get3A_1099 = tpu.vector_load %arg5[%get3A_1098] {strides = array<i32>} : memref<65536xf32, #tpu.memory_space<vmem>>, vector<16xf32>,
      %add3A_1100 = arith.constant 64 : i32
      %add3A_1101 = arith.addi %add3A_1083, %add3A_1100 : i32
      %get3A_1102 = arith.index_cast %add3A_1101 : i32 to index
      %get3A_1103 = tpu.vector_load %arg5[%get3A_1102] {strides = array<i32>} : memref<65536xf32, #tpu.memory_space<vmem>>, vector<16xf32>,
      %add3A_1104 = arith.constant 80 : i32
      %add3A_1105 = arith.addi %add3A_1083, %add3A_1104 : i32
      %get3A_1106 = arith.index_cast %add3A_1105 : i32 to index
      %get3A_1107 = tpu.vector_load %arg5[%get3A_1106] {strides = array<i32>} : memref<65536xf32, #tpu.memory_space<vmem>>, vector<16xf32>,
      %add3A_1108 = arith.constant 96 : i32
      %add3A_1109 = arith.addi %add3A_1083, %add3A_1108 : i32
      %get3A_1110 = arith.index_cast %add3A_1109 : i32 to index
      %get3A_1111 = tpu.vector_load %arg5[%get3A_1110] {strides = array<i32>} : memref<65536xf32, #tpu.memory_space<vmem>>, vector<16xf32>,
      %add3A_1112 = arith.constant 112 : i32
      %add3A_1113 = arith.addi %add3A_1083, %add3A_1112 : i32
      %get3A_1114 = arith.index_cast %add3A_1113 : i32 to index
      %get3A_1115 = tpu.vector_load %arg5[%get3A_1114] {strides = array<i32>} : memref<65536xf32, #tpu.memory_space<vmem>>, vector<16xf32>,
      %add3A_1116 = arith.constant 128 : i32
      %add3A_1117 = arith.addi %add3A_1083, %add3A_1116 : i32
      %get3A_1118 = arith.index_cast %add3A_1117 : i32 to index
      %get3A_1119 = tpu.vector_load %arg5[%get3A_1118] {strides = array<i32>} : memref<65536xf32, #tpu.memory_space<vmem>>, vector<16xf32>,
      %add3A_1120 = arith.constant 144 : i32
      %add3A_1121 = arith.addi %add3A_1083, %add3A_1120 : i32
      %get3A_1122 = arith.index_cast %add3A_1121 : i32 to index
      %get3A_1123 = tpu.vector_load %arg5[%get3A_1122] {strides = array<i32>} : memref<65536xf32, #tpu.memory_space<vmem>>, vector<16xf32>,
      %add3A_1124 = arith.constant 160 : i32
      %add3A_1125 = arith.addi %add3A_1083, %add3A_1124 : i32
      %get3A_1126 = arith.index_cast %add3A_1125 : i32 to index
      %get3A_1127 = tpu.vector_load %arg5[%get3A_1126] {strides = array<i32>} : memref<65536xf32, #tpu.memory_space<vmem>>, vector<16xf32>,
      %add3A_1128 = arith.constant 176 : i32
      %add3A_1129 = arith.addi %add3A_1083, %add3A_1128 : i32
      %get3A_1130 = arith.index_cast %add3A_1129 : i32 to index
      %get3A_1131 = tpu.vector_load %arg5[%get3A_1130] {strides = array<i32>} : memref<65536xf32, #tpu.memory_space<vmem>>, vector<16xf32>,
      %add3A_1132 = arith.constant 192 : i32
      %add3A_1133 = arith.addi %add3A_1083, %add3A_1132 : i32
      %get3A_1134 = arith.index_cast %add3A_1133 : i32 to index
      %get3A_1135 = tpu.vector_load %arg5[%get3A_1134] {strides = array<i32>} : memref<65536xf32, #tpu.memory_space<vmem>>, vector<16xf32>,
      %add3A_1136 = arith.constant 208 : i32
      %add3A_1137 = arith.addi %add3A_1083, %add3A_1136 : i32
      %get3A_1138 = arith.index_cast %add3A_1137 : i32 to index
      %get3A_1139 = tpu.vector_load %arg5[%get3A_1138] {strides = array<i32>} : memref<65536xf32, #tpu.memory_space<vmem>>, vector<16xf32>,
      %add3A_1140 = arith.constant 224 : i32
      %add3A_1141 = arith.addi %add3A_1083, %add3A_1140 : i32
      %get3A_1142 = arith.index_cast %add3A_1141 : i32 to index
      %get3A_1143 = tpu.vector_load %arg5[%get3A_1142] {strides = array<i32>} : memref<65536xf32, #tpu.memory_space<vmem>>, vector<16xf32>,
      %add3A_1144 = arith.constant 240 : i32
      %add3A_1145 = arith.addi %add3A_1083, %add3A_1144 : i32
      %get3A_1146 = arith.index_cast %add3A_1145 : i32 to index
      %get3A_1147 = tpu.vector_load %arg5[%get3A_1146] {strides = array<i32>} : memref<65536xf32, #tpu.memory_space<vmem>>, vector<16xf32>,
      %add3A_1148 = arith.addf %get3A_1087, %get3A_1091 : vector<16xf32>
      %add3A_1149 = arith.addf %get3A_1095, %get3A_1099 : vector<16xf32>
      %add3A_1150 = arith.addf %get3A_1103, %get3A_1107 : vector<16xf32>
      %add3A_1151 = arith.addf %get3A_1111, %get3A_1115 : vector<16xf32>
      %add3A_1152 = arith.addf %get3A_1119, %get3A_1123 : vector<16xf32>
      %add3A_1153 = arith.addf %get3A_1127, %get3A_1131 : vector<16xf32>
      %add3A_1154 = arith.addf %get3A_1135, %get3A_1139 : vector<16xf32>
      %add3A_1155 = arith.addf %get3A_1143, %get3A_1147 : vector<16xf32>
      %add3A_1156 = arith.addf %add3A_1148, %add3A_1149 : vector<16xf32>
      %add3A_1157 = arith.addf %add3A_1150, %add3A_1151 : vector<16xf32>
      %add3A_1158 = arith.addf %add3A_1152, %add3A_1153 : vector<16xf32>
      %add3A_1159 = arith.addf %add3A_1154, %add3A_1155 : vector<16xf32>
      %add3A_1160 = arith.addf %add3A_1156, %add3A_1157 : vector<16xf32>
      %add3A_1161 = arith.addf %add3A_1158, %add3A_1159 : vector<16xf32>
      %add3A_1162 = arith.addf %add3A_1160, %add3A_1161 : vector<16xf32>
      %reduce_sum3A = arith.constant true
      %reduce_sum3A_1163 = vector.broadcast %reduce_sum3A : i1 to vector<16xi1>
      %reduce_sum3A_1164 = tpu.scan <sum>, %add3A_1162 masked %reduce_sum3A_1163 : vector<16xf32>, vector<16xi1> -> vector<16xf32>
      %reduce_sum3A_1165 = vector.extract %reduce_sum3A_1164[15] : f32 from vector<16xf32>
      %eq3A_1166 = arith.constant 0 : i32
      %eq3A_1167 = vector.broadcast %eq3A_1166 : i32 to vector<16xi32>
      %eq3A_1168 = arith.cmpi eq, %iota3A_1079, %eq3A_1167 : vector<16xi32>
      %broadcast_in_dim3A_1169 = vector.broadcast %reduce_sum3A_1165 : f32 to vector<16xf32>
      %select_n3A_1170 = arith.select %eq3A_1168, %broadcast_in_dim3A_1169, %broadcast_in_dim3A_1 : vector<16xi1>, vector<16xf32>
      %add3A_1171 = arith.addf %broadcast_in_dim3A_1, %select_n3A_1170 : vector<16xf32>
      %add3A_1172 = arith.constant 256 : i32
      %add3A_1173 = arith.addi %mul3A_1081, %add3A_1172 : i32
      %add3A_1174 = arith.constant 0 : i32
      %add3A_1175 = arith.addi %add3A_1173, %add3A_1174 : i32
      %get3A_1176 = arith.index_cast %add3A_1175 : i32 to index
      %get3A_1177 = tpu.vector_load %arg5[%get3A_1176] {strides = array<i32>} : memref<65536xf32, #tpu.memory_space<vmem>>, vector<16xf32>,
      %add3A_1178 = arith.constant 16 : i32
      %add3A_1179 = arith.addi %add3A_1173, %add3A_1178 : i32
      %get3A_1180 = arith.index_cast %add3A_1179 : i32 to index
      %get3A_1181 = tpu.vector_load %arg5[%get3A_1180] {strides = array<i32>} : memref<65536xf32, #tpu.memory_space<vmem>>, vector<16xf32>,
      %add3A_1182 = arith.constant 32 : i32
      %add3A_1183 = arith.addi %add3A_1173, %add3A_1182 : i32
      %get3A_1184 = arith.index_cast %add3A_1183 : i32 to index
      %get3A_1185 = tpu.vector_load %arg5[%get3A_1184] {strides = array<i32>} : memref<65536xf32, #tpu.memory_space<vmem>>, vector<16xf32>,
      %add3A_1186 = arith.constant 48 : i32
      %add3A_1187 = arith.addi %add3A_1173, %add3A_1186 : i32
      %get3A_1188 = arith.index_cast %add3A_1187 : i32 to index
      %get3A_1189 = tpu.vector_load %arg5[%get3A_1188] {strides = array<i32>} : memref<65536xf32, #tpu.memory_space<vmem>>, vector<16xf32>,
      %add3A_1190 = arith.constant 64 : i32
      %add3A_1191 = arith.addi %add3A_1173, %add3A_1190 : i32
      %get3A_1192 = arith.index_cast %add3A_1191 : i32 to index
      %get3A_1193 = tpu.vector_load %arg5[%get3A_1192] {strides = array<i32>} : memref<65536xf32, #tpu.memory_space<vmem>>, vector<16xf32>,
      %add3A_1194 = arith.constant 80 : i32
      %add3A_1195 = arith.addi %add3A_1173, %add3A_1194 : i32
      %get3A_1196 = arith.index_cast %add3A_1195 : i32 to index
      %get3A_1197 = tpu.vector_load %arg5[%get3A_1196] {strides = array<i32>} : memref<65536xf32, #tpu.memory_space<vmem>>, vector<16xf32>,
      %add3A_1198 = arith.constant 96 : i32
      %add3A_1199 = arith.addi %add3A_1173, %add3A_1198 : i32
      %get3A_1200 = arith.index_cast %add3A_1199 : i32 to index
      %get3A_1201 = tpu.vector_load %arg5[%get3A_1200] {strides = array<i32>} : memref<65536xf32, #tpu.memory_space<vmem>>, vector<16xf32>,
      %add3A_1202 = arith.constant 112 : i32
      %add3A_1203 = arith.addi %add3A_1173, %add3A_1202 : i32
      %get3A_1204 = arith.index_cast %add3A_1203 : i32 to index
      %get3A_1205 = tpu.vector_load %arg5[%get3A_1204] {strides = array<i32>} : memref<65536xf32, #tpu.memory_space<vmem>>, vector<16xf32>,
      %add3A_1206 = arith.constant 128 : i32
      %add3A_1207 = arith.addi %add3A_1173, %add3A_1206 : i32
      %get3A_1208 = arith.index_cast %add3A_1207 : i32 to index
      %get3A_1209 = tpu.vector_load %arg5[%get3A_1208] {strides = array<i32>} : memref<65536xf32, #tpu.memory_space<vmem>>, vector<16xf32>,
      %add3A_1210 = arith.constant 144 : i32
      %add3A_1211 = arith.addi %add3A_1173, %add3A_1210 : i32
      %get3A_1212 = arith.index_cast %add3A_1211 : i32 to index
      %get3A_1213 = tpu.vector_load %arg5[%get3A_1212] {strides = array<i32>} : memref<65536xf32, #tpu.memory_space<vmem>>, vector<16xf32>,
      %add3A_1214 = arith.constant 160 : i32
      %add3A_1215 = arith.addi %add3A_1173, %add3A_1214 : i32
      %get3A_1216 = arith.index_cast %add3A_1215 : i32 to index
      %get3A_1217 = tpu.vector_load %arg5[%get3A_1216] {strides = array<i32>} : memref<65536xf32, #tpu.memory_space<vmem>>, vector<16xf32>,
      %add3A_1218 = arith.constant 176 : i32
      %add3A_1219 = arith.addi %add3A_1173, %add3A_1218 : i32
      %get3A_1220 = arith.index_cast %add3A_1219 : i32 to index
      %get3A_1221 = tpu.vector_load %arg5[%get3A_1220] {strides = array<i32>} : memref<65536xf32, #tpu.memory_space<vmem>>, vector<16xf32>,
      %add3A_1222 = arith.constant 192 : i32
      %add3A_1223 = arith.addi %add3A_1173, %add3A_1222 : i32
      %get3A_1224 = arith.index_cast %add3A_1223 : i32 to index
      %get3A_1225 = tpu.vector_load %arg5[%get3A_1224] {strides = array<i32>} : memref<65536xf32, #tpu.memory_space<vmem>>, vector<16xf32>,
      %add3A_1226 = arith.constant 208 : i32
      %add3A_1227 = arith.addi %add3A_1173, %add3A_1226 : i32
      %get3A_1228 = arith.index_cast %add3A_1227 : i32 to index
      %get3A_1229 = tpu.vector_load %arg5[%get3A_1228] {strides = array<i32>} : memref<65536xf32, #tpu.memory_space<vmem>>, vector<16xf32>,
      %add3A_1230 = arith.constant 224 : i32
      %add3A_1231 = arith.addi %add3A_1173, %add3A_1230 : i32
      %get3A_1232 = arith.index_cast %add3A_1231 : i32 to index
      %get3A_1233 = tpu.vector_load %arg5[%get3A_1232] {strides = array<i32>} : memref<65536xf32, #tpu.memory_space<vmem>>, vector<16xf32>,
      %add3A_1234 = arith.constant 240 : i32
      %add3A_1235 = arith.addi %add3A_1173, %add3A_1234 : i32
      %get3A_1236 = arith.index_cast %add3A_1235 : i32 to index
      %get3A_1237 = tpu.vector_load %arg5[%get3A_1236] {strides = array<i32>} : memref<65536xf32, #tpu.memory_space<vmem>>, vector<16xf32>,
      %add3A_1238 = arith.addf %get3A_1177, %get3A_1181 : vector<16xf32>
      %add3A_1239 = arith.addf %get3A_1185, %get3A_1189 : vector<16xf32>
      %add3A_1240 = arith.addf %get3A_1193, %get3A_1197 : vector<16xf32>
      %add3A_1241 = arith.addf %get3A_1201, %get3A_1205 : vector<16xf32>
      %add3A_1242 = arith.addf %get3A_1209, %get3A_1213 : vector<16xf32>
      %add3A_1243 = arith.addf %get3A_1217, %get3A_1221 : vector<16xf32>
      %add3A_1244 = arith.addf %get3A_1225, %get3A_1229 : vector<16xf32>
      %add3A_1245 = arith.addf %get3A_1233, %get3A_1237 : vector<16xf32>
      %add3A_1246 = arith.addf %add3A_1238, %add3A_1239 : vector<16xf32>
      %add3A_1247 = arith.addf %add3A_1240, %add3A_1241 : vector<16xf32>
      %add3A_1248 = arith.addf %add3A_1242, %add3A_1243 : vector<16xf32>
      %add3A_1249 = arith.addf %add3A_1244, %add3A_1245 : vector<16xf32>
      %add3A_1250 = arith.addf %add3A_1246, %add3A_1247 : vector<16xf32>
      %add3A_1251 = arith.addf %add3A_1248, %add3A_1249 : vector<16xf32>
      %add3A_1252 = arith.addf %add3A_1250, %add3A_1251 : vector<16xf32>
      %reduce_sum3A_1253 = arith.constant true
      %reduce_sum3A_1254 = vector.broadcast %reduce_sum3A_1253 : i1 to vector<16xi1>
      %reduce_sum3A_1255 = tpu.scan <sum>, %add3A_1252 masked %reduce_sum3A_1254 : vector<16xf32>, vector<16xi1> -> vector<16xf32>
      %reduce_sum3A_1256 = vector.extract %reduce_sum3A_1255[15] : f32 from vector<16xf32>
      %eq3A_1257 = arith.constant 1 : i32
      %eq3A_1258 = vector.broadcast %eq3A_1257 : i32 to vector<16xi32>
      %eq3A_1259 = arith.cmpi eq, %iota3A_1079, %eq3A_1258 : vector<16xi32>
      %broadcast_in_dim3A_1260 = vector.broadcast %reduce_sum3A_1256 : f32 to vector<16xf32>
      %select_n3A_1261 = arith.select %eq3A_1259, %broadcast_in_dim3A_1260, %broadcast_in_dim3A_1 : vector<16xi1>, vector<16xf32>
      %add3A_1262 = arith.addf %add3A_1171, %select_n3A_1261 : vector<16xf32>
      %add3A_1263 = arith.constant 512 : i32
      %add3A_1264 = arith.addi %mul3A_1081, %add3A_1263 : i32
      %add3A_1265 = arith.constant 0 : i32
      %add3A_1266 = arith.addi %add3A_1264, %add3A_1265 : i32
      %get3A_1267 = arith.index_cast %add3A_1266 : i32 to index
      %get3A_1268 = tpu.vector_load %arg5[%get3A_1267] {strides = array<i32>} : memref<65536xf32, #tpu.memory_space<vmem>>, vector<16xf32>,
      %add3A_1269 = arith.constant 16 : i32
      %add3A_1270 = arith.addi %add3A_1264, %add3A_1269 : i32
      %get3A_1271 = arith.index_cast %add3A_1270 : i32 to index
      %get3A_1272 = tpu.vector_load %arg5[%get3A_1271] {strides = array<i32>} : memref<65536xf32, #tpu.memory_space<vmem>>, vector<16xf32>,
      %add3A_1273 = arith.constant 32 : i32
      %add3A_1274 = arith.addi %add3A_1264, %add3A_1273 : i32
      %get3A_1275 = arith.index_cast %add3A_1274 : i32 to index
      %get3A_1276 = tpu.vector_load %arg5[%get3A_1275] {strides = array<i32>} : memref<65536xf32, #tpu.memory_space<vmem>>, vector<16xf32>,
      %add3A_1277 = arith.constant 48 : i32
      %add3A_1278 = arith.addi %add3A_1264, %add3A_1277 : i32
      %get3A_1279 = arith.index_cast %add3A_1278 : i32 to index
      %get3A_1280 = tpu.vector_load %arg5[%get3A_1279] {strides = array<i32>} : memref<65536xf32, #tpu.memory_space<vmem>>, vector<16xf32>,
      %add3A_1281 = arith.constant 64 : i32
      %add3A_1282 = arith.addi %add3A_1264, %add3A_1281 : i32
      %get3A_1283 = arith.index_cast %add3A_1282 : i32 to index
      %get3A_1284 = tpu.vector_load %arg5[%get3A_1283] {strides = array<i32>} : memref<65536xf32, #tpu.memory_space<vmem>>, vector<16xf32>,
      %add3A_1285 = arith.constant 80 : i32
      %add3A_1286 = arith.addi %add3A_1264, %add3A_1285 : i32
      %get3A_1287 = arith.index_cast %add3A_1286 : i32 to index
      %get3A_1288 = tpu.vector_load %arg5[%get3A_1287] {strides = array<i32>} : memref<65536xf32, #tpu.memory_space<vmem>>, vector<16xf32>,
      %add3A_1289 = arith.constant 96 : i32
      %add3A_1290 = arith.addi %add3A_1264, %add3A_1289 : i32
      %get3A_1291 = arith.index_cast %add3A_1290 : i32 to index
      %get3A_1292 = tpu.vector_load %arg5[%get3A_1291] {strides = array<i32>} : memref<65536xf32, #tpu.memory_space<vmem>>, vector<16xf32>,
      %add3A_1293 = arith.constant 112 : i32
      %add3A_1294 = arith.addi %add3A_1264, %add3A_1293 : i32
      %get3A_1295 = arith.index_cast %add3A_1294 : i32 to index
      %get3A_1296 = tpu.vector_load %arg5[%get3A_1295] {strides = array<i32>} : memref<65536xf32, #tpu.memory_space<vmem>>, vector<16xf32>,
      %add3A_1297 = arith.constant 128 : i32
      %add3A_1298 = arith.addi %add3A_1264, %add3A_1297 : i32
      %get3A_1299 = arith.index_cast %add3A_1298 : i32 to index
      %get3A_1300 = tpu.vector_load %arg5[%get3A_1299] {strides = array<i32>} : memref<65536xf32, #tpu.memory_space<vmem>>, vector<16xf32>,
      %add3A_1301 = arith.constant 144 : i32
      %add3A_1302 = arith.addi %add3A_1264, %add3A_1301 : i32
      %get3A_1303 = arith.index_cast %add3A_1302 : i32 to index
      %get3A_1304 = tpu.vector_load %arg5[%get3A_1303] {strides = array<i32>} : memref<65536xf32, #tpu.memory_space<vmem>>, vector<16xf32>,
      %add3A_1305 = arith.constant 160 : i32
      %add3A_1306 = arith.addi %add3A_1264, %add3A_1305 : i32
      %get3A_1307 = arith.index_cast %add3A_1306 : i32 to index
      %get3A_1308 = tpu.vector_load %arg5[%get3A_1307] {strides = array<i32>} : memref<65536xf32, #tpu.memory_space<vmem>>, vector<16xf32>,
      %add3A_1309 = arith.constant 176 : i32
      %add3A_1310 = arith.addi %add3A_1264, %add3A_1309 : i32
      %get3A_1311 = arith.index_cast %add3A_1310 : i32 to index
      %get3A_1312 = tpu.vector_load %arg5[%get3A_1311] {strides = array<i32>} : memref<65536xf32, #tpu.memory_space<vmem>>, vector<16xf32>,
      %add3A_1313 = arith.constant 192 : i32
      %add3A_1314 = arith.addi %add3A_1264, %add3A_1313 : i32
      %get3A_1315 = arith.index_cast %add3A_1314 : i32 to index
      %get3A_1316 = tpu.vector_load %arg5[%get3A_1315] {strides = array<i32>} : memref<65536xf32, #tpu.memory_space<vmem>>, vector<16xf32>,
      %add3A_1317 = arith.constant 208 : i32
      %add3A_1318 = arith.addi %add3A_1264, %add3A_1317 : i32
      %get3A_1319 = arith.index_cast %add3A_1318 : i32 to index
      %get3A_1320 = tpu.vector_load %arg5[%get3A_1319] {strides = array<i32>} : memref<65536xf32, #tpu.memory_space<vmem>>, vector<16xf32>,
      %add3A_1321 = arith.constant 224 : i32
      %add3A_1322 = arith.addi %add3A_1264, %add3A_1321 : i32
      %get3A_1323 = arith.index_cast %add3A_1322 : i32 to index
      %get3A_1324 = tpu.vector_load %arg5[%get3A_1323] {strides = array<i32>} : memref<65536xf32, #tpu.memory_space<vmem>>, vector<16xf32>,
      %add3A_1325 = arith.constant 240 : i32
      %add3A_1326 = arith.addi %add3A_1264, %add3A_1325 : i32
      %get3A_1327 = arith.index_cast %add3A_1326 : i32 to index
      %get3A_1328 = tpu.vector_load %arg5[%get3A_1327] {strides = array<i32>} : memref<65536xf32, #tpu.memory_space<vmem>>, vector<16xf32>,
      %add3A_1329 = arith.addf %get3A_1268, %get3A_1272 : vector<16xf32>
      %add3A_1330 = arith.addf %get3A_1276, %get3A_1280 : vector<16xf32>
      %add3A_1331 = arith.addf %get3A_1284, %get3A_1288 : vector<16xf32>
      %add3A_1332 = arith.addf %get3A_1292, %get3A_1296 : vector<16xf32>
      %add3A_1333 = arith.addf %get3A_1300, %get3A_1304 : vector<16xf32>
      %add3A_1334 = arith.addf %get3A_1308, %get3A_1312 : vector<16xf32>
      %add3A_1335 = arith.addf %get3A_1316, %get3A_1320 : vector<16xf32>
      %add3A_1336 = arith.addf %get3A_1324, %get3A_1328 : vector<16xf32>
      %add3A_1337 = arith.addf %add3A_1329, %add3A_1330 : vector<16xf32>
      %add3A_1338 = arith.addf %add3A_1331, %add3A_1332 : vector<16xf32>
      %add3A_1339 = arith.addf %add3A_1333, %add3A_1334 : vector<16xf32>
      %add3A_1340 = arith.addf %add3A_1335, %add3A_1336 : vector<16xf32>
      %add3A_1341 = arith.addf %add3A_1337, %add3A_1338 : vector<16xf32>
      %add3A_1342 = arith.addf %add3A_1339, %add3A_1340 : vector<16xf32>
      %add3A_1343 = arith.addf %add3A_1341, %add3A_1342 : vector<16xf32>
      %reduce_sum3A_1344 = arith.constant true
      %reduce_sum3A_1345 = vector.broadcast %reduce_sum3A_1344 : i1 to vector<16xi1>
      %reduce_sum3A_1346 = tpu.scan <sum>, %add3A_1343 masked %reduce_sum3A_1345 : vector<16xf32>, vector<16xi1> -> vector<16xf32>
      %reduce_sum3A_1347 = vector.extract %reduce_sum3A_1346[15] : f32 from vector<16xf32>
      %eq3A_1348 = arith.constant 2 : i32
      %eq3A_1349 = vector.broadcast %eq3A_1348 : i32 to vector<16xi32>
      %eq3A_1350 = arith.cmpi eq, %iota3A_1079, %eq3A_1349 : vector<16xi32>
      %broadcast_in_dim3A_1351 = vector.broadcast %reduce_sum3A_1347 : f32 to vector<16xf32>
      %select_n3A_1352 = arith.select %eq3A_1350, %broadcast_in_dim3A_1351, %broadcast_in_dim3A_1 : vector<16xi1>, vector<16xf32>
      %add3A_1353 = arith.addf %add3A_1262, %select_n3A_1352 : vector<16xf32>
      %add3A_1354 = arith.constant 768 : i32
      %add3A_1355 = arith.addi %mul3A_1081, %add3A_1354 : i32
      %add3A_1356 = arith.constant 0 : i32
      %add3A_1357 = arith.addi %add3A_1355, %add3A_1356 : i32
      %get3A_1358 = arith.index_cast %add3A_1357 : i32 to index
      %get3A_1359 = tpu.vector_load %arg5[%get3A_1358] {strides = array<i32>} : memref<65536xf32, #tpu.memory_space<vmem>>, vector<16xf32>,
      %add3A_1360 = arith.constant 16 : i32
      %add3A_1361 = arith.addi %add3A_1355, %add3A_1360 : i32
      %get3A_1362 = arith.index_cast %add3A_1361 : i32 to index
      %get3A_1363 = tpu.vector_load %arg5[%get3A_1362] {strides = array<i32>} : memref<65536xf32, #tpu.memory_space<vmem>>, vector<16xf32>,
      %add3A_1364 = arith.constant 32 : i32
      %add3A_1365 = arith.addi %add3A_1355, %add3A_1364 : i32
      %get3A_1366 = arith.index_cast %add3A_1365 : i32 to index
      %get3A_1367 = tpu.vector_load %arg5[%get3A_1366] {strides = array<i32>} : memref<65536xf32, #tpu.memory_space<vmem>>, vector<16xf32>,
      %add3A_1368 = arith.constant 48 : i32
      %add3A_1369 = arith.addi %add3A_1355, %add3A_1368 : i32
      %get3A_1370 = arith.index_cast %add3A_1369 : i32 to index
      %get3A_1371 = tpu.vector_load %arg5[%get3A_1370] {strides = array<i32>} : memref<65536xf32, #tpu.memory_space<vmem>>, vector<16xf32>,
      %add3A_1372 = arith.constant 64 : i32
      %add3A_1373 = arith.addi %add3A_1355, %add3A_1372 : i32
      %get3A_1374 = arith.index_cast %add3A_1373 : i32 to index
      %get3A_1375 = tpu.vector_load %arg5[%get3A_1374] {strides = array<i32>} : memref<65536xf32, #tpu.memory_space<vmem>>, vector<16xf32>,
      %add3A_1376 = arith.constant 80 : i32
      %add3A_1377 = arith.addi %add3A_1355, %add3A_1376 : i32
      %get3A_1378 = arith.index_cast %add3A_1377 : i32 to index
      %get3A_1379 = tpu.vector_load %arg5[%get3A_1378] {strides = array<i32>} : memref<65536xf32, #tpu.memory_space<vmem>>, vector<16xf32>,
      %add3A_1380 = arith.constant 96 : i32
      %add3A_1381 = arith.addi %add3A_1355, %add3A_1380 : i32
      %get3A_1382 = arith.index_cast %add3A_1381 : i32 to index
      %get3A_1383 = tpu.vector_load %arg5[%get3A_1382] {strides = array<i32>} : memref<65536xf32, #tpu.memory_space<vmem>>, vector<16xf32>,
      %add3A_1384 = arith.constant 112 : i32
      %add3A_1385 = arith.addi %add3A_1355, %add3A_1384 : i32
      %get3A_1386 = arith.index_cast %add3A_1385 : i32 to index
      %get3A_1387 = tpu.vector_load %arg5[%get3A_1386] {strides = array<i32>} : memref<65536xf32, #tpu.memory_space<vmem>>, vector<16xf32>,
      %add3A_1388 = arith.constant 128 : i32
      %add3A_1389 = arith.addi %add3A_1355, %add3A_1388 : i32
      %get3A_1390 = arith.index_cast %add3A_1389 : i32 to index
      %get3A_1391 = tpu.vector_load %arg5[%get3A_1390] {strides = array<i32>} : memref<65536xf32, #tpu.memory_space<vmem>>, vector<16xf32>,
      %add3A_1392 = arith.constant 144 : i32
      %add3A_1393 = arith.addi %add3A_1355, %add3A_1392 : i32
      %get3A_1394 = arith.index_cast %add3A_1393 : i32 to index
      %get3A_1395 = tpu.vector_load %arg5[%get3A_1394] {strides = array<i32>} : memref<65536xf32, #tpu.memory_space<vmem>>, vector<16xf32>,
      %add3A_1396 = arith.constant 160 : i32
      %add3A_1397 = arith.addi %add3A_1355, %add3A_1396 : i32
      %get3A_1398 = arith.index_cast %add3A_1397 : i32 to index
      %get3A_1399 = tpu.vector_load %arg5[%get3A_1398] {strides = array<i32>} : memref<65536xf32, #tpu.memory_space<vmem>>, vector<16xf32>,
      %add3A_1400 = arith.constant 176 : i32
      %add3A_1401 = arith.addi %add3A_1355, %add3A_1400 : i32
      %get3A_1402 = arith.index_cast %add3A_1401 : i32 to index
      %get3A_1403 = tpu.vector_load %arg5[%get3A_1402] {strides = array<i32>} : memref<65536xf32, #tpu.memory_space<vmem>>, vector<16xf32>,
      %add3A_1404 = arith.constant 192 : i32
      %add3A_1405 = arith.addi %add3A_1355, %add3A_1404 : i32
      %get3A_1406 = arith.index_cast %add3A_1405 : i32 to index
      %get3A_1407 = tpu.vector_load %arg5[%get3A_1406] {strides = array<i32>} : memref<65536xf32, #tpu.memory_space<vmem>>, vector<16xf32>,
      %add3A_1408 = arith.constant 208 : i32
      %add3A_1409 = arith.addi %add3A_1355, %add3A_1408 : i32
      %get3A_1410 = arith.index_cast %add3A_1409 : i32 to index
      %get3A_1411 = tpu.vector_load %arg5[%get3A_1410] {strides = array<i32>} : memref<65536xf32, #tpu.memory_space<vmem>>, vector<16xf32>,
      %add3A_1412 = arith.constant 224 : i32
      %add3A_1413 = arith.addi %add3A_1355, %add3A_1412 : i32
      %get3A_1414 = arith.index_cast %add3A_1413 : i32 to index
      %get3A_1415 = tpu.vector_load %arg5[%get3A_1414] {strides = array<i32>} : memref<65536xf32, #tpu.memory_space<vmem>>, vector<16xf32>,
      %add3A_1416 = arith.constant 240 : i32
      %add3A_1417 = arith.addi %add3A_1355, %add3A_1416 : i32
      %get3A_1418 = arith.index_cast %add3A_1417 : i32 to index
      %get3A_1419 = tpu.vector_load %arg5[%get3A_1418] {strides = array<i32>} : memref<65536xf32, #tpu.memory_space<vmem>>, vector<16xf32>,
      %add3A_1420 = arith.addf %get3A_1359, %get3A_1363 : vector<16xf32>
      %add3A_1421 = arith.addf %get3A_1367, %get3A_1371 : vector<16xf32>
      %add3A_1422 = arith.addf %get3A_1375, %get3A_1379 : vector<16xf32>
      %add3A_1423 = arith.addf %get3A_1383, %get3A_1387 : vector<16xf32>
      %add3A_1424 = arith.addf %get3A_1391, %get3A_1395 : vector<16xf32>
      %add3A_1425 = arith.addf %get3A_1399, %get3A_1403 : vector<16xf32>
      %add3A_1426 = arith.addf %get3A_1407, %get3A_1411 : vector<16xf32>
      %add3A_1427 = arith.addf %get3A_1415, %get3A_1419 : vector<16xf32>
      %add3A_1428 = arith.addf %add3A_1420, %add3A_1421 : vector<16xf32>
      %add3A_1429 = arith.addf %add3A_1422, %add3A_1423 : vector<16xf32>
      %add3A_1430 = arith.addf %add3A_1424, %add3A_1425 : vector<16xf32>
      %add3A_1431 = arith.addf %add3A_1426, %add3A_1427 : vector<16xf32>
      %add3A_1432 = arith.addf %add3A_1428, %add3A_1429 : vector<16xf32>
      %add3A_1433 = arith.addf %add3A_1430, %add3A_1431 : vector<16xf32>
      %add3A_1434 = arith.addf %add3A_1432, %add3A_1433 : vector<16xf32>
      %reduce_sum3A_1435 = arith.constant true
      %reduce_sum3A_1436 = vector.broadcast %reduce_sum3A_1435 : i1 to vector<16xi1>
      %reduce_sum3A_1437 = tpu.scan <sum>, %add3A_1434 masked %reduce_sum3A_1436 : vector<16xf32>, vector<16xi1> -> vector<16xf32>
      %reduce_sum3A_1438 = vector.extract %reduce_sum3A_1437[15] : f32 from vector<16xf32>
      %eq3A_1439 = arith.constant 3 : i32
      %eq3A_1440 = vector.broadcast %eq3A_1439 : i32 to vector<16xi32>
      %eq3A_1441 = arith.cmpi eq, %iota3A_1079, %eq3A_1440 : vector<16xi32>
      %broadcast_in_dim3A_1442 = vector.broadcast %reduce_sum3A_1438 : f32 to vector<16xf32>
      %select_n3A_1443 = arith.select %eq3A_1441, %broadcast_in_dim3A_1442, %broadcast_in_dim3A_1 : vector<16xi1>, vector<16xf32>
      %add3A_1444 = arith.addf %add3A_1353, %select_n3A_1443 : vector<16xf32>
      %add3A_1445 = arith.constant 1024 : i32
      %add3A_1446 = arith.addi %mul3A_1081, %add3A_1445 : i32
      %add3A_1447 = arith.constant 0 : i32
      %add3A_1448 = arith.addi %add3A_1446, %add3A_1447 : i32
      %get3A_1449 = arith.index_cast %add3A_1448 : i32 to index
      %get3A_1450 = tpu.vector_load %arg5[%get3A_1449] {strides = array<i32>} : memref<65536xf32, #tpu.memory_space<vmem>>, vector<16xf32>,
      %add3A_1451 = arith.constant 16 : i32
      %add3A_1452 = arith.addi %add3A_1446, %add3A_1451 : i32
      %get3A_1453 = arith.index_cast %add3A_1452 : i32 to index
      %get3A_1454 = tpu.vector_load %arg5[%get3A_1453] {strides = array<i32>} : memref<65536xf32, #tpu.memory_space<vmem>>, vector<16xf32>,
      %add3A_1455 = arith.constant 32 : i32
      %add3A_1456 = arith.addi %add3A_1446, %add3A_1455 : i32
      %get3A_1457 = arith.index_cast %add3A_1456 : i32 to index
      %get3A_1458 = tpu.vector_load %arg5[%get3A_1457] {strides = array<i32>} : memref<65536xf32, #tpu.memory_space<vmem>>, vector<16xf32>,
      %add3A_1459 = arith.constant 48 : i32
      %add3A_1460 = arith.addi %add3A_1446, %add3A_1459 : i32
      %get3A_1461 = arith.index_cast %add3A_1460 : i32 to index
      %get3A_1462 = tpu.vector_load %arg5[%get3A_1461] {strides = array<i32>} : memref<65536xf32, #tpu.memory_space<vmem>>, vector<16xf32>,
      %add3A_1463 = arith.constant 64 : i32
      %add3A_1464 = arith.addi %add3A_1446, %add3A_1463 : i32
      %get3A_1465 = arith.index_cast %add3A_1464 : i32 to index
      %get3A_1466 = tpu.vector_load %arg5[%get3A_1465] {strides = array<i32>} : memref<65536xf32, #tpu.memory_space<vmem>>, vector<16xf32>,
      %add3A_1467 = arith.constant 80 : i32
      %add3A_1468 = arith.addi %add3A_1446, %add3A_1467 : i32
      %get3A_1469 = arith.index_cast %add3A_1468 : i32 to index
      %get3A_1470 = tpu.vector_load %arg5[%get3A_1469] {strides = array<i32>} : memref<65536xf32, #tpu.memory_space<vmem>>, vector<16xf32>,
      %add3A_1471 = arith.constant 96 : i32
      %add3A_1472 = arith.addi %add3A_1446, %add3A_1471 : i32
      %get3A_1473 = arith.index_cast %add3A_1472 : i32 to index
      %get3A_1474 = tpu.vector_load %arg5[%get3A_1473] {strides = array<i32>} : memref<65536xf32, #tpu.memory_space<vmem>>, vector<16xf32>,
      %add3A_1475 = arith.constant 112 : i32
      %add3A_1476 = arith.addi %add3A_1446, %add3A_1475 : i32
      %get3A_1477 = arith.index_cast %add3A_1476 : i32 to index
      %get3A_1478 = tpu.vector_load %arg5[%get3A_1477] {strides = array<i32>} : memref<65536xf32, #tpu.memory_space<vmem>>, vector<16xf32>,
      %add3A_1479 = arith.constant 128 : i32
      %add3A_1480 = arith.addi %add3A_1446, %add3A_1479 : i32
      %get3A_1481 = arith.index_cast %add3A_1480 : i32 to index
      %get3A_1482 = tpu.vector_load %arg5[%get3A_1481] {strides = array<i32>} : memref<65536xf32, #tpu.memory_space<vmem>>, vector<16xf32>,
      %add3A_1483 = arith.constant 144 : i32
      %add3A_1484 = arith.addi %add3A_1446, %add3A_1483 : i32
      %get3A_1485 = arith.index_cast %add3A_1484 : i32 to index
      %get3A_1486 = tpu.vector_load %arg5[%get3A_1485] {strides = array<i32>} : memref<65536xf32, #tpu.memory_space<vmem>>, vector<16xf32>,
      %add3A_1487 = arith.constant 160 : i32
      %add3A_1488 = arith.addi %add3A_1446, %add3A_1487 : i32
      %get3A_1489 = arith.index_cast %add3A_1488 : i32 to index
      %get3A_1490 = tpu.vector_load %arg5[%get3A_1489] {strides = array<i32>} : memref<65536xf32, #tpu.memory_space<vmem>>, vector<16xf32>,
      %add3A_1491 = arith.constant 176 : i32
      %add3A_1492 = arith.addi %add3A_1446, %add3A_1491 : i32
      %get3A_1493 = arith.index_cast %add3A_1492 : i32 to index
      %get3A_1494 = tpu.vector_load %arg5[%get3A_1493] {strides = array<i32>} : memref<65536xf32, #tpu.memory_space<vmem>>, vector<16xf32>,
      %add3A_1495 = arith.constant 192 : i32
      %add3A_1496 = arith.addi %add3A_1446, %add3A_1495 : i32
      %get3A_1497 = arith.index_cast %add3A_1496 : i32 to index
      %get3A_1498 = tpu.vector_load %arg5[%get3A_1497] {strides = array<i32>} : memref<65536xf32, #tpu.memory_space<vmem>>, vector<16xf32>,
      %add3A_1499 = arith.constant 208 : i32
      %add3A_1500 = arith.addi %add3A_1446, %add3A_1499 : i32
      %get3A_1501 = arith.index_cast %add3A_1500 : i32 to index
      %get3A_1502 = tpu.vector_load %arg5[%get3A_1501] {strides = array<i32>} : memref<65536xf32, #tpu.memory_space<vmem>>, vector<16xf32>,
      %add3A_1503 = arith.constant 224 : i32
      %add3A_1504 = arith.addi %add3A_1446, %add3A_1503 : i32
      %get3A_1505 = arith.index_cast %add3A_1504 : i32 to index
      %get3A_1506 = tpu.vector_load %arg5[%get3A_1505] {strides = array<i32>} : memref<65536xf32, #tpu.memory_space<vmem>>, vector<16xf32>,
      %add3A_1507 = arith.constant 240 : i32
      %add3A_1508 = arith.addi %add3A_1446, %add3A_1507 : i32
      %get3A_1509 = arith.index_cast %add3A_1508 : i32 to index
      %get3A_1510 = tpu.vector_load %arg5[%get3A_1509] {strides = array<i32>} : memref<65536xf32, #tpu.memory_space<vmem>>, vector<16xf32>,
      %add3A_1511 = arith.addf %get3A_1450, %get3A_1454 : vector<16xf32>
      %add3A_1512 = arith.addf %get3A_1458, %get3A_1462 : vector<16xf32>
      %add3A_1513 = arith.addf %get3A_1466, %get3A_1470 : vector<16xf32>
      %add3A_1514 = arith.addf %get3A_1474, %get3A_1478 : vector<16xf32>
      %add3A_1515 = arith.addf %get3A_1482, %get3A_1486 : vector<16xf32>
      %add3A_1516 = arith.addf %get3A_1490, %get3A_1494 : vector<16xf32>
      %add3A_1517 = arith.addf %get3A_1498, %get3A_1502 : vector<16xf32>
      %add3A_1518 = arith.addf %get3A_1506, %get3A_1510 : vector<16xf32>
      %add3A_1519 = arith.addf %add3A_1511, %add3A_1512 : vector<16xf32>
      %add3A_1520 = arith.addf %add3A_1513, %add3A_1514 : vector<16xf32>
      %add3A_1521 = arith.addf %add3A_1515, %add3A_1516 : vector<16xf32>
      %add3A_1522 = arith.addf %add3A_1517, %add3A_1518 : vector<16xf32>
      %add3A_1523 = arith.addf %add3A_1519, %add3A_1520 : vector<16xf32>
      %add3A_1524 = arith.addf %add3A_1521, %add3A_1522 : vector<16xf32>
      %add3A_1525 = arith.addf %add3A_1523, %add3A_1524 : vector<16xf32>
      %reduce_sum3A_1526 = arith.constant true
      %reduce_sum3A_1527 = vector.broadcast %reduce_sum3A_1526 : i1 to vector<16xi1>
      %reduce_sum3A_1528 = tpu.scan <sum>, %add3A_1525 masked %reduce_sum3A_1527 : vector<16xf32>, vector<16xi1> -> vector<16xf32>
      %reduce_sum3A_1529 = vector.extract %reduce_sum3A_1528[15] : f32 from vector<16xf32>
      %eq3A_1530 = arith.constant 4 : i32
      %eq3A_1531 = vector.broadcast %eq3A_1530 : i32 to vector<16xi32>
      %eq3A_1532 = arith.cmpi eq, %iota3A_1079, %eq3A_1531 : vector<16xi32>
      %broadcast_in_dim3A_1533 = vector.broadcast %reduce_sum3A_1529 : f32 to vector<16xf32>
      %select_n3A_1534 = arith.select %eq3A_1532, %broadcast_in_dim3A_1533, %broadcast_in_dim3A_1 : vector<16xi1>, vector<16xf32>
      %add3A_1535 = arith.addf %add3A_1444, %select_n3A_1534 : vector<16xf32>
      %add3A_1536 = arith.constant 1280 : i32
      %add3A_1537 = arith.addi %mul3A_1081, %add3A_1536 : i32
      %add3A_1538 = arith.constant 0 : i32
      %add3A_1539 = arith.addi %add3A_1537, %add3A_1538 : i32
      %get3A_1540 = arith.index_cast %add3A_1539 : i32 to index
      %get3A_1541 = tpu.vector_load %arg5[%get3A_1540] {strides = array<i32>} : memref<65536xf32, #tpu.memory_space<vmem>>, vector<16xf32>,
      %add3A_1542 = arith.constant 16 : i32
      %add3A_1543 = arith.addi %add3A_1537, %add3A_1542 : i32
      %get3A_1544 = arith.index_cast %add3A_1543 : i32 to index
      %get3A_1545 = tpu.vector_load %arg5[%get3A_1544] {strides = array<i32>} : memref<65536xf32, #tpu.memory_space<vmem>>, vector<16xf32>,
      %add3A_1546 = arith.constant 32 : i32
      %add3A_1547 = arith.addi %add3A_1537, %add3A_1546 : i32
      %get3A_1548 = arith.index_cast %add3A_1547 : i32 to index
      %get3A_1549 = tpu.vector_load %arg5[%get3A_1548] {strides = array<i32>} : memref<65536xf32, #tpu.memory_space<vmem>>, vector<16xf32>,
      %add3A_1550 = arith.constant 48 : i32
      %add3A_1551 = arith.addi %add3A_1537, %add3A_1550 : i32
      %get3A_1552 = arith.index_cast %add3A_1551 : i32 to index
      %get3A_1553 = tpu.vector_load %arg5[%get3A_1552] {strides = array<i32>} : memref<65536xf32, #tpu.memory_space<vmem>>, vector<16xf32>,
      %add3A_1554 = arith.constant 64 : i32
      %add3A_1555 = arith.addi %add3A_1537, %add3A_1554 : i32
      %get3A_1556 = arith.index_cast %add3A_1555 : i32 to index
      %get3A_1557 = tpu.vector_load %arg5[%get3A_1556] {strides = array<i32>} : memref<65536xf32, #tpu.memory_space<vmem>>, vector<16xf32>,
      %add3A_1558 = arith.constant 80 : i32
      %add3A_1559 = arith.addi %add3A_1537, %add3A_1558 : i32
      %get3A_1560 = arith.index_cast %add3A_1559 : i32 to index
      %get3A_1561 = tpu.vector_load %arg5[%get3A_1560] {strides = array<i32>} : memref<65536xf32, #tpu.memory_space<vmem>>, vector<16xf32>,
      %add3A_1562 = arith.constant 96 : i32
      %add3A_1563 = arith.addi %add3A_1537, %add3A_1562 : i32
      %get3A_1564 = arith.index_cast %add3A_1563 : i32 to index
      %get3A_1565 = tpu.vector_load %arg5[%get3A_1564] {strides = array<i32>} : memref<65536xf32, #tpu.memory_space<vmem>>, vector<16xf32>,
      %add3A_1566 = arith.constant 112 : i32
      %add3A_1567 = arith.addi %add3A_1537, %add3A_1566 : i32
      %get3A_1568 = arith.index_cast %add3A_1567 : i32 to index
      %get3A_1569 = tpu.vector_load %arg5[%get3A_1568] {strides = array<i32>} : memref<65536xf32, #tpu.memory_space<vmem>>, vector<16xf32>,
      %add3A_1570 = arith.constant 128 : i32
      %add3A_1571 = arith.addi %add3A_1537, %add3A_1570 : i32
      %get3A_1572 = arith.index_cast %add3A_1571 : i32 to index
      %get3A_1573 = tpu.vector_load %arg5[%get3A_1572] {strides = array<i32>} : memref<65536xf32, #tpu.memory_space<vmem>>, vector<16xf32>,
      %add3A_1574 = arith.constant 144 : i32
      %add3A_1575 = arith.addi %add3A_1537, %add3A_1574 : i32
      %get3A_1576 = arith.index_cast %add3A_1575 : i32 to index
      %get3A_1577 = tpu.vector_load %arg5[%get3A_1576] {strides = array<i32>} : memref<65536xf32, #tpu.memory_space<vmem>>, vector<16xf32>,
      %add3A_1578 = arith.constant 160 : i32
      %add3A_1579 = arith.addi %add3A_1537, %add3A_1578 : i32
      %get3A_1580 = arith.index_cast %add3A_1579 : i32 to index
      %get3A_1581 = tpu.vector_load %arg5[%get3A_1580] {strides = array<i32>} : memref<65536xf32, #tpu.memory_space<vmem>>, vector<16xf32>,
      %add3A_1582 = arith.constant 176 : i32
      %add3A_1583 = arith.addi %add3A_1537, %add3A_1582 : i32
      %get3A_1584 = arith.index_cast %add3A_1583 : i32 to index
      %get3A_1585 = tpu.vector_load %arg5[%get3A_1584] {strides = array<i32>} : memref<65536xf32, #tpu.memory_space<vmem>>, vector<16xf32>,
      %add3A_1586 = arith.constant 192 : i32
      %add3A_1587 = arith.addi %add3A_1537, %add3A_1586 : i32
      %get3A_1588 = arith.index_cast %add3A_1587 : i32 to index
      %get3A_1589 = tpu.vector_load %arg5[%get3A_1588] {strides = array<i32>} : memref<65536xf32, #tpu.memory_space<vmem>>, vector<16xf32>,
      %add3A_1590 = arith.constant 208 : i32
      %add3A_1591 = arith.addi %add3A_1537, %add3A_1590 : i32
      %get3A_1592 = arith.index_cast %add3A_1591 : i32 to index
      %get3A_1593 = tpu.vector_load %arg5[%get3A_1592] {strides = array<i32>} : memref<65536xf32, #tpu.memory_space<vmem>>, vector<16xf32>,
      %add3A_1594 = arith.constant 224 : i32
      %add3A_1595 = arith.addi %add3A_1537, %add3A_1594 : i32
      %get3A_1596 = arith.index_cast %add3A_1595 : i32 to index
      %get3A_1597 = tpu.vector_load %arg5[%get3A_1596] {strides = array<i32>} : memref<65536xf32, #tpu.memory_space<vmem>>, vector<16xf32>,
      %add3A_1598 = arith.constant 240 : i32
      %add3A_1599 = arith.addi %add3A_1537, %add3A_1598 : i32
      %get3A_1600 = arith.index_cast %add3A_1599 : i32 to index
      %get3A_1601 = tpu.vector_load %arg5[%get3A_1600] {strides = array<i32>} : memref<65536xf32, #tpu.memory_space<vmem>>, vector<16xf32>,
      %add3A_1602 = arith.addf %get3A_1541, %get3A_1545 : vector<16xf32>
      %add3A_1603 = arith.addf %get3A_1549, %get3A_1553 : vector<16xf32>
      %add3A_1604 = arith.addf %get3A_1557, %get3A_1561 : vector<16xf32>
      %add3A_1605 = arith.addf %get3A_1565, %get3A_1569 : vector<16xf32>
      %add3A_1606 = arith.addf %get3A_1573, %get3A_1577 : vector<16xf32>
      %add3A_1607 = arith.addf %get3A_1581, %get3A_1585 : vector<16xf32>
      %add3A_1608 = arith.addf %get3A_1589, %get3A_1593 : vector<16xf32>
      %add3A_1609 = arith.addf %get3A_1597, %get3A_1601 : vector<16xf32>
      %add3A_1610 = arith.addf %add3A_1602, %add3A_1603 : vector<16xf32>
      %add3A_1611 = arith.addf %add3A_1604, %add3A_1605 : vector<16xf32>
      %add3A_1612 = arith.addf %add3A_1606, %add3A_1607 : vector<16xf32>
      %add3A_1613 = arith.addf %add3A_1608, %add3A_1609 : vector<16xf32>
      %add3A_1614 = arith.addf %add3A_1610, %add3A_1611 : vector<16xf32>
      %add3A_1615 = arith.addf %add3A_1612, %add3A_1613 : vector<16xf32>
      %add3A_1616 = arith.addf %add3A_1614, %add3A_1615 : vector<16xf32>
      %reduce_sum3A_1617 = arith.constant true
      %reduce_sum3A_1618 = vector.broadcast %reduce_sum3A_1617 : i1 to vector<16xi1>
      %reduce_sum3A_1619 = tpu.scan <sum>, %add3A_1616 masked %reduce_sum3A_1618 : vector<16xf32>, vector<16xi1> -> vector<16xf32>
      %reduce_sum3A_1620 = vector.extract %reduce_sum3A_1619[15] : f32 from vector<16xf32>
      %eq3A_1621 = arith.constant 5 : i32
      %eq3A_1622 = vector.broadcast %eq3A_1621 : i32 to vector<16xi32>
      %eq3A_1623 = arith.cmpi eq, %iota3A_1079, %eq3A_1622 : vector<16xi32>
      %broadcast_in_dim3A_1624 = vector.broadcast %reduce_sum3A_1620 : f32 to vector<16xf32>
      %select_n3A_1625 = arith.select %eq3A_1623, %broadcast_in_dim3A_1624, %broadcast_in_dim3A_1 : vector<16xi1>, vector<16xf32>
      %add3A_1626 = arith.addf %add3A_1535, %select_n3A_1625 : vector<16xf32>
      %add3A_1627 = arith.constant 1536 : i32
      %add3A_1628 = arith.addi %mul3A_1081, %add3A_1627 : i32
      %add3A_1629 = arith.constant 0 : i32
      %add3A_1630 = arith.addi %add3A_1628, %add3A_1629 : i32
      %get3A_1631 = arith.index_cast %add3A_1630 : i32 to index
      %get3A_1632 = tpu.vector_load %arg5[%get3A_1631] {strides = array<i32>} : memref<65536xf32, #tpu.memory_space<vmem>>, vector<16xf32>,
      %add3A_1633 = arith.constant 16 : i32
      %add3A_1634 = arith.addi %add3A_1628, %add3A_1633 : i32
      %get3A_1635 = arith.index_cast %add3A_1634 : i32 to index
      %get3A_1636 = tpu.vector_load %arg5[%get3A_1635] {strides = array<i32>} : memref<65536xf32, #tpu.memory_space<vmem>>, vector<16xf32>,
      %add3A_1637 = arith.constant 32 : i32
      %add3A_1638 = arith.addi %add3A_1628, %add3A_1637 : i32
      %get3A_1639 = arith.index_cast %add3A_1638 : i32 to index
      %get3A_1640 = tpu.vector_load %arg5[%get3A_1639] {strides = array<i32>} : memref<65536xf32, #tpu.memory_space<vmem>>, vector<16xf32>,
      %add3A_1641 = arith.constant 48 : i32
      %add3A_1642 = arith.addi %add3A_1628, %add3A_1641 : i32
      %get3A_1643 = arith.index_cast %add3A_1642 : i32 to index
      %get3A_1644 = tpu.vector_load %arg5[%get3A_1643] {strides = array<i32>} : memref<65536xf32, #tpu.memory_space<vmem>>, vector<16xf32>,
      %add3A_1645 = arith.constant 64 : i32
      %add3A_1646 = arith.addi %add3A_1628, %add3A_1645 : i32
      %get3A_1647 = arith.index_cast %add3A_1646 : i32 to index
      %get3A_1648 = tpu.vector_load %arg5[%get3A_1647] {strides = array<i32>} : memref<65536xf32, #tpu.memory_space<vmem>>, vector<16xf32>,
      %add3A_1649 = arith.constant 80 : i32
      %add3A_1650 = arith.addi %add3A_1628, %add3A_1649 : i32
      %get3A_1651 = arith.index_cast %add3A_1650 : i32 to index
      %get3A_1652 = tpu.vector_load %arg5[%get3A_1651] {strides = array<i32>} : memref<65536xf32, #tpu.memory_space<vmem>>, vector<16xf32>,
      %add3A_1653 = arith.constant 96 : i32
      %add3A_1654 = arith.addi %add3A_1628, %add3A_1653 : i32
      %get3A_1655 = arith.index_cast %add3A_1654 : i32 to index
      %get3A_1656 = tpu.vector_load %arg5[%get3A_1655] {strides = array<i32>} : memref<65536xf32, #tpu.memory_space<vmem>>, vector<16xf32>,
      %add3A_1657 = arith.constant 112 : i32
      %add3A_1658 = arith.addi %add3A_1628, %add3A_1657 : i32
      %get3A_1659 = arith.index_cast %add3A_1658 : i32 to index
      %get3A_1660 = tpu.vector_load %arg5[%get3A_1659] {strides = array<i32>} : memref<65536xf32, #tpu.memory_space<vmem>>, vector<16xf32>,
      %add3A_1661 = arith.constant 128 : i32
      %add3A_1662 = arith.addi %add3A_1628, %add3A_1661 : i32
      %get3A_1663 = arith.index_cast %add3A_1662 : i32 to index
      %get3A_1664 = tpu.vector_load %arg5[%get3A_1663] {strides = array<i32>} : memref<65536xf32, #tpu.memory_space<vmem>>, vector<16xf32>,
      %add3A_1665 = arith.constant 144 : i32
      %add3A_1666 = arith.addi %add3A_1628, %add3A_1665 : i32
      %get3A_1667 = arith.index_cast %add3A_1666 : i32 to index
      %get3A_1668 = tpu.vector_load %arg5[%get3A_1667] {strides = array<i32>} : memref<65536xf32, #tpu.memory_space<vmem>>, vector<16xf32>,
      %add3A_1669 = arith.constant 160 : i32
      %add3A_1670 = arith.addi %add3A_1628, %add3A_1669 : i32
      %get3A_1671 = arith.index_cast %add3A_1670 : i32 to index
      %get3A_1672 = tpu.vector_load %arg5[%get3A_1671] {strides = array<i32>} : memref<65536xf32, #tpu.memory_space<vmem>>, vector<16xf32>,
      %add3A_1673 = arith.constant 176 : i32
      %add3A_1674 = arith.addi %add3A_1628, %add3A_1673 : i32
      %get3A_1675 = arith.index_cast %add3A_1674 : i32 to index
      %get3A_1676 = tpu.vector_load %arg5[%get3A_1675] {strides = array<i32>} : memref<65536xf32, #tpu.memory_space<vmem>>, vector<16xf32>,
      %add3A_1677 = arith.constant 192 : i32
      %add3A_1678 = arith.addi %add3A_1628, %add3A_1677 : i32
      %get3A_1679 = arith.index_cast %add3A_1678 : i32 to index
      %get3A_1680 = tpu.vector_load %arg5[%get3A_1679] {strides = array<i32>} : memref<65536xf32, #tpu.memory_space<vmem>>, vector<16xf32>,
      %add3A_1681 = arith.constant 208 : i32
      %add3A_1682 = arith.addi %add3A_1628, %add3A_1681 : i32
      %get3A_1683 = arith.index_cast %add3A_1682 : i32 to index
      %get3A_1684 = tpu.vector_load %arg5[%get3A_1683] {strides = array<i32>} : memref<65536xf32, #tpu.memory_space<vmem>>, vector<16xf32>,
      %add3A_1685 = arith.constant 224 : i32
      %add3A_1686 = arith.addi %add3A_1628, %add3A_1685 : i32
      %get3A_1687 = arith.index_cast %add3A_1686 : i32 to index
      %get3A_1688 = tpu.vector_load %arg5[%get3A_1687] {strides = array<i32>} : memref<65536xf32, #tpu.memory_space<vmem>>, vector<16xf32>,
      %add3A_1689 = arith.constant 240 : i32
      %add3A_1690 = arith.addi %add3A_1628, %add3A_1689 : i32
      %get3A_1691 = arith.index_cast %add3A_1690 : i32 to index
      %get3A_1692 = tpu.vector_load %arg5[%get3A_1691] {strides = array<i32>} : memref<65536xf32, #tpu.memory_space<vmem>>, vector<16xf32>,
      %add3A_1693 = arith.addf %get3A_1632, %get3A_1636 : vector<16xf32>
      %add3A_1694 = arith.addf %get3A_1640, %get3A_1644 : vector<16xf32>
      %add3A_1695 = arith.addf %get3A_1648, %get3A_1652 : vector<16xf32>
      %add3A_1696 = arith.addf %get3A_1656, %get3A_1660 : vector<16xf32>
      %add3A_1697 = arith.addf %get3A_1664, %get3A_1668 : vector<16xf32>
      %add3A_1698 = arith.addf %get3A_1672, %get3A_1676 : vector<16xf32>
      %add3A_1699 = arith.addf %get3A_1680, %get3A_1684 : vector<16xf32>
      %add3A_1700 = arith.addf %get3A_1688, %get3A_1692 : vector<16xf32>
      %add3A_1701 = arith.addf %add3A_1693, %add3A_1694 : vector<16xf32>
      %add3A_1702 = arith.addf %add3A_1695, %add3A_1696 : vector<16xf32>
      %add3A_1703 = arith.addf %add3A_1697, %add3A_1698 : vector<16xf32>
      %add3A_1704 = arith.addf %add3A_1699, %add3A_1700 : vector<16xf32>
      %add3A_1705 = arith.addf %add3A_1701, %add3A_1702 : vector<16xf32>
      %add3A_1706 = arith.addf %add3A_1703, %add3A_1704 : vector<16xf32>
      %add3A_1707 = arith.addf %add3A_1705, %add3A_1706 : vector<16xf32>
      %reduce_sum3A_1708 = arith.constant true
      %reduce_sum3A_1709 = vector.broadcast %reduce_sum3A_1708 : i1 to vector<16xi1>
      %reduce_sum3A_1710 = tpu.scan <sum>, %add3A_1707 masked %reduce_sum3A_1709 : vector<16xf32>, vector<16xi1> -> vector<16xf32>
      %reduce_sum3A_1711 = vector.extract %reduce_sum3A_1710[15] : f32 from vector<16xf32>
      %eq3A_1712 = arith.constant 6 : i32
      %eq3A_1713 = vector.broadcast %eq3A_1712 : i32 to vector<16xi32>
      %eq3A_1714 = arith.cmpi eq, %iota3A_1079, %eq3A_1713 : vector<16xi32>
      %broadcast_in_dim3A_1715 = vector.broadcast %reduce_sum3A_1711 : f32 to vector<16xf32>
      %select_n3A_1716 = arith.select %eq3A_1714, %broadcast_in_dim3A_1715, %broadcast_in_dim3A_1 : vector<16xi1>, vector<16xf32>
      %add3A_1717 = arith.addf %add3A_1626, %select_n3A_1716 : vector<16xf32>
      %add3A_1718 = arith.constant 1792 : i32
      %add3A_1719 = arith.addi %mul3A_1081, %add3A_1718 : i32
      %add3A_1720 = arith.constant 0 : i32
      %add3A_1721 = arith.addi %add3A_1719, %add3A_1720 : i32
      %get3A_1722 = arith.index_cast %add3A_1721 : i32 to index
      %get3A_1723 = tpu.vector_load %arg5[%get3A_1722] {strides = array<i32>} : memref<65536xf32, #tpu.memory_space<vmem>>, vector<16xf32>,
      %add3A_1724 = arith.constant 16 : i32
      %add3A_1725 = arith.addi %add3A_1719, %add3A_1724 : i32
      %get3A_1726 = arith.index_cast %add3A_1725 : i32 to index
      %get3A_1727 = tpu.vector_load %arg5[%get3A_1726] {strides = array<i32>} : memref<65536xf32, #tpu.memory_space<vmem>>, vector<16xf32>,
      %add3A_1728 = arith.constant 32 : i32
      %add3A_1729 = arith.addi %add3A_1719, %add3A_1728 : i32
      %get3A_1730 = arith.index_cast %add3A_1729 : i32 to index
      %get3A_1731 = tpu.vector_load %arg5[%get3A_1730] {strides = array<i32>} : memref<65536xf32, #tpu.memory_space<vmem>>, vector<16xf32>,
      %add3A_1732 = arith.constant 48 : i32
      %add3A_1733 = arith.addi %add3A_1719, %add3A_1732 : i32
      %get3A_1734 = arith.index_cast %add3A_1733 : i32 to index
      %get3A_1735 = tpu.vector_load %arg5[%get3A_1734] {strides = array<i32>} : memref<65536xf32, #tpu.memory_space<vmem>>, vector<16xf32>,
      %add3A_1736 = arith.constant 64 : i32
      %add3A_1737 = arith.addi %add3A_1719, %add3A_1736 : i32
      %get3A_1738 = arith.index_cast %add3A_1737 : i32 to index
      %get3A_1739 = tpu.vector_load %arg5[%get3A_1738] {strides = array<i32>} : memref<65536xf32, #tpu.memory_space<vmem>>, vector<16xf32>,
      %add3A_1740 = arith.constant 80 : i32
      %add3A_1741 = arith.addi %add3A_1719, %add3A_1740 : i32
      %get3A_1742 = arith.index_cast %add3A_1741 : i32 to index
      %get3A_1743 = tpu.vector_load %arg5[%get3A_1742] {strides = array<i32>} : memref<65536xf32, #tpu.memory_space<vmem>>, vector<16xf32>,
      %add3A_1744 = arith.constant 96 : i32
      %add3A_1745 = arith.addi %add3A_1719, %add3A_1744 : i32
      %get3A_1746 = arith.index_cast %add3A_1745 : i32 to index
      %get3A_1747 = tpu.vector_load %arg5[%get3A_1746] {strides = array<i32>} : memref<65536xf32, #tpu.memory_space<vmem>>, vector<16xf32>,
      %add3A_1748 = arith.constant 112 : i32
      %add3A_1749 = arith.addi %add3A_1719, %add3A_1748 : i32
      %get3A_1750 = arith.index_cast %add3A_1749 : i32 to index
      %get3A_1751 = tpu.vector_load %arg5[%get3A_1750] {strides = array<i32>} : memref<65536xf32, #tpu.memory_space<vmem>>, vector<16xf32>,
      %add3A_1752 = arith.constant 128 : i32
      %add3A_1753 = arith.addi %add3A_1719, %add3A_1752 : i32
      %get3A_1754 = arith.index_cast %add3A_1753 : i32 to index
      %get3A_1755 = tpu.vector_load %arg5[%get3A_1754] {strides = array<i32>} : memref<65536xf32, #tpu.memory_space<vmem>>, vector<16xf32>,
      %add3A_1756 = arith.constant 144 : i32
      %add3A_1757 = arith.addi %add3A_1719, %add3A_1756 : i32
      %get3A_1758 = arith.index_cast %add3A_1757 : i32 to index
      %get3A_1759 = tpu.vector_load %arg5[%get3A_1758] {strides = array<i32>} : memref<65536xf32, #tpu.memory_space<vmem>>, vector<16xf32>,
      %add3A_1760 = arith.constant 160 : i32
      %add3A_1761 = arith.addi %add3A_1719, %add3A_1760 : i32
      %get3A_1762 = arith.index_cast %add3A_1761 : i32 to index
      %get3A_1763 = tpu.vector_load %arg5[%get3A_1762] {strides = array<i32>} : memref<65536xf32, #tpu.memory_space<vmem>>, vector<16xf32>,
      %add3A_1764 = arith.constant 176 : i32
      %add3A_1765 = arith.addi %add3A_1719, %add3A_1764 : i32
      %get3A_1766 = arith.index_cast %add3A_1765 : i32 to index
      %get3A_1767 = tpu.vector_load %arg5[%get3A_1766] {strides = array<i32>} : memref<65536xf32, #tpu.memory_space<vmem>>, vector<16xf32>,
      %add3A_1768 = arith.constant 192 : i32
      %add3A_1769 = arith.addi %add3A_1719, %add3A_1768 : i32
      %get3A_1770 = arith.index_cast %add3A_1769 : i32 to index
      %get3A_1771 = tpu.vector_load %arg5[%get3A_1770] {strides = array<i32>} : memref<65536xf32, #tpu.memory_space<vmem>>, vector<16xf32>,
      %add3A_1772 = arith.constant 208 : i32
      %add3A_1773 = arith.addi %add3A_1719, %add3A_1772 : i32
      %get3A_1774 = arith.index_cast %add3A_1773 : i32 to index
      %get3A_1775 = tpu.vector_load %arg5[%get3A_1774] {strides = array<i32>} : memref<65536xf32, #tpu.memory_space<vmem>>, vector<16xf32>,
      %add3A_1776 = arith.constant 224 : i32
      %add3A_1777 = arith.addi %add3A_1719, %add3A_1776 : i32
      %get3A_1778 = arith.index_cast %add3A_1777 : i32 to index
      %get3A_1779 = tpu.vector_load %arg5[%get3A_1778] {strides = array<i32>} : memref<65536xf32, #tpu.memory_space<vmem>>, vector<16xf32>,
      %add3A_1780 = arith.constant 240 : i32
      %add3A_1781 = arith.addi %add3A_1719, %add3A_1780 : i32
      %get3A_1782 = arith.index_cast %add3A_1781 : i32 to index
      %get3A_1783 = tpu.vector_load %arg5[%get3A_1782] {strides = array<i32>} : memref<65536xf32, #tpu.memory_space<vmem>>, vector<16xf32>,
      %add3A_1784 = arith.addf %get3A_1723, %get3A_1727 : vector<16xf32>
      %add3A_1785 = arith.addf %get3A_1731, %get3A_1735 : vector<16xf32>
      %add3A_1786 = arith.addf %get3A_1739, %get3A_1743 : vector<16xf32>
      %add3A_1787 = arith.addf %get3A_1747, %get3A_1751 : vector<16xf32>
      %add3A_1788 = arith.addf %get3A_1755, %get3A_1759 : vector<16xf32>
      %add3A_1789 = arith.addf %get3A_1763, %get3A_1767 : vector<16xf32>
      %add3A_1790 = arith.addf %get3A_1771, %get3A_1775 : vector<16xf32>
      %add3A_1791 = arith.addf %get3A_1779, %get3A_1783 : vector<16xf32>
      %add3A_1792 = arith.addf %add3A_1784, %add3A_1785 : vector<16xf32>
      %add3A_1793 = arith.addf %add3A_1786, %add3A_1787 : vector<16xf32>
      %add3A_1794 = arith.addf %add3A_1788, %add3A_1789 : vector<16xf32>
      %add3A_1795 = arith.addf %add3A_1790, %add3A_1791 : vector<16xf32>
      %add3A_1796 = arith.addf %add3A_1792, %add3A_1793 : vector<16xf32>
      %add3A_1797 = arith.addf %add3A_1794, %add3A_1795 : vector<16xf32>
      %add3A_1798 = arith.addf %add3A_1796, %add3A_1797 : vector<16xf32>
      %reduce_sum3A_1799 = arith.constant true
      %reduce_sum3A_1800 = vector.broadcast %reduce_sum3A_1799 : i1 to vector<16xi1>
      %reduce_sum3A_1801 = tpu.scan <sum>, %add3A_1798 masked %reduce_sum3A_1800 : vector<16xf32>, vector<16xi1> -> vector<16xf32>
      %reduce_sum3A_1802 = vector.extract %reduce_sum3A_1801[15] : f32 from vector<16xf32>
      %eq3A_1803 = arith.constant 7 : i32
      %eq3A_1804 = vector.broadcast %eq3A_1803 : i32 to vector<16xi32>
      %eq3A_1805 = arith.cmpi eq, %iota3A_1079, %eq3A_1804 : vector<16xi32>
      %broadcast_in_dim3A_1806 = vector.broadcast %reduce_sum3A_1802 : f32 to vector<16xf32>
      %select_n3A_1807 = arith.select %eq3A_1805, %broadcast_in_dim3A_1806, %broadcast_in_dim3A_1 : vector<16xi1>, vector<16xf32>
      %add3A_1808 = arith.addf %add3A_1717, %select_n3A_1807 : vector<16xf32>
      %add3A_1809 = arith.constant 2048 : i32
      %add3A_1810 = arith.addi %mul3A_1081, %add3A_1809 : i32
      %add3A_1811 = arith.constant 0 : i32
      %add3A_1812 = arith.addi %add3A_1810, %add3A_1811 : i32
      %get3A_1813 = arith.index_cast %add3A_1812 : i32 to index
      %get3A_1814 = tpu.vector_load %arg5[%get3A_1813] {strides = array<i32>} : memref<65536xf32, #tpu.memory_space<vmem>>, vector<16xf32>,
      %add3A_1815 = arith.constant 16 : i32
      %add3A_1816 = arith.addi %add3A_1810, %add3A_1815 : i32
      %get3A_1817 = arith.index_cast %add3A_1816 : i32 to index
      %get3A_1818 = tpu.vector_load %arg5[%get3A_1817] {strides = array<i32>} : memref<65536xf32, #tpu.memory_space<vmem>>, vector<16xf32>,
      %add3A_1819 = arith.constant 32 : i32
      %add3A_1820 = arith.addi %add3A_1810, %add3A_1819 : i32
      %get3A_1821 = arith.index_cast %add3A_1820 : i32 to index
      %get3A_1822 = tpu.vector_load %arg5[%get3A_1821] {strides = array<i32>} : memref<65536xf32, #tpu.memory_space<vmem>>, vector<16xf32>,
      %add3A_1823 = arith.constant 48 : i32
      %add3A_1824 = arith.addi %add3A_1810, %add3A_1823 : i32
      %get3A_1825 = arith.index_cast %add3A_1824 : i32 to index
      %get3A_1826 = tpu.vector_load %arg5[%get3A_1825] {strides = array<i32>} : memref<65536xf32, #tpu.memory_space<vmem>>, vector<16xf32>,
      %add3A_1827 = arith.constant 64 : i32
      %add3A_1828 = arith.addi %add3A_1810, %add3A_1827 : i32
      %get3A_1829 = arith.index_cast %add3A_1828 : i32 to index
      %get3A_1830 = tpu.vector_load %arg5[%get3A_1829] {strides = array<i32>} : memref<65536xf32, #tpu.memory_space<vmem>>, vector<16xf32>,
      %add3A_1831 = arith.constant 80 : i32
      %add3A_1832 = arith.addi %add3A_1810, %add3A_1831 : i32
      %get3A_1833 = arith.index_cast %add3A_1832 : i32 to index
      %get3A_1834 = tpu.vector_load %arg5[%get3A_1833] {strides = array<i32>} : memref<65536xf32, #tpu.memory_space<vmem>>, vector<16xf32>,
      %add3A_1835 = arith.constant 96 : i32
      %add3A_1836 = arith.addi %add3A_1810, %add3A_1835 : i32
      %get3A_1837 = arith.index_cast %add3A_1836 : i32 to index
      %get3A_1838 = tpu.vector_load %arg5[%get3A_1837] {strides = array<i32>} : memref<65536xf32, #tpu.memory_space<vmem>>, vector<16xf32>,
      %add3A_1839 = arith.constant 112 : i32
      %add3A_1840 = arith.addi %add3A_1810, %add3A_1839 : i32
      %get3A_1841 = arith.index_cast %add3A_1840 : i32 to index
      %get3A_1842 = tpu.vector_load %arg5[%get3A_1841] {strides = array<i32>} : memref<65536xf32, #tpu.memory_space<vmem>>, vector<16xf32>,
      %add3A_1843 = arith.constant 128 : i32
      %add3A_1844 = arith.addi %add3A_1810, %add3A_1843 : i32
      %get3A_1845 = arith.index_cast %add3A_1844 : i32 to index
      %get3A_1846 = tpu.vector_load %arg5[%get3A_1845] {strides = array<i32>} : memref<65536xf32, #tpu.memory_space<vmem>>, vector<16xf32>,
      %add3A_1847 = arith.constant 144 : i32
      %add3A_1848 = arith.addi %add3A_1810, %add3A_1847 : i32
      %get3A_1849 = arith.index_cast %add3A_1848 : i32 to index
      %get3A_1850 = tpu.vector_load %arg5[%get3A_1849] {strides = array<i32>} : memref<65536xf32, #tpu.memory_space<vmem>>, vector<16xf32>,
      %add3A_1851 = arith.constant 160 : i32
      %add3A_1852 = arith.addi %add3A_1810, %add3A_1851 : i32
      %get3A_1853 = arith.index_cast %add3A_1852 : i32 to index
      %get3A_1854 = tpu.vector_load %arg5[%get3A_1853] {strides = array<i32>} : memref<65536xf32, #tpu.memory_space<vmem>>, vector<16xf32>,
      %add3A_1855 = arith.constant 176 : i32
      %add3A_1856 = arith.addi %add3A_1810, %add3A_1855 : i32
      %get3A_1857 = arith.index_cast %add3A_1856 : i32 to index
      %get3A_1858 = tpu.vector_load %arg5[%get3A_1857] {strides = array<i32>} : memref<65536xf32, #tpu.memory_space<vmem>>, vector<16xf32>,
      %add3A_1859 = arith.constant 192 : i32
      %add3A_1860 = arith.addi %add3A_1810, %add3A_1859 : i32
      %get3A_1861 = arith.index_cast %add3A_1860 : i32 to index
      %get3A_1862 = tpu.vector_load %arg5[%get3A_1861] {strides = array<i32>} : memref<65536xf32, #tpu.memory_space<vmem>>, vector<16xf32>,
      %add3A_1863 = arith.constant 208 : i32
      %add3A_1864 = arith.addi %add3A_1810, %add3A_1863 : i32
      %get3A_1865 = arith.index_cast %add3A_1864 : i32 to index
      %get3A_1866 = tpu.vector_load %arg5[%get3A_1865] {strides = array<i32>} : memref<65536xf32, #tpu.memory_space<vmem>>, vector<16xf32>,
      %add3A_1867 = arith.constant 224 : i32
      %add3A_1868 = arith.addi %add3A_1810, %add3A_1867 : i32
      %get3A_1869 = arith.index_cast %add3A_1868 : i32 to index
      %get3A_1870 = tpu.vector_load %arg5[%get3A_1869] {strides = array<i32>} : memref<65536xf32, #tpu.memory_space<vmem>>, vector<16xf32>,
      %add3A_1871 = arith.constant 240 : i32
      %add3A_1872 = arith.addi %add3A_1810, %add3A_1871 : i32
      %get3A_1873 = arith.index_cast %add3A_1872 : i32 to index
      %get3A_1874 = tpu.vector_load %arg5[%get3A_1873] {strides = array<i32>} : memref<65536xf32, #tpu.memory_space<vmem>>, vector<16xf32>,
      %add3A_1875 = arith.addf %get3A_1814, %get3A_1818 : vector<16xf32>
      %add3A_1876 = arith.addf %get3A_1822, %get3A_1826 : vector<16xf32>
      %add3A_1877 = arith.addf %get3A_1830, %get3A_1834 : vector<16xf32>
      %add3A_1878 = arith.addf %get3A_1838, %get3A_1842 : vector<16xf32>
      %add3A_1879 = arith.addf %get3A_1846, %get3A_1850 : vector<16xf32>
      %add3A_1880 = arith.addf %get3A_1854, %get3A_1858 : vector<16xf32>
      %add3A_1881 = arith.addf %get3A_1862, %get3A_1866 : vector<16xf32>
      %add3A_1882 = arith.addf %get3A_1870, %get3A_1874 : vector<16xf32>
      %add3A_1883 = arith.addf %add3A_1875, %add3A_1876 : vector<16xf32>
      %add3A_1884 = arith.addf %add3A_1877, %add3A_1878 : vector<16xf32>
      %add3A_1885 = arith.addf %add3A_1879, %add3A_1880 : vector<16xf32>
      %add3A_1886 = arith.addf %add3A_1881, %add3A_1882 : vector<16xf32>
      %add3A_1887 = arith.addf %add3A_1883, %add3A_1884 : vector<16xf32>
      %add3A_1888 = arith.addf %add3A_1885, %add3A_1886 : vector<16xf32>
      %add3A_1889 = arith.addf %add3A_1887, %add3A_1888 : vector<16xf32>
      %reduce_sum3A_1890 = arith.constant true
      %reduce_sum3A_1891 = vector.broadcast %reduce_sum3A_1890 : i1 to vector<16xi1>
      %reduce_sum3A_1892 = tpu.scan <sum>, %add3A_1889 masked %reduce_sum3A_1891 : vector<16xf32>, vector<16xi1> -> vector<16xf32>
      %reduce_sum3A_1893 = vector.extract %reduce_sum3A_1892[15] : f32 from vector<16xf32>
      %eq3A_1894 = arith.constant 8 : i32
      %eq3A_1895 = vector.broadcast %eq3A_1894 : i32 to vector<16xi32>
      %eq3A_1896 = arith.cmpi eq, %iota3A_1079, %eq3A_1895 : vector<16xi32>
      %broadcast_in_dim3A_1897 = vector.broadcast %reduce_sum3A_1893 : f32 to vector<16xf32>
      %select_n3A_1898 = arith.select %eq3A_1896, %broadcast_in_dim3A_1897, %broadcast_in_dim3A_1 : vector<16xi1>, vector<16xf32>
      %add3A_1899 = arith.addf %add3A_1808, %select_n3A_1898 : vector<16xf32>
      %add3A_1900 = arith.constant 2304 : i32
      %add3A_1901 = arith.addi %mul3A_1081, %add3A_1900 : i32
      %add3A_1902 = arith.constant 0 : i32
      %add3A_1903 = arith.addi %add3A_1901, %add3A_1902 : i32
      %get3A_1904 = arith.index_cast %add3A_1903 : i32 to index
      %get3A_1905 = tpu.vector_load %arg5[%get3A_1904] {strides = array<i32>} : memref<65536xf32, #tpu.memory_space<vmem>>, vector<16xf32>,
      %add3A_1906 = arith.constant 16 : i32
      %add3A_1907 = arith.addi %add3A_1901, %add3A_1906 : i32
      %get3A_1908 = arith.index_cast %add3A_1907 : i32 to index
      %get3A_1909 = tpu.vector_load %arg5[%get3A_1908] {strides = array<i32>} : memref<65536xf32, #tpu.memory_space<vmem>>, vector<16xf32>,
      %add3A_1910 = arith.constant 32 : i32
      %add3A_1911 = arith.addi %add3A_1901, %add3A_1910 : i32
      %get3A_1912 = arith.index_cast %add3A_1911 : i32 to index
      %get3A_1913 = tpu.vector_load %arg5[%get3A_1912] {strides = array<i32>} : memref<65536xf32, #tpu.memory_space<vmem>>, vector<16xf32>,
      %add3A_1914 = arith.constant 48 : i32
      %add3A_1915 = arith.addi %add3A_1901, %add3A_1914 : i32
      %get3A_1916 = arith.index_cast %add3A_1915 : i32 to index
      %get3A_1917 = tpu.vector_load %arg5[%get3A_1916] {strides = array<i32>} : memref<65536xf32, #tpu.memory_space<vmem>>, vector<16xf32>,
      %add3A_1918 = arith.constant 64 : i32
      %add3A_1919 = arith.addi %add3A_1901, %add3A_1918 : i32
      %get3A_1920 = arith.index_cast %add3A_1919 : i32 to index
      %get3A_1921 = tpu.vector_load %arg5[%get3A_1920] {strides = array<i32>} : memref<65536xf32, #tpu.memory_space<vmem>>, vector<16xf32>,
      %add3A_1922 = arith.constant 80 : i32
      %add3A_1923 = arith.addi %add3A_1901, %add3A_1922 : i32
      %get3A_1924 = arith.index_cast %add3A_1923 : i32 to index
      %get3A_1925 = tpu.vector_load %arg5[%get3A_1924] {strides = array<i32>} : memref<65536xf32, #tpu.memory_space<vmem>>, vector<16xf32>,
      %add3A_1926 = arith.constant 96 : i32
      %add3A_1927 = arith.addi %add3A_1901, %add3A_1926 : i32
      %get3A_1928 = arith.index_cast %add3A_1927 : i32 to index
      %get3A_1929 = tpu.vector_load %arg5[%get3A_1928] {strides = array<i32>} : memref<65536xf32, #tpu.memory_space<vmem>>, vector<16xf32>,
      %add3A_1930 = arith.constant 112 : i32
      %add3A_1931 = arith.addi %add3A_1901, %add3A_1930 : i32
      %get3A_1932 = arith.index_cast %add3A_1931 : i32 to index
      %get3A_1933 = tpu.vector_load %arg5[%get3A_1932] {strides = array<i32>} : memref<65536xf32, #tpu.memory_space<vmem>>, vector<16xf32>,
      %add3A_1934 = arith.constant 128 : i32
      %add3A_1935 = arith.addi %add3A_1901, %add3A_1934 : i32
      %get3A_1936 = arith.index_cast %add3A_1935 : i32 to index
      %get3A_1937 = tpu.vector_load %arg5[%get3A_1936] {strides = array<i32>} : memref<65536xf32, #tpu.memory_space<vmem>>, vector<16xf32>,
      %add3A_1938 = arith.constant 144 : i32
      %add3A_1939 = arith.addi %add3A_1901, %add3A_1938 : i32
      %get3A_1940 = arith.index_cast %add3A_1939 : i32 to index
      %get3A_1941 = tpu.vector_load %arg5[%get3A_1940] {strides = array<i32>} : memref<65536xf32, #tpu.memory_space<vmem>>, vector<16xf32>,
      %add3A_1942 = arith.constant 160 : i32
      %add3A_1943 = arith.addi %add3A_1901, %add3A_1942 : i32
      %get3A_1944 = arith.index_cast %add3A_1943 : i32 to index
      %get3A_1945 = tpu.vector_load %arg5[%get3A_1944] {strides = array<i32>} : memref<65536xf32, #tpu.memory_space<vmem>>, vector<16xf32>,
      %add3A_1946 = arith.constant 176 : i32
      %add3A_1947 = arith.addi %add3A_1901, %add3A_1946 : i32
      %get3A_1948 = arith.index_cast %add3A_1947 : i32 to index
      %get3A_1949 = tpu.vector_load %arg5[%get3A_1948] {strides = array<i32>} : memref<65536xf32, #tpu.memory_space<vmem>>, vector<16xf32>,
      %add3A_1950 = arith.constant 192 : i32
      %add3A_1951 = arith.addi %add3A_1901, %add3A_1950 : i32
      %get3A_1952 = arith.index_cast %add3A_1951 : i32 to index
      %get3A_1953 = tpu.vector_load %arg5[%get3A_1952] {strides = array<i32>} : memref<65536xf32, #tpu.memory_space<vmem>>, vector<16xf32>,
      %add3A_1954 = arith.constant 208 : i32
      %add3A_1955 = arith.addi %add3A_1901, %add3A_1954 : i32
      %get3A_1956 = arith.index_cast %add3A_1955 : i32 to index
      %get3A_1957 = tpu.vector_load %arg5[%get3A_1956] {strides = array<i32>} : memref<65536xf32, #tpu.memory_space<vmem>>, vector<16xf32>,
      %add3A_1958 = arith.constant 224 : i32
      %add3A_1959 = arith.addi %add3A_1901, %add3A_1958 : i32
      %get3A_1960 = arith.index_cast %add3A_1959 : i32 to index
      %get3A_1961 = tpu.vector_load %arg5[%get3A_1960] {strides = array<i32>} : memref<65536xf32, #tpu.memory_space<vmem>>, vector<16xf32>,
      %add3A_1962 = arith.constant 240 : i32
      %add3A_1963 = arith.addi %add3A_1901, %add3A_1962 : i32
      %get3A_1964 = arith.index_cast %add3A_1963 : i32 to index
      %get3A_1965 = tpu.vector_load %arg5[%get3A_1964] {strides = array<i32>} : memref<65536xf32, #tpu.memory_space<vmem>>, vector<16xf32>,
      %add3A_1966 = arith.addf %get3A_1905, %get3A_1909 : vector<16xf32>
      %add3A_1967 = arith.addf %get3A_1913, %get3A_1917 : vector<16xf32>
      %add3A_1968 = arith.addf %get3A_1921, %get3A_1925 : vector<16xf32>
      %add3A_1969 = arith.addf %get3A_1929, %get3A_1933 : vector<16xf32>
      %add3A_1970 = arith.addf %get3A_1937, %get3A_1941 : vector<16xf32>
      %add3A_1971 = arith.addf %get3A_1945, %get3A_1949 : vector<16xf32>
      %add3A_1972 = arith.addf %get3A_1953, %get3A_1957 : vector<16xf32>
      %add3A_1973 = arith.addf %get3A_1961, %get3A_1965 : vector<16xf32>
      %add3A_1974 = arith.addf %add3A_1966, %add3A_1967 : vector<16xf32>
      %add3A_1975 = arith.addf %add3A_1968, %add3A_1969 : vector<16xf32>
      %add3A_1976 = arith.addf %add3A_1970, %add3A_1971 : vector<16xf32>
      %add3A_1977 = arith.addf %add3A_1972, %add3A_1973 : vector<16xf32>
      %add3A_1978 = arith.addf %add3A_1974, %add3A_1975 : vector<16xf32>
      %add3A_1979 = arith.addf %add3A_1976, %add3A_1977 : vector<16xf32>
      %add3A_1980 = arith.addf %add3A_1978, %add3A_1979 : vector<16xf32>
      %reduce_sum3A_1981 = arith.constant true
      %reduce_sum3A_1982 = vector.broadcast %reduce_sum3A_1981 : i1 to vector<16xi1>
      %reduce_sum3A_1983 = tpu.scan <sum>, %add3A_1980 masked %reduce_sum3A_1982 : vector<16xf32>, vector<16xi1> -> vector<16xf32>
      %reduce_sum3A_1984 = vector.extract %reduce_sum3A_1983[15] : f32 from vector<16xf32>
      %eq3A_1985 = arith.constant 9 : i32
      %eq3A_1986 = vector.broadcast %eq3A_1985 : i32 to vector<16xi32>
      %eq3A_1987 = arith.cmpi eq, %iota3A_1079, %eq3A_1986 : vector<16xi32>
      %broadcast_in_dim3A_1988 = vector.broadcast %reduce_sum3A_1984 : f32 to vector<16xf32>
      %select_n3A_1989 = arith.select %eq3A_1987, %broadcast_in_dim3A_1988, %broadcast_in_dim3A_1 : vector<16xi1>, vector<16xf32>
      %add3A_1990 = arith.addf %add3A_1899, %select_n3A_1989 : vector<16xf32>
      %add3A_1991 = arith.constant 2560 : i32
      %add3A_1992 = arith.addi %mul3A_1081, %add3A_1991 : i32
      %add3A_1993 = arith.constant 0 : i32
      %add3A_1994 = arith.addi %add3A_1992, %add3A_1993 : i32
      %get3A_1995 = arith.index_cast %add3A_1994 : i32 to index
      %get3A_1996 = tpu.vector_load %arg5[%get3A_1995] {strides = array<i32>} : memref<65536xf32, #tpu.memory_space<vmem>>, vector<16xf32>,
      %add3A_1997 = arith.constant 16 : i32
      %add3A_1998 = arith.addi %add3A_1992, %add3A_1997 : i32
      %get3A_1999 = arith.index_cast %add3A_1998 : i32 to index
      %get3A_2000 = tpu.vector_load %arg5[%get3A_1999] {strides = array<i32>} : memref<65536xf32, #tpu.memory_space<vmem>>, vector<16xf32>,
      %add3A_2001 = arith.constant 32 : i32
      %add3A_2002 = arith.addi %add3A_1992, %add3A_2001 : i32
      %get3A_2003 = arith.index_cast %add3A_2002 : i32 to index
      %get3A_2004 = tpu.vector_load %arg5[%get3A_2003] {strides = array<i32>} : memref<65536xf32, #tpu.memory_space<vmem>>, vector<16xf32>,
      %add3A_2005 = arith.constant 48 : i32
      %add3A_2006 = arith.addi %add3A_1992, %add3A_2005 : i32
      %get3A_2007 = arith.index_cast %add3A_2006 : i32 to index
      %get3A_2008 = tpu.vector_load %arg5[%get3A_2007] {strides = array<i32>} : memref<65536xf32, #tpu.memory_space<vmem>>, vector<16xf32>,
      %add3A_2009 = arith.constant 64 : i32
      %add3A_2010 = arith.addi %add3A_1992, %add3A_2009 : i32
      %get3A_2011 = arith.index_cast %add3A_2010 : i32 to index
      %get3A_2012 = tpu.vector_load %arg5[%get3A_2011] {strides = array<i32>} : memref<65536xf32, #tpu.memory_space<vmem>>, vector<16xf32>,
      %add3A_2013 = arith.constant 80 : i32
      %add3A_2014 = arith.addi %add3A_1992, %add3A_2013 : i32
      %get3A_2015 = arith.index_cast %add3A_2014 : i32 to index
      %get3A_2016 = tpu.vector_load %arg5[%get3A_2015] {strides = array<i32>} : memref<65536xf32, #tpu.memory_space<vmem>>, vector<16xf32>,
      %add3A_2017 = arith.constant 96 : i32
      %add3A_2018 = arith.addi %add3A_1992, %add3A_2017 : i32
      %get3A_2019 = arith.index_cast %add3A_2018 : i32 to index
      %get3A_2020 = tpu.vector_load %arg5[%get3A_2019] {strides = array<i32>} : memref<65536xf32, #tpu.memory_space<vmem>>, vector<16xf32>,
      %add3A_2021 = arith.constant 112 : i32
      %add3A_2022 = arith.addi %add3A_1992, %add3A_2021 : i32
      %get3A_2023 = arith.index_cast %add3A_2022 : i32 to index
      %get3A_2024 = tpu.vector_load %arg5[%get3A_2023] {strides = array<i32>} : memref<65536xf32, #tpu.memory_space<vmem>>, vector<16xf32>,
      %add3A_2025 = arith.constant 128 : i32
      %add3A_2026 = arith.addi %add3A_1992, %add3A_2025 : i32
      %get3A_2027 = arith.index_cast %add3A_2026 : i32 to index
      %get3A_2028 = tpu.vector_load %arg5[%get3A_2027] {strides = array<i32>} : memref<65536xf32, #tpu.memory_space<vmem>>, vector<16xf32>,
      %add3A_2029 = arith.constant 144 : i32
      %add3A_2030 = arith.addi %add3A_1992, %add3A_2029 : i32
      %get3A_2031 = arith.index_cast %add3A_2030 : i32 to index
      %get3A_2032 = tpu.vector_load %arg5[%get3A_2031] {strides = array<i32>} : memref<65536xf32, #tpu.memory_space<vmem>>, vector<16xf32>,
      %add3A_2033 = arith.constant 160 : i32
      %add3A_2034 = arith.addi %add3A_1992, %add3A_2033 : i32
      %get3A_2035 = arith.index_cast %add3A_2034 : i32 to index
      %get3A_2036 = tpu.vector_load %arg5[%get3A_2035] {strides = array<i32>} : memref<65536xf32, #tpu.memory_space<vmem>>, vector<16xf32>,
      %add3A_2037 = arith.constant 176 : i32
      %add3A_2038 = arith.addi %add3A_1992, %add3A_2037 : i32
      %get3A_2039 = arith.index_cast %add3A_2038 : i32 to index
      %get3A_2040 = tpu.vector_load %arg5[%get3A_2039] {strides = array<i32>} : memref<65536xf32, #tpu.memory_space<vmem>>, vector<16xf32>,
      %add3A_2041 = arith.constant 192 : i32
      %add3A_2042 = arith.addi %add3A_1992, %add3A_2041 : i32
      %get3A_2043 = arith.index_cast %add3A_2042 : i32 to index
      %get3A_2044 = tpu.vector_load %arg5[%get3A_2043] {strides = array<i32>} : memref<65536xf32, #tpu.memory_space<vmem>>, vector<16xf32>,
      %add3A_2045 = arith.constant 208 : i32
      %add3A_2046 = arith.addi %add3A_1992, %add3A_2045 : i32
      %get3A_2047 = arith.index_cast %add3A_2046 : i32 to index
      %get3A_2048 = tpu.vector_load %arg5[%get3A_2047] {strides = array<i32>} : memref<65536xf32, #tpu.memory_space<vmem>>, vector<16xf32>,
      %add3A_2049 = arith.constant 224 : i32
      %add3A_2050 = arith.addi %add3A_1992, %add3A_2049 : i32
      %get3A_2051 = arith.index_cast %add3A_2050 : i32 to index
      %get3A_2052 = tpu.vector_load %arg5[%get3A_2051] {strides = array<i32>} : memref<65536xf32, #tpu.memory_space<vmem>>, vector<16xf32>,
      %add3A_2053 = arith.constant 240 : i32
      %add3A_2054 = arith.addi %add3A_1992, %add3A_2053 : i32
      %get3A_2055 = arith.index_cast %add3A_2054 : i32 to index
      %get3A_2056 = tpu.vector_load %arg5[%get3A_2055] {strides = array<i32>} : memref<65536xf32, #tpu.memory_space<vmem>>, vector<16xf32>,
      %add3A_2057 = arith.addf %get3A_1996, %get3A_2000 : vector<16xf32>
      %add3A_2058 = arith.addf %get3A_2004, %get3A_2008 : vector<16xf32>
      %add3A_2059 = arith.addf %get3A_2012, %get3A_2016 : vector<16xf32>
      %add3A_2060 = arith.addf %get3A_2020, %get3A_2024 : vector<16xf32>
      %add3A_2061 = arith.addf %get3A_2028, %get3A_2032 : vector<16xf32>
      %add3A_2062 = arith.addf %get3A_2036, %get3A_2040 : vector<16xf32>
      %add3A_2063 = arith.addf %get3A_2044, %get3A_2048 : vector<16xf32>
      %add3A_2064 = arith.addf %get3A_2052, %get3A_2056 : vector<16xf32>
      %add3A_2065 = arith.addf %add3A_2057, %add3A_2058 : vector<16xf32>
      %add3A_2066 = arith.addf %add3A_2059, %add3A_2060 : vector<16xf32>
      %add3A_2067 = arith.addf %add3A_2061, %add3A_2062 : vector<16xf32>
      %add3A_2068 = arith.addf %add3A_2063, %add3A_2064 : vector<16xf32>
      %add3A_2069 = arith.addf %add3A_2065, %add3A_2066 : vector<16xf32>
      %add3A_2070 = arith.addf %add3A_2067, %add3A_2068 : vector<16xf32>
      %add3A_2071 = arith.addf %add3A_2069, %add3A_2070 : vector<16xf32>
      %reduce_sum3A_2072 = arith.constant true
      %reduce_sum3A_2073 = vector.broadcast %reduce_sum3A_2072 : i1 to vector<16xi1>
      %reduce_sum3A_2074 = tpu.scan <sum>, %add3A_2071 masked %reduce_sum3A_2073 : vector<16xf32>, vector<16xi1> -> vector<16xf32>
      %reduce_sum3A_2075 = vector.extract %reduce_sum3A_2074[15] : f32 from vector<16xf32>
      %eq3A_2076 = arith.constant 10 : i32
      %eq3A_2077 = vector.broadcast %eq3A_2076 : i32 to vector<16xi32>
      %eq3A_2078 = arith.cmpi eq, %iota3A_1079, %eq3A_2077 : vector<16xi32>
      %broadcast_in_dim3A_2079 = vector.broadcast %reduce_sum3A_2075 : f32 to vector<16xf32>
      %select_n3A_2080 = arith.select %eq3A_2078, %broadcast_in_dim3A_2079, %broadcast_in_dim3A_1 : vector<16xi1>, vector<16xf32>
      %add3A_2081 = arith.addf %add3A_1990, %select_n3A_2080 : vector<16xf32>
      %add3A_2082 = arith.constant 2816 : i32
      %add3A_2083 = arith.addi %mul3A_1081, %add3A_2082 : i32
      %add3A_2084 = arith.constant 0 : i32
      %add3A_2085 = arith.addi %add3A_2083, %add3A_2084 : i32
      %get3A_2086 = arith.index_cast %add3A_2085 : i32 to index
      %get3A_2087 = tpu.vector_load %arg5[%get3A_2086] {strides = array<i32>} : memref<65536xf32, #tpu.memory_space<vmem>>, vector<16xf32>,
      %add3A_2088 = arith.constant 16 : i32
      %add3A_2089 = arith.addi %add3A_2083, %add3A_2088 : i32
      %get3A_2090 = arith.index_cast %add3A_2089 : i32 to index
      %get3A_2091 = tpu.vector_load %arg5[%get3A_2090] {strides = array<i32>} : memref<65536xf32, #tpu.memory_space<vmem>>, vector<16xf32>,
      %add3A_2092 = arith.constant 32 : i32
      %add3A_2093 = arith.addi %add3A_2083, %add3A_2092 : i32
      %get3A_2094 = arith.index_cast %add3A_2093 : i32 to index
      %get3A_2095 = tpu.vector_load %arg5[%get3A_2094] {strides = array<i32>} : memref<65536xf32, #tpu.memory_space<vmem>>, vector<16xf32>,
      %add3A_2096 = arith.constant 48 : i32
      %add3A_2097 = arith.addi %add3A_2083, %add3A_2096 : i32
      %get3A_2098 = arith.index_cast %add3A_2097 : i32 to index
      %get3A_2099 = tpu.vector_load %arg5[%get3A_2098] {strides = array<i32>} : memref<65536xf32, #tpu.memory_space<vmem>>, vector<16xf32>,
      %add3A_2100 = arith.constant 64 : i32
      %add3A_2101 = arith.addi %add3A_2083, %add3A_2100 : i32
      %get3A_2102 = arith.index_cast %add3A_2101 : i32 to index
      %get3A_2103 = tpu.vector_load %arg5[%get3A_2102] {strides = array<i32>} : memref<65536xf32, #tpu.memory_space<vmem>>, vector<16xf32>,
      %add3A_2104 = arith.constant 80 : i32
      %add3A_2105 = arith.addi %add3A_2083, %add3A_2104 : i32
      %get3A_2106 = arith.index_cast %add3A_2105 : i32 to index
      %get3A_2107 = tpu.vector_load %arg5[%get3A_2106] {strides = array<i32>} : memref<65536xf32, #tpu.memory_space<vmem>>, vector<16xf32>,
      %add3A_2108 = arith.constant 96 : i32
      %add3A_2109 = arith.addi %add3A_2083, %add3A_2108 : i32
      %get3A_2110 = arith.index_cast %add3A_2109 : i32 to index
      %get3A_2111 = tpu.vector_load %arg5[%get3A_2110] {strides = array<i32>} : memref<65536xf32, #tpu.memory_space<vmem>>, vector<16xf32>,
      %add3A_2112 = arith.constant 112 : i32
      %add3A_2113 = arith.addi %add3A_2083, %add3A_2112 : i32
      %get3A_2114 = arith.index_cast %add3A_2113 : i32 to index
      %get3A_2115 = tpu.vector_load %arg5[%get3A_2114] {strides = array<i32>} : memref<65536xf32, #tpu.memory_space<vmem>>, vector<16xf32>,
      %add3A_2116 = arith.constant 128 : i32
      %add3A_2117 = arith.addi %add3A_2083, %add3A_2116 : i32
      %get3A_2118 = arith.index_cast %add3A_2117 : i32 to index
      %get3A_2119 = tpu.vector_load %arg5[%get3A_2118] {strides = array<i32>} : memref<65536xf32, #tpu.memory_space<vmem>>, vector<16xf32>,
      %add3A_2120 = arith.constant 144 : i32
      %add3A_2121 = arith.addi %add3A_2083, %add3A_2120 : i32
      %get3A_2122 = arith.index_cast %add3A_2121 : i32 to index
      %get3A_2123 = tpu.vector_load %arg5[%get3A_2122] {strides = array<i32>} : memref<65536xf32, #tpu.memory_space<vmem>>, vector<16xf32>,
      %add3A_2124 = arith.constant 160 : i32
      %add3A_2125 = arith.addi %add3A_2083, %add3A_2124 : i32
      %get3A_2126 = arith.index_cast %add3A_2125 : i32 to index
      %get3A_2127 = tpu.vector_load %arg5[%get3A_2126] {strides = array<i32>} : memref<65536xf32, #tpu.memory_space<vmem>>, vector<16xf32>,
      %add3A_2128 = arith.constant 176 : i32
      %add3A_2129 = arith.addi %add3A_2083, %add3A_2128 : i32
      %get3A_2130 = arith.index_cast %add3A_2129 : i32 to index
      %get3A_2131 = tpu.vector_load %arg5[%get3A_2130] {strides = array<i32>} : memref<65536xf32, #tpu.memory_space<vmem>>, vector<16xf32>,
      %add3A_2132 = arith.constant 192 : i32
      %add3A_2133 = arith.addi %add3A_2083, %add3A_2132 : i32
      %get3A_2134 = arith.index_cast %add3A_2133 : i32 to index
      %get3A_2135 = tpu.vector_load %arg5[%get3A_2134] {strides = array<i32>} : memref<65536xf32, #tpu.memory_space<vmem>>, vector<16xf32>,
      %add3A_2136 = arith.constant 208 : i32
      %add3A_2137 = arith.addi %add3A_2083, %add3A_2136 : i32
      %get3A_2138 = arith.index_cast %add3A_2137 : i32 to index
      %get3A_2139 = tpu.vector_load %arg5[%get3A_2138] {strides = array<i32>} : memref<65536xf32, #tpu.memory_space<vmem>>, vector<16xf32>,
      %add3A_2140 = arith.constant 224 : i32
      %add3A_2141 = arith.addi %add3A_2083, %add3A_2140 : i32
      %get3A_2142 = arith.index_cast %add3A_2141 : i32 to index
      %get3A_2143 = tpu.vector_load %arg5[%get3A_2142] {strides = array<i32>} : memref<65536xf32, #tpu.memory_space<vmem>>, vector<16xf32>,
      %add3A_2144 = arith.constant 240 : i32
      %add3A_2145 = arith.addi %add3A_2083, %add3A_2144 : i32
      %get3A_2146 = arith.index_cast %add3A_2145 : i32 to index
      %get3A_2147 = tpu.vector_load %arg5[%get3A_2146] {strides = array<i32>} : memref<65536xf32, #tpu.memory_space<vmem>>, vector<16xf32>,
      %add3A_2148 = arith.addf %get3A_2087, %get3A_2091 : vector<16xf32>
      %add3A_2149 = arith.addf %get3A_2095, %get3A_2099 : vector<16xf32>
      %add3A_2150 = arith.addf %get3A_2103, %get3A_2107 : vector<16xf32>
      %add3A_2151 = arith.addf %get3A_2111, %get3A_2115 : vector<16xf32>
      %add3A_2152 = arith.addf %get3A_2119, %get3A_2123 : vector<16xf32>
      %add3A_2153 = arith.addf %get3A_2127, %get3A_2131 : vector<16xf32>
      %add3A_2154 = arith.addf %get3A_2135, %get3A_2139 : vector<16xf32>
      %add3A_2155 = arith.addf %get3A_2143, %get3A_2147 : vector<16xf32>
      %add3A_2156 = arith.addf %add3A_2148, %add3A_2149 : vector<16xf32>
      %add3A_2157 = arith.addf %add3A_2150, %add3A_2151 : vector<16xf32>
      %add3A_2158 = arith.addf %add3A_2152, %add3A_2153 : vector<16xf32>
      %add3A_2159 = arith.addf %add3A_2154, %add3A_2155 : vector<16xf32>
      %add3A_2160 = arith.addf %add3A_2156, %add3A_2157 : vector<16xf32>
      %add3A_2161 = arith.addf %add3A_2158, %add3A_2159 : vector<16xf32>
      %add3A_2162 = arith.addf %add3A_2160, %add3A_2161 : vector<16xf32>
      %reduce_sum3A_2163 = arith.constant true
      %reduce_sum3A_2164 = vector.broadcast %reduce_sum3A_2163 : i1 to vector<16xi1>
      %reduce_sum3A_2165 = tpu.scan <sum>, %add3A_2162 masked %reduce_sum3A_2164 : vector<16xf32>, vector<16xi1> -> vector<16xf32>
      %reduce_sum3A_2166 = vector.extract %reduce_sum3A_2165[15] : f32 from vector<16xf32>
      %eq3A_2167 = arith.constant 11 : i32
      %eq3A_2168 = vector.broadcast %eq3A_2167 : i32 to vector<16xi32>
      %eq3A_2169 = arith.cmpi eq, %iota3A_1079, %eq3A_2168 : vector<16xi32>
      %broadcast_in_dim3A_2170 = vector.broadcast %reduce_sum3A_2166 : f32 to vector<16xf32>
      %select_n3A_2171 = arith.select %eq3A_2169, %broadcast_in_dim3A_2170, %broadcast_in_dim3A_1 : vector<16xi1>, vector<16xf32>
      %add3A_2172 = arith.addf %add3A_2081, %select_n3A_2171 : vector<16xf32>
      %add3A_2173 = arith.constant 3072 : i32
      %add3A_2174 = arith.addi %mul3A_1081, %add3A_2173 : i32
      %add3A_2175 = arith.constant 0 : i32
      %add3A_2176 = arith.addi %add3A_2174, %add3A_2175 : i32
      %get3A_2177 = arith.index_cast %add3A_2176 : i32 to index
      %get3A_2178 = tpu.vector_load %arg5[%get3A_2177] {strides = array<i32>} : memref<65536xf32, #tpu.memory_space<vmem>>, vector<16xf32>,
      %add3A_2179 = arith.constant 16 : i32
      %add3A_2180 = arith.addi %add3A_2174, %add3A_2179 : i32
      %get3A_2181 = arith.index_cast %add3A_2180 : i32 to index
      %get3A_2182 = tpu.vector_load %arg5[%get3A_2181] {strides = array<i32>} : memref<65536xf32, #tpu.memory_space<vmem>>, vector<16xf32>,
      %add3A_2183 = arith.constant 32 : i32
      %add3A_2184 = arith.addi %add3A_2174, %add3A_2183 : i32
      %get3A_2185 = arith.index_cast %add3A_2184 : i32 to index
      %get3A_2186 = tpu.vector_load %arg5[%get3A_2185] {strides = array<i32>} : memref<65536xf32, #tpu.memory_space<vmem>>, vector<16xf32>,
      %add3A_2187 = arith.constant 48 : i32
      %add3A_2188 = arith.addi %add3A_2174, %add3A_2187 : i32
      %get3A_2189 = arith.index_cast %add3A_2188 : i32 to index
      %get3A_2190 = tpu.vector_load %arg5[%get3A_2189] {strides = array<i32>} : memref<65536xf32, #tpu.memory_space<vmem>>, vector<16xf32>,
      %add3A_2191 = arith.constant 64 : i32
      %add3A_2192 = arith.addi %add3A_2174, %add3A_2191 : i32
      %get3A_2193 = arith.index_cast %add3A_2192 : i32 to index
      %get3A_2194 = tpu.vector_load %arg5[%get3A_2193] {strides = array<i32>} : memref<65536xf32, #tpu.memory_space<vmem>>, vector<16xf32>,
      %add3A_2195 = arith.constant 80 : i32
      %add3A_2196 = arith.addi %add3A_2174, %add3A_2195 : i32
      %get3A_2197 = arith.index_cast %add3A_2196 : i32 to index
      %get3A_2198 = tpu.vector_load %arg5[%get3A_2197] {strides = array<i32>} : memref<65536xf32, #tpu.memory_space<vmem>>, vector<16xf32>,
      %add3A_2199 = arith.constant 96 : i32
      %add3A_2200 = arith.addi %add3A_2174, %add3A_2199 : i32
      %get3A_2201 = arith.index_cast %add3A_2200 : i32 to index
      %get3A_2202 = tpu.vector_load %arg5[%get3A_2201] {strides = array<i32>} : memref<65536xf32, #tpu.memory_space<vmem>>, vector<16xf32>,
      %add3A_2203 = arith.constant 112 : i32
      %add3A_2204 = arith.addi %add3A_2174, %add3A_2203 : i32
      %get3A_2205 = arith.index_cast %add3A_2204 : i32 to index
      %get3A_2206 = tpu.vector_load %arg5[%get3A_2205] {strides = array<i32>} : memref<65536xf32, #tpu.memory_space<vmem>>, vector<16xf32>,
      %add3A_2207 = arith.constant 128 : i32
      %add3A_2208 = arith.addi %add3A_2174, %add3A_2207 : i32
      %get3A_2209 = arith.index_cast %add3A_2208 : i32 to index
      %get3A_2210 = tpu.vector_load %arg5[%get3A_2209] {strides = array<i32>} : memref<65536xf32, #tpu.memory_space<vmem>>, vector<16xf32>,
      %add3A_2211 = arith.constant 144 : i32
      %add3A_2212 = arith.addi %add3A_2174, %add3A_2211 : i32
      %get3A_2213 = arith.index_cast %add3A_2212 : i32 to index
      %get3A_2214 = tpu.vector_load %arg5[%get3A_2213] {strides = array<i32>} : memref<65536xf32, #tpu.memory_space<vmem>>, vector<16xf32>,
      %add3A_2215 = arith.constant 160 : i32
      %add3A_2216 = arith.addi %add3A_2174, %add3A_2215 : i32
      %get3A_2217 = arith.index_cast %add3A_2216 : i32 to index
      %get3A_2218 = tpu.vector_load %arg5[%get3A_2217] {strides = array<i32>} : memref<65536xf32, #tpu.memory_space<vmem>>, vector<16xf32>,
      %add3A_2219 = arith.constant 176 : i32
      %add3A_2220 = arith.addi %add3A_2174, %add3A_2219 : i32
      %get3A_2221 = arith.index_cast %add3A_2220 : i32 to index
      %get3A_2222 = tpu.vector_load %arg5[%get3A_2221] {strides = array<i32>} : memref<65536xf32, #tpu.memory_space<vmem>>, vector<16xf32>,
      %add3A_2223 = arith.constant 192 : i32
      %add3A_2224 = arith.addi %add3A_2174, %add3A_2223 : i32
      %get3A_2225 = arith.index_cast %add3A_2224 : i32 to index
      %get3A_2226 = tpu.vector_load %arg5[%get3A_2225] {strides = array<i32>} : memref<65536xf32, #tpu.memory_space<vmem>>, vector<16xf32>,
      %add3A_2227 = arith.constant 208 : i32
      %add3A_2228 = arith.addi %add3A_2174, %add3A_2227 : i32
      %get3A_2229 = arith.index_cast %add3A_2228 : i32 to index
      %get3A_2230 = tpu.vector_load %arg5[%get3A_2229] {strides = array<i32>} : memref<65536xf32, #tpu.memory_space<vmem>>, vector<16xf32>,
      %add3A_2231 = arith.constant 224 : i32
      %add3A_2232 = arith.addi %add3A_2174, %add3A_2231 : i32
      %get3A_2233 = arith.index_cast %add3A_2232 : i32 to index
      %get3A_2234 = tpu.vector_load %arg5[%get3A_2233] {strides = array<i32>} : memref<65536xf32, #tpu.memory_space<vmem>>, vector<16xf32>,
      %add3A_2235 = arith.constant 240 : i32
      %add3A_2236 = arith.addi %add3A_2174, %add3A_2235 : i32
      %get3A_2237 = arith.index_cast %add3A_2236 : i32 to index
      %get3A_2238 = tpu.vector_load %arg5[%get3A_2237] {strides = array<i32>} : memref<65536xf32, #tpu.memory_space<vmem>>, vector<16xf32>,
      %add3A_2239 = arith.addf %get3A_2178, %get3A_2182 : vector<16xf32>
      %add3A_2240 = arith.addf %get3A_2186, %get3A_2190 : vector<16xf32>
      %add3A_2241 = arith.addf %get3A_2194, %get3A_2198 : vector<16xf32>
      %add3A_2242 = arith.addf %get3A_2202, %get3A_2206 : vector<16xf32>
      %add3A_2243 = arith.addf %get3A_2210, %get3A_2214 : vector<16xf32>
      %add3A_2244 = arith.addf %get3A_2218, %get3A_2222 : vector<16xf32>
      %add3A_2245 = arith.addf %get3A_2226, %get3A_2230 : vector<16xf32>
      %add3A_2246 = arith.addf %get3A_2234, %get3A_2238 : vector<16xf32>
      %add3A_2247 = arith.addf %add3A_2239, %add3A_2240 : vector<16xf32>
      %add3A_2248 = arith.addf %add3A_2241, %add3A_2242 : vector<16xf32>
      %add3A_2249 = arith.addf %add3A_2243, %add3A_2244 : vector<16xf32>
      %add3A_2250 = arith.addf %add3A_2245, %add3A_2246 : vector<16xf32>
      %add3A_2251 = arith.addf %add3A_2247, %add3A_2248 : vector<16xf32>
      %add3A_2252 = arith.addf %add3A_2249, %add3A_2250 : vector<16xf32>
      %add3A_2253 = arith.addf %add3A_2251, %add3A_2252 : vector<16xf32>
      %reduce_sum3A_2254 = arith.constant true
      %reduce_sum3A_2255 = vector.broadcast %reduce_sum3A_2254 : i1 to vector<16xi1>
      %reduce_sum3A_2256 = tpu.scan <sum>, %add3A_2253 masked %reduce_sum3A_2255 : vector<16xf32>, vector<16xi1> -> vector<16xf32>
      %reduce_sum3A_2257 = vector.extract %reduce_sum3A_2256[15] : f32 from vector<16xf32>
      %eq3A_2258 = arith.constant 12 : i32
      %eq3A_2259 = vector.broadcast %eq3A_2258 : i32 to vector<16xi32>
      %eq3A_2260 = arith.cmpi eq, %iota3A_1079, %eq3A_2259 : vector<16xi32>
      %broadcast_in_dim3A_2261 = vector.broadcast %reduce_sum3A_2257 : f32 to vector<16xf32>
      %select_n3A_2262 = arith.select %eq3A_2260, %broadcast_in_dim3A_2261, %broadcast_in_dim3A_1 : vector<16xi1>, vector<16xf32>
      %add3A_2263 = arith.addf %add3A_2172, %select_n3A_2262 : vector<16xf32>
      %add3A_2264 = arith.constant 3328 : i32
      %add3A_2265 = arith.addi %mul3A_1081, %add3A_2264 : i32
      %add3A_2266 = arith.constant 0 : i32
      %add3A_2267 = arith.addi %add3A_2265, %add3A_2266 : i32
      %get3A_2268 = arith.index_cast %add3A_2267 : i32 to index
      %get3A_2269 = tpu.vector_load %arg5[%get3A_2268] {strides = array<i32>} : memref<65536xf32, #tpu.memory_space<vmem>>, vector<16xf32>,
      %add3A_2270 = arith.constant 16 : i32
      %add3A_2271 = arith.addi %add3A_2265, %add3A_2270 : i32
      %get3A_2272 = arith.index_cast %add3A_2271 : i32 to index
      %get3A_2273 = tpu.vector_load %arg5[%get3A_2272] {strides = array<i32>} : memref<65536xf32, #tpu.memory_space<vmem>>, vector<16xf32>,
      %add3A_2274 = arith.constant 32 : i32
      %add3A_2275 = arith.addi %add3A_2265, %add3A_2274 : i32
      %get3A_2276 = arith.index_cast %add3A_2275 : i32 to index
      %get3A_2277 = tpu.vector_load %arg5[%get3A_2276] {strides = array<i32>} : memref<65536xf32, #tpu.memory_space<vmem>>, vector<16xf32>,
      %add3A_2278 = arith.constant 48 : i32
      %add3A_2279 = arith.addi %add3A_2265, %add3A_2278 : i32
      %get3A_2280 = arith.index_cast %add3A_2279 : i32 to index
      %get3A_2281 = tpu.vector_load %arg5[%get3A_2280] {strides = array<i32>} : memref<65536xf32, #tpu.memory_space<vmem>>, vector<16xf32>,
      %add3A_2282 = arith.constant 64 : i32
      %add3A_2283 = arith.addi %add3A_2265, %add3A_2282 : i32
      %get3A_2284 = arith.index_cast %add3A_2283 : i32 to index
      %get3A_2285 = tpu.vector_load %arg5[%get3A_2284] {strides = array<i32>} : memref<65536xf32, #tpu.memory_space<vmem>>, vector<16xf32>,
      %add3A_2286 = arith.constant 80 : i32
      %add3A_2287 = arith.addi %add3A_2265, %add3A_2286 : i32
      %get3A_2288 = arith.index_cast %add3A_2287 : i32 to index
      %get3A_2289 = tpu.vector_load %arg5[%get3A_2288] {strides = array<i32>} : memref<65536xf32, #tpu.memory_space<vmem>>, vector<16xf32>,
      %add3A_2290 = arith.constant 96 : i32
      %add3A_2291 = arith.addi %add3A_2265, %add3A_2290 : i32
      %get3A_2292 = arith.index_cast %add3A_2291 : i32 to index
      %get3A_2293 = tpu.vector_load %arg5[%get3A_2292] {strides = array<i32>} : memref<65536xf32, #tpu.memory_space<vmem>>, vector<16xf32>,
      %add3A_2294 = arith.constant 112 : i32
      %add3A_2295 = arith.addi %add3A_2265, %add3A_2294 : i32
      %get3A_2296 = arith.index_cast %add3A_2295 : i32 to index
      %get3A_2297 = tpu.vector_load %arg5[%get3A_2296] {strides = array<i32>} : memref<65536xf32, #tpu.memory_space<vmem>>, vector<16xf32>,
      %add3A_2298 = arith.constant 128 : i32
      %add3A_2299 = arith.addi %add3A_2265, %add3A_2298 : i32
      %get3A_2300 = arith.index_cast %add3A_2299 : i32 to index
      %get3A_2301 = tpu.vector_load %arg5[%get3A_2300] {strides = array<i32>} : memref<65536xf32, #tpu.memory_space<vmem>>, vector<16xf32>,
      %add3A_2302 = arith.constant 144 : i32
      %add3A_2303 = arith.addi %add3A_2265, %add3A_2302 : i32
      %get3A_2304 = arith.index_cast %add3A_2303 : i32 to index
      %get3A_2305 = tpu.vector_load %arg5[%get3A_2304] {strides = array<i32>} : memref<65536xf32, #tpu.memory_space<vmem>>, vector<16xf32>,
      %add3A_2306 = arith.constant 160 : i32
      %add3A_2307 = arith.addi %add3A_2265, %add3A_2306 : i32
      %get3A_2308 = arith.index_cast %add3A_2307 : i32 to index
      %get3A_2309 = tpu.vector_load %arg5[%get3A_2308] {strides = array<i32>} : memref<65536xf32, #tpu.memory_space<vmem>>, vector<16xf32>,
      %add3A_2310 = arith.constant 176 : i32
      %add3A_2311 = arith.addi %add3A_2265, %add3A_2310 : i32
      %get3A_2312 = arith.index_cast %add3A_2311 : i32 to index
      %get3A_2313 = tpu.vector_load %arg5[%get3A_2312] {strides = array<i32>} : memref<65536xf32, #tpu.memory_space<vmem>>, vector<16xf32>,
      %add3A_2314 = arith.constant 192 : i32
      %add3A_2315 = arith.addi %add3A_2265, %add3A_2314 : i32
      %get3A_2316 = arith.index_cast %add3A_2315 : i32 to index
      %get3A_2317 = tpu.vector_load %arg5[%get3A_2316] {strides = array<i32>} : memref<65536xf32, #tpu.memory_space<vmem>>, vector<16xf32>,
      %add3A_2318 = arith.constant 208 : i32
      %add3A_2319 = arith.addi %add3A_2265, %add3A_2318 : i32
      %get3A_2320 = arith.index_cast %add3A_2319 : i32 to index
      %get3A_2321 = tpu.vector_load %arg5[%get3A_2320] {strides = array<i32>} : memref<65536xf32, #tpu.memory_space<vmem>>, vector<16xf32>,
      %add3A_2322 = arith.constant 224 : i32
      %add3A_2323 = arith.addi %add3A_2265, %add3A_2322 : i32
      %get3A_2324 = arith.index_cast %add3A_2323 : i32 to index
      %get3A_2325 = tpu.vector_load %arg5[%get3A_2324] {strides = array<i32>} : memref<65536xf32, #tpu.memory_space<vmem>>, vector<16xf32>,
      %add3A_2326 = arith.constant 240 : i32
      %add3A_2327 = arith.addi %add3A_2265, %add3A_2326 : i32
      %get3A_2328 = arith.index_cast %add3A_2327 : i32 to index
      %get3A_2329 = tpu.vector_load %arg5[%get3A_2328] {strides = array<i32>} : memref<65536xf32, #tpu.memory_space<vmem>>, vector<16xf32>,
      %add3A_2330 = arith.addf %get3A_2269, %get3A_2273 : vector<16xf32>
      %add3A_2331 = arith.addf %get3A_2277, %get3A_2281 : vector<16xf32>
      %add3A_2332 = arith.addf %get3A_2285, %get3A_2289 : vector<16xf32>
      %add3A_2333 = arith.addf %get3A_2293, %get3A_2297 : vector<16xf32>
      %add3A_2334 = arith.addf %get3A_2301, %get3A_2305 : vector<16xf32>
      %add3A_2335 = arith.addf %get3A_2309, %get3A_2313 : vector<16xf32>
      %add3A_2336 = arith.addf %get3A_2317, %get3A_2321 : vector<16xf32>
      %add3A_2337 = arith.addf %get3A_2325, %get3A_2329 : vector<16xf32>
      %add3A_2338 = arith.addf %add3A_2330, %add3A_2331 : vector<16xf32>
      %add3A_2339 = arith.addf %add3A_2332, %add3A_2333 : vector<16xf32>
      %add3A_2340 = arith.addf %add3A_2334, %add3A_2335 : vector<16xf32>
      %add3A_2341 = arith.addf %add3A_2336, %add3A_2337 : vector<16xf32>
      %add3A_2342 = arith.addf %add3A_2338, %add3A_2339 : vector<16xf32>
      %add3A_2343 = arith.addf %add3A_2340, %add3A_2341 : vector<16xf32>
      %add3A_2344 = arith.addf %add3A_2342, %add3A_2343 : vector<16xf32>
      %reduce_sum3A_2345 = arith.constant true
      %reduce_sum3A_2346 = vector.broadcast %reduce_sum3A_2345 : i1 to vector<16xi1>
      %reduce_sum3A_2347 = tpu.scan <sum>, %add3A_2344 masked %reduce_sum3A_2346 : vector<16xf32>, vector<16xi1> -> vector<16xf32>
      %reduce_sum3A_2348 = vector.extract %reduce_sum3A_2347[15] : f32 from vector<16xf32>
      %eq3A_2349 = arith.constant 13 : i32
      %eq3A_2350 = vector.broadcast %eq3A_2349 : i32 to vector<16xi32>
      %eq3A_2351 = arith.cmpi eq, %iota3A_1079, %eq3A_2350 : vector<16xi32>
      %broadcast_in_dim3A_2352 = vector.broadcast %reduce_sum3A_2348 : f32 to vector<16xf32>
      %select_n3A_2353 = arith.select %eq3A_2351, %broadcast_in_dim3A_2352, %broadcast_in_dim3A_1 : vector<16xi1>, vector<16xf32>
      %add3A_2354 = arith.addf %add3A_2263, %select_n3A_2353 : vector<16xf32>
      %add3A_2355 = arith.constant 3584 : i32
      %add3A_2356 = arith.addi %mul3A_1081, %add3A_2355 : i32
      %add3A_2357 = arith.constant 0 : i32
      %add3A_2358 = arith.addi %add3A_2356, %add3A_2357 : i32
      %get3A_2359 = arith.index_cast %add3A_2358 : i32 to index
      %get3A_2360 = tpu.vector_load %arg5[%get3A_2359] {strides = array<i32>} : memref<65536xf32, #tpu.memory_space<vmem>>, vector<16xf32>,
      %add3A_2361 = arith.constant 16 : i32
      %add3A_2362 = arith.addi %add3A_2356, %add3A_2361 : i32
      %get3A_2363 = arith.index_cast %add3A_2362 : i32 to index
      %get3A_2364 = tpu.vector_load %arg5[%get3A_2363] {strides = array<i32>} : memref<65536xf32, #tpu.memory_space<vmem>>, vector<16xf32>,
      %add3A_2365 = arith.constant 32 : i32
      %add3A_2366 = arith.addi %add3A_2356, %add3A_2365 : i32
      %get3A_2367 = arith.index_cast %add3A_2366 : i32 to index
      %get3A_2368 = tpu.vector_load %arg5[%get3A_2367] {strides = array<i32>} : memref<65536xf32, #tpu.memory_space<vmem>>, vector<16xf32>,
      %add3A_2369 = arith.constant 48 : i32
      %add3A_2370 = arith.addi %add3A_2356, %add3A_2369 : i32
      %get3A_2371 = arith.index_cast %add3A_2370 : i32 to index
      %get3A_2372 = tpu.vector_load %arg5[%get3A_2371] {strides = array<i32>} : memref<65536xf32, #tpu.memory_space<vmem>>, vector<16xf32>,
      %add3A_2373 = arith.constant 64 : i32
      %add3A_2374 = arith.addi %add3A_2356, %add3A_2373 : i32
      %get3A_2375 = arith.index_cast %add3A_2374 : i32 to index
      %get3A_2376 = tpu.vector_load %arg5[%get3A_2375] {strides = array<i32>} : memref<65536xf32, #tpu.memory_space<vmem>>, vector<16xf32>,
      %add3A_2377 = arith.constant 80 : i32
      %add3A_2378 = arith.addi %add3A_2356, %add3A_2377 : i32
      %get3A_2379 = arith.index_cast %add3A_2378 : i32 to index
      %get3A_2380 = tpu.vector_load %arg5[%get3A_2379] {strides = array<i32>} : memref<65536xf32, #tpu.memory_space<vmem>>, vector<16xf32>,
      %add3A_2381 = arith.constant 96 : i32
      %add3A_2382 = arith.addi %add3A_2356, %add3A_2381 : i32
      %get3A_2383 = arith.index_cast %add3A_2382 : i32 to index
      %get3A_2384 = tpu.vector_load %arg5[%get3A_2383] {strides = array<i32>} : memref<65536xf32, #tpu.memory_space<vmem>>, vector<16xf32>,
      %add3A_2385 = arith.constant 112 : i32
      %add3A_2386 = arith.addi %add3A_2356, %add3A_2385 : i32
      %get3A_2387 = arith.index_cast %add3A_2386 : i32 to index
      %get3A_2388 = tpu.vector_load %arg5[%get3A_2387] {strides = array<i32>} : memref<65536xf32, #tpu.memory_space<vmem>>, vector<16xf32>,
      %add3A_2389 = arith.constant 128 : i32
      %add3A_2390 = arith.addi %add3A_2356, %add3A_2389 : i32
      %get3A_2391 = arith.index_cast %add3A_2390 : i32 to index
      %get3A_2392 = tpu.vector_load %arg5[%get3A_2391] {strides = array<i32>} : memref<65536xf32, #tpu.memory_space<vmem>>, vector<16xf32>,
      %add3A_2393 = arith.constant 144 : i32
      %add3A_2394 = arith.addi %add3A_2356, %add3A_2393 : i32
      %get3A_2395 = arith.index_cast %add3A_2394 : i32 to index
      %get3A_2396 = tpu.vector_load %arg5[%get3A_2395] {strides = array<i32>} : memref<65536xf32, #tpu.memory_space<vmem>>, vector<16xf32>,
      %add3A_2397 = arith.constant 160 : i32
      %add3A_2398 = arith.addi %add3A_2356, %add3A_2397 : i32
      %get3A_2399 = arith.index_cast %add3A_2398 : i32 to index
      %get3A_2400 = tpu.vector_load %arg5[%get3A_2399] {strides = array<i32>} : memref<65536xf32, #tpu.memory_space<vmem>>, vector<16xf32>,
      %add3A_2401 = arith.constant 176 : i32
      %add3A_2402 = arith.addi %add3A_2356, %add3A_2401 : i32
      %get3A_2403 = arith.index_cast %add3A_2402 : i32 to index
      %get3A_2404 = tpu.vector_load %arg5[%get3A_2403] {strides = array<i32>} : memref<65536xf32, #tpu.memory_space<vmem>>, vector<16xf32>,
      %add3A_2405 = arith.constant 192 : i32
      %add3A_2406 = arith.addi %add3A_2356, %add3A_2405 : i32
      %get3A_2407 = arith.index_cast %add3A_2406 : i32 to index
      %get3A_2408 = tpu.vector_load %arg5[%get3A_2407] {strides = array<i32>} : memref<65536xf32, #tpu.memory_space<vmem>>, vector<16xf32>,
      %add3A_2409 = arith.constant 208 : i32
      %add3A_2410 = arith.addi %add3A_2356, %add3A_2409 : i32
      %get3A_2411 = arith.index_cast %add3A_2410 : i32 to index
      %get3A_2412 = tpu.vector_load %arg5[%get3A_2411] {strides = array<i32>} : memref<65536xf32, #tpu.memory_space<vmem>>, vector<16xf32>,
      %add3A_2413 = arith.constant 224 : i32
      %add3A_2414 = arith.addi %add3A_2356, %add3A_2413 : i32
      %get3A_2415 = arith.index_cast %add3A_2414 : i32 to index
      %get3A_2416 = tpu.vector_load %arg5[%get3A_2415] {strides = array<i32>} : memref<65536xf32, #tpu.memory_space<vmem>>, vector<16xf32>,
      %add3A_2417 = arith.constant 240 : i32
      %add3A_2418 = arith.addi %add3A_2356, %add3A_2417 : i32
      %get3A_2419 = arith.index_cast %add3A_2418 : i32 to index
      %get3A_2420 = tpu.vector_load %arg5[%get3A_2419] {strides = array<i32>} : memref<65536xf32, #tpu.memory_space<vmem>>, vector<16xf32>,
      %add3A_2421 = arith.addf %get3A_2360, %get3A_2364 : vector<16xf32>
      %add3A_2422 = arith.addf %get3A_2368, %get3A_2372 : vector<16xf32>
      %add3A_2423 = arith.addf %get3A_2376, %get3A_2380 : vector<16xf32>
      %add3A_2424 = arith.addf %get3A_2384, %get3A_2388 : vector<16xf32>
      %add3A_2425 = arith.addf %get3A_2392, %get3A_2396 : vector<16xf32>
      %add3A_2426 = arith.addf %get3A_2400, %get3A_2404 : vector<16xf32>
      %add3A_2427 = arith.addf %get3A_2408, %get3A_2412 : vector<16xf32>
      %add3A_2428 = arith.addf %get3A_2416, %get3A_2420 : vector<16xf32>
      %add3A_2429 = arith.addf %add3A_2421, %add3A_2422 : vector<16xf32>
      %add3A_2430 = arith.addf %add3A_2423, %add3A_2424 : vector<16xf32>
      %add3A_2431 = arith.addf %add3A_2425, %add3A_2426 : vector<16xf32>
      %add3A_2432 = arith.addf %add3A_2427, %add3A_2428 : vector<16xf32>
      %add3A_2433 = arith.addf %add3A_2429, %add3A_2430 : vector<16xf32>
      %add3A_2434 = arith.addf %add3A_2431, %add3A_2432 : vector<16xf32>
      %add3A_2435 = arith.addf %add3A_2433, %add3A_2434 : vector<16xf32>
      %reduce_sum3A_2436 = arith.constant true
      %reduce_sum3A_2437 = vector.broadcast %reduce_sum3A_2436 : i1 to vector<16xi1>
      %reduce_sum3A_2438 = tpu.scan <sum>, %add3A_2435 masked %reduce_sum3A_2437 : vector<16xf32>, vector<16xi1> -> vector<16xf32>
      %reduce_sum3A_2439 = vector.extract %reduce_sum3A_2438[15] : f32 from vector<16xf32>
      %eq3A_2440 = arith.constant 14 : i32
      %eq3A_2441 = vector.broadcast %eq3A_2440 : i32 to vector<16xi32>
      %eq3A_2442 = arith.cmpi eq, %iota3A_1079, %eq3A_2441 : vector<16xi32>
      %broadcast_in_dim3A_2443 = vector.broadcast %reduce_sum3A_2439 : f32 to vector<16xf32>
      %select_n3A_2444 = arith.select %eq3A_2442, %broadcast_in_dim3A_2443, %broadcast_in_dim3A_1 : vector<16xi1>, vector<16xf32>
      %add3A_2445 = arith.addf %add3A_2354, %select_n3A_2444 : vector<16xf32>
      %add3A_2446 = arith.constant 3840 : i32
      %add3A_2447 = arith.addi %mul3A_1081, %add3A_2446 : i32
      %add3A_2448 = arith.constant 0 : i32
      %add3A_2449 = arith.addi %add3A_2447, %add3A_2448 : i32
      %get3A_2450 = arith.index_cast %add3A_2449 : i32 to index
      %get3A_2451 = tpu.vector_load %arg5[%get3A_2450] {strides = array<i32>} : memref<65536xf32, #tpu.memory_space<vmem>>, vector<16xf32>,
      %add3A_2452 = arith.constant 16 : i32
      %add3A_2453 = arith.addi %add3A_2447, %add3A_2452 : i32
      %get3A_2454 = arith.index_cast %add3A_2453 : i32 to index
      %get3A_2455 = tpu.vector_load %arg5[%get3A_2454] {strides = array<i32>} : memref<65536xf32, #tpu.memory_space<vmem>>, vector<16xf32>,
      %add3A_2456 = arith.constant 32 : i32
      %add3A_2457 = arith.addi %add3A_2447, %add3A_2456 : i32
      %get3A_2458 = arith.index_cast %add3A_2457 : i32 to index
      %get3A_2459 = tpu.vector_load %arg5[%get3A_2458] {strides = array<i32>} : memref<65536xf32, #tpu.memory_space<vmem>>, vector<16xf32>,
      %add3A_2460 = arith.constant 48 : i32
      %add3A_2461 = arith.addi %add3A_2447, %add3A_2460 : i32
      %get3A_2462 = arith.index_cast %add3A_2461 : i32 to index
      %get3A_2463 = tpu.vector_load %arg5[%get3A_2462] {strides = array<i32>} : memref<65536xf32, #tpu.memory_space<vmem>>, vector<16xf32>,
      %add3A_2464 = arith.constant 64 : i32
      %add3A_2465 = arith.addi %add3A_2447, %add3A_2464 : i32
      %get3A_2466 = arith.index_cast %add3A_2465 : i32 to index
      %get3A_2467 = tpu.vector_load %arg5[%get3A_2466] {strides = array<i32>} : memref<65536xf32, #tpu.memory_space<vmem>>, vector<16xf32>,
      %add3A_2468 = arith.constant 80 : i32
      %add3A_2469 = arith.addi %add3A_2447, %add3A_2468 : i32
      %get3A_2470 = arith.index_cast %add3A_2469 : i32 to index
      %get3A_2471 = tpu.vector_load %arg5[%get3A_2470] {strides = array<i32>} : memref<65536xf32, #tpu.memory_space<vmem>>, vector<16xf32>,
      %add3A_2472 = arith.constant 96 : i32
      %add3A_2473 = arith.addi %add3A_2447, %add3A_2472 : i32
      %get3A_2474 = arith.index_cast %add3A_2473 : i32 to index
      %get3A_2475 = tpu.vector_load %arg5[%get3A_2474] {strides = array<i32>} : memref<65536xf32, #tpu.memory_space<vmem>>, vector<16xf32>,
      %add3A_2476 = arith.constant 112 : i32
      %add3A_2477 = arith.addi %add3A_2447, %add3A_2476 : i32
      %get3A_2478 = arith.index_cast %add3A_2477 : i32 to index
      %get3A_2479 = tpu.vector_load %arg5[%get3A_2478] {strides = array<i32>} : memref<65536xf32, #tpu.memory_space<vmem>>, vector<16xf32>,
      %add3A_2480 = arith.constant 128 : i32
      %add3A_2481 = arith.addi %add3A_2447, %add3A_2480 : i32
      %get3A_2482 = arith.index_cast %add3A_2481 : i32 to index
      %get3A_2483 = tpu.vector_load %arg5[%get3A_2482] {strides = array<i32>} : memref<65536xf32, #tpu.memory_space<vmem>>, vector<16xf32>,
      %add3A_2484 = arith.constant 144 : i32
      %add3A_2485 = arith.addi %add3A_2447, %add3A_2484 : i32
      %get3A_2486 = arith.index_cast %add3A_2485 : i32 to index
      %get3A_2487 = tpu.vector_load %arg5[%get3A_2486] {strides = array<i32>} : memref<65536xf32, #tpu.memory_space<vmem>>, vector<16xf32>,
      %add3A_2488 = arith.constant 160 : i32
      %add3A_2489 = arith.addi %add3A_2447, %add3A_2488 : i32
      %get3A_2490 = arith.index_cast %add3A_2489 : i32 to index
      %get3A_2491 = tpu.vector_load %arg5[%get3A_2490] {strides = array<i32>} : memref<65536xf32, #tpu.memory_space<vmem>>, vector<16xf32>,
      %add3A_2492 = arith.constant 176 : i32
      %add3A_2493 = arith.addi %add3A_2447, %add3A_2492 : i32
      %get3A_2494 = arith.index_cast %add3A_2493 : i32 to index
      %get3A_2495 = tpu.vector_load %arg5[%get3A_2494] {strides = array<i32>} : memref<65536xf32, #tpu.memory_space<vmem>>, vector<16xf32>,
      %add3A_2496 = arith.constant 192 : i32
      %add3A_2497 = arith.addi %add3A_2447, %add3A_2496 : i32
      %get3A_2498 = arith.index_cast %add3A_2497 : i32 to index
      %get3A_2499 = tpu.vector_load %arg5[%get3A_2498] {strides = array<i32>} : memref<65536xf32, #tpu.memory_space<vmem>>, vector<16xf32>,
      %add3A_2500 = arith.constant 208 : i32
      %add3A_2501 = arith.addi %add3A_2447, %add3A_2500 : i32
      %get3A_2502 = arith.index_cast %add3A_2501 : i32 to index
      %get3A_2503 = tpu.vector_load %arg5[%get3A_2502] {strides = array<i32>} : memref<65536xf32, #tpu.memory_space<vmem>>, vector<16xf32>,
      %add3A_2504 = arith.constant 224 : i32
      %add3A_2505 = arith.addi %add3A_2447, %add3A_2504 : i32
      %get3A_2506 = arith.index_cast %add3A_2505 : i32 to index
      %get3A_2507 = tpu.vector_load %arg5[%get3A_2506] {strides = array<i32>} : memref<65536xf32, #tpu.memory_space<vmem>>, vector<16xf32>,
      %add3A_2508 = arith.constant 240 : i32
      %add3A_2509 = arith.addi %add3A_2447, %add3A_2508 : i32
      %get3A_2510 = arith.index_cast %add3A_2509 : i32 to index
      %get3A_2511 = tpu.vector_load %arg5[%get3A_2510] {strides = array<i32>} : memref<65536xf32, #tpu.memory_space<vmem>>, vector<16xf32>,
      %add3A_2512 = arith.addf %get3A_2451, %get3A_2455 : vector<16xf32>
      %add3A_2513 = arith.addf %get3A_2459, %get3A_2463 : vector<16xf32>
      %add3A_2514 = arith.addf %get3A_2467, %get3A_2471 : vector<16xf32>
      %add3A_2515 = arith.addf %get3A_2475, %get3A_2479 : vector<16xf32>
      %add3A_2516 = arith.addf %get3A_2483, %get3A_2487 : vector<16xf32>
      %add3A_2517 = arith.addf %get3A_2491, %get3A_2495 : vector<16xf32>
      %add3A_2518 = arith.addf %get3A_2499, %get3A_2503 : vector<16xf32>
      %add3A_2519 = arith.addf %get3A_2507, %get3A_2511 : vector<16xf32>
      %add3A_2520 = arith.addf %add3A_2512, %add3A_2513 : vector<16xf32>
      %add3A_2521 = arith.addf %add3A_2514, %add3A_2515 : vector<16xf32>
      %add3A_2522 = arith.addf %add3A_2516, %add3A_2517 : vector<16xf32>
      %add3A_2523 = arith.addf %add3A_2518, %add3A_2519 : vector<16xf32>
      %add3A_2524 = arith.addf %add3A_2520, %add3A_2521 : vector<16xf32>
      %add3A_2525 = arith.addf %add3A_2522, %add3A_2523 : vector<16xf32>
      %add3A_2526 = arith.addf %add3A_2524, %add3A_2525 : vector<16xf32>
      %reduce_sum3A_2527 = arith.constant true
      %reduce_sum3A_2528 = vector.broadcast %reduce_sum3A_2527 : i1 to vector<16xi1>
      %reduce_sum3A_2529 = tpu.scan <sum>, %add3A_2526 masked %reduce_sum3A_2528 : vector<16xf32>, vector<16xi1> -> vector<16xf32>
      %reduce_sum3A_2530 = vector.extract %reduce_sum3A_2529[15] : f32 from vector<16xf32>
      %eq3A_2531 = arith.constant 15 : i32
      %eq3A_2532 = vector.broadcast %eq3A_2531 : i32 to vector<16xi32>
      %eq3A_2533 = arith.cmpi eq, %iota3A_1079, %eq3A_2532 : vector<16xi32>
      %broadcast_in_dim3A_2534 = vector.broadcast %reduce_sum3A_2530 : f32 to vector<16xf32>
      %select_n3A_2535 = arith.select %eq3A_2533, %broadcast_in_dim3A_2534, %broadcast_in_dim3A_1 : vector<16xi1>, vector<16xf32>
      %add3A_2536 = arith.addf %add3A_2445, %select_n3A_2535 : vector<16xf32>
      %mul3A_2537 = arith.constant 16 : i32
      %mul3A_2538 = arith.muli %scan3A_1077, %mul3A_2537 : i32
      %swap3A_2539 = arith.index_cast %mul3A_2538 : i32 to index
      %swap3A_2540 = tpu.vector_load %arg7[%swap3A_2539] {strides = array<i32>} : memref<256xf32, #tpu.memory_space<vmem>>, vector<16xf32>,
      tpu.vector_store %arg7[%swap3A_2539], %add3A_2536 {strides = array<i32>} : memref<256xf32, #tpu.memory_space<vmem>>, vector<16xf32>,
      %add3A_2541 = arith.addf %scan3A_1078, %add3A_2536 : vector<16xf32>
      scf.yield %add3A_2541 : vector<16xf32>
    }
    %scan3A_21 = arith.constant 16 : i32
    %iota3A = tpu.iota {dimensions = array<i32: 0>} : vector<16xi32>
    %xor3A = arith.constant 1 : i32
    %xor3A_22 = vector.broadcast %xor3A : i32 to vector<16xi32>
    %xor3A_23 = arith.xori %iota3A, %xor3A_22 : vector<16xi32>
    %lt3A = arith.constant 0 : i32
    %lt3A_24 = vector.broadcast %lt3A : i32 to vector<16xi32>
    %lt3A_25 = arith.cmpi slt, %xor3A_23, %lt3A_24 : vector<16xi32>
    %add3A_26 = arith.constant 16 : i32
    %add3A_27 = vector.broadcast %add3A_26 : i32 to vector<16xi32>
    %add3A_28 = arith.addi %xor3A_23, %add3A_27 : vector<16xi32>
    %select_n3A = arith.select %lt3A_25, %add3A_28, %xor3A_23 : vector<16xi1>, vector<16xi32>
    %reshape3A = vector.shape_cast %select_n3A : vector<16xi32> to vector<16x1xi32>
    %gather3A = vector.shape_cast %reshape3A : vector<16x1xi32> to vector<16xi32>
    %gather3A_29 = tpu.dynamic_gather %scan3A_20[%gather3A] in [0] : vector<16xf32>, vector<16xi32> -> vector<16xf32>
    %add3A_30 = arith.addf %scan3A_20, %gather3A_29 : vector<16xf32>
    %iota3A_31 = tpu.iota {dimensions = array<i32: 0>} : vector<16xi32>
    %xor3A_32 = arith.constant 2 : i32
    %xor3A_33 = vector.broadcast %xor3A_32 : i32 to vector<16xi32>
    %xor3A_34 = arith.xori %iota3A_31, %xor3A_33 : vector<16xi32>
    %lt3A_35 = arith.constant 0 : i32
    %lt3A_36 = vector.broadcast %lt3A_35 : i32 to vector<16xi32>
    %lt3A_37 = arith.cmpi slt, %xor3A_34, %lt3A_36 : vector<16xi32>
    %add3A_38 = arith.constant 16 : i32
    %add3A_39 = vector.broadcast %add3A_38 : i32 to vector<16xi32>
    %add3A_40 = arith.addi %xor3A_34, %add3A_39 : vector<16xi32>
    %select_n3A_41 = arith.select %lt3A_37, %add3A_40, %xor3A_34 : vector<16xi1>, vector<16xi32>
    %reshape3A_42 = vector.shape_cast %select_n3A_41 : vector<16xi32> to vector<16x1xi32>
    %gather3A_43 = vector.shape_cast %reshape3A_42 : vector<16x1xi32> to vector<16xi32>
    %gather3A_44 = tpu.dynamic_gather %add3A_30[%gather3A_43] in [0] : vector<16xf32>, vector<16xi32> -> vector<16xf32>
    %add3A_45 = arith.addf %add3A_30, %gather3A_44 : vector<16xf32>
    %iota3A_46 = tpu.iota {dimensions = array<i32: 0>} : vector<16xi32>
    %xor3A_47 = arith.constant 4 : i32
    %xor3A_48 = vector.broadcast %xor3A_47 : i32 to vector<16xi32>
    %xor3A_49 = arith.xori %iota3A_46, %xor3A_48 : vector<16xi32>
    %lt3A_50 = arith.constant 0 : i32
    %lt3A_51 = vector.broadcast %lt3A_50 : i32 to vector<16xi32>
    %lt3A_52 = arith.cmpi slt, %xor3A_49, %lt3A_51 : vector<16xi32>
    %add3A_53 = arith.constant 16 : i32
    %add3A_54 = vector.broadcast %add3A_53 : i32 to vector<16xi32>
    %add3A_55 = arith.addi %xor3A_49, %add3A_54 : vector<16xi32>
    %select_n3A_56 = arith.select %lt3A_52, %add3A_55, %xor3A_49 : vector<16xi1>, vector<16xi32>
    %reshape3A_57 = vector.shape_cast %select_n3A_56 : vector<16xi32> to vector<16x1xi32>
    %gather3A_58 = vector.shape_cast %reshape3A_57 : vector<16x1xi32> to vector<16xi32>
    %gather3A_59 = tpu.dynamic_gather %add3A_45[%gather3A_58] in [0] : vector<16xf32>, vector<16xi32> -> vector<16xf32>
    %add3A_60 = arith.addf %add3A_45, %gather3A_59 : vector<16xf32>
    %iota3A_61 = tpu.iota {dimensions = array<i32: 0>} : vector<16xi32>
    %xor3A_62 = arith.constant 8 : i32
    %xor3A_63 = vector.broadcast %xor3A_62 : i32 to vector<16xi32>
    %xor3A_64 = arith.xori %iota3A_61, %xor3A_63 : vector<16xi32>
    %lt3A_65 = arith.constant 0 : i32
    %lt3A_66 = vector.broadcast %lt3A_65 : i32 to vector<16xi32>
    %lt3A_67 = arith.cmpi slt, %xor3A_64, %lt3A_66 : vector<16xi32>
    %add3A_68 = arith.constant 16 : i32
    %add3A_69 = vector.broadcast %add3A_68 : i32 to vector<16xi32>
    %add3A_70 = arith.addi %xor3A_64, %add3A_69 : vector<16xi32>
    %select_n3A_71 = arith.select %lt3A_67, %add3A_70, %xor3A_64 : vector<16xi1>, vector<16xi32>
    %reshape3A_72 = vector.shape_cast %select_n3A_71 : vector<16xi32> to vector<16x1xi32>
    %gather3A_73 = vector.shape_cast %reshape3A_72 : vector<16x1xi32> to vector<16xi32>
    %gather3A_74 = tpu.dynamic_gather %add3A_60[%gather3A_73] in [0] : vector<16xf32>, vector<16xi32> -> vector<16xf32>
    %add3A_75 = arith.addf %add3A_60, %gather3A_74 : vector<16xf32>
    %swap3A = arith.constant 0 : index
    %swap3A_76 = tpu.vector_load %arg10[%swap3A] {strides = array<i32>} : memref<16xf32, #tpu.memory_space<vmem>>, vector<16xf32>,
    tpu.vector_store %arg10[%swap3A], %add3A_75 {strides = array<i32>} : memref<16xf32, #tpu.memory_space<vmem>>, vector<16xf32>,
    %mul3A_77 = arith.constant 16 : i32
    %mul3A_78 = arith.muli %add3A, %mul3A_77 : i32
    "tpu.region"() ({
      %run_scoped3A = tpu.sem_alloc : memref<!tpu.dma_semaphore, #tpu.memory_space<semaphore_mem>>
      %dma_start3A = tpu.memref_slice %arg12[%mul3A_78] : memref<256xf32, #tpu.memory_space<vmem_shared>> -> memref<16xf32, #tpu.memory_space<vmem_shared>>
      %dma_start3A_1077 = tpu.memref_slice %arg12[%mul3A_78] : memref<256xf32, #tpu.memory_space<vmem_shared>> -> memref<16xf32, #tpu.memory_space<vmem_shared>>
      tpu.enqueue_dma source(%arg10 : memref<16xf32, #tpu.memory_space<vmem>>) target(%dma_start3A_1077 : memref<16xf32, #tpu.memory_space<vmem_shared>>) target_semaphore(%run_scoped3A : memref<!tpu.dma_semaphore, #tpu.memory_space<semaphore_mem>>)
      %dma_wait3A = tpu.memref_slice %arg12[%mul3A_78] : memref<256xf32, #tpu.memory_space<vmem_shared>> -> memref<16xf32, #tpu.memory_space<vmem_shared>>
      %dma_wait3A_1078 = tpu.memref_slice %arg12[%mul3A_78] : memref<256xf32, #tpu.memory_space<vmem_shared>> -> memref<16xf32, #tpu.memory_space<vmem_shared>>
      tpu.wait_dma2 semaphore(%run_scoped3A : memref<!tpu.dma_semaphore, #tpu.memory_space<semaphore_mem>>) src(%arg10 : memref<16xf32, #tpu.memory_space<vmem>>) dst(%dma_wait3A_1078 : memref<16xf32, #tpu.memory_space<vmem_shared>>)
      tpu.yield
    }) : () -> ()
    %barrier3A = arith.constant 0 : index
    tpu.barrier barrier_id(%barrier3A)
    "tpu.region"() ({
      %run_scoped3A = tpu.sem_alloc : memref<!tpu.dma_semaphore, #tpu.memory_space<semaphore_mem>>
      tpu.enqueue_dma source(%arg12 : memref<256xf32, #tpu.memory_space<vmem_shared>>) target(%arg8 : memref<256xf32, #tpu.memory_space<vmem>>) target_semaphore(%run_scoped3A : memref<!tpu.dma_semaphore, #tpu.memory_space<semaphore_mem>>)
      tpu.wait_dma2 semaphore(%run_scoped3A : memref<!tpu.dma_semaphore, #tpu.memory_space<semaphore_mem>>) src(%arg12 : memref<256xf32, #tpu.memory_space<vmem_shared>>) dst(%arg8 : memref<256xf32, #tpu.memory_space<vmem>>)
      tpu.yield
    }) : () -> ()
    %get3A = arith.constant 0 : index
    %get3A_79 = tpu.vector_load %arg8[%get3A] {strides = array<i32>} : memref<256xf32, #tpu.memory_space<vmem>>, vector<16xf32>,
    %add3A_80 = arith.addf %broadcast_in_dim3A_1, %get3A_79 : vector<16xf32>
    %gt3A = arith.constant 0 : i32
    %gt3A_81 = arith.cmpi sgt, %add3A, %gt3A : i32
    %select_n3A_82 = arith.select %gt3A_81, %get3A_79, %broadcast_in_dim3A_1 : vector<16xf32>
    %add3A_83 = arith.addf %broadcast_in_dim3A_1, %select_n3A_82 : vector<16xf32>
    %get3A_84 = arith.constant 16 : index
    %get3A_85 = tpu.vector_load %arg8[%get3A_84] {strides = array<i32>} : memref<256xf32, #tpu.memory_space<vmem>>, vector<16xf32>,
    %add3A_86 = arith.addf %add3A_80, %get3A_85 : vector<16xf32>
    %gt3A_87 = arith.constant 1 : i32
    %gt3A_88 = arith.cmpi sgt, %add3A, %gt3A_87 : i32
    %select_n3A_89 = arith.select %gt3A_88, %get3A_85, %broadcast_in_dim3A_1 : vector<16xf32>
    %add3A_90 = arith.addf %add3A_83, %select_n3A_89 : vector<16xf32>
    %get3A_91 = arith.constant 32 : index
    %get3A_92 = tpu.vector_load %arg8[%get3A_91] {strides = array<i32>} : memref<256xf32, #tpu.memory_space<vmem>>, vector<16xf32>,
    %add3A_93 = arith.addf %add3A_86, %get3A_92 : vector<16xf32>
    %gt3A_94 = arith.constant 2 : i32
    %gt3A_95 = arith.cmpi sgt, %add3A, %gt3A_94 : i32
    %select_n3A_96 = arith.select %gt3A_95, %get3A_92, %broadcast_in_dim3A_1 : vector<16xf32>
    %add3A_97 = arith.addf %add3A_90, %select_n3A_96 : vector<16xf32>
    %get3A_98 = arith.constant 48 : index
    %get3A_99 = tpu.vector_load %arg8[%get3A_98] {strides = array<i32>} : memref<256xf32, #tpu.memory_space<vmem>>, vector<16xf32>,
    %add3A_100 = arith.addf %add3A_93, %get3A_99 : vector<16xf32>
    %gt3A_101 = arith.constant 3 : i32
    %gt3A_102 = arith.cmpi sgt, %add3A, %gt3A_101 : i32
    %select_n3A_103 = arith.select %gt3A_102, %get3A_99, %broadcast_in_dim3A_1 : vector<16xf32>
    %add3A_104 = arith.addf %add3A_97, %select_n3A_103 : vector<16xf32>
    %get3A_105 = arith.constant 64 : index
    %get3A_106 = tpu.vector_load %arg8[%get3A_105] {strides = array<i32>} : memref<256xf32, #tpu.memory_space<vmem>>, vector<16xf32>,
    %add3A_107 = arith.addf %add3A_100, %get3A_106 : vector<16xf32>
    %gt3A_108 = arith.constant 4 : i32
    %gt3A_109 = arith.cmpi sgt, %add3A, %gt3A_108 : i32
    %select_n3A_110 = arith.select %gt3A_109, %get3A_106, %broadcast_in_dim3A_1 : vector<16xf32>
    %add3A_111 = arith.addf %add3A_104, %select_n3A_110 : vector<16xf32>
    %get3A_112 = arith.constant 80 : index
    %get3A_113 = tpu.vector_load %arg8[%get3A_112] {strides = array<i32>} : memref<256xf32, #tpu.memory_space<vmem>>, vector<16xf32>,
    %add3A_114 = arith.addf %add3A_107, %get3A_113 : vector<16xf32>
    %gt3A_115 = arith.constant 5 : i32
    %gt3A_116 = arith.cmpi sgt, %add3A, %gt3A_115 : i32
    %select_n3A_117 = arith.select %gt3A_116, %get3A_113, %broadcast_in_dim3A_1 : vector<16xf32>
    %add3A_118 = arith.addf %add3A_111, %select_n3A_117 : vector<16xf32>
    %get3A_119 = arith.constant 96 : index
    %get3A_120 = tpu.vector_load %arg8[%get3A_119] {strides = array<i32>} : memref<256xf32, #tpu.memory_space<vmem>>, vector<16xf32>,
    %add3A_121 = arith.addf %add3A_114, %get3A_120 : vector<16xf32>
    %gt3A_122 = arith.constant 6 : i32
    %gt3A_123 = arith.cmpi sgt, %add3A, %gt3A_122 : i32
    %select_n3A_124 = arith.select %gt3A_123, %get3A_120, %broadcast_in_dim3A_1 : vector<16xf32>
    %add3A_125 = arith.addf %add3A_118, %select_n3A_124 : vector<16xf32>
    %get3A_126 = arith.constant 112 : index
    %get3A_127 = tpu.vector_load %arg8[%get3A_126] {strides = array<i32>} : memref<256xf32, #tpu.memory_space<vmem>>, vector<16xf32>,
    %add3A_128 = arith.addf %add3A_121, %get3A_127 : vector<16xf32>
    %gt3A_129 = arith.constant 7 : i32
    %gt3A_130 = arith.cmpi sgt, %add3A, %gt3A_129 : i32
    %select_n3A_131 = arith.select %gt3A_130, %get3A_127, %broadcast_in_dim3A_1 : vector<16xf32>
    %add3A_132 = arith.addf %add3A_125, %select_n3A_131 : vector<16xf32>
    %get3A_133 = arith.constant 128 : index
    %get3A_134 = tpu.vector_load %arg8[%get3A_133] {strides = array<i32>} : memref<256xf32, #tpu.memory_space<vmem>>, vector<16xf32>,
    %add3A_135 = arith.addf %add3A_128, %get3A_134 : vector<16xf32>
    %gt3A_136 = arith.constant 8 : i32
    %gt3A_137 = arith.cmpi sgt, %add3A, %gt3A_136 : i32
    %select_n3A_138 = arith.select %gt3A_137, %get3A_134, %broadcast_in_dim3A_1 : vector<16xf32>
    %add3A_139 = arith.addf %add3A_132, %select_n3A_138 : vector<16xf32>
    %get3A_140 = arith.constant 144 : index
    %get3A_141 = tpu.vector_load %arg8[%get3A_140] {strides = array<i32>} : memref<256xf32, #tpu.memory_space<vmem>>, vector<16xf32>,
    %add3A_142 = arith.addf %add3A_135, %get3A_141 : vector<16xf32>
    %gt3A_143 = arith.constant 9 : i32
    %gt3A_144 = arith.cmpi sgt, %add3A, %gt3A_143 : i32
    %select_n3A_145 = arith.select %gt3A_144, %get3A_141, %broadcast_in_dim3A_1 : vector<16xf32>
    %add3A_146 = arith.addf %add3A_139, %select_n3A_145 : vector<16xf32>
    %get3A_147 = arith.constant 160 : index
    %get3A_148 = tpu.vector_load %arg8[%get3A_147] {strides = array<i32>} : memref<256xf32, #tpu.memory_space<vmem>>, vector<16xf32>,
    %add3A_149 = arith.addf %add3A_142, %get3A_148 : vector<16xf32>
    %gt3A_150 = arith.constant 10 : i32
    %gt3A_151 = arith.cmpi sgt, %add3A, %gt3A_150 : i32
    %select_n3A_152 = arith.select %gt3A_151, %get3A_148, %broadcast_in_dim3A_1 : vector<16xf32>
    %add3A_153 = arith.addf %add3A_146, %select_n3A_152 : vector<16xf32>
    %get3A_154 = arith.constant 176 : index
    %get3A_155 = tpu.vector_load %arg8[%get3A_154] {strides = array<i32>} : memref<256xf32, #tpu.memory_space<vmem>>, vector<16xf32>,
    %add3A_156 = arith.addf %add3A_149, %get3A_155 : vector<16xf32>
    %gt3A_157 = arith.constant 11 : i32
    %gt3A_158 = arith.cmpi sgt, %add3A, %gt3A_157 : i32
    %select_n3A_159 = arith.select %gt3A_158, %get3A_155, %broadcast_in_dim3A_1 : vector<16xf32>
    %add3A_160 = arith.addf %add3A_153, %select_n3A_159 : vector<16xf32>
    %get3A_161 = arith.constant 192 : index
    %get3A_162 = tpu.vector_load %arg8[%get3A_161] {strides = array<i32>} : memref<256xf32, #tpu.memory_space<vmem>>, vector<16xf32>,
    %add3A_163 = arith.addf %add3A_156, %get3A_162 : vector<16xf32>
    %gt3A_164 = arith.constant 12 : i32
    %gt3A_165 = arith.cmpi sgt, %add3A, %gt3A_164 : i32
    %select_n3A_166 = arith.select %gt3A_165, %get3A_162, %broadcast_in_dim3A_1 : vector<16xf32>
    %add3A_167 = arith.addf %add3A_160, %select_n3A_166 : vector<16xf32>
    %get3A_168 = arith.constant 208 : index
    %get3A_169 = tpu.vector_load %arg8[%get3A_168] {strides = array<i32>} : memref<256xf32, #tpu.memory_space<vmem>>, vector<16xf32>,
    %add3A_170 = arith.addf %add3A_163, %get3A_169 : vector<16xf32>
    %gt3A_171 = arith.constant 13 : i32
    %gt3A_172 = arith.cmpi sgt, %add3A, %gt3A_171 : i32
    %select_n3A_173 = arith.select %gt3A_172, %get3A_169, %broadcast_in_dim3A_1 : vector<16xf32>
    %add3A_174 = arith.addf %add3A_167, %select_n3A_173 : vector<16xf32>
    %get3A_175 = arith.constant 224 : index
    %get3A_176 = tpu.vector_load %arg8[%get3A_175] {strides = array<i32>} : memref<256xf32, #tpu.memory_space<vmem>>, vector<16xf32>,
    %add3A_177 = arith.addf %add3A_170, %get3A_176 : vector<16xf32>
    %gt3A_178 = arith.constant 14 : i32
    %gt3A_179 = arith.cmpi sgt, %add3A, %gt3A_178 : i32
    %select_n3A_180 = arith.select %gt3A_179, %get3A_176, %broadcast_in_dim3A_1 : vector<16xf32>
    %add3A_181 = arith.addf %add3A_174, %select_n3A_180 : vector<16xf32>
    %get3A_182 = arith.constant 240 : index
    %get3A_183 = tpu.vector_load %arg8[%get3A_182] {strides = array<i32>} : memref<256xf32, #tpu.memory_space<vmem>>, vector<16xf32>,
    %add3A_184 = arith.addf %add3A_177, %get3A_183 : vector<16xf32>
    %gt3A_185 = arith.constant 15 : i32
    %gt3A_186 = arith.cmpi sgt, %add3A, %gt3A_185 : i32
    %select_n3A_187 = arith.select %gt3A_186, %get3A_183, %broadcast_in_dim3A_1 : vector<16xf32>
    %add3A_188 = arith.addf %add3A_181, %select_n3A_187 : vector<16xf32>
    %get3A_189 = arith.constant 0 : index
    %get3A_190 = tpu.vector_load %arg6[%get3A_189] {strides = array<i32>} : memref<16xf32, #tpu.memory_space<vmem>>, vector<16xf32>,
    %mul3A_191 = arith.mulf %get3A_190, %add3A_184 : vector<16xf32>
    %sub3A = arith.subf %mul3A_191, %add3A_188 : vector<16xf32>
    %broadcast_in_dim3A_192 = arith.constant 0 : i32
    %broadcast_in_dim3A_193 = vector.broadcast %broadcast_in_dim3A_192 : i32 to vector<16xi32>
    %get3A_194 = arith.constant 0 : index
    %get3A_195 = tpu.vector_load %arg7[%get3A_194] {strides = array<i32>} : memref<256xf32, #tpu.memory_space<vmem>>, vector<16xf32>,
    %broadcast_in_dim3A_196 = arith.constant true
    %broadcast_in_dim3A_197 = vector.broadcast %broadcast_in_dim3A_196 : i1 to vector<16xi1>
    %masked_cumsum3A = tpu.scan <sum>, %get3A_195 masked %broadcast_in_dim3A_197 : vector<16xf32>, vector<16xi1> -> vector<16xf32>
    %add3A_198 = arith.addf %masked_cumsum3A, %broadcast_in_dim3A_1 : vector<16xf32>
    %le3A = arith.cmpf ole, %add3A_198, %sub3A : vector<16xf32>
    %all_reduce_population_count3A = tpu.all_reduce %le3A {dim = 0 : i64, kind = #tpu.reduction_kind<sum>} : vector<16xi1> -> vector<16xi32>
    %add3A_199 = arith.addi %broadcast_in_dim3A_193, %all_reduce_population_count3A : vector<16xi32>
    %select_n3A_200 = arith.select %le3A, %get3A_195, %broadcast_in_dim3A_1 : vector<16xi1>, vector<16xf32>
    %add3A_201 = arith.addf %broadcast_in_dim3A_1, %select_n3A_200 : vector<16xf32>
    %broadcast_in_dim3A_202 = arith.constant 15 : i32
    %broadcast_in_dim3A_203 = vector.broadcast %broadcast_in_dim3A_202 : i32 to vector<16xi32>
    %lt3A_204 = arith.constant 0 : i32
    %lt3A_205 = vector.broadcast %lt3A_204 : i32 to vector<16xi32>
    %lt3A_206 = arith.cmpi slt, %broadcast_in_dim3A_203, %lt3A_205 : vector<16xi32>
    %add3A_207 = arith.constant 16 : i32
    %add3A_208 = vector.broadcast %add3A_207 : i32 to vector<16xi32>
    %add3A_209 = arith.addi %broadcast_in_dim3A_203, %add3A_208 : vector<16xi32>
    %select_n3A_210 = arith.select %lt3A_206, %add3A_209, %broadcast_in_dim3A_203 : vector<16xi1>, vector<16xi32>
    %reshape3A_211 = vector.shape_cast %select_n3A_210 : vector<16xi32> to vector<16x1xi32>
    %gather3A_212 = vector.shape_cast %reshape3A_211 : vector<16x1xi32> to vector<16xi32>
    %gather3A_213 = tpu.dynamic_gather %add3A_198[%gather3A_212] in [0] : vector<16xf32>, vector<16xi32> -> vector<16xf32>
    %get3A_214 = arith.constant 16 : index
    %get3A_215 = tpu.vector_load %arg7[%get3A_214] {strides = array<i32>} : memref<256xf32, #tpu.memory_space<vmem>>, vector<16xf32>,
    %broadcast_in_dim3A_216 = arith.constant true
    %broadcast_in_dim3A_217 = vector.broadcast %broadcast_in_dim3A_216 : i1 to vector<16xi1>
    %masked_cumsum3A_218 = tpu.scan <sum>, %get3A_215 masked %broadcast_in_dim3A_217 : vector<16xf32>, vector<16xi1> -> vector<16xf32>
    %add3A_219 = arith.addf %masked_cumsum3A_218, %gather3A_213 : vector<16xf32>
    %le3A_220 = arith.cmpf ole, %add3A_219, %sub3A : vector<16xf32>
    %all_reduce_population_count3A_221 = tpu.all_reduce %le3A_220 {dim = 0 : i64, kind = #tpu.reduction_kind<sum>} : vector<16xi1> -> vector<16xi32>
    %add3A_222 = arith.addi %add3A_199, %all_reduce_population_count3A_221 : vector<16xi32>
    %select_n3A_223 = arith.select %le3A_220, %get3A_215, %broadcast_in_dim3A_1 : vector<16xi1>, vector<16xf32>
    %add3A_224 = arith.addf %add3A_201, %select_n3A_223 : vector<16xf32>
    %broadcast_in_dim3A_225 = arith.constant 15 : i32
    %broadcast_in_dim3A_226 = vector.broadcast %broadcast_in_dim3A_225 : i32 to vector<16xi32>
    %lt3A_227 = arith.constant 0 : i32
    %lt3A_228 = vector.broadcast %lt3A_227 : i32 to vector<16xi32>
    %lt3A_229 = arith.cmpi slt, %broadcast_in_dim3A_226, %lt3A_228 : vector<16xi32>
    %add3A_230 = arith.constant 16 : i32
    %add3A_231 = vector.broadcast %add3A_230 : i32 to vector<16xi32>
    %add3A_232 = arith.addi %broadcast_in_dim3A_226, %add3A_231 : vector<16xi32>
    %select_n3A_233 = arith.select %lt3A_229, %add3A_232, %broadcast_in_dim3A_226 : vector<16xi1>, vector<16xi32>
    %reshape3A_234 = vector.shape_cast %select_n3A_233 : vector<16xi32> to vector<16x1xi32>
    %gather3A_235 = vector.shape_cast %reshape3A_234 : vector<16x1xi32> to vector<16xi32>
    %gather3A_236 = tpu.dynamic_gather %add3A_219[%gather3A_235] in [0] : vector<16xf32>, vector<16xi32> -> vector<16xf32>
    %get3A_237 = arith.constant 32 : index
    %get3A_238 = tpu.vector_load %arg7[%get3A_237] {strides = array<i32>} : memref<256xf32, #tpu.memory_space<vmem>>, vector<16xf32>,
    %broadcast_in_dim3A_239 = arith.constant true
    %broadcast_in_dim3A_240 = vector.broadcast %broadcast_in_dim3A_239 : i1 to vector<16xi1>
    %masked_cumsum3A_241 = tpu.scan <sum>, %get3A_238 masked %broadcast_in_dim3A_240 : vector<16xf32>, vector<16xi1> -> vector<16xf32>
    %add3A_242 = arith.addf %masked_cumsum3A_241, %gather3A_236 : vector<16xf32>
    %le3A_243 = arith.cmpf ole, %add3A_242, %sub3A : vector<16xf32>
    %all_reduce_population_count3A_244 = tpu.all_reduce %le3A_243 {dim = 0 : i64, kind = #tpu.reduction_kind<sum>} : vector<16xi1> -> vector<16xi32>
    %add3A_245 = arith.addi %add3A_222, %all_reduce_population_count3A_244 : vector<16xi32>
    %select_n3A_246 = arith.select %le3A_243, %get3A_238, %broadcast_in_dim3A_1 : vector<16xi1>, vector<16xf32>
    %add3A_247 = arith.addf %add3A_224, %select_n3A_246 : vector<16xf32>
    %broadcast_in_dim3A_248 = arith.constant 15 : i32
    %broadcast_in_dim3A_249 = vector.broadcast %broadcast_in_dim3A_248 : i32 to vector<16xi32>
    %lt3A_250 = arith.constant 0 : i32
    %lt3A_251 = vector.broadcast %lt3A_250 : i32 to vector<16xi32>
    %lt3A_252 = arith.cmpi slt, %broadcast_in_dim3A_249, %lt3A_251 : vector<16xi32>
    %add3A_253 = arith.constant 16 : i32
    %add3A_254 = vector.broadcast %add3A_253 : i32 to vector<16xi32>
    %add3A_255 = arith.addi %broadcast_in_dim3A_249, %add3A_254 : vector<16xi32>
    %select_n3A_256 = arith.select %lt3A_252, %add3A_255, %broadcast_in_dim3A_249 : vector<16xi1>, vector<16xi32>
    %reshape3A_257 = vector.shape_cast %select_n3A_256 : vector<16xi32> to vector<16x1xi32>
    %gather3A_258 = vector.shape_cast %reshape3A_257 : vector<16x1xi32> to vector<16xi32>
    %gather3A_259 = tpu.dynamic_gather %add3A_242[%gather3A_258] in [0] : vector<16xf32>, vector<16xi32> -> vector<16xf32>
    %get3A_260 = arith.constant 48 : index
    %get3A_261 = tpu.vector_load %arg7[%get3A_260] {strides = array<i32>} : memref<256xf32, #tpu.memory_space<vmem>>, vector<16xf32>,
    %broadcast_in_dim3A_262 = arith.constant true
    %broadcast_in_dim3A_263 = vector.broadcast %broadcast_in_dim3A_262 : i1 to vector<16xi1>
    %masked_cumsum3A_264 = tpu.scan <sum>, %get3A_261 masked %broadcast_in_dim3A_263 : vector<16xf32>, vector<16xi1> -> vector<16xf32>
    %add3A_265 = arith.addf %masked_cumsum3A_264, %gather3A_259 : vector<16xf32>
    %le3A_266 = arith.cmpf ole, %add3A_265, %sub3A : vector<16xf32>
    %all_reduce_population_count3A_267 = tpu.all_reduce %le3A_266 {dim = 0 : i64, kind = #tpu.reduction_kind<sum>} : vector<16xi1> -> vector<16xi32>
    %add3A_268 = arith.addi %add3A_245, %all_reduce_population_count3A_267 : vector<16xi32>
    %select_n3A_269 = arith.select %le3A_266, %get3A_261, %broadcast_in_dim3A_1 : vector<16xi1>, vector<16xf32>
    %add3A_270 = arith.addf %add3A_247, %select_n3A_269 : vector<16xf32>
    %broadcast_in_dim3A_271 = arith.constant 15 : i32
    %broadcast_in_dim3A_272 = vector.broadcast %broadcast_in_dim3A_271 : i32 to vector<16xi32>
    %lt3A_273 = arith.constant 0 : i32
    %lt3A_274 = vector.broadcast %lt3A_273 : i32 to vector<16xi32>
    %lt3A_275 = arith.cmpi slt, %broadcast_in_dim3A_272, %lt3A_274 : vector<16xi32>
    %add3A_276 = arith.constant 16 : i32
    %add3A_277 = vector.broadcast %add3A_276 : i32 to vector<16xi32>
    %add3A_278 = arith.addi %broadcast_in_dim3A_272, %add3A_277 : vector<16xi32>
    %select_n3A_279 = arith.select %lt3A_275, %add3A_278, %broadcast_in_dim3A_272 : vector<16xi1>, vector<16xi32>
    %reshape3A_280 = vector.shape_cast %select_n3A_279 : vector<16xi32> to vector<16x1xi32>
    %gather3A_281 = vector.shape_cast %reshape3A_280 : vector<16x1xi32> to vector<16xi32>
    %gather3A_282 = tpu.dynamic_gather %add3A_265[%gather3A_281] in [0] : vector<16xf32>, vector<16xi32> -> vector<16xf32>
    %get3A_283 = arith.constant 64 : index
    %get3A_284 = tpu.vector_load %arg7[%get3A_283] {strides = array<i32>} : memref<256xf32, #tpu.memory_space<vmem>>, vector<16xf32>,
    %broadcast_in_dim3A_285 = arith.constant true
    %broadcast_in_dim3A_286 = vector.broadcast %broadcast_in_dim3A_285 : i1 to vector<16xi1>
    %masked_cumsum3A_287 = tpu.scan <sum>, %get3A_284 masked %broadcast_in_dim3A_286 : vector<16xf32>, vector<16xi1> -> vector<16xf32>
    %add3A_288 = arith.addf %masked_cumsum3A_287, %gather3A_282 : vector<16xf32>
    %le3A_289 = arith.cmpf ole, %add3A_288, %sub3A : vector<16xf32>
    %all_reduce_population_count3A_290 = tpu.all_reduce %le3A_289 {dim = 0 : i64, kind = #tpu.reduction_kind<sum>} : vector<16xi1> -> vector<16xi32>
    %add3A_291 = arith.addi %add3A_268, %all_reduce_population_count3A_290 : vector<16xi32>
    %select_n3A_292 = arith.select %le3A_289, %get3A_284, %broadcast_in_dim3A_1 : vector<16xi1>, vector<16xf32>
    %add3A_293 = arith.addf %add3A_270, %select_n3A_292 : vector<16xf32>
    %broadcast_in_dim3A_294 = arith.constant 15 : i32
    %broadcast_in_dim3A_295 = vector.broadcast %broadcast_in_dim3A_294 : i32 to vector<16xi32>
    %lt3A_296 = arith.constant 0 : i32
    %lt3A_297 = vector.broadcast %lt3A_296 : i32 to vector<16xi32>
    %lt3A_298 = arith.cmpi slt, %broadcast_in_dim3A_295, %lt3A_297 : vector<16xi32>
    %add3A_299 = arith.constant 16 : i32
    %add3A_300 = vector.broadcast %add3A_299 : i32 to vector<16xi32>
    %add3A_301 = arith.addi %broadcast_in_dim3A_295, %add3A_300 : vector<16xi32>
    %select_n3A_302 = arith.select %lt3A_298, %add3A_301, %broadcast_in_dim3A_295 : vector<16xi1>, vector<16xi32>
    %reshape3A_303 = vector.shape_cast %select_n3A_302 : vector<16xi32> to vector<16x1xi32>
    %gather3A_304 = vector.shape_cast %reshape3A_303 : vector<16x1xi32> to vector<16xi32>
    %gather3A_305 = tpu.dynamic_gather %add3A_288[%gather3A_304] in [0] : vector<16xf32>, vector<16xi32> -> vector<16xf32>
    %get3A_306 = arith.constant 80 : index
    %get3A_307 = tpu.vector_load %arg7[%get3A_306] {strides = array<i32>} : memref<256xf32, #tpu.memory_space<vmem>>, vector<16xf32>,
    %broadcast_in_dim3A_308 = arith.constant true
    %broadcast_in_dim3A_309 = vector.broadcast %broadcast_in_dim3A_308 : i1 to vector<16xi1>
    %masked_cumsum3A_310 = tpu.scan <sum>, %get3A_307 masked %broadcast_in_dim3A_309 : vector<16xf32>, vector<16xi1> -> vector<16xf32>
    %add3A_311 = arith.addf %masked_cumsum3A_310, %gather3A_305 : vector<16xf32>
    %le3A_312 = arith.cmpf ole, %add3A_311, %sub3A : vector<16xf32>
    %all_reduce_population_count3A_313 = tpu.all_reduce %le3A_312 {dim = 0 : i64, kind = #tpu.reduction_kind<sum>} : vector<16xi1> -> vector<16xi32>
    %add3A_314 = arith.addi %add3A_291, %all_reduce_population_count3A_313 : vector<16xi32>
    %select_n3A_315 = arith.select %le3A_312, %get3A_307, %broadcast_in_dim3A_1 : vector<16xi1>, vector<16xf32>
    %add3A_316 = arith.addf %add3A_293, %select_n3A_315 : vector<16xf32>
    %broadcast_in_dim3A_317 = arith.constant 15 : i32
    %broadcast_in_dim3A_318 = vector.broadcast %broadcast_in_dim3A_317 : i32 to vector<16xi32>
    %lt3A_319 = arith.constant 0 : i32
    %lt3A_320 = vector.broadcast %lt3A_319 : i32 to vector<16xi32>
    %lt3A_321 = arith.cmpi slt, %broadcast_in_dim3A_318, %lt3A_320 : vector<16xi32>
    %add3A_322 = arith.constant 16 : i32
    %add3A_323 = vector.broadcast %add3A_322 : i32 to vector<16xi32>
    %add3A_324 = arith.addi %broadcast_in_dim3A_318, %add3A_323 : vector<16xi32>
    %select_n3A_325 = arith.select %lt3A_321, %add3A_324, %broadcast_in_dim3A_318 : vector<16xi1>, vector<16xi32>
    %reshape3A_326 = vector.shape_cast %select_n3A_325 : vector<16xi32> to vector<16x1xi32>
    %gather3A_327 = vector.shape_cast %reshape3A_326 : vector<16x1xi32> to vector<16xi32>
    %gather3A_328 = tpu.dynamic_gather %add3A_311[%gather3A_327] in [0] : vector<16xf32>, vector<16xi32> -> vector<16xf32>
    %get3A_329 = arith.constant 96 : index
    %get3A_330 = tpu.vector_load %arg7[%get3A_329] {strides = array<i32>} : memref<256xf32, #tpu.memory_space<vmem>>, vector<16xf32>,
    %broadcast_in_dim3A_331 = arith.constant true
    %broadcast_in_dim3A_332 = vector.broadcast %broadcast_in_dim3A_331 : i1 to vector<16xi1>
    %masked_cumsum3A_333 = tpu.scan <sum>, %get3A_330 masked %broadcast_in_dim3A_332 : vector<16xf32>, vector<16xi1> -> vector<16xf32>
    %add3A_334 = arith.addf %masked_cumsum3A_333, %gather3A_328 : vector<16xf32>
    %le3A_335 = arith.cmpf ole, %add3A_334, %sub3A : vector<16xf32>
    %all_reduce_population_count3A_336 = tpu.all_reduce %le3A_335 {dim = 0 : i64, kind = #tpu.reduction_kind<sum>} : vector<16xi1> -> vector<16xi32>
    %add3A_337 = arith.addi %add3A_314, %all_reduce_population_count3A_336 : vector<16xi32>
    %select_n3A_338 = arith.select %le3A_335, %get3A_330, %broadcast_in_dim3A_1 : vector<16xi1>, vector<16xf32>
    %add3A_339 = arith.addf %add3A_316, %select_n3A_338 : vector<16xf32>
    %broadcast_in_dim3A_340 = arith.constant 15 : i32
    %broadcast_in_dim3A_341 = vector.broadcast %broadcast_in_dim3A_340 : i32 to vector<16xi32>
    %lt3A_342 = arith.constant 0 : i32
    %lt3A_343 = vector.broadcast %lt3A_342 : i32 to vector<16xi32>
    %lt3A_344 = arith.cmpi slt, %broadcast_in_dim3A_341, %lt3A_343 : vector<16xi32>
    %add3A_345 = arith.constant 16 : i32
    %add3A_346 = vector.broadcast %add3A_345 : i32 to vector<16xi32>
    %add3A_347 = arith.addi %broadcast_in_dim3A_341, %add3A_346 : vector<16xi32>
    %select_n3A_348 = arith.select %lt3A_344, %add3A_347, %broadcast_in_dim3A_341 : vector<16xi1>, vector<16xi32>
    %reshape3A_349 = vector.shape_cast %select_n3A_348 : vector<16xi32> to vector<16x1xi32>
    %gather3A_350 = vector.shape_cast %reshape3A_349 : vector<16x1xi32> to vector<16xi32>
    %gather3A_351 = tpu.dynamic_gather %add3A_334[%gather3A_350] in [0] : vector<16xf32>, vector<16xi32> -> vector<16xf32>
    %get3A_352 = arith.constant 112 : index
    %get3A_353 = tpu.vector_load %arg7[%get3A_352] {strides = array<i32>} : memref<256xf32, #tpu.memory_space<vmem>>, vector<16xf32>,
    %broadcast_in_dim3A_354 = arith.constant true
    %broadcast_in_dim3A_355 = vector.broadcast %broadcast_in_dim3A_354 : i1 to vector<16xi1>
    %masked_cumsum3A_356 = tpu.scan <sum>, %get3A_353 masked %broadcast_in_dim3A_355 : vector<16xf32>, vector<16xi1> -> vector<16xf32>
    %add3A_357 = arith.addf %masked_cumsum3A_356, %gather3A_351 : vector<16xf32>
    %le3A_358 = arith.cmpf ole, %add3A_357, %sub3A : vector<16xf32>
    %all_reduce_population_count3A_359 = tpu.all_reduce %le3A_358 {dim = 0 : i64, kind = #tpu.reduction_kind<sum>} : vector<16xi1> -> vector<16xi32>
    %add3A_360 = arith.addi %add3A_337, %all_reduce_population_count3A_359 : vector<16xi32>
    %select_n3A_361 = arith.select %le3A_358, %get3A_353, %broadcast_in_dim3A_1 : vector<16xi1>, vector<16xf32>
    %add3A_362 = arith.addf %add3A_339, %select_n3A_361 : vector<16xf32>
    %broadcast_in_dim3A_363 = arith.constant 15 : i32
    %broadcast_in_dim3A_364 = vector.broadcast %broadcast_in_dim3A_363 : i32 to vector<16xi32>
    %lt3A_365 = arith.constant 0 : i32
    %lt3A_366 = vector.broadcast %lt3A_365 : i32 to vector<16xi32>
    %lt3A_367 = arith.cmpi slt, %broadcast_in_dim3A_364, %lt3A_366 : vector<16xi32>
    %add3A_368 = arith.constant 16 : i32
    %add3A_369 = vector.broadcast %add3A_368 : i32 to vector<16xi32>
    %add3A_370 = arith.addi %broadcast_in_dim3A_364, %add3A_369 : vector<16xi32>
    %select_n3A_371 = arith.select %lt3A_367, %add3A_370, %broadcast_in_dim3A_364 : vector<16xi1>, vector<16xi32>
    %reshape3A_372 = vector.shape_cast %select_n3A_371 : vector<16xi32> to vector<16x1xi32>
    %gather3A_373 = vector.shape_cast %reshape3A_372 : vector<16x1xi32> to vector<16xi32>
    %gather3A_374 = tpu.dynamic_gather %add3A_357[%gather3A_373] in [0] : vector<16xf32>, vector<16xi32> -> vector<16xf32>
    %get3A_375 = arith.constant 128 : index
    %get3A_376 = tpu.vector_load %arg7[%get3A_375] {strides = array<i32>} : memref<256xf32, #tpu.memory_space<vmem>>, vector<16xf32>,
    %broadcast_in_dim3A_377 = arith.constant true
    %broadcast_in_dim3A_378 = vector.broadcast %broadcast_in_dim3A_377 : i1 to vector<16xi1>
    %masked_cumsum3A_379 = tpu.scan <sum>, %get3A_376 masked %broadcast_in_dim3A_378 : vector<16xf32>, vector<16xi1> -> vector<16xf32>
    %add3A_380 = arith.addf %masked_cumsum3A_379, %gather3A_374 : vector<16xf32>
    %le3A_381 = arith.cmpf ole, %add3A_380, %sub3A : vector<16xf32>
    %all_reduce_population_count3A_382 = tpu.all_reduce %le3A_381 {dim = 0 : i64, kind = #tpu.reduction_kind<sum>} : vector<16xi1> -> vector<16xi32>
    %add3A_383 = arith.addi %add3A_360, %all_reduce_population_count3A_382 : vector<16xi32>
    %select_n3A_384 = arith.select %le3A_381, %get3A_376, %broadcast_in_dim3A_1 : vector<16xi1>, vector<16xf32>
    %add3A_385 = arith.addf %add3A_362, %select_n3A_384 : vector<16xf32>
    %broadcast_in_dim3A_386 = arith.constant 15 : i32
    %broadcast_in_dim3A_387 = vector.broadcast %broadcast_in_dim3A_386 : i32 to vector<16xi32>
    %lt3A_388 = arith.constant 0 : i32
    %lt3A_389 = vector.broadcast %lt3A_388 : i32 to vector<16xi32>
    %lt3A_390 = arith.cmpi slt, %broadcast_in_dim3A_387, %lt3A_389 : vector<16xi32>
    %add3A_391 = arith.constant 16 : i32
    %add3A_392 = vector.broadcast %add3A_391 : i32 to vector<16xi32>
    %add3A_393 = arith.addi %broadcast_in_dim3A_387, %add3A_392 : vector<16xi32>
    %select_n3A_394 = arith.select %lt3A_390, %add3A_393, %broadcast_in_dim3A_387 : vector<16xi1>, vector<16xi32>
    %reshape3A_395 = vector.shape_cast %select_n3A_394 : vector<16xi32> to vector<16x1xi32>
    %gather3A_396 = vector.shape_cast %reshape3A_395 : vector<16x1xi32> to vector<16xi32>
    %gather3A_397 = tpu.dynamic_gather %add3A_380[%gather3A_396] in [0] : vector<16xf32>, vector<16xi32> -> vector<16xf32>
    %get3A_398 = arith.constant 144 : index
    %get3A_399 = tpu.vector_load %arg7[%get3A_398] {strides = array<i32>} : memref<256xf32, #tpu.memory_space<vmem>>, vector<16xf32>,
    %broadcast_in_dim3A_400 = arith.constant true
    %broadcast_in_dim3A_401 = vector.broadcast %broadcast_in_dim3A_400 : i1 to vector<16xi1>
    %masked_cumsum3A_402 = tpu.scan <sum>, %get3A_399 masked %broadcast_in_dim3A_401 : vector<16xf32>, vector<16xi1> -> vector<16xf32>
    %add3A_403 = arith.addf %masked_cumsum3A_402, %gather3A_397 : vector<16xf32>
    %le3A_404 = arith.cmpf ole, %add3A_403, %sub3A : vector<16xf32>
    %all_reduce_population_count3A_405 = tpu.all_reduce %le3A_404 {dim = 0 : i64, kind = #tpu.reduction_kind<sum>} : vector<16xi1> -> vector<16xi32>
    %add3A_406 = arith.addi %add3A_383, %all_reduce_population_count3A_405 : vector<16xi32>
    %select_n3A_407 = arith.select %le3A_404, %get3A_399, %broadcast_in_dim3A_1 : vector<16xi1>, vector<16xf32>
    %add3A_408 = arith.addf %add3A_385, %select_n3A_407 : vector<16xf32>
    %broadcast_in_dim3A_409 = arith.constant 15 : i32
    %broadcast_in_dim3A_410 = vector.broadcast %broadcast_in_dim3A_409 : i32 to vector<16xi32>
    %lt3A_411 = arith.constant 0 : i32
    %lt3A_412 = vector.broadcast %lt3A_411 : i32 to vector<16xi32>
    %lt3A_413 = arith.cmpi slt, %broadcast_in_dim3A_410, %lt3A_412 : vector<16xi32>
    %add3A_414 = arith.constant 16 : i32
    %add3A_415 = vector.broadcast %add3A_414 : i32 to vector<16xi32>
    %add3A_416 = arith.addi %broadcast_in_dim3A_410, %add3A_415 : vector<16xi32>
    %select_n3A_417 = arith.select %lt3A_413, %add3A_416, %broadcast_in_dim3A_410 : vector<16xi1>, vector<16xi32>
    %reshape3A_418 = vector.shape_cast %select_n3A_417 : vector<16xi32> to vector<16x1xi32>
    %gather3A_419 = vector.shape_cast %reshape3A_418 : vector<16x1xi32> to vector<16xi32>
    %gather3A_420 = tpu.dynamic_gather %add3A_403[%gather3A_419] in [0] : vector<16xf32>, vector<16xi32> -> vector<16xf32>
    %get3A_421 = arith.constant 160 : index
    %get3A_422 = tpu.vector_load %arg7[%get3A_421] {strides = array<i32>} : memref<256xf32, #tpu.memory_space<vmem>>, vector<16xf32>,
    %broadcast_in_dim3A_423 = arith.constant true
    %broadcast_in_dim3A_424 = vector.broadcast %broadcast_in_dim3A_423 : i1 to vector<16xi1>
    %masked_cumsum3A_425 = tpu.scan <sum>, %get3A_422 masked %broadcast_in_dim3A_424 : vector<16xf32>, vector<16xi1> -> vector<16xf32>
    %add3A_426 = arith.addf %masked_cumsum3A_425, %gather3A_420 : vector<16xf32>
    %le3A_427 = arith.cmpf ole, %add3A_426, %sub3A : vector<16xf32>
    %all_reduce_population_count3A_428 = tpu.all_reduce %le3A_427 {dim = 0 : i64, kind = #tpu.reduction_kind<sum>} : vector<16xi1> -> vector<16xi32>
    %add3A_429 = arith.addi %add3A_406, %all_reduce_population_count3A_428 : vector<16xi32>
    %select_n3A_430 = arith.select %le3A_427, %get3A_422, %broadcast_in_dim3A_1 : vector<16xi1>, vector<16xf32>
    %add3A_431 = arith.addf %add3A_408, %select_n3A_430 : vector<16xf32>
    %broadcast_in_dim3A_432 = arith.constant 15 : i32
    %broadcast_in_dim3A_433 = vector.broadcast %broadcast_in_dim3A_432 : i32 to vector<16xi32>
    %lt3A_434 = arith.constant 0 : i32
    %lt3A_435 = vector.broadcast %lt3A_434 : i32 to vector<16xi32>
    %lt3A_436 = arith.cmpi slt, %broadcast_in_dim3A_433, %lt3A_435 : vector<16xi32>
    %add3A_437 = arith.constant 16 : i32
    %add3A_438 = vector.broadcast %add3A_437 : i32 to vector<16xi32>
    %add3A_439 = arith.addi %broadcast_in_dim3A_433, %add3A_438 : vector<16xi32>
    %select_n3A_440 = arith.select %lt3A_436, %add3A_439, %broadcast_in_dim3A_433 : vector<16xi1>, vector<16xi32>
    %reshape3A_441 = vector.shape_cast %select_n3A_440 : vector<16xi32> to vector<16x1xi32>
    %gather3A_442 = vector.shape_cast %reshape3A_441 : vector<16x1xi32> to vector<16xi32>
    %gather3A_443 = tpu.dynamic_gather %add3A_426[%gather3A_442] in [0] : vector<16xf32>, vector<16xi32> -> vector<16xf32>
    %get3A_444 = arith.constant 176 : index
    %get3A_445 = tpu.vector_load %arg7[%get3A_444] {strides = array<i32>} : memref<256xf32, #tpu.memory_space<vmem>>, vector<16xf32>,
    %broadcast_in_dim3A_446 = arith.constant true
    %broadcast_in_dim3A_447 = vector.broadcast %broadcast_in_dim3A_446 : i1 to vector<16xi1>
    %masked_cumsum3A_448 = tpu.scan <sum>, %get3A_445 masked %broadcast_in_dim3A_447 : vector<16xf32>, vector<16xi1> -> vector<16xf32>
    %add3A_449 = arith.addf %masked_cumsum3A_448, %gather3A_443 : vector<16xf32>
    %le3A_450 = arith.cmpf ole, %add3A_449, %sub3A : vector<16xf32>
    %all_reduce_population_count3A_451 = tpu.all_reduce %le3A_450 {dim = 0 : i64, kind = #tpu.reduction_kind<sum>} : vector<16xi1> -> vector<16xi32>
    %add3A_452 = arith.addi %add3A_429, %all_reduce_population_count3A_451 : vector<16xi32>
    %select_n3A_453 = arith.select %le3A_450, %get3A_445, %broadcast_in_dim3A_1 : vector<16xi1>, vector<16xf32>
    %add3A_454 = arith.addf %add3A_431, %select_n3A_453 : vector<16xf32>
    %broadcast_in_dim3A_455 = arith.constant 15 : i32
    %broadcast_in_dim3A_456 = vector.broadcast %broadcast_in_dim3A_455 : i32 to vector<16xi32>
    %lt3A_457 = arith.constant 0 : i32
    %lt3A_458 = vector.broadcast %lt3A_457 : i32 to vector<16xi32>
    %lt3A_459 = arith.cmpi slt, %broadcast_in_dim3A_456, %lt3A_458 : vector<16xi32>
    %add3A_460 = arith.constant 16 : i32
    %add3A_461 = vector.broadcast %add3A_460 : i32 to vector<16xi32>
    %add3A_462 = arith.addi %broadcast_in_dim3A_456, %add3A_461 : vector<16xi32>
    %select_n3A_463 = arith.select %lt3A_459, %add3A_462, %broadcast_in_dim3A_456 : vector<16xi1>, vector<16xi32>
    %reshape3A_464 = vector.shape_cast %select_n3A_463 : vector<16xi32> to vector<16x1xi32>
    %gather3A_465 = vector.shape_cast %reshape3A_464 : vector<16x1xi32> to vector<16xi32>
    %gather3A_466 = tpu.dynamic_gather %add3A_449[%gather3A_465] in [0] : vector<16xf32>, vector<16xi32> -> vector<16xf32>
    %get3A_467 = arith.constant 192 : index
    %get3A_468 = tpu.vector_load %arg7[%get3A_467] {strides = array<i32>} : memref<256xf32, #tpu.memory_space<vmem>>, vector<16xf32>,
    %broadcast_in_dim3A_469 = arith.constant true
    %broadcast_in_dim3A_470 = vector.broadcast %broadcast_in_dim3A_469 : i1 to vector<16xi1>
    %masked_cumsum3A_471 = tpu.scan <sum>, %get3A_468 masked %broadcast_in_dim3A_470 : vector<16xf32>, vector<16xi1> -> vector<16xf32>
    %add3A_472 = arith.addf %masked_cumsum3A_471, %gather3A_466 : vector<16xf32>
    %le3A_473 = arith.cmpf ole, %add3A_472, %sub3A : vector<16xf32>
    %all_reduce_population_count3A_474 = tpu.all_reduce %le3A_473 {dim = 0 : i64, kind = #tpu.reduction_kind<sum>} : vector<16xi1> -> vector<16xi32>
    %add3A_475 = arith.addi %add3A_452, %all_reduce_population_count3A_474 : vector<16xi32>
    %select_n3A_476 = arith.select %le3A_473, %get3A_468, %broadcast_in_dim3A_1 : vector<16xi1>, vector<16xf32>
    %add3A_477 = arith.addf %add3A_454, %select_n3A_476 : vector<16xf32>
    %broadcast_in_dim3A_478 = arith.constant 15 : i32
    %broadcast_in_dim3A_479 = vector.broadcast %broadcast_in_dim3A_478 : i32 to vector<16xi32>
    %lt3A_480 = arith.constant 0 : i32
    %lt3A_481 = vector.broadcast %lt3A_480 : i32 to vector<16xi32>
    %lt3A_482 = arith.cmpi slt, %broadcast_in_dim3A_479, %lt3A_481 : vector<16xi32>
    %add3A_483 = arith.constant 16 : i32
    %add3A_484 = vector.broadcast %add3A_483 : i32 to vector<16xi32>
    %add3A_485 = arith.addi %broadcast_in_dim3A_479, %add3A_484 : vector<16xi32>
    %select_n3A_486 = arith.select %lt3A_482, %add3A_485, %broadcast_in_dim3A_479 : vector<16xi1>, vector<16xi32>
    %reshape3A_487 = vector.shape_cast %select_n3A_486 : vector<16xi32> to vector<16x1xi32>
    %gather3A_488 = vector.shape_cast %reshape3A_487 : vector<16x1xi32> to vector<16xi32>
    %gather3A_489 = tpu.dynamic_gather %add3A_472[%gather3A_488] in [0] : vector<16xf32>, vector<16xi32> -> vector<16xf32>
    %get3A_490 = arith.constant 208 : index
    %get3A_491 = tpu.vector_load %arg7[%get3A_490] {strides = array<i32>} : memref<256xf32, #tpu.memory_space<vmem>>, vector<16xf32>,
    %broadcast_in_dim3A_492 = arith.constant true
    %broadcast_in_dim3A_493 = vector.broadcast %broadcast_in_dim3A_492 : i1 to vector<16xi1>
    %masked_cumsum3A_494 = tpu.scan <sum>, %get3A_491 masked %broadcast_in_dim3A_493 : vector<16xf32>, vector<16xi1> -> vector<16xf32>
    %add3A_495 = arith.addf %masked_cumsum3A_494, %gather3A_489 : vector<16xf32>
    %le3A_496 = arith.cmpf ole, %add3A_495, %sub3A : vector<16xf32>
    %all_reduce_population_count3A_497 = tpu.all_reduce %le3A_496 {dim = 0 : i64, kind = #tpu.reduction_kind<sum>} : vector<16xi1> -> vector<16xi32>
    %add3A_498 = arith.addi %add3A_475, %all_reduce_population_count3A_497 : vector<16xi32>
    %select_n3A_499 = arith.select %le3A_496, %get3A_491, %broadcast_in_dim3A_1 : vector<16xi1>, vector<16xf32>
    %add3A_500 = arith.addf %add3A_477, %select_n3A_499 : vector<16xf32>
    %broadcast_in_dim3A_501 = arith.constant 15 : i32
    %broadcast_in_dim3A_502 = vector.broadcast %broadcast_in_dim3A_501 : i32 to vector<16xi32>
    %lt3A_503 = arith.constant 0 : i32
    %lt3A_504 = vector.broadcast %lt3A_503 : i32 to vector<16xi32>
    %lt3A_505 = arith.cmpi slt, %broadcast_in_dim3A_502, %lt3A_504 : vector<16xi32>
    %add3A_506 = arith.constant 16 : i32
    %add3A_507 = vector.broadcast %add3A_506 : i32 to vector<16xi32>
    %add3A_508 = arith.addi %broadcast_in_dim3A_502, %add3A_507 : vector<16xi32>
    %select_n3A_509 = arith.select %lt3A_505, %add3A_508, %broadcast_in_dim3A_502 : vector<16xi1>, vector<16xi32>
    %reshape3A_510 = vector.shape_cast %select_n3A_509 : vector<16xi32> to vector<16x1xi32>
    %gather3A_511 = vector.shape_cast %reshape3A_510 : vector<16x1xi32> to vector<16xi32>
    %gather3A_512 = tpu.dynamic_gather %add3A_495[%gather3A_511] in [0] : vector<16xf32>, vector<16xi32> -> vector<16xf32>
    %get3A_513 = arith.constant 224 : index
    %get3A_514 = tpu.vector_load %arg7[%get3A_513] {strides = array<i32>} : memref<256xf32, #tpu.memory_space<vmem>>, vector<16xf32>,
    %broadcast_in_dim3A_515 = arith.constant true
    %broadcast_in_dim3A_516 = vector.broadcast %broadcast_in_dim3A_515 : i1 to vector<16xi1>
    %masked_cumsum3A_517 = tpu.scan <sum>, %get3A_514 masked %broadcast_in_dim3A_516 : vector<16xf32>, vector<16xi1> -> vector<16xf32>
    %add3A_518 = arith.addf %masked_cumsum3A_517, %gather3A_512 : vector<16xf32>
    %le3A_519 = arith.cmpf ole, %add3A_518, %sub3A : vector<16xf32>
    %all_reduce_population_count3A_520 = tpu.all_reduce %le3A_519 {dim = 0 : i64, kind = #tpu.reduction_kind<sum>} : vector<16xi1> -> vector<16xi32>
    %add3A_521 = arith.addi %add3A_498, %all_reduce_population_count3A_520 : vector<16xi32>
    %select_n3A_522 = arith.select %le3A_519, %get3A_514, %broadcast_in_dim3A_1 : vector<16xi1>, vector<16xf32>
    %add3A_523 = arith.addf %add3A_500, %select_n3A_522 : vector<16xf32>
    %broadcast_in_dim3A_524 = arith.constant 15 : i32
    %broadcast_in_dim3A_525 = vector.broadcast %broadcast_in_dim3A_524 : i32 to vector<16xi32>
    %lt3A_526 = arith.constant 0 : i32
    %lt3A_527 = vector.broadcast %lt3A_526 : i32 to vector<16xi32>
    %lt3A_528 = arith.cmpi slt, %broadcast_in_dim3A_525, %lt3A_527 : vector<16xi32>
    %add3A_529 = arith.constant 16 : i32
    %add3A_530 = vector.broadcast %add3A_529 : i32 to vector<16xi32>
    %add3A_531 = arith.addi %broadcast_in_dim3A_525, %add3A_530 : vector<16xi32>
    %select_n3A_532 = arith.select %lt3A_528, %add3A_531, %broadcast_in_dim3A_525 : vector<16xi1>, vector<16xi32>
    %reshape3A_533 = vector.shape_cast %select_n3A_532 : vector<16xi32> to vector<16x1xi32>
    %gather3A_534 = vector.shape_cast %reshape3A_533 : vector<16x1xi32> to vector<16xi32>
    %gather3A_535 = tpu.dynamic_gather %add3A_518[%gather3A_534] in [0] : vector<16xf32>, vector<16xi32> -> vector<16xf32>
    %get3A_536 = arith.constant 240 : index
    %get3A_537 = tpu.vector_load %arg7[%get3A_536] {strides = array<i32>} : memref<256xf32, #tpu.memory_space<vmem>>, vector<16xf32>,
    %broadcast_in_dim3A_538 = arith.constant true
    %broadcast_in_dim3A_539 = vector.broadcast %broadcast_in_dim3A_538 : i1 to vector<16xi1>
    %masked_cumsum3A_540 = tpu.scan <sum>, %get3A_537 masked %broadcast_in_dim3A_539 : vector<16xf32>, vector<16xi1> -> vector<16xf32>
    %add3A_541 = arith.addf %masked_cumsum3A_540, %gather3A_535 : vector<16xf32>
    %le3A_542 = arith.cmpf ole, %add3A_541, %sub3A : vector<16xf32>
    %all_reduce_population_count3A_543 = tpu.all_reduce %le3A_542 {dim = 0 : i64, kind = #tpu.reduction_kind<sum>} : vector<16xi1> -> vector<16xi32>
    %add3A_544 = arith.addi %add3A_521, %all_reduce_population_count3A_543 : vector<16xi32>
    %select_n3A_545 = arith.select %le3A_542, %get3A_537, %broadcast_in_dim3A_1 : vector<16xi1>, vector<16xf32>
    %add3A_546 = arith.addf %add3A_523, %select_n3A_545 : vector<16xf32>
    %broadcast_in_dim3A_547 = arith.constant 15 : i32
    %broadcast_in_dim3A_548 = vector.broadcast %broadcast_in_dim3A_547 : i32 to vector<16xi32>
    %lt3A_549 = arith.constant 0 : i32
    %lt3A_550 = vector.broadcast %lt3A_549 : i32 to vector<16xi32>
    %lt3A_551 = arith.cmpi slt, %broadcast_in_dim3A_548, %lt3A_550 : vector<16xi32>
    %add3A_552 = arith.constant 16 : i32
    %add3A_553 = vector.broadcast %add3A_552 : i32 to vector<16xi32>
    %add3A_554 = arith.addi %broadcast_in_dim3A_548, %add3A_553 : vector<16xi32>
    %select_n3A_555 = arith.select %lt3A_551, %add3A_554, %broadcast_in_dim3A_548 : vector<16xi1>, vector<16xi32>
    %reshape3A_556 = vector.shape_cast %select_n3A_555 : vector<16xi32> to vector<16x1xi32>
    %gather3A_557 = vector.shape_cast %reshape3A_556 : vector<16x1xi32> to vector<16xi32>
    %gather3A_558 = tpu.dynamic_gather %add3A_541[%gather3A_557] in [0] : vector<16xf32>, vector<16xi32> -> vector<16xf32>
    %iota3A_559 = tpu.iota {dimensions = array<i32: 0>} : vector<16xi32>
    %xor3A_560 = arith.constant 1 : i32
    %xor3A_561 = vector.broadcast %xor3A_560 : i32 to vector<16xi32>
    %xor3A_562 = arith.xori %iota3A_559, %xor3A_561 : vector<16xi32>
    %lt3A_563 = arith.constant 0 : i32
    %lt3A_564 = vector.broadcast %lt3A_563 : i32 to vector<16xi32>
    %lt3A_565 = arith.cmpi slt, %xor3A_562, %lt3A_564 : vector<16xi32>
    %add3A_566 = arith.constant 16 : i32
    %add3A_567 = vector.broadcast %add3A_566 : i32 to vector<16xi32>
    %add3A_568 = arith.addi %xor3A_562, %add3A_567 : vector<16xi32>
    %select_n3A_569 = arith.select %lt3A_565, %add3A_568, %xor3A_562 : vector<16xi1>, vector<16xi32>
    %reshape3A_570 = vector.shape_cast %select_n3A_569 : vector<16xi32> to vector<16x1xi32>
    %gather3A_571 = vector.shape_cast %reshape3A_570 : vector<16x1xi32> to vector<16xi32>
    %gather3A_572 = tpu.dynamic_gather %add3A_546[%gather3A_571] in [0] : vector<16xf32>, vector<16xi32> -> vector<16xf32>
    %add3A_573 = arith.addf %add3A_546, %gather3A_572 : vector<16xf32>
    %iota3A_574 = tpu.iota {dimensions = array<i32: 0>} : vector<16xi32>
    %xor3A_575 = arith.constant 2 : i32
    %xor3A_576 = vector.broadcast %xor3A_575 : i32 to vector<16xi32>
    %xor3A_577 = arith.xori %iota3A_574, %xor3A_576 : vector<16xi32>
    %lt3A_578 = arith.constant 0 : i32
    %lt3A_579 = vector.broadcast %lt3A_578 : i32 to vector<16xi32>
    %lt3A_580 = arith.cmpi slt, %xor3A_577, %lt3A_579 : vector<16xi32>
    %add3A_581 = arith.constant 16 : i32
    %add3A_582 = vector.broadcast %add3A_581 : i32 to vector<16xi32>
    %add3A_583 = arith.addi %xor3A_577, %add3A_582 : vector<16xi32>
    %select_n3A_584 = arith.select %lt3A_580, %add3A_583, %xor3A_577 : vector<16xi1>, vector<16xi32>
    %reshape3A_585 = vector.shape_cast %select_n3A_584 : vector<16xi32> to vector<16x1xi32>
    %gather3A_586 = vector.shape_cast %reshape3A_585 : vector<16x1xi32> to vector<16xi32>
    %gather3A_587 = tpu.dynamic_gather %add3A_573[%gather3A_586] in [0] : vector<16xf32>, vector<16xi32> -> vector<16xf32>
    %add3A_588 = arith.addf %add3A_573, %gather3A_587 : vector<16xf32>
    %iota3A_589 = tpu.iota {dimensions = array<i32: 0>} : vector<16xi32>
    %xor3A_590 = arith.constant 4 : i32
    %xor3A_591 = vector.broadcast %xor3A_590 : i32 to vector<16xi32>
    %xor3A_592 = arith.xori %iota3A_589, %xor3A_591 : vector<16xi32>
    %lt3A_593 = arith.constant 0 : i32
    %lt3A_594 = vector.broadcast %lt3A_593 : i32 to vector<16xi32>
    %lt3A_595 = arith.cmpi slt, %xor3A_592, %lt3A_594 : vector<16xi32>
    %add3A_596 = arith.constant 16 : i32
    %add3A_597 = vector.broadcast %add3A_596 : i32 to vector<16xi32>
    %add3A_598 = arith.addi %xor3A_592, %add3A_597 : vector<16xi32>
    %select_n3A_599 = arith.select %lt3A_595, %add3A_598, %xor3A_592 : vector<16xi1>, vector<16xi32>
    %reshape3A_600 = vector.shape_cast %select_n3A_599 : vector<16xi32> to vector<16x1xi32>
    %gather3A_601 = vector.shape_cast %reshape3A_600 : vector<16x1xi32> to vector<16xi32>
    %gather3A_602 = tpu.dynamic_gather %add3A_588[%gather3A_601] in [0] : vector<16xf32>, vector<16xi32> -> vector<16xf32>
    %add3A_603 = arith.addf %add3A_588, %gather3A_602 : vector<16xf32>
    %iota3A_604 = tpu.iota {dimensions = array<i32: 0>} : vector<16xi32>
    %xor3A_605 = arith.constant 8 : i32
    %xor3A_606 = vector.broadcast %xor3A_605 : i32 to vector<16xi32>
    %xor3A_607 = arith.xori %iota3A_604, %xor3A_606 : vector<16xi32>
    %lt3A_608 = arith.constant 0 : i32
    %lt3A_609 = vector.broadcast %lt3A_608 : i32 to vector<16xi32>
    %lt3A_610 = arith.cmpi slt, %xor3A_607, %lt3A_609 : vector<16xi32>
    %add3A_611 = arith.constant 16 : i32
    %add3A_612 = vector.broadcast %add3A_611 : i32 to vector<16xi32>
    %add3A_613 = arith.addi %xor3A_607, %add3A_612 : vector<16xi32>
    %select_n3A_614 = arith.select %lt3A_610, %add3A_613, %xor3A_607 : vector<16xi1>, vector<16xi32>
    %reshape3A_615 = vector.shape_cast %select_n3A_614 : vector<16xi32> to vector<16x1xi32>
    %gather3A_616 = vector.shape_cast %reshape3A_615 : vector<16x1xi32> to vector<16xi32>
    %gather3A_617 = tpu.dynamic_gather %add3A_603[%gather3A_616] in [0] : vector<16xf32>, vector<16xi32> -> vector<16xf32>
    %add3A_618 = arith.addf %add3A_603, %gather3A_617 : vector<16xf32>
    %eq3A_619 = arith.constant 15 : i32
    %eq3A_620 = arith.cmpi eq, %add3A, %eq3A_619 : i32
    %jit3A = arith.constant 247 : i32
    %jit3A_621 = arith.constant 244 : i32
    %select_n3A_622 = arith.select %eq3A_620, %jit3A, %jit3A_621 : i32
    %reduce_max3A = arith.constant true
    %reduce_max3A_623 = vector.broadcast %reduce_max3A : i1 to vector<16xi1>
    %reduce_max3A_624 = arith.constant -2147483648 : i32
    %reduce_max3A_625 = vector.broadcast %reduce_max3A_624 : i32 to vector<16xi32>
    %reduce_max3A_626 = arith.xori %add3A_544, %reduce_max3A_625 : vector<16xi32>
    %reduce_max3A_627 = tpu.scan <max>, %reduce_max3A_626 masked %reduce_max3A_623 : vector<16xi32>, vector<16xi1> -> vector<16xi32>
    %reduce_max3A_628 = arith.xori %reduce_max3A_627, %reduce_max3A_625 : vector<16xi32>
    %reduce_max3A_629 = vector.extract %reduce_max3A_628[15] : i32 from vector<16xi32>
    %min3A = arith.constant 246 : i32
    %min3A_630 = arith.minsi %reduce_max3A_629, %min3A : i32
    %mul3A_631 = arith.constant 256 : i32
    %mul3A_632 = arith.muli %min3A_630, %mul3A_631 : i32
    %broadcast_in_dim3A_633 = arith.constant 0 : i32
    %broadcast_in_dim3A_634 = vector.broadcast %broadcast_in_dim3A_633 : i32 to vector<16xi32>
    %add3A_635 = arith.constant 0 : i32
    %add3A_636 = arith.addi %mul3A_632, %add3A_635 : i32
    %get3A_637 = arith.index_cast %add3A_636 : i32 to index
    %get3A_638 = tpu.vector_load %arg5[%get3A_637] {strides = array<i32>} : memref<65536xf32, #tpu.memory_space<vmem>>, vector<16xf32>,
    %broadcast_in_dim3A_639 = arith.constant true
    %broadcast_in_dim3A_640 = vector.broadcast %broadcast_in_dim3A_639 : i1 to vector<16xi1>
    %masked_cumsum3A_641 = tpu.scan <sum>, %get3A_638 masked %broadcast_in_dim3A_640 : vector<16xf32>, vector<16xi1> -> vector<16xf32>
    %add3A_642 = arith.addf %masked_cumsum3A_641, %add3A_618 : vector<16xf32>
    %le3A_643 = arith.cmpf ole, %add3A_642, %sub3A : vector<16xf32>
    %all_reduce_population_count3A_644 = tpu.all_reduce %le3A_643 {dim = 0 : i64, kind = #tpu.reduction_kind<sum>} : vector<16xi1> -> vector<16xi32>
    %add3A_645 = arith.addi %broadcast_in_dim3A_634, %all_reduce_population_count3A_644 : vector<16xi32>
    %broadcast_in_dim3A_646 = arith.constant 15 : i32
    %broadcast_in_dim3A_647 = vector.broadcast %broadcast_in_dim3A_646 : i32 to vector<16xi32>
    %lt3A_648 = arith.constant 0 : i32
    %lt3A_649 = vector.broadcast %lt3A_648 : i32 to vector<16xi32>
    %lt3A_650 = arith.cmpi slt, %broadcast_in_dim3A_647, %lt3A_649 : vector<16xi32>
    %add3A_651 = arith.constant 16 : i32
    %add3A_652 = vector.broadcast %add3A_651 : i32 to vector<16xi32>
    %add3A_653 = arith.addi %broadcast_in_dim3A_647, %add3A_652 : vector<16xi32>
    %select_n3A_654 = arith.select %lt3A_650, %add3A_653, %broadcast_in_dim3A_647 : vector<16xi1>, vector<16xi32>
    %reshape3A_655 = vector.shape_cast %select_n3A_654 : vector<16xi32> to vector<16x1xi32>
    %gather3A_656 = vector.shape_cast %reshape3A_655 : vector<16x1xi32> to vector<16xi32>
    %gather3A_657 = tpu.dynamic_gather %add3A_642[%gather3A_656] in [0] : vector<16xf32>, vector<16xi32> -> vector<16xf32>
    %add3A_658 = arith.constant 16 : i32
    %add3A_659 = arith.addi %mul3A_632, %add3A_658 : i32
    %get3A_660 = arith.index_cast %add3A_659 : i32 to index
    %get3A_661 = tpu.vector_load %arg5[%get3A_660] {strides = array<i32>} : memref<65536xf32, #tpu.memory_space<vmem>>, vector<16xf32>,
    %broadcast_in_dim3A_662 = arith.constant true
    %broadcast_in_dim3A_663 = vector.broadcast %broadcast_in_dim3A_662 : i1 to vector<16xi1>
    %masked_cumsum3A_664 = tpu.scan <sum>, %get3A_661 masked %broadcast_in_dim3A_663 : vector<16xf32>, vector<16xi1> -> vector<16xf32>
    %add3A_665 = arith.addf %masked_cumsum3A_664, %gather3A_657 : vector<16xf32>
    %le3A_666 = arith.cmpf ole, %add3A_665, %sub3A : vector<16xf32>
    %all_reduce_population_count3A_667 = tpu.all_reduce %le3A_666 {dim = 0 : i64, kind = #tpu.reduction_kind<sum>} : vector<16xi1> -> vector<16xi32>
    %add3A_668 = arith.addi %add3A_645, %all_reduce_population_count3A_667 : vector<16xi32>
    %broadcast_in_dim3A_669 = arith.constant 15 : i32
    %broadcast_in_dim3A_670 = vector.broadcast %broadcast_in_dim3A_669 : i32 to vector<16xi32>
    %lt3A_671 = arith.constant 0 : i32
    %lt3A_672 = vector.broadcast %lt3A_671 : i32 to vector<16xi32>
    %lt3A_673 = arith.cmpi slt, %broadcast_in_dim3A_670, %lt3A_672 : vector<16xi32>
    %add3A_674 = arith.constant 16 : i32
    %add3A_675 = vector.broadcast %add3A_674 : i32 to vector<16xi32>
    %add3A_676 = arith.addi %broadcast_in_dim3A_670, %add3A_675 : vector<16xi32>
    %select_n3A_677 = arith.select %lt3A_673, %add3A_676, %broadcast_in_dim3A_670 : vector<16xi1>, vector<16xi32>
    %reshape3A_678 = vector.shape_cast %select_n3A_677 : vector<16xi32> to vector<16x1xi32>
    %gather3A_679 = vector.shape_cast %reshape3A_678 : vector<16x1xi32> to vector<16xi32>
    %gather3A_680 = tpu.dynamic_gather %add3A_665[%gather3A_679] in [0] : vector<16xf32>, vector<16xi32> -> vector<16xf32>
    %add3A_681 = arith.constant 32 : i32
    %add3A_682 = arith.addi %mul3A_632, %add3A_681 : i32
    %get3A_683 = arith.index_cast %add3A_682 : i32 to index
    %get3A_684 = tpu.vector_load %arg5[%get3A_683] {strides = array<i32>} : memref<65536xf32, #tpu.memory_space<vmem>>, vector<16xf32>,
    %broadcast_in_dim3A_685 = arith.constant true
    %broadcast_in_dim3A_686 = vector.broadcast %broadcast_in_dim3A_685 : i1 to vector<16xi1>
    %masked_cumsum3A_687 = tpu.scan <sum>, %get3A_684 masked %broadcast_in_dim3A_686 : vector<16xf32>, vector<16xi1> -> vector<16xf32>
    %add3A_688 = arith.addf %masked_cumsum3A_687, %gather3A_680 : vector<16xf32>
    %le3A_689 = arith.cmpf ole, %add3A_688, %sub3A : vector<16xf32>
    %all_reduce_population_count3A_690 = tpu.all_reduce %le3A_689 {dim = 0 : i64, kind = #tpu.reduction_kind<sum>} : vector<16xi1> -> vector<16xi32>
    %add3A_691 = arith.addi %add3A_668, %all_reduce_population_count3A_690 : vector<16xi32>
    %broadcast_in_dim3A_692 = arith.constant 15 : i32
    %broadcast_in_dim3A_693 = vector.broadcast %broadcast_in_dim3A_692 : i32 to vector<16xi32>
    %lt3A_694 = arith.constant 0 : i32
    %lt3A_695 = vector.broadcast %lt3A_694 : i32 to vector<16xi32>
    %lt3A_696 = arith.cmpi slt, %broadcast_in_dim3A_693, %lt3A_695 : vector<16xi32>
    %add3A_697 = arith.constant 16 : i32
    %add3A_698 = vector.broadcast %add3A_697 : i32 to vector<16xi32>
    %add3A_699 = arith.addi %broadcast_in_dim3A_693, %add3A_698 : vector<16xi32>
    %select_n3A_700 = arith.select %lt3A_696, %add3A_699, %broadcast_in_dim3A_693 : vector<16xi1>, vector<16xi32>
    %reshape3A_701 = vector.shape_cast %select_n3A_700 : vector<16xi32> to vector<16x1xi32>
    %gather3A_702 = vector.shape_cast %reshape3A_701 : vector<16x1xi32> to vector<16xi32>
    %gather3A_703 = tpu.dynamic_gather %add3A_688[%gather3A_702] in [0] : vector<16xf32>, vector<16xi32> -> vector<16xf32>
    %add3A_704 = arith.constant 48 : i32
    %add3A_705 = arith.addi %mul3A_632, %add3A_704 : i32
    %get3A_706 = arith.index_cast %add3A_705 : i32 to index
    %get3A_707 = tpu.vector_load %arg5[%get3A_706] {strides = array<i32>} : memref<65536xf32, #tpu.memory_space<vmem>>, vector<16xf32>,
    %broadcast_in_dim3A_708 = arith.constant true
    %broadcast_in_dim3A_709 = vector.broadcast %broadcast_in_dim3A_708 : i1 to vector<16xi1>
    %masked_cumsum3A_710 = tpu.scan <sum>, %get3A_707 masked %broadcast_in_dim3A_709 : vector<16xf32>, vector<16xi1> -> vector<16xf32>
    %add3A_711 = arith.addf %masked_cumsum3A_710, %gather3A_703 : vector<16xf32>
    %le3A_712 = arith.cmpf ole, %add3A_711, %sub3A : vector<16xf32>
    %all_reduce_population_count3A_713 = tpu.all_reduce %le3A_712 {dim = 0 : i64, kind = #tpu.reduction_kind<sum>} : vector<16xi1> -> vector<16xi32>
    %add3A_714 = arith.addi %add3A_691, %all_reduce_population_count3A_713 : vector<16xi32>
    %broadcast_in_dim3A_715 = arith.constant 15 : i32
    %broadcast_in_dim3A_716 = vector.broadcast %broadcast_in_dim3A_715 : i32 to vector<16xi32>
    %lt3A_717 = arith.constant 0 : i32
    %lt3A_718 = vector.broadcast %lt3A_717 : i32 to vector<16xi32>
    %lt3A_719 = arith.cmpi slt, %broadcast_in_dim3A_716, %lt3A_718 : vector<16xi32>
    %add3A_720 = arith.constant 16 : i32
    %add3A_721 = vector.broadcast %add3A_720 : i32 to vector<16xi32>
    %add3A_722 = arith.addi %broadcast_in_dim3A_716, %add3A_721 : vector<16xi32>
    %select_n3A_723 = arith.select %lt3A_719, %add3A_722, %broadcast_in_dim3A_716 : vector<16xi1>, vector<16xi32>
    %reshape3A_724 = vector.shape_cast %select_n3A_723 : vector<16xi32> to vector<16x1xi32>
    %gather3A_725 = vector.shape_cast %reshape3A_724 : vector<16x1xi32> to vector<16xi32>
    %gather3A_726 = tpu.dynamic_gather %add3A_711[%gather3A_725] in [0] : vector<16xf32>, vector<16xi32> -> vector<16xf32>
    %add3A_727 = arith.constant 64 : i32
    %add3A_728 = arith.addi %mul3A_632, %add3A_727 : i32
    %get3A_729 = arith.index_cast %add3A_728 : i32 to index
    %get3A_730 = tpu.vector_load %arg5[%get3A_729] {strides = array<i32>} : memref<65536xf32, #tpu.memory_space<vmem>>, vector<16xf32>,
    %broadcast_in_dim3A_731 = arith.constant true
    %broadcast_in_dim3A_732 = vector.broadcast %broadcast_in_dim3A_731 : i1 to vector<16xi1>
    %masked_cumsum3A_733 = tpu.scan <sum>, %get3A_730 masked %broadcast_in_dim3A_732 : vector<16xf32>, vector<16xi1> -> vector<16xf32>
    %add3A_734 = arith.addf %masked_cumsum3A_733, %gather3A_726 : vector<16xf32>
    %le3A_735 = arith.cmpf ole, %add3A_734, %sub3A : vector<16xf32>
    %all_reduce_population_count3A_736 = tpu.all_reduce %le3A_735 {dim = 0 : i64, kind = #tpu.reduction_kind<sum>} : vector<16xi1> -> vector<16xi32>
    %add3A_737 = arith.addi %add3A_714, %all_reduce_population_count3A_736 : vector<16xi32>
    %broadcast_in_dim3A_738 = arith.constant 15 : i32
    %broadcast_in_dim3A_739 = vector.broadcast %broadcast_in_dim3A_738 : i32 to vector<16xi32>
    %lt3A_740 = arith.constant 0 : i32
    %lt3A_741 = vector.broadcast %lt3A_740 : i32 to vector<16xi32>
    %lt3A_742 = arith.cmpi slt, %broadcast_in_dim3A_739, %lt3A_741 : vector<16xi32>
    %add3A_743 = arith.constant 16 : i32
    %add3A_744 = vector.broadcast %add3A_743 : i32 to vector<16xi32>
    %add3A_745 = arith.addi %broadcast_in_dim3A_739, %add3A_744 : vector<16xi32>
    %select_n3A_746 = arith.select %lt3A_742, %add3A_745, %broadcast_in_dim3A_739 : vector<16xi1>, vector<16xi32>
    %reshape3A_747 = vector.shape_cast %select_n3A_746 : vector<16xi32> to vector<16x1xi32>
    %gather3A_748 = vector.shape_cast %reshape3A_747 : vector<16x1xi32> to vector<16xi32>
    %gather3A_749 = tpu.dynamic_gather %add3A_734[%gather3A_748] in [0] : vector<16xf32>, vector<16xi32> -> vector<16xf32>
    %add3A_750 = arith.constant 80 : i32
    %add3A_751 = arith.addi %mul3A_632, %add3A_750 : i32
    %get3A_752 = arith.index_cast %add3A_751 : i32 to index
    %get3A_753 = tpu.vector_load %arg5[%get3A_752] {strides = array<i32>} : memref<65536xf32, #tpu.memory_space<vmem>>, vector<16xf32>,
    %broadcast_in_dim3A_754 = arith.constant true
    %broadcast_in_dim3A_755 = vector.broadcast %broadcast_in_dim3A_754 : i1 to vector<16xi1>
    %masked_cumsum3A_756 = tpu.scan <sum>, %get3A_753 masked %broadcast_in_dim3A_755 : vector<16xf32>, vector<16xi1> -> vector<16xf32>
    %add3A_757 = arith.addf %masked_cumsum3A_756, %gather3A_749 : vector<16xf32>
    %le3A_758 = arith.cmpf ole, %add3A_757, %sub3A : vector<16xf32>
    %all_reduce_population_count3A_759 = tpu.all_reduce %le3A_758 {dim = 0 : i64, kind = #tpu.reduction_kind<sum>} : vector<16xi1> -> vector<16xi32>
    %add3A_760 = arith.addi %add3A_737, %all_reduce_population_count3A_759 : vector<16xi32>
    %broadcast_in_dim3A_761 = arith.constant 15 : i32
    %broadcast_in_dim3A_762 = vector.broadcast %broadcast_in_dim3A_761 : i32 to vector<16xi32>
    %lt3A_763 = arith.constant 0 : i32
    %lt3A_764 = vector.broadcast %lt3A_763 : i32 to vector<16xi32>
    %lt3A_765 = arith.cmpi slt, %broadcast_in_dim3A_762, %lt3A_764 : vector<16xi32>
    %add3A_766 = arith.constant 16 : i32
    %add3A_767 = vector.broadcast %add3A_766 : i32 to vector<16xi32>
    %add3A_768 = arith.addi %broadcast_in_dim3A_762, %add3A_767 : vector<16xi32>
    %select_n3A_769 = arith.select %lt3A_765, %add3A_768, %broadcast_in_dim3A_762 : vector<16xi1>, vector<16xi32>
    %reshape3A_770 = vector.shape_cast %select_n3A_769 : vector<16xi32> to vector<16x1xi32>
    %gather3A_771 = vector.shape_cast %reshape3A_770 : vector<16x1xi32> to vector<16xi32>
    %gather3A_772 = tpu.dynamic_gather %add3A_757[%gather3A_771] in [0] : vector<16xf32>, vector<16xi32> -> vector<16xf32>
    %add3A_773 = arith.constant 96 : i32
    %add3A_774 = arith.addi %mul3A_632, %add3A_773 : i32
    %get3A_775 = arith.index_cast %add3A_774 : i32 to index
    %get3A_776 = tpu.vector_load %arg5[%get3A_775] {strides = array<i32>} : memref<65536xf32, #tpu.memory_space<vmem>>, vector<16xf32>,
    %broadcast_in_dim3A_777 = arith.constant true
    %broadcast_in_dim3A_778 = vector.broadcast %broadcast_in_dim3A_777 : i1 to vector<16xi1>
    %masked_cumsum3A_779 = tpu.scan <sum>, %get3A_776 masked %broadcast_in_dim3A_778 : vector<16xf32>, vector<16xi1> -> vector<16xf32>
    %add3A_780 = arith.addf %masked_cumsum3A_779, %gather3A_772 : vector<16xf32>
    %le3A_781 = arith.cmpf ole, %add3A_780, %sub3A : vector<16xf32>
    %all_reduce_population_count3A_782 = tpu.all_reduce %le3A_781 {dim = 0 : i64, kind = #tpu.reduction_kind<sum>} : vector<16xi1> -> vector<16xi32>
    %add3A_783 = arith.addi %add3A_760, %all_reduce_population_count3A_782 : vector<16xi32>
    %broadcast_in_dim3A_784 = arith.constant 15 : i32
    %broadcast_in_dim3A_785 = vector.broadcast %broadcast_in_dim3A_784 : i32 to vector<16xi32>
    %lt3A_786 = arith.constant 0 : i32
    %lt3A_787 = vector.broadcast %lt3A_786 : i32 to vector<16xi32>
    %lt3A_788 = arith.cmpi slt, %broadcast_in_dim3A_785, %lt3A_787 : vector<16xi32>
    %add3A_789 = arith.constant 16 : i32
    %add3A_790 = vector.broadcast %add3A_789 : i32 to vector<16xi32>
    %add3A_791 = arith.addi %broadcast_in_dim3A_785, %add3A_790 : vector<16xi32>
    %select_n3A_792 = arith.select %lt3A_788, %add3A_791, %broadcast_in_dim3A_785 : vector<16xi1>, vector<16xi32>
    %reshape3A_793 = vector.shape_cast %select_n3A_792 : vector<16xi32> to vector<16x1xi32>
    %gather3A_794 = vector.shape_cast %reshape3A_793 : vector<16x1xi32> to vector<16xi32>
    %gather3A_795 = tpu.dynamic_gather %add3A_780[%gather3A_794] in [0] : vector<16xf32>, vector<16xi32> -> vector<16xf32>
    %add3A_796 = arith.constant 112 : i32
    %add3A_797 = arith.addi %mul3A_632, %add3A_796 : i32
    %get3A_798 = arith.index_cast %add3A_797 : i32 to index
    %get3A_799 = tpu.vector_load %arg5[%get3A_798] {strides = array<i32>} : memref<65536xf32, #tpu.memory_space<vmem>>, vector<16xf32>,
    %broadcast_in_dim3A_800 = arith.constant true
    %broadcast_in_dim3A_801 = vector.broadcast %broadcast_in_dim3A_800 : i1 to vector<16xi1>
    %masked_cumsum3A_802 = tpu.scan <sum>, %get3A_799 masked %broadcast_in_dim3A_801 : vector<16xf32>, vector<16xi1> -> vector<16xf32>
    %add3A_803 = arith.addf %masked_cumsum3A_802, %gather3A_795 : vector<16xf32>
    %le3A_804 = arith.cmpf ole, %add3A_803, %sub3A : vector<16xf32>
    %all_reduce_population_count3A_805 = tpu.all_reduce %le3A_804 {dim = 0 : i64, kind = #tpu.reduction_kind<sum>} : vector<16xi1> -> vector<16xi32>
    %add3A_806 = arith.addi %add3A_783, %all_reduce_population_count3A_805 : vector<16xi32>
    %broadcast_in_dim3A_807 = arith.constant 15 : i32
    %broadcast_in_dim3A_808 = vector.broadcast %broadcast_in_dim3A_807 : i32 to vector<16xi32>
    %lt3A_809 = arith.constant 0 : i32
    %lt3A_810 = vector.broadcast %lt3A_809 : i32 to vector<16xi32>
    %lt3A_811 = arith.cmpi slt, %broadcast_in_dim3A_808, %lt3A_810 : vector<16xi32>
    %add3A_812 = arith.constant 16 : i32
    %add3A_813 = vector.broadcast %add3A_812 : i32 to vector<16xi32>
    %add3A_814 = arith.addi %broadcast_in_dim3A_808, %add3A_813 : vector<16xi32>
    %select_n3A_815 = arith.select %lt3A_811, %add3A_814, %broadcast_in_dim3A_808 : vector<16xi1>, vector<16xi32>
    %reshape3A_816 = vector.shape_cast %select_n3A_815 : vector<16xi32> to vector<16x1xi32>
    %gather3A_817 = vector.shape_cast %reshape3A_816 : vector<16x1xi32> to vector<16xi32>
    %gather3A_818 = tpu.dynamic_gather %add3A_803[%gather3A_817] in [0] : vector<16xf32>, vector<16xi32> -> vector<16xf32>
    %add3A_819 = arith.constant 128 : i32
    %add3A_820 = arith.addi %mul3A_632, %add3A_819 : i32
    %get3A_821 = arith.index_cast %add3A_820 : i32 to index
    %get3A_822 = tpu.vector_load %arg5[%get3A_821] {strides = array<i32>} : memref<65536xf32, #tpu.memory_space<vmem>>, vector<16xf32>,
    %broadcast_in_dim3A_823 = arith.constant true
    %broadcast_in_dim3A_824 = vector.broadcast %broadcast_in_dim3A_823 : i1 to vector<16xi1>
    %masked_cumsum3A_825 = tpu.scan <sum>, %get3A_822 masked %broadcast_in_dim3A_824 : vector<16xf32>, vector<16xi1> -> vector<16xf32>
    %add3A_826 = arith.addf %masked_cumsum3A_825, %gather3A_818 : vector<16xf32>
    %le3A_827 = arith.cmpf ole, %add3A_826, %sub3A : vector<16xf32>
    %all_reduce_population_count3A_828 = tpu.all_reduce %le3A_827 {dim = 0 : i64, kind = #tpu.reduction_kind<sum>} : vector<16xi1> -> vector<16xi32>
    %add3A_829 = arith.addi %add3A_806, %all_reduce_population_count3A_828 : vector<16xi32>
    %broadcast_in_dim3A_830 = arith.constant 15 : i32
    %broadcast_in_dim3A_831 = vector.broadcast %broadcast_in_dim3A_830 : i32 to vector<16xi32>
    %lt3A_832 = arith.constant 0 : i32
    %lt3A_833 = vector.broadcast %lt3A_832 : i32 to vector<16xi32>
    %lt3A_834 = arith.cmpi slt, %broadcast_in_dim3A_831, %lt3A_833 : vector<16xi32>
    %add3A_835 = arith.constant 16 : i32
    %add3A_836 = vector.broadcast %add3A_835 : i32 to vector<16xi32>
    %add3A_837 = arith.addi %broadcast_in_dim3A_831, %add3A_836 : vector<16xi32>
    %select_n3A_838 = arith.select %lt3A_834, %add3A_837, %broadcast_in_dim3A_831 : vector<16xi1>, vector<16xi32>
    %reshape3A_839 = vector.shape_cast %select_n3A_838 : vector<16xi32> to vector<16x1xi32>
    %gather3A_840 = vector.shape_cast %reshape3A_839 : vector<16x1xi32> to vector<16xi32>
    %gather3A_841 = tpu.dynamic_gather %add3A_826[%gather3A_840] in [0] : vector<16xf32>, vector<16xi32> -> vector<16xf32>
    %add3A_842 = arith.constant 144 : i32
    %add3A_843 = arith.addi %mul3A_632, %add3A_842 : i32
    %get3A_844 = arith.index_cast %add3A_843 : i32 to index
    %get3A_845 = tpu.vector_load %arg5[%get3A_844] {strides = array<i32>} : memref<65536xf32, #tpu.memory_space<vmem>>, vector<16xf32>,
    %broadcast_in_dim3A_846 = arith.constant true
    %broadcast_in_dim3A_847 = vector.broadcast %broadcast_in_dim3A_846 : i1 to vector<16xi1>
    %masked_cumsum3A_848 = tpu.scan <sum>, %get3A_845 masked %broadcast_in_dim3A_847 : vector<16xf32>, vector<16xi1> -> vector<16xf32>
    %add3A_849 = arith.addf %masked_cumsum3A_848, %gather3A_841 : vector<16xf32>
    %le3A_850 = arith.cmpf ole, %add3A_849, %sub3A : vector<16xf32>
    %all_reduce_population_count3A_851 = tpu.all_reduce %le3A_850 {dim = 0 : i64, kind = #tpu.reduction_kind<sum>} : vector<16xi1> -> vector<16xi32>
    %add3A_852 = arith.addi %add3A_829, %all_reduce_population_count3A_851 : vector<16xi32>
    %broadcast_in_dim3A_853 = arith.constant 15 : i32
    %broadcast_in_dim3A_854 = vector.broadcast %broadcast_in_dim3A_853 : i32 to vector<16xi32>
    %lt3A_855 = arith.constant 0 : i32
    %lt3A_856 = vector.broadcast %lt3A_855 : i32 to vector<16xi32>
    %lt3A_857 = arith.cmpi slt, %broadcast_in_dim3A_854, %lt3A_856 : vector<16xi32>
    %add3A_858 = arith.constant 16 : i32
    %add3A_859 = vector.broadcast %add3A_858 : i32 to vector<16xi32>
    %add3A_860 = arith.addi %broadcast_in_dim3A_854, %add3A_859 : vector<16xi32>
    %select_n3A_861 = arith.select %lt3A_857, %add3A_860, %broadcast_in_dim3A_854 : vector<16xi1>, vector<16xi32>
    %reshape3A_862 = vector.shape_cast %select_n3A_861 : vector<16xi32> to vector<16x1xi32>
    %gather3A_863 = vector.shape_cast %reshape3A_862 : vector<16x1xi32> to vector<16xi32>
    %gather3A_864 = tpu.dynamic_gather %add3A_849[%gather3A_863] in [0] : vector<16xf32>, vector<16xi32> -> vector<16xf32>
    %add3A_865 = arith.constant 160 : i32
    %add3A_866 = arith.addi %mul3A_632, %add3A_865 : i32
    %get3A_867 = arith.index_cast %add3A_866 : i32 to index
    %get3A_868 = tpu.vector_load %arg5[%get3A_867] {strides = array<i32>} : memref<65536xf32, #tpu.memory_space<vmem>>, vector<16xf32>,
    %broadcast_in_dim3A_869 = arith.constant true
    %broadcast_in_dim3A_870 = vector.broadcast %broadcast_in_dim3A_869 : i1 to vector<16xi1>
    %masked_cumsum3A_871 = tpu.scan <sum>, %get3A_868 masked %broadcast_in_dim3A_870 : vector<16xf32>, vector<16xi1> -> vector<16xf32>
    %add3A_872 = arith.addf %masked_cumsum3A_871, %gather3A_864 : vector<16xf32>
    %le3A_873 = arith.cmpf ole, %add3A_872, %sub3A : vector<16xf32>
    %all_reduce_population_count3A_874 = tpu.all_reduce %le3A_873 {dim = 0 : i64, kind = #tpu.reduction_kind<sum>} : vector<16xi1> -> vector<16xi32>
    %add3A_875 = arith.addi %add3A_852, %all_reduce_population_count3A_874 : vector<16xi32>
    %broadcast_in_dim3A_876 = arith.constant 15 : i32
    %broadcast_in_dim3A_877 = vector.broadcast %broadcast_in_dim3A_876 : i32 to vector<16xi32>
    %lt3A_878 = arith.constant 0 : i32
    %lt3A_879 = vector.broadcast %lt3A_878 : i32 to vector<16xi32>
    %lt3A_880 = arith.cmpi slt, %broadcast_in_dim3A_877, %lt3A_879 : vector<16xi32>
    %add3A_881 = arith.constant 16 : i32
    %add3A_882 = vector.broadcast %add3A_881 : i32 to vector<16xi32>
    %add3A_883 = arith.addi %broadcast_in_dim3A_877, %add3A_882 : vector<16xi32>
    %select_n3A_884 = arith.select %lt3A_880, %add3A_883, %broadcast_in_dim3A_877 : vector<16xi1>, vector<16xi32>
    %reshape3A_885 = vector.shape_cast %select_n3A_884 : vector<16xi32> to vector<16x1xi32>
    %gather3A_886 = vector.shape_cast %reshape3A_885 : vector<16x1xi32> to vector<16xi32>
    %gather3A_887 = tpu.dynamic_gather %add3A_872[%gather3A_886] in [0] : vector<16xf32>, vector<16xi32> -> vector<16xf32>
    %add3A_888 = arith.constant 176 : i32
    %add3A_889 = arith.addi %mul3A_632, %add3A_888 : i32
    %get3A_890 = arith.index_cast %add3A_889 : i32 to index
    %get3A_891 = tpu.vector_load %arg5[%get3A_890] {strides = array<i32>} : memref<65536xf32, #tpu.memory_space<vmem>>, vector<16xf32>,
    %broadcast_in_dim3A_892 = arith.constant true
    %broadcast_in_dim3A_893 = vector.broadcast %broadcast_in_dim3A_892 : i1 to vector<16xi1>
    %masked_cumsum3A_894 = tpu.scan <sum>, %get3A_891 masked %broadcast_in_dim3A_893 : vector<16xf32>, vector<16xi1> -> vector<16xf32>
    %add3A_895 = arith.addf %masked_cumsum3A_894, %gather3A_887 : vector<16xf32>
    %le3A_896 = arith.cmpf ole, %add3A_895, %sub3A : vector<16xf32>
    %all_reduce_population_count3A_897 = tpu.all_reduce %le3A_896 {dim = 0 : i64, kind = #tpu.reduction_kind<sum>} : vector<16xi1> -> vector<16xi32>
    %add3A_898 = arith.addi %add3A_875, %all_reduce_population_count3A_897 : vector<16xi32>
    %broadcast_in_dim3A_899 = arith.constant 15 : i32
    %broadcast_in_dim3A_900 = vector.broadcast %broadcast_in_dim3A_899 : i32 to vector<16xi32>
    %lt3A_901 = arith.constant 0 : i32
    %lt3A_902 = vector.broadcast %lt3A_901 : i32 to vector<16xi32>
    %lt3A_903 = arith.cmpi slt, %broadcast_in_dim3A_900, %lt3A_902 : vector<16xi32>
    %add3A_904 = arith.constant 16 : i32
    %add3A_905 = vector.broadcast %add3A_904 : i32 to vector<16xi32>
    %add3A_906 = arith.addi %broadcast_in_dim3A_900, %add3A_905 : vector<16xi32>
    %select_n3A_907 = arith.select %lt3A_903, %add3A_906, %broadcast_in_dim3A_900 : vector<16xi1>, vector<16xi32>
    %reshape3A_908 = vector.shape_cast %select_n3A_907 : vector<16xi32> to vector<16x1xi32>
    %gather3A_909 = vector.shape_cast %reshape3A_908 : vector<16x1xi32> to vector<16xi32>
    %gather3A_910 = tpu.dynamic_gather %add3A_895[%gather3A_909] in [0] : vector<16xf32>, vector<16xi32> -> vector<16xf32>
    %add3A_911 = arith.constant 192 : i32
    %add3A_912 = arith.addi %mul3A_632, %add3A_911 : i32
    %get3A_913 = arith.index_cast %add3A_912 : i32 to index
    %get3A_914 = tpu.vector_load %arg5[%get3A_913] {strides = array<i32>} : memref<65536xf32, #tpu.memory_space<vmem>>, vector<16xf32>,
    %broadcast_in_dim3A_915 = arith.constant true
    %broadcast_in_dim3A_916 = vector.broadcast %broadcast_in_dim3A_915 : i1 to vector<16xi1>
    %masked_cumsum3A_917 = tpu.scan <sum>, %get3A_914 masked %broadcast_in_dim3A_916 : vector<16xf32>, vector<16xi1> -> vector<16xf32>
    %add3A_918 = arith.addf %masked_cumsum3A_917, %gather3A_910 : vector<16xf32>
    %le3A_919 = arith.cmpf ole, %add3A_918, %sub3A : vector<16xf32>
    %all_reduce_population_count3A_920 = tpu.all_reduce %le3A_919 {dim = 0 : i64, kind = #tpu.reduction_kind<sum>} : vector<16xi1> -> vector<16xi32>
    %add3A_921 = arith.addi %add3A_898, %all_reduce_population_count3A_920 : vector<16xi32>
    %broadcast_in_dim3A_922 = arith.constant 15 : i32
    %broadcast_in_dim3A_923 = vector.broadcast %broadcast_in_dim3A_922 : i32 to vector<16xi32>
    %lt3A_924 = arith.constant 0 : i32
    %lt3A_925 = vector.broadcast %lt3A_924 : i32 to vector<16xi32>
    %lt3A_926 = arith.cmpi slt, %broadcast_in_dim3A_923, %lt3A_925 : vector<16xi32>
    %add3A_927 = arith.constant 16 : i32
    %add3A_928 = vector.broadcast %add3A_927 : i32 to vector<16xi32>
    %add3A_929 = arith.addi %broadcast_in_dim3A_923, %add3A_928 : vector<16xi32>
    %select_n3A_930 = arith.select %lt3A_926, %add3A_929, %broadcast_in_dim3A_923 : vector<16xi1>, vector<16xi32>
    %reshape3A_931 = vector.shape_cast %select_n3A_930 : vector<16xi32> to vector<16x1xi32>
    %gather3A_932 = vector.shape_cast %reshape3A_931 : vector<16x1xi32> to vector<16xi32>
    %gather3A_933 = tpu.dynamic_gather %add3A_918[%gather3A_932] in [0] : vector<16xf32>, vector<16xi32> -> vector<16xf32>
    %add3A_934 = arith.constant 208 : i32
    %add3A_935 = arith.addi %mul3A_632, %add3A_934 : i32
    %get3A_936 = arith.index_cast %add3A_935 : i32 to index
    %get3A_937 = tpu.vector_load %arg5[%get3A_936] {strides = array<i32>} : memref<65536xf32, #tpu.memory_space<vmem>>, vector<16xf32>,
    %broadcast_in_dim3A_938 = arith.constant true
    %broadcast_in_dim3A_939 = vector.broadcast %broadcast_in_dim3A_938 : i1 to vector<16xi1>
    %masked_cumsum3A_940 = tpu.scan <sum>, %get3A_937 masked %broadcast_in_dim3A_939 : vector<16xf32>, vector<16xi1> -> vector<16xf32>
    %add3A_941 = arith.addf %masked_cumsum3A_940, %gather3A_933 : vector<16xf32>
    %le3A_942 = arith.cmpf ole, %add3A_941, %sub3A : vector<16xf32>
    %all_reduce_population_count3A_943 = tpu.all_reduce %le3A_942 {dim = 0 : i64, kind = #tpu.reduction_kind<sum>} : vector<16xi1> -> vector<16xi32>
    %add3A_944 = arith.addi %add3A_921, %all_reduce_population_count3A_943 : vector<16xi32>
    %broadcast_in_dim3A_945 = arith.constant 15 : i32
    %broadcast_in_dim3A_946 = vector.broadcast %broadcast_in_dim3A_945 : i32 to vector<16xi32>
    %lt3A_947 = arith.constant 0 : i32
    %lt3A_948 = vector.broadcast %lt3A_947 : i32 to vector<16xi32>
    %lt3A_949 = arith.cmpi slt, %broadcast_in_dim3A_946, %lt3A_948 : vector<16xi32>
    %add3A_950 = arith.constant 16 : i32
    %add3A_951 = vector.broadcast %add3A_950 : i32 to vector<16xi32>
    %add3A_952 = arith.addi %broadcast_in_dim3A_946, %add3A_951 : vector<16xi32>
    %select_n3A_953 = arith.select %lt3A_949, %add3A_952, %broadcast_in_dim3A_946 : vector<16xi1>, vector<16xi32>
    %reshape3A_954 = vector.shape_cast %select_n3A_953 : vector<16xi32> to vector<16x1xi32>
    %gather3A_955 = vector.shape_cast %reshape3A_954 : vector<16x1xi32> to vector<16xi32>
    %gather3A_956 = tpu.dynamic_gather %add3A_941[%gather3A_955] in [0] : vector<16xf32>, vector<16xi32> -> vector<16xf32>
    %add3A_957 = arith.constant 224 : i32
    %add3A_958 = arith.addi %mul3A_632, %add3A_957 : i32
    %get3A_959 = arith.index_cast %add3A_958 : i32 to index
    %get3A_960 = tpu.vector_load %arg5[%get3A_959] {strides = array<i32>} : memref<65536xf32, #tpu.memory_space<vmem>>, vector<16xf32>,
    %broadcast_in_dim3A_961 = arith.constant true
    %broadcast_in_dim3A_962 = vector.broadcast %broadcast_in_dim3A_961 : i1 to vector<16xi1>
    %masked_cumsum3A_963 = tpu.scan <sum>, %get3A_960 masked %broadcast_in_dim3A_962 : vector<16xf32>, vector<16xi1> -> vector<16xf32>
    %add3A_964 = arith.addf %masked_cumsum3A_963, %gather3A_956 : vector<16xf32>
    %le3A_965 = arith.cmpf ole, %add3A_964, %sub3A : vector<16xf32>
    %all_reduce_population_count3A_966 = tpu.all_reduce %le3A_965 {dim = 0 : i64, kind = #tpu.reduction_kind<sum>} : vector<16xi1> -> vector<16xi32>
    %add3A_967 = arith.addi %add3A_944, %all_reduce_population_count3A_966 : vector<16xi32>
    %broadcast_in_dim3A_968 = arith.constant 15 : i32
    %broadcast_in_dim3A_969 = vector.broadcast %broadcast_in_dim3A_968 : i32 to vector<16xi32>
    %lt3A_970 = arith.constant 0 : i32
    %lt3A_971 = vector.broadcast %lt3A_970 : i32 to vector<16xi32>
    %lt3A_972 = arith.cmpi slt, %broadcast_in_dim3A_969, %lt3A_971 : vector<16xi32>
    %add3A_973 = arith.constant 16 : i32
    %add3A_974 = vector.broadcast %add3A_973 : i32 to vector<16xi32>
    %add3A_975 = arith.addi %broadcast_in_dim3A_969, %add3A_974 : vector<16xi32>
    %select_n3A_976 = arith.select %lt3A_972, %add3A_975, %broadcast_in_dim3A_969 : vector<16xi1>, vector<16xi32>
    %reshape3A_977 = vector.shape_cast %select_n3A_976 : vector<16xi32> to vector<16x1xi32>
    %gather3A_978 = vector.shape_cast %reshape3A_977 : vector<16x1xi32> to vector<16xi32>
    %gather3A_979 = tpu.dynamic_gather %add3A_964[%gather3A_978] in [0] : vector<16xf32>, vector<16xi32> -> vector<16xf32>
    %add3A_980 = arith.constant 240 : i32
    %add3A_981 = arith.addi %mul3A_632, %add3A_980 : i32
    %get3A_982 = arith.index_cast %add3A_981 : i32 to index
    %get3A_983 = tpu.vector_load %arg5[%get3A_982] {strides = array<i32>} : memref<65536xf32, #tpu.memory_space<vmem>>, vector<16xf32>,
    %broadcast_in_dim3A_984 = arith.constant true
    %broadcast_in_dim3A_985 = vector.broadcast %broadcast_in_dim3A_984 : i1 to vector<16xi1>
    %masked_cumsum3A_986 = tpu.scan <sum>, %get3A_983 masked %broadcast_in_dim3A_985 : vector<16xf32>, vector<16xi1> -> vector<16xf32>
    %add3A_987 = arith.addf %masked_cumsum3A_986, %gather3A_979 : vector<16xf32>
    %le3A_988 = arith.cmpf ole, %add3A_987, %sub3A : vector<16xf32>
    %all_reduce_population_count3A_989 = tpu.all_reduce %le3A_988 {dim = 0 : i64, kind = #tpu.reduction_kind<sum>} : vector<16xi1> -> vector<16xi32>
    %add3A_990 = arith.addi %add3A_967, %all_reduce_population_count3A_989 : vector<16xi32>
    %broadcast_in_dim3A_991 = arith.constant 15 : i32
    %broadcast_in_dim3A_992 = vector.broadcast %broadcast_in_dim3A_991 : i32 to vector<16xi32>
    %lt3A_993 = arith.constant 0 : i32
    %lt3A_994 = vector.broadcast %lt3A_993 : i32 to vector<16xi32>
    %lt3A_995 = arith.cmpi slt, %broadcast_in_dim3A_992, %lt3A_994 : vector<16xi32>
    %add3A_996 = arith.constant 16 : i32
    %add3A_997 = vector.broadcast %add3A_996 : i32 to vector<16xi32>
    %add3A_998 = arith.addi %broadcast_in_dim3A_992, %add3A_997 : vector<16xi32>
    %select_n3A_999 = arith.select %lt3A_995, %add3A_998, %broadcast_in_dim3A_992 : vector<16xi1>, vector<16xi32>
    %reshape3A_1000 = vector.shape_cast %select_n3A_999 : vector<16xi32> to vector<16x1xi32>
    %gather3A_1001 = vector.shape_cast %reshape3A_1000 : vector<16x1xi32> to vector<16xi32>
    %gather3A_1002 = tpu.dynamic_gather %add3A_987[%gather3A_1001] in [0] : vector<16xf32>, vector<16xi32> -> vector<16xf32>
    %min3A_1003 = vector.broadcast %select_n3A_622 : i32 to vector<16xi32>
    %min3A_1004 = arith.minsi %add3A_544, %min3A_1003 : vector<16xi32>
    %mul3A_1005 = arith.constant 256 : i32
    %mul3A_1006 = vector.broadcast %mul3A_1005 : i32 to vector<16xi32>
    %mul3A_1007 = arith.muli %mul3A_1006, %min3A_1004 : vector<16xi32>
    %lt3A_1008 = vector.broadcast %select_n3A_622 : i32 to vector<16xi32>
    %lt3A_1009 = arith.cmpi slt, %add3A_544, %lt3A_1008 : vector<16xi32>
    %jit3A_1010 = arith.constant 0 : i32
    %broadcast_in_dim3A_1011 = vector.broadcast %jit3A_1010 : i32 to vector<16xi32>
    %select_n3A_1012 = arith.select %lt3A_1009, %add3A_990, %broadcast_in_dim3A_1011 : vector<16xi1>, vector<16xi32>
    %add3A_1013 = arith.addi %mul3A_1007, %select_n3A_1012 : vector<16xi32>
    %swap3A_1014 = arith.constant 0 : index
    %swap3A_1015 = tpu.vector_load %arg11[%swap3A_1014] {strides = array<i32>} : memref<16xi32, #tpu.memory_space<vmem>>, vector<16xi32>,
    tpu.vector_store %arg11[%swap3A_1014], %add3A_1013 {strides = array<i32>} : memref<16xi32, #tpu.memory_space<vmem>>, vector<16xi32>,
    %mul3A_1016 = arith.constant 16 : i32
    %mul3A_1017 = arith.muli %add3A, %mul3A_1016 : i32
    "tpu.region"() ({
      %run_scoped3A = tpu.sem_alloc : memref<!tpu.dma_semaphore, #tpu.memory_space<semaphore_mem>>
      %dma_start3A = tpu.memref_slice %arg13[%mul3A_1017] : memref<256xi32, #tpu.memory_space<vmem_shared>> -> memref<16xi32, #tpu.memory_space<vmem_shared>>
      %dma_start3A_1077 = tpu.memref_slice %arg13[%mul3A_1017] : memref<256xi32, #tpu.memory_space<vmem_shared>> -> memref<16xi32, #tpu.memory_space<vmem_shared>>
      tpu.enqueue_dma source(%arg11 : memref<16xi32, #tpu.memory_space<vmem>>) target(%dma_start3A_1077 : memref<16xi32, #tpu.memory_space<vmem_shared>>) target_semaphore(%run_scoped3A : memref<!tpu.dma_semaphore, #tpu.memory_space<semaphore_mem>>)
      %dma_wait3A = tpu.memref_slice %arg13[%mul3A_1017] : memref<256xi32, #tpu.memory_space<vmem_shared>> -> memref<16xi32, #tpu.memory_space<vmem_shared>>
      %dma_wait3A_1078 = tpu.memref_slice %arg13[%mul3A_1017] : memref<256xi32, #tpu.memory_space<vmem_shared>> -> memref<16xi32, #tpu.memory_space<vmem_shared>>
      tpu.wait_dma2 semaphore(%run_scoped3A : memref<!tpu.dma_semaphore, #tpu.memory_space<semaphore_mem>>) src(%arg11 : memref<16xi32, #tpu.memory_space<vmem>>) dst(%dma_wait3A_1078 : memref<16xi32, #tpu.memory_space<vmem_shared>>)
      tpu.yield
    }) : () -> ()
    %barrier3A_1018 = arith.constant 0 : index
    tpu.barrier barrier_id(%barrier3A_1018)
    "tpu.region"() ({
      %run_scoped3A = tpu.sem_alloc : memref<!tpu.dma_semaphore, #tpu.memory_space<semaphore_mem>>
      tpu.enqueue_dma source(%arg13 : memref<256xi32, #tpu.memory_space<vmem_shared>>) target(%arg9 : memref<256xi32, #tpu.memory_space<vmem>>) target_semaphore(%run_scoped3A : memref<!tpu.dma_semaphore, #tpu.memory_space<semaphore_mem>>)
      tpu.wait_dma2 semaphore(%run_scoped3A : memref<!tpu.dma_semaphore, #tpu.memory_space<semaphore_mem>>) src(%arg13 : memref<256xi32, #tpu.memory_space<vmem_shared>>) dst(%arg9 : memref<256xi32, #tpu.memory_space<vmem>>)
      tpu.yield
    }) : () -> ()
    %broadcast_in_dim3A_1019 = arith.constant 0 : i32
    %broadcast_in_dim3A_1020 = vector.broadcast %broadcast_in_dim3A_1019 : i32 to vector<16xi32>
    %get3A_1021 = arith.constant 0 : index
    %get3A_1022 = tpu.vector_load %arg9[%get3A_1021] {strides = array<i32>} : memref<256xi32, #tpu.memory_space<vmem>>, vector<16xi32>,
    %add3A_1023 = arith.addi %broadcast_in_dim3A_1020, %get3A_1022 : vector<16xi32>
    %get3A_1024 = arith.constant 16 : index
    %get3A_1025 = tpu.vector_load %arg9[%get3A_1024] {strides = array<i32>} : memref<256xi32, #tpu.memory_space<vmem>>, vector<16xi32>,
    %add3A_1026 = arith.addi %add3A_1023, %get3A_1025 : vector<16xi32>
    %get3A_1027 = arith.constant 32 : index
    %get3A_1028 = tpu.vector_load %arg9[%get3A_1027] {strides = array<i32>} : memref<256xi32, #tpu.memory_space<vmem>>, vector<16xi32>,
    %add3A_1029 = arith.addi %add3A_1026, %get3A_1028 : vector<16xi32>
    %get3A_1030 = arith.constant 48 : index
    %get3A_1031 = tpu.vector_load %arg9[%get3A_1030] {strides = array<i32>} : memref<256xi32, #tpu.memory_space<vmem>>, vector<16xi32>,
    %add3A_1032 = arith.addi %add3A_1029, %get3A_1031 : vector<16xi32>
    %get3A_1033 = arith.constant 64 : index
    %get3A_1034 = tpu.vector_load %arg9[%get3A_1033] {strides = array<i32>} : memref<256xi32, #tpu.memory_space<vmem>>, vector<16xi32>,
    %add3A_1035 = arith.addi %add3A_1032, %get3A_1034 : vector<16xi32>
    %get3A_1036 = arith.constant 80 : index
    %get3A_1037 = tpu.vector_load %arg9[%get3A_1036] {strides = array<i32>} : memref<256xi32, #tpu.memory_space<vmem>>, vector<16xi32>,
    %add3A_1038 = arith.addi %add3A_1035, %get3A_1037 : vector<16xi32>
    %get3A_1039 = arith.constant 96 : index
    %get3A_1040 = tpu.vector_load %arg9[%get3A_1039] {strides = array<i32>} : memref<256xi32, #tpu.memory_space<vmem>>, vector<16xi32>,
    %add3A_1041 = arith.addi %add3A_1038, %get3A_1040 : vector<16xi32>
    %get3A_1042 = arith.constant 112 : index
    %get3A_1043 = tpu.vector_load %arg9[%get3A_1042] {strides = array<i32>} : memref<256xi32, #tpu.memory_space<vmem>>, vector<16xi32>,
    %add3A_1044 = arith.addi %add3A_1041, %get3A_1043 : vector<16xi32>
    %get3A_1045 = arith.constant 128 : index
    %get3A_1046 = tpu.vector_load %arg9[%get3A_1045] {strides = array<i32>} : memref<256xi32, #tpu.memory_space<vmem>>, vector<16xi32>,
    %add3A_1047 = arith.addi %add3A_1044, %get3A_1046 : vector<16xi32>
    %get3A_1048 = arith.constant 144 : index
    %get3A_1049 = tpu.vector_load %arg9[%get3A_1048] {strides = array<i32>} : memref<256xi32, #tpu.memory_space<vmem>>, vector<16xi32>,
    %add3A_1050 = arith.addi %add3A_1047, %get3A_1049 : vector<16xi32>
    %get3A_1051 = arith.constant 160 : index
    %get3A_1052 = tpu.vector_load %arg9[%get3A_1051] {strides = array<i32>} : memref<256xi32, #tpu.memory_space<vmem>>, vector<16xi32>,
    %add3A_1053 = arith.addi %add3A_1050, %get3A_1052 : vector<16xi32>
    %get3A_1054 = arith.constant 176 : index
    %get3A_1055 = tpu.vector_load %arg9[%get3A_1054] {strides = array<i32>} : memref<256xi32, #tpu.memory_space<vmem>>, vector<16xi32>,
    %add3A_1056 = arith.addi %add3A_1053, %get3A_1055 : vector<16xi32>
    %get3A_1057 = arith.constant 192 : index
    %get3A_1058 = tpu.vector_load %arg9[%get3A_1057] {strides = array<i32>} : memref<256xi32, #tpu.memory_space<vmem>>, vector<16xi32>,
    %add3A_1059 = arith.addi %add3A_1056, %get3A_1058 : vector<16xi32>
    %get3A_1060 = arith.constant 208 : index
    %get3A_1061 = tpu.vector_load %arg9[%get3A_1060] {strides = array<i32>} : memref<256xi32, #tpu.memory_space<vmem>>, vector<16xi32>,
    %add3A_1062 = arith.addi %add3A_1059, %get3A_1061 : vector<16xi32>
    %get3A_1063 = arith.constant 224 : index
    %get3A_1064 = tpu.vector_load %arg9[%get3A_1063] {strides = array<i32>} : memref<256xi32, #tpu.memory_space<vmem>>, vector<16xi32>,
    %add3A_1065 = arith.addi %add3A_1062, %get3A_1064 : vector<16xi32>
    %get3A_1066 = arith.constant 240 : index
    %get3A_1067 = tpu.vector_load %arg9[%get3A_1066] {strides = array<i32>} : memref<256xi32, #tpu.memory_space<vmem>>, vector<16xi32>,
    %add3A_1068 = arith.addi %add3A_1065, %get3A_1067 : vector<16xi32>
    %min3A_1069 = arith.constant 999999 : i32
    %min3A_1070 = vector.broadcast %min3A_1069 : i32 to vector<16xi32>
    %min3A_1071 = arith.minsi %add3A_1068, %min3A_1070 : vector<16xi32>
    %eq3A_1072 = arith.constant 0 : i32
    %eq3A_1073 = arith.cmpi eq, %add3A, %eq3A_1072 : i32
    %convert_element_type3A_1074 = arith.extui %eq3A_1073 : i1 to i32
    %cond3A_1075 = arith.constant 0 : i32
    %cond3A_1076 = arith.cmpi ne, %convert_element_type3A_1074, %cond3A_1075 : i32
    scf.if %cond3A_1076 {
      %swap3A_1077 = arith.constant 0 : index
      %swap3A_1078 = tpu.vector_load %arg11[%swap3A_1077] {strides = array<i32>} : memref<16xi32, #tpu.memory_space<vmem>>, vector<16xi32>,
      tpu.vector_store %arg11[%swap3A_1077], %min3A_1071 {strides = array<i32>} : memref<16xi32, #tpu.memory_space<vmem>>, vector<16xi32>,
      "tpu.region"() ({
        %run_scoped3A = tpu.sem_alloc : memref<!tpu.dma_semaphore, #tpu.memory_space<semaphore_mem>>
        tpu.enqueue_dma source(%arg11 : memref<16xi32, #tpu.memory_space<vmem>>) target(%arg4 : memref<16xi32, #tpu.memory_space<hbm>>) target_semaphore(%run_scoped3A : memref<!tpu.dma_semaphore, #tpu.memory_space<semaphore_mem>>)
        tpu.wait_dma2 semaphore(%run_scoped3A : memref<!tpu.dma_semaphore, #tpu.memory_space<semaphore_mem>>) src(%arg11 : memref<16xi32, #tpu.memory_space<vmem>>) dst(%arg4 : memref<16xi32, #tpu.memory_space<hbm>>)
        tpu.yield
      }) : () -> ()
    } else {
    }
    return
  }
}

</mosaic_0001>

<sc_bundles>
// kernel: _sc_count.3.cloned.1.call-start
scs
__scs_entry_jumppad:
0x0: {  	(pc) =	sbr.rel $0x88, $3  }
0x1: {  	(tag) =	ssettag $0x0;
	lr =	simm.s32 $0x1  }
0x2: {  	[smem:$0x3F9F] =	sst lr;
	_ =	strace $0xD0000000  }
0x3: {  	_ = 	snop  }
0x4: {  	_ = 	snop  }
0x5: {  	_ = 	snop  }
0x6: {  	_ = 	snop  }
0x7: {  	_ = 	snop  }
__scs_overlays_trampoline_lowered:
0x8: {  	[smem:$0x3FAE] =	sst s0  }
0x9: {  	[smem:$0x3FAF] =	sst s1  }
0xa: {  	[smem:$0x3FB0] =	sst s2  }
0xb: {  	[smem:$0x3FB1] =	sst s3  }
0xc: {  	[smem:$0x3FB2] =	sst s4  }
0xd: {  	[smem:$0x3FB3] =	sst s5  }
0xe: {  	[smem:$0x3FB4] =	sst s6  }
0xf: {  	[smem:$0x3FB5] =	sst s7  }
0x10: {  	[smem:$0x3FB6] =	sst s8  }
0x11: {  	[smem:$0x3FB7] =	sst s9;
	s0 =	simm.s32 @!p0 $0x0  }
0x12: {  	s1 =	sld [smem:$0x3F9D];
	s0 =	simm.s32 @p0 $0x1  }
0x13: {  	[smem:$0x3FB8] =	sst s0;
	s0 =	simm.s32 @!p1 $0x0  }
0x14: {  	s2 =	sld [smem:$0x3F9C];
	s0 =	simm.s32 @p1 $0x1  }
0x15: {  	[smem:$0x3FB9] =	sst s0;
	s0 =	simm.s32 @!p2 $0x0  }
0x16: {  	s3 =	sld [smem:$0x3FDB];
	s0 =	simm.s32 @p2 $0x1  }
0x17: {  	s4 =	simm.s32 $0x1BF5;
	[smem:$0x3FBB] =	sst s0  }
0x18: {  	s0 =	sld [smem:$0x3F9E];
	_ =	swait.ge [sflag:s4], $0x0  }
0x19: {  	s7 =	sld [smem:$0x3F9F]  }
0x1a: {  	s8 =	sadd.s32 $0xFFFFE003, lr  }
0x1b: {  	s9 =	sadd.s32 $0xFFFFFEF7, lr;
	s5 =	simm.s32 $0xFFFFFFFF;
	p2 =	slt.u32 s8, $0xFFFFF086  }
0x1c: {  	p1 =	slt.u32 s9, $0xF7A;
	s5 =	simm.s32 @!p2 $0x0  }
0x1d: {  	s5 =	simm.s32 @p1 $0x1;
	p0 =	seq.s32 s7, s2  }
0x1e: {  	s7 =	smul.u32 @!p0 $0xF7A, s2;
	p2 =	seq.s32 @!p0 s5, $0x0  }
0x1f: {  	s9 =	smul.u32 $0xF7A, s1;
	s8 =	simm.s32 @!p0 $0x1BF5;
	p2 =	por !p2, p0  }
0x20: {  	[sflag:s8] =	ssyncset.s32 @!p0 $0xFFFFF086;
	s6 =	sadd.s32 @!p0 s3, s7;
	s7 =	simm.s32 @!p0 $0x108  }
0x21: {  	s3 =	sadd.s32 s3, s9;
	s6 =	sadd.s32 @!p0 $0x88, s6;
	s7 =	simm.s32 @p2 $0x1082  }
0x22: {  	[simem:s7], [sflag:s8] =	dma.local @!p0 [hbm:s6], $0xF7A  }
0x23: {  	s9 =	sor.u32 $0xD0000000, s2;
	s6 =	simm.s32 $0x108;
	_ =	swait.ge @!p0 [sflag:s8], $0x0  }
0x24: {  	s3 =	sadd.s32 $0x88, s3;
	s6 =	simm.s32 @!p1 $0x1082;
	[sflag:s4] =	ssyncset.s32 $0xFFFFF086  }
0x25: {  	[simem:s6], [sflag:s4] =	dma.local [hbm:s3], $0xF7A  }
0x26: {  	[smem:$0x3F9F] =	sst s1;
	(tag) =	ssettag s2;
	_ =	strace s9  }
0x27: {  	s1 =	sld [smem:$0x3FAF]  }
0x28: {  	s2 =	sld [smem:$0x3FB0]  }
0x29: {  	s4 =	sld [smem:$0x3FB2]  }
0x2a: {  	p0 =	seq.s32 s5, $0x0;
	s5 =	sld [smem:$0x3FB3]  }
0x2b: {  	s6 =	sld [smem:$0x3FB4]  }
0x2c: {  	s7 =	sld [smem:$0x3FB5]  }
0x2d: {  	s3 =	simm.s32 $0x108;
	s8 =	sld [smem:$0x3FB6]  }
0x2e: {  	s3 =	simm.s32 @!p0 $0x1082;
	s9 =	sld [smem:$0x3FB7]  }
0x2f: {  	lr =	sadd.s32 s0, s3;
	s0 =	sld [smem:$0x3FAE]  }
0x30: {  	s3 =	sld [smem:$0x3FB1]  }
0x31: {  	[smem:$0x3FBA] =	sst s10  }
0x32: {  	s10 =	sld [smem:$0x3FB8];
	_ =	sdelay $0x3  }
0x33: {  	p0 =	seq.s32 s10, $0x1;
	s10 =	sld [smem:$0x3FBA];
	_ =	sdelay $0x3  }
0x34: {  	[smem:$0x3FBA] =	sst s10  }
0x35: {  	s10 =	sld [smem:$0x3FB9];
	_ =	sdelay $0x3  }
0x36: {  	p1 =	seq.s32 s10, $0x1;
	s10 =	sld [smem:$0x3FBA];
	_ =	sdelay $0x3  }
0x37: {  	[smem:$0x3FBA] =	sst s10  }
0x38: {  	s10 =	sld [smem:$0x3FBB]  }
0x39: {  	_ = 	snop;
	(pc) =	sbr.ind lr, $3  }
0x3a: {  	_ = 	snop  }
0x3b: {  	_ = 	snop  }
0x3c: {  	p2 =	seq.s32 s10, $0x1;
	s10 =	sld [smem:$0x3FBA]  }
0x3d: {  	_ =	shalt  }
0x3e: {  	_ =	shalt  }
0x3f: {  	_ =	shalt  }
0x40: {  	_ =	shalt  }
0x41: {  	_ =	shalt  }
0x42: {  	_ =	shalt  }
0x43: {  	_ =	shalt  }
0x44: {  	_ =	shalt  }
0x45: {  	_ =	shalt  }
0x46: {  	_ =	shalt  }
0x47: {  	_ =	shalt  }
0x48: {  	_ =	shalt  }
0x49: {  	_ =	shalt  }
0x4a: {  	_ =	shalt  }
0x4b: {  	_ =	shalt  }
0x4c: {  	_ =	shalt  }
0x4d: {  	_ =	shalt  }
0x4e: {  	_ =	shalt  }
0x4f: {  	_ =	shalt  }
0x50: {  	_ =	shalt  }
0x51: {  	_ =	shalt  }
0x52: {  	_ =	shalt  }
0x53: {  	_ =	shalt  }
0x54: {  	_ =	shalt  }
0x55: {  	_ =	shalt  }
0x56: {  	_ =	shalt  }
0x57: {  	_ =	shalt  }
0x58: {  	_ =	shalt  }
0x59: {  	_ =	shalt  }
0x5a: {  	_ =	shalt  }
0x5b: {  	_ =	shalt  }
0x5c: {  	_ =	shalt  }
0x5d: {  	_ =	shalt  }
0x5e: {  	_ =	shalt  }
0x5f: {  	_ =	shalt  }
0x60: {  	_ =	shalt  }
0x61: {  	_ =	shalt  }
0x62: {  	_ =	shalt  }
0x63: {  	_ =	shalt  }
0x64: {  	_ =	shalt  }
0x65: {  	_ =	shalt  }
0x66: {  	_ =	shalt  }
0x67: {  	_ =	shalt  }
0x68: {  	_ =	shalt  }
0x69: {  	_ =	shalt  }
0x6a: {  	_ =	shalt  }
0x6b: {  	_ =	shalt  }
0x6c: {  	_ =	shalt  }
0x6d: {  	_ =	shalt  }
0x6e: {  	_ =	shalt  }
0x6f: {  	_ =	shalt  }
0x70: {  	_ =	shalt  }
0x71: {  	_ =	shalt  }
0x72: {  	_ =	shalt  }
0x73: {  	_ =	shalt  }
0x74: {  	_ =	shalt  }
0x75: {  	_ =	shalt  }
0x76: {  	_ =	shalt  }
0x77: {  	_ =	shalt  }
0x78: {  	_ =	shalt  }
0x79: {  	_ =	shalt  }
0x7a: {  	_ =	shalt  }
0x7b: {  	_ =	shalt  }
0x7c: {  	_ =	shalt  }
0x7d: {  	_ =	shalt  }
0x7e: {  	_ =	shalt  }
0x7f: {  	_ =	shalt  }
0x80: {  	_ =	shalt  }
0x81: {  	_ =	shalt  }
0x82: {  	_ =	shalt  }
0x83: {  	_ =	shalt  }
0x84: {  	_ =	shalt  }
0x85: {  	_ =	shalt  }
0x86: {  	_ =	shalt  }
0x87: {  	_ =	shalt  }
.Lfunc_end0:
.L_simem_size_0:
called_computation_lowered:
.L_overlay_start_0:
0x88: {  	s0 =	sld [smem:$0x3FD9]  }
0x89: {  	s1 =	sld [smem:$0x3FFE];
	_ =	sdelay $0x3  }
0x8a: {  	s0 =	sadd.s32 s1, s0  }
0x8b: {  	[smem:$0x3FC6] =	sst s0  }
0x8c: {  	_ = 	snop  }
0x8d: {  	s0 =	sld [smem:$0x3FC9]  }
0x8e: {  	s17 =	sld [smem:$0x3FC8]  }
0x8f: {  	s2 =	sld [smem:$0x3FD0];
	(tm) =	ssettm $0x1  }
0x90: {  	s3 =	sld [smem:$0x3FFB];
	_ =	sdelay $0x3  }
0x91: {  	_ =	strace s3  }
0x92: {  	s3 =	sld [smem:$0x3FFC];
	_ =	sdelay $0x3  }
0x93: {  	_ =	strace s3  }
0x94: {  	s3 =	sld [smem:$0x3FFD];
	_ =	sdelay $0x3  }
0x95: {  	_ =	strace s3  }
0x96: {  	_ =	strace $0x8FFFFFFF  }
0x97: {  	s18 =	sld [smem:$0x3FDB];
	_ =	sdelay $0x1  }
0x98: {  	s4 =	simm.s32 $_scs_section_size  }
0x99: {  	s5 =	simm.s32 $_size__tile_overlayer_lowered;
	s6 =	simm.s32 $_tile_overlayer_lowered  }
0x9a: {  	s21 =	simm.s32 $0x1BFF;
	s20 =	sshll.u32 s6, $0x1;
	s3 =	sadd.s32 s4, s18  }
0x9b: {  	s7 =	simm.s32 $0x0;
	s19 =	sshll.u32 s5, $0x1;
	s5 =	sadd.s32 s20, s3  }
0x9c: {  	[timem:s7], [sflag:s21] =	dma.local [hbm:s5], s19  }
0x9d: {  	_ =	swait.ge [sflag:s21], s19  }
0x9e: {  	s4 =	ssub.s32 $0x0, s19;
	[sflag:s21] =	ssyncset.done $0x0  }
0x9f: {  	[sflag:s21] =	ssyncadd.s32 s4;
	_ =	sdelay $0x1  }
0xa0: {  	s22 =	simm.s32 $0x1B8B  }
0xa1: {  	_ =	swait.ge [sflag:s22], $0x1  }
0xa2: {  	[sflag:s22] =	ssyncset.done $0x0  }
0xa3: {  	s23 =	simm.s32 $0x1B8E;
	[sflag:s22] =	ssyncadd.s32 $0xFFFFFFFF  }
0xa4: {  	s24 =	simm.s32 $execute0_lowered;
	[smem:$0x3FD2] =	sst s23  }
0xa5: {  	s4 =	sshll.u32 s24, $0x1;
	_ =	strace $0x80000046;
	[dreg:$0x1] =	wrdreg $0xFFFFFFFF  }
0xa6: {  	s25 =	simm.s32 $_size_execute0_lowered;
	s3 =	sadd.s32 s3, s4;
	[dreg:$0x0] =	wrdreg $0x0  }
0xa7: {  	s4 =	sshll.u32 s25, $0x1;
	[dreg:$0x2] =	wrdreg s3  }
0xa8: {  	[dreg:$0x3] =	wrdreg s4  }
0xa9: {  	[dreg:$0x4] =	wrdreg $0xC0  }
0xaa: {  	_ =	task [dreg:s7], $0x5FFFF  }
0xab: {  	[dreg:$0x1] =	wrdreg $0xFFFFFFFF  }
0xac: {  	[dreg:$0x0] =	wrdreg $0x60  }
0xad: {  	[dreg:$0x2] =	wrdreg s0  }
0xae: {  	[dreg:$0x3] =	wrdreg s17  }
0xaf: {  	[dreg:$0x4] =	wrdreg s2  }
0xb0: {  	[dreg:$0x5] =	wrdreg $0x104800  }
0xb1: {  	[dreg:$0x6] =	wrdreg $0x104900  }
0xb2: {  	[dreg:$0x7] =	wrdreg $0x9  }
0xb3: {  	_ =	task.clear_ibuf [dreg:s7], $0x8FFFF;
	_ =	strace $0x90000046  }
0xb4: {  	s26 =	simm.s32 $0x9;
	_ =	strace $0x80000048  }
0xb5: {  	_ =	swait.ge [sflag:s26], $0x1  }
0xb6: {  	[sflag:s26] =	ssyncadd.s32 $0xFFFFFFFF  }
0xb7: {  	_ =	strace $0x90000048  }
0xb8: {  	_ =	sfence  }
0xb9: {  	s28 =	sld [smem:$0x0];
	_ =	sdelay $0x1  }
0xba: {  	s29 =	srdreg.scid  }
0xbb: {  	s30 =	sshll.u32 s29, $0xD;
	s31 =	sshrl.u32 s29, $0x2  }
0xbc: {  	s1 =	sand.u32 $0x1, s29;
	s2 =	sand.u32 $0x4000, s30;
	s0 =	sadd.s32 s31, s28  }
0xbd: {  	s1 =	sor.u32 s2, s1;
	s0 =	sshll.u32 s0, $0x11  }
0xbe: {  	s0 =	sor.u32 s0, s1  }
0xbf: {  	s0 =	sadd.s32 $0x8F2B, s0  }
0xc0: {  	[sflag:s0] =	ssyncadd.remote.s32 $0x1  }
0xc1: {  	_ =	sfence.sel $0xFFFF  }
0xc2: {  	[dreg:$0x0] =	wrdreg $0xFFFFFFFF;
	(pc) =	sbr.abs _section_cstart, $3  }
0xc3: {  	[dreg:$0x1] =	wrdreg $0xFFFFFFFF  }
0xc4: {  	_ =	task.clear_ibuf [dreg:s7], $0x2FFFF;
	_ =	strace $0x9FFFFFFF  }
0xc5: {  	(tm) =	ssettm $0x7FFFFFFF  }
tec
execute0_lowered:
.L_overlay_start_1:
0x0: {  	(tag) =	ssettag $0x1  }
0x1: {  	s5 =	rddreg [dreg:$0x0]  }
0x2: {  	s7 =	rddreg [dreg:$0x1]  }
0x3: {  	s1 =	rddreg [dreg:$0x2]  }
0x4: {  	s4 =	rddreg [dreg:$0x3]  }
0x5: {  	s2 =	rddreg [dreg:$0x4]  }
0x6: {  	s0 =	rddreg [dreg:$0x5];
	s3 =	simm.s32 $0x0  }
0x7: {  	s6 =	simm.s32 $0x40;
	[smem:$0x7FF] =	sst s3  }
0x8: {  	v0 =	vimm.f32 $0.0e+00;
	s9 =	simm.s32 $0x0;
	s3 =	stileid.u32;
	_ =	strace $0x80000047  }
.LBB2_1:
0x9: {  	p0 =	sne.s32 s6, $0x26C0;
	[tilespmem:s9+$0xF640] =	vst v0;
	s8 =	smov.u32 s6;
	s6 =	sadd.s32 $0x40, s6  }
.Ltmp0:
0xa: {  	(pc) =	sbr.rel @p0 .LBB2_1-.Ltmp0, $2  }
0xb: {  	_ =	sdelay $0x2  }
0xc: {  	s9 =	sshra.s32 s8, $0x2  }
0xd: {  	p0 =	seq.s32 s3, $0xF  }
.Ltmp1:
0xe: {  	_ = 	snop;
	(pc) =	sbr.rel @!p0 .LBB2_3-.Ltmp1, $4  }
0xf: {  	_ = 	snop  }
0x10: {  	s6 =	smul.u32 $0x1E80, s3  }
0x11: {  	s8 =	simm.s32 $0xF7  }
0x12: {  	[tilespmem:s9+$0xF640] =	vst v0;
	s8 =	simm.s32 @!p0 $0xF4;
	s9 =	sadd.s32 s5, s6;
	s6 =	sshll.u32 s3, $0x4  }
0x13: {  	s5 =	sadd.s32 $0x1E800, s5;
	s10 =	simm.s32 $0x0  }
.Ltmp2:
0x14: {  	s11 =	simm.s32 $0xF400;
	s31 =	simm.s32 $0x1;
	(pc) =	sbr.rel .LBB2_7-.Ltmp2, $4  }
0x15: {  	[tilespmem:s11], [sflag:$0x1] =	stream.linear.gather [hbm4b:s5+s10], $0x240, $0x38;
	[tilespmem:$0x104A0] =	vst v63  }
0x16: {  	_ =	swait.ge [sflag:s31], $0x240  }
0x17: {  	[sflag:s31] =	ssyncset.done $0x0  }
0x18: {  	[sflag:s31] =	ssyncadd.s32 $0xFFFFFDC0  }
.LBB2_3:
0x19: {  	s10 =	simm.s32 $0x0  }
0x1a: {  	v0 =	vimm.f32 $0.0e+00;
	s5 =	simm.s32 $0x10;
	s10 =	sand.u32 $0x3F0, s10  }
.LBB2_4:
0x1b: {  	p1 =	seq.s32 s5, $0x230;
	[tilespmem:s10+$0xF400] =	vst v0;
	s10 =	smov.u32 s5;
	s5 =	sadd.s32 $0x10, s5  }
.Ltmp3:
0x1c: {  	(pc) =	sbr.rel @!p1 .LBB2_4-.Ltmp3, $2  }
0x1d: {  	_ =	sdelay $0x2  }
0x1e: {  	s10 =	sand.u32 $0x3F0, s10  }
0x1f: {  	[tilespmem:s10+$0xF400] =	vst v0  }
.LBB2_7:
0x20: {  	s5 =	simm.s32 $0x0;
	s30 =	simm.s32 $0x1  }
0x21: {  	[tilespmem:s5], [sflag:$0x1] =	stream.linear.gather [hbm4b:s9+s5], $0xF400, $0x38;
	[tilespmem:$0x104A0] =	vst v63  }
0x22: {  	_ =	swait.ge [sflag:s30], $0xF400  }
0x23: {  	[sflag:s30] =	ssyncset.done $0x0  }
0x24: {  	s10 =	simm.s32 $0x10000;
	[sflag:s30] =	ssyncadd.s32 $0xFFFF0C00  }
0x25: {  	[tilespmem:s10], [sflag:$0x1] =	stream.linear.gather [hbm4b:s7+s5], $0x80, $0x38;
	[tilespmem:$0x104A0] =	vst v63  }
0x26: {  	_ =	swait.ge [sflag:s30], $0x80  }
0x27: {  	s31 =	simm.s32 $0x0;
	[sflag:s30] =	ssyncset.done $0x0  }
0x28: {  	s7 =	sand.u32 $0x3FFFF000, s31;
	[sflag:s30] =	ssyncadd.s32 $0xFFFFFF80  }
0x29: {  	v62 =	vld [tilespmem:s7+$0xA00];
	_ =	sdelay $0x4  }
0x2a: {  	[tilespmem:$0x1FA80] =	vst v62;
	v62 =	vld [tilespmem:s7+$0xA10];
	_ =	sdelay $0x4  }
0x2b: {  	[tilespmem:$0x1FA90] =	vst v62;
	v62 =	vld [tilespmem:s7+$0xA20];
	_ =	sdelay $0x4  }
0x2c: {  	[tilespmem:$0x1FAA0] =	vst v62;
	v62 =	vld [tilespmem:s7+$0xA30];
	_ =	sdelay $0x4  }
0x2d: {  	[tilespmem:$0x1FAB0] =	vst v62;
	v62 =	vld [tilespmem:s7+$0xA40];
	_ =	sdelay $0x4  }
0x2e: {  	[tilespmem:$0x1FAC0] =	vst v62;
	v62 =	vld [tilespmem:s7+$0xA50];
	_ =	sdelay $0x4  }
0x2f: {  	[tilespmem:$0x1FAD0] =	vst v62;
	v62 =	vld [tilespmem:s7+$0xA60];
	_ =	sdelay $0x4  }
0x30: {  	[tilespmem:$0x1FAE0] =	vst v62;
	v62 =	vld [tilespmem:s7+$0xA70];
	_ =	sdelay $0x4  }
0x31: {  	[tilespmem:$0x1FAF0] =	vst v62;
	v62 =	vld [tilespmem:s7+$0xA80];
	_ =	sdelay $0x4  }
0x32: {  	[tilespmem:$0x1FC40] =	vst v62;
	v62 =	vld [tilespmem:s7+$0xA90];
	_ =	sdelay $0x4  }
0x33: {  	[tilespmem:$0x1FC50] =	vst v62;
	v62 =	vld [tilespmem:s7+$0xAA0];
	_ =	sdelay $0x4  }
0x34: {  	[tilespmem:$0x1FC60] =	vst v62;
	v62 =	vld [tilespmem:s7+$0xAB0];
	_ =	sdelay $0x4  }
0x35: {  	[tilespmem:$0x1FC70] =	vst v62;
	v62 =	vld [tilespmem:s7+$0x900];
	_ =	sdelay $0x4  }
0x36: {  	[tilespmem:$0x1FB40] =	vst v62;
	v62 =	vld [tilespmem:s7+$0x910];
	_ =	sdelay $0x4  }
0x37: {  	[tilespmem:$0x1FB50] =	vst v62;
	v62 =	vld [tilespmem:s7+$0x920];
	_ =	sdelay $0x4  }
0x38: {  	[tilespmem:$0x1FB60] =	vst v62;
	v62 =	vld [tilespmem:s7+$0x930];
	_ =	sdelay $0x4  }
0x39: {  	[tilespmem:$0x1FB70] =	vst v62;
	v62 =	vld [tilespmem:s7+$0x940];
	_ =	sdelay $0x4  }
0x3a: {  	[tilespmem:$0x1FB80] =	vst v62;
	v62 =	vld [tilespmem:s7+$0x950];
	_ =	sdelay $0x4  }
0x3b: {  	[tilespmem:$0x1FB90] =	vst v62;
	v62 =	vld [tilespmem:s7+$0x960];
	_ =	sdelay $0x4  }
0x3c: {  	[tilespmem:$0x1FBA0] =	vst v62;
	v62 =	vld [tilespmem:s7+$0x970];
	_ =	sdelay $0x4  }
0x3d: {  	[tilespmem:$0x1FBB0] =	vst v62;
	v62 =	vld [tilespmem:s7+$0x980];
	_ =	sdelay $0x4  }
0x3e: {  	[tilespmem:$0x1FBC0] =	vst v62;
	v62 =	vld [tilespmem:s7+$0x990];
	_ =	sdelay $0x4  }
0x3f: {  	[tilespmem:$0x1FBD0] =	vst v62;
	v62 =	vld [tilespmem:s7+$0x9A0];
	_ =	sdelay $0x4  }
0x40: {  	[tilespmem:$0x1FBE0] =	vst v62;
	v62 =	vld [tilespmem:s7+$0x9B0];
	_ =	sdelay $0x4  }
0x41: {  	[tilespmem:$0x1FBF0] =	vst v62;
	v62 =	vld [tilespmem:s7+$0x9C0];
	_ =	sdelay $0x4  }
0x42: {  	[tilespmem:$0x1FC00] =	vst v62;
	v62 =	vld [tilespmem:s7+$0x9D0];
	_ =	sdelay $0x4  }
0x43: {  	[tilespmem:$0x1FC10] =	vst v62;
	v62 =	vld [tilespmem:s7+$0x9E0];
	_ =	sdelay $0x4  }
0x44: {  	[tilespmem:$0x1FC20] =	vst v62;
	v62 =	vld [tilespmem:s7+$0x9F0];
	_ =	sdelay $0x4  }
0x45: {  	[tilespmem:$0x1FC30] =	vst v62;
	v62 =	vld [tilespmem:s7+$0x800];
	_ =	sdelay $0x4  }
0x46: {  	[tilespmem:$0x1FC80] =	vst v62;
	v62 =	vld [tilespmem:s7+$0x810];
	_ =	sdelay $0x4  }
0x47: {  	[tilespmem:$0x1FC90] =	vst v62;
	v62 =	vld [tilespmem:s7+$0x820];
	_ =	sdelay $0x4  }
0x48: {  	[tilespmem:$0x1FCA0] =	vst v62;
	v62 =	vld [tilespmem:s7+$0x830];
	_ =	sdelay $0x4  }
0x49: {  	[tilespmem:$0x1FCB0] =	vst v62;
	v62 =	vld [tilespmem:s7+$0x840];
	_ =	sdelay $0x4  }
0x4a: {  	[tilespmem:$0x1FCD0] =	vst v62;
	v62 =	vld [tilespmem:s7+$0x850];
	_ =	sdelay $0x4  }
0x4b: {  	[tilespmem:$0x1FCE0] =	vst v62;
	v62 =	vld [tilespmem:s7+$0x860];
	_ =	sdelay $0x4  }
0x4c: {  	[tilespmem:$0x1FE00] =	vst v62;
	v62 =	vld [tilespmem:s7+$0x870];
	_ =	sdelay $0x4  }
0x4d: {  	[tilespmem:$0x1FE10] =	vst v62;
	v62 =	vld [tilespmem:s7+$0x880];
	_ =	sdelay $0x4  }
0x4e: {  	[tilespmem:$0x1FE30] =	vst v62;
	v62 =	vld [tilespmem:s7+$0x890];
	_ =	sdelay $0x4  }
0x4f: {  	[tilespmem:$0x1FE40] =	vst v62;
	v62 =	vld [tilespmem:s7+$0x8A0];
	_ =	sdelay $0x4  }
0x50: {  	[tilespmem:$0x1FEA0] =	vst v62;
	v62 =	vld [tilespmem:s7+$0x8B0];
	_ =	sdelay $0x4  }
0x51: {  	[tilespmem:$0x1FEB0] =	vst v62;
	v62 =	vld [tilespmem:s7+$0x700];
	_ =	sdelay $0x4  }
0x52: {  	[tilespmem:$0x1FD00] =	vst v62;
	v62 =	vld [tilespmem:s7+$0x710];
	_ =	sdelay $0x4  }
0x53: {  	[tilespmem:$0x1FD10] =	vst v62;
	v62 =	vld [tilespmem:s7+$0x720];
	_ =	sdelay $0x4  }
0x54: {  	[tilespmem:$0x1FD20] =	vst v62;
	v62 =	vld [tilespmem:s7+$0x730];
	_ =	sdelay $0x4  }
0x55: {  	[tilespmem:$0x1FD30] =	vst v62;
	v62 =	vld [tilespmem:s7+$0x740];
	_ =	sdelay $0x4  }
0x56: {  	[tilespmem:$0x1FD40] =	vst v62;
	v62 =	vld [tilespmem:s7+$0x750];
	_ =	sdelay $0x4  }
0x57: {  	[tilespmem:$0x1FD50] =	vst v62;
	v62 =	vld [tilespmem:s7+$0x760];
	_ =	sdelay $0x4  }
0x58: {  	[tilespmem:$0x1FD60] =	vst v62;
	v62 =	vld [tilespmem:s7+$0x770];
	_ =	sdelay $0x1  }
0x59: {  	v31 =	vld [tilespmem:s7+$0xF80]  }
0x5a: {  	v26 =	vld [tilespmem:s7+$0xF90]  }
0x5b: {  	v27 =	vld [tilespmem:s7+$0xFA0]  }
0x5c: {  	[tilespmem:$0x1FD70] =	vst v62;
	v62 =	vld [tilespmem:s7+$0x780]  }
0x5d: {  	v21 =	vld [tilespmem:s7+$0xFB0]  }
0x5e: {  	v0 =	vld [tilespmem:s7+$0xFC0]  }
0x5f: {  	v24 =	vld [tilespmem:s7+$0xE20]  }
0x60: {  	v16 =	vld [tilespmem:s7+$0xE30]  }
0x61: {  	[tilespmem:$0x1FD80] =	vst v62;
	v62 =	vld [tilespmem:s7+$0x790]  }
0x62: {  	v17 =	vld [tilespmem:s7+$0xE40]  }
0x63: {  	v12 =	vld [tilespmem:s7+$0xE50]  }
0x64: {  	v18 =	vld [tilespmem:s7+$0xE60]  }
0x65: {  	v13 =	vld [tilespmem:s7+$0xE70]  }
0x66: {  	[tilespmem:$0x1FD90] =	vst v62;
	v62 =	vld [tilespmem:s7+$0x7A0]  }
0x67: {  	v43 =	vld [tilespmem:s7+$0xE80]  }
0x68: {  	v39 =	vld [tilespmem:s7+$0xE90]  }
0x69: {  	v44 =	vld [tilespmem:s7+$0xEA0]  }
0x6a: {  	v40 =	vld [tilespmem:s7+$0xEB0]  }
0x6b: {  	[tilespmem:$0x1FDA0] =	vst v62;
	v62 =	vld [tilespmem:s7+$0x7B0]  }
0x6c: {  	v19 =	vld [tilespmem:s7+$0xD00]  }
0x6d: {  	v14 =	vld [tilespmem:s7+$0xD10]  }
0x6e: {  	v20 =	vld [tilespmem:s7+$0xD20]  }
0x6f: {  	v15 =	vld [tilespmem:s7+$0xD30]  }
0x70: {  	[tilespmem:$0x1FDB0] =	vst v62;
	v62 =	vld [tilespmem:s7+$0x7C0]  }
0x71: {  	v10 =	vld [tilespmem:s7+$0xD40]  }
0x72: {  	v8 =	vld [tilespmem:s7+$0xD50]  }
0x73: {  	v11 =	vld [tilespmem:s7+$0xD60]  }
0x74: {  	v5 =	vld [tilespmem:s7+$0xD70]  }
0x75: {  	[tilespmem:$0x1FDC0] =	vst v62;
	v62 =	vld [tilespmem:s7+$0x7D0]  }
0x76: {  	v9 =	vld [tilespmem:s7+$0xD80]  }
0x77: {  	[tilespmem:$0x1F900] =	vst v0;
	v0 =	vld [tilespmem:s7+$0xFD0]  }
0x78: {  	v4 =	vld [tilespmem:s7+$0xD90]  }
0x79: {  	v7 =	vld [tilespmem:s7+$0xDA0]  }
0x7a: {  	[tilespmem:$0x1FDD0] =	vst v62;
	v62 =	vld [tilespmem:s7+$0x7E0]  }
0x7b: {  	v6 =	vld [tilespmem:s7+$0xDB0]  }
0x7c: {  	[tilespmem:$0x1F910] =	vst v0;
	v0 =	vld [tilespmem:s7+$0xFE0]  }
0x7d: {  	v2 =	vld [tilespmem:s7+$0xDC0]  }
0x7e: {  	v3 =	vld [tilespmem:s7+$0xDE0]  }
0x7f: {  	[tilespmem:$0x1FDE0] =	vst v62;
	v62 =	vld [tilespmem:s7+$0x7F0]  }
0x80: {  	v1 =	vld [tilespmem:s7+$0xDF0]  }
0x81: {  	[tilespmem:$0x1F930] =	vst v0;
	v0 =	vld [tilespmem:s7+$0xFF0]  }
0x82: {  	v32 =	vld [tilespmem:s7+$0xC00]  }
0x83: {  	v58 =	vld [tilespmem:s7+$0xC10]  }
0x84: {  	[tilespmem:$0x1FDF0] =	vst v62;
	v62 =	vld [tilespmem:s7+$0x600]  }
0x85: {  	v63 =	vld [tilespmem:s7+$0xC20]  }
0x86: {  	[tilespmem:$0x1F940] =	vst v0;
	v0 =	vld [tilespmem:s7+$0xEC0]  }
0x87: {  	v59 =	vld [tilespmem:s7+$0xC30]  }
0x88: {  	v60 =	vld [tilespmem:s7+$0xC40]  }
0x89: {  	[tilespmem:$0x1FE60] =	vst v62;
	v62 =	vld [tilespmem:s7+$0x610]  }
0x8a: {  	v51 =	vld [tilespmem:s7+$0xC50]  }
0x8b: {  	[tilespmem:$0x1F980] =	vst v0;
	v0 =	vld [tilespmem:s7+$0xED0]  }
0x8c: {  	v61 =	vld [tilespmem:s7+$0xC60]  }
0x8d: {  	v52 =	vld [tilespmem:s7+$0xC70]  }
0x8e: {  	[tilespmem:$0x1FE70] =	vst v62;
	v62 =	vld [tilespmem:s7+$0x620]  }
0x8f: {  	v41 =	vld [tilespmem:s7+$0xC80]  }
0x90: {  	[tilespmem:$0x1F990] =	vst v0;
	v0 =	vld [tilespmem:s7+$0xEE0]  }
0x91: {  	v12 =	vadd.f32 v12, v17;
	v17 =	vld [tilespmem:s7+$0x530]  }
0x92: {  	v42 =	vld [tilespmem:s7+$0xC90]  }
0x93: {  	[tilespmem:$0x1FE80] =	vst v62;
	v62 =	vld [tilespmem:s7+$0x630]  }
0x94: {  	v45 =	vld [tilespmem:s7+$0xCA0]  }
0x95: {  	[tilespmem:$0x1F9D0] =	vst v0;
	v0 =	vld [tilespmem:s7+$0xEF0]  }
0x96: {  	[tilespmem:$0x1FF30] =	vst v17;
	v17 =	vld [tilespmem:$0x1F900]  }
0x97: {  	v13 =	vadd.f32 v13, v18;
	v18 =	vld [tilespmem:$0x1F910]  }
0x98: {  	[tilespmem:$0x1FE90] =	vst v62;
	v62 =	vld [tilespmem:s7+$0x640]  }
0x99: {  	v46 =	vld [tilespmem:s7+$0xCB0]  }
0x9a: {  	[tilespmem:$0x1F9E0] =	vst v0;
	v0 =	vld [tilespmem:s7+$0xDD0]  }
0x9b: {  	v48 =	vld [tilespmem:s7+$0xCC0]  }
0x9c: {  	v49 =	vld [tilespmem:s7+$0xCD0];
	v17 =	vadd.f32 v18, v17  }
0x9d: {  	[tilespmem:$0x1FED0] =	vst v62;
	v62 =	vld [tilespmem:s7+$0x650]  }
0x9e: {  	[tilespmem:$0x1F920] =	vst v17;
	v17 =	vld [tilespmem:$0x1F930]  }
0x9f: {  	v18 =	vld [tilespmem:$0x1F940];
	v0 =	vadd.f32 v0, v2;
	v2 =	vadd.f32 v1, v3  }
0xa0: {  	v8 =	vadd.f32 v8, v10;
	v10 =	vadd.f32 v5, v11;
	v5 =	vld [tilespmem:$0x1F990]  }
0xa1: {  	v0 =	vadd.f32 v2, v0;
	v2 =	vld [tilespmem:$0x1F980]  }
0xa2: {  	[tilespmem:$0x1FEE0] =	vst v62;
	v62 =	vld [tilespmem:s7+$0x660]  }
0xa3: {  	v50 =	vld [tilespmem:s7+$0xCE0]  }
0xa4: {  	v53 =	vld [tilespmem:s7+$0xCF0];
	v12 =	vadd.f32 v13, v12  }
0xa5: {  	v56 =	vld [tilespmem:s7+$0xB00];
	v14 =	vadd.f32 v14, v19;
	v15 =	vadd.f32 v15, v20  }
0xa6: {  	v57 =	vld [tilespmem:s7+$0xB20];
	[tilespmem:$0x1F970] =	vst v12;
	v12 =	vadd.f32 v39, v43;
	v17 =	vadd.f32 v18, v17  }
0xa7: {  	v18 =	vadd.f32 v40, v44;
	v2 =	vadd.f32 v5, v2;
	[tilespmem:$0x1FF50] =	vst v62;
	v62 =	vld [tilespmem:s7+$0x670]  }
0xa8: {  	v55 =	vld [tilespmem:s7+$0xB30];
	v4 =	vadd.f32 v4, v9;
	v6 =	vadd.f32 v6, v7  }
0xa9: {  	v35 =	vld [tilespmem:s7+$0xBB0];
	v7 =	vadd.f32 v10, v8;
	[tilespmem:$0x1F9A0] =	vst v2;
	v2 =	vadd.f32 v18, v12  }
0xaa: {  	v36 =	vld [tilespmem:s7+$0xBC0];
	[tilespmem:$0x1F9C0] =	vst v32;
	v4 =	vadd.f32 v6, v4;
	v3 =	vadd.f32 v15, v14  }
0xab: {  	v34 =	vld [tilespmem:s7+$0xBD0];
	[tilespmem:$0x1F9B0] =	vst v2  }
0xac: {  	v0 =	vadd.f32 v0, v4;
	v2 =	vadd.f32 v7, v3;
	[tilespmem:$0x1FF60] =	vst v62;
	v62 =	vld [tilespmem:s7+$0x680]  }
0xad: {  	v38 =	vld [tilespmem:s7+$0xBE0];
	[tilespmem:$0x1FA10] =	vst v41  }
0xae: {  	[tilespmem:$0x1FA20] =	vst v42;
	v3 =	vld [tilespmem:$0x1F9C0];
	v0 =	vadd.f32 v0, v2  }
0xaf: {  	[tilespmem:$0x1FA30] =	vst v45;
	v2 =	vld [tilespmem:$0x1F9E0]  }
0xb0: {  	[tilespmem:$0x1FFE0] =	vst v0;
	v0 =	vld [tilespmem:$0x1F9D0]  }
0xb1: {  	[tilespmem:$0x1FF80] =	vst v62;
	v62 =	vld [tilespmem:s7+$0x690]  }
0xb2: {  	[tilespmem:$0x1FB10] =	vst v53;
	v53 =	vld [tilespmem:s7+$0xB10]  }
0xb3: {  	[tilespmem:$0x1FA60] =	vst v49;
	v49 =	vld [tilespmem:s7+$0xB40]  }
0xb4: {  	[tilespmem:$0x1FA40] =	vst v46;
	v45 =	vld [tilespmem:s7+$0xB50];
	v4 =	vadd.f32 v59, v63;
	v3 =	vadd.f32 v58, v3  }
0xb5: {  	[tilespmem:$0x1FB00] =	vst v50;
	v50 =	vld [tilespmem:s7+$0xB60];
	v6 =	vadd.f32 v51, v60;
	v7 =	vadd.f32 v52, v61  }
0xb6: {  	v46 =	vld [tilespmem:s7+$0xB70];
	[tilespmem:$0x1FF90] =	vst v62;
	v62 =	vadd.f32 v2, v0;
	v0 =	vadd.f32 v4, v3  }
0xb7: {  	[tilespmem:$0x1FA50] =	vst v48;
	v48 =	vld [tilespmem:s7+$0xB80]  }
0xb8: {  	v41 =	vld [tilespmem:s7+$0xB90];
	[tilespmem:$0x1F9F0] =	vst v0;
	v0 =	vadd.f32 v7, v6  }
0xb9: {  	v2 =	vld [tilespmem:$0x1FA20]  }
0xba: {  	[tilespmem:$0x1FA00] =	vst v0;
	v0 =	vld [tilespmem:$0x1FA10]  }
0xbb: {  	v42 =	vld [tilespmem:s7+$0xBA0]  }
0xbc: {  	v32 =	vld [tilespmem:s7+$0xBF0]  }
0xbd: {  	v26 =	vadd.f32 v26, v31;
	v5 =	vld [tilespmem:$0x1FA60]  }
0xbe: {  	v21 =	vadd.f32 v21, v27;
	v16 =	vadd.f32 v16, v24;
	v3 =	vld [tilespmem:$0x1FA40]  }
0xbf: {  	v24 =	vadd.f32 v34, v36;
	v0 =	vadd.f32 v2, v0;
	v2 =	vld [tilespmem:$0x1FA30]  }
0xc0: {  	v8 =	vadd.f32 v45, v49;
	v10 =	vadd.f32 v46, v50;
	v4 =	vld [tilespmem:$0x1FA50]  }
0xc1: {  	v21 =	vadd.f32 v21, v26;
	v26 =	vadd.f32 v32, v38  }
0xc2: {  	v8 =	vadd.f32 v10, v8;
	v14 =	vadd.f32 v35, v42  }
0xc3: {  	v12 =	vadd.f32 v41, v48;
	v6 =	vadd.f32 v55, v57  }
0xc4: {  	v2 =	vadd.f32 v3, v2;
	v3 =	vadd.f32 v53, v56  }
0xc5: {  	v24 =	vadd.f32 v26, v24;
	v4 =	vadd.f32 v5, v4  }
0xc6: {  	v14 =	vadd.f32 v14, v12;
	v3 =	vadd.f32 v6, v3  }
0xc7: {  	[tilespmem:$0x1FA70] =	vst v4;
	v4 =	vld [tilespmem:$0x1FA90];
	v56 =	vadd.f32 v2, v0  }
0xc8: {  	v2 =	vadd.f32 v24, v14;
	v0 =	vadd.f32 v8, v3;
	v3 =	vld [tilespmem:$0x1FA80];
	_ =	sdelay $0x1  }
0xc9: {  	v5 =	vld [tilespmem:$0x1FAB0];
	v0 =	vadd.f32 v2, v0  }
0xca: {  	v2 =	vld [tilespmem:$0x1FB10]  }
0xcb: {  	[tilespmem:$0x1FFF0] =	vst v0;
	v0 =	vld [tilespmem:$0x1FB00]  }
0xcc: {  	v3 =	vadd.f32 v4, v3;
	v4 =	vld [tilespmem:$0x1FAA0];
	_ =	sdelay $0x4  }
0xcd: {  	v0 =	vadd.f32 v2, v0;
	v14 =	vadd.f32 v5, v4  }
0xce: {  	v4 =	vld [tilespmem:$0x1FAC0]  }
0xcf: {  	v5 =	vld [tilespmem:$0x1FAD0];
	[tilespmem:$0x1FB20] =	vst v0;
	v0 =	vadd.f32 v14, v3  }
0xd0: {  	v2 =	vld [tilespmem:$0x1FB50]  }
0xd1: {  	[tilespmem:$0x1FB30] =	vst v0;
	v0 =	vld [tilespmem:$0x1FB40];
	_ =	sdelay $0x1  }
0xd2: {  	v3 =	vld [tilespmem:$0x1FB70]  }
0xd3: {  	v24 =	vadd.f32 v5, v4;
	v4 =	vld [tilespmem:$0x1FAE0]  }
0xd4: {  	v5 =	vld [tilespmem:$0x1FAF0]  }
0xd5: {  	v0 =	vadd.f32 v2, v0;
	v2 =	vld [tilespmem:$0x1FB60];
	_ =	sdelay $0x3  }
0xd6: {  	v26 =	vadd.f32 v5, v4;
	v4 =	vld [tilespmem:$0x1FB90]  }
0xd7: {  	v2 =	vadd.f32 v3, v2;
	v3 =	vld [tilespmem:$0x1FB80];
	_ =	sdelay $0x1  }
0xd8: {  	v30 =	vld [tilespmem:s7+$0xF60]  }
0xd9: {  	v25 =	vld [tilespmem:s7+$0xF70]  }
0xda: {  	v5 =	vld [tilespmem:$0x1FBB0]  }
0xdb: {  	v3 =	vadd.f32 v4, v3;
	v4 =	vld [tilespmem:$0x1FBA0];
	_ =	sdelay $0x3  }
0xdc: {  	v25 =	vadd.f32 v25, v30;
	v30 =	vld [tilespmem:s7+$0x6B0]  }
0xdd: {  	v14 =	vadd.f32 v5, v4;
	v4 =	vld [tilespmem:$0x1FBC0]  }
0xde: {  	v5 =	vld [tilespmem:$0x1FBD0];
	_ =	sdelay $0x4  }
0xdf: {  	[tilespmem:$0x1FFC0] =	vst v30;
	v30 =	vadd.f32 v5, v4;
	v4 =	vld [tilespmem:$0x1FBE0]  }
0xe0: {  	v5 =	vld [tilespmem:$0x1FBF0];
	_ =	sdelay $0x4  }
0xe1: {  	v57 =	vadd.f32 v5, v4;
	v4 =	vld [tilespmem:$0x1FC00]  }
0xe2: {  	v5 =	vld [tilespmem:$0x1FC10]  }
0xe3: {  	v37 =	vld [tilespmem:s7+$0xF00]  }
0xe4: {  	v47 =	vld [tilespmem:s7+$0xF10]  }
0xe5: {  	v54 =	vld [tilespmem:s7+$0xF20]  }
0xe6: {  	v28 =	vld [tilespmem:s7+$0xF30]  }
0xe7: {  	v58 =	vadd.f32 v5, v4;
	v4 =	vld [tilespmem:$0x1FC20]  }
0xe8: {  	v5 =	vld [tilespmem:$0x1FC30]  }
0xe9: {  	v33 =	vld [tilespmem:s7+$0xF40]  }
0xea: {  	v29 =	vld [tilespmem:s7+$0xF50]  }
0xeb: {  	v23 =	vld [tilespmem:s7+$0xE00]  }
0xec: {  	v22 =	vld [tilespmem:s7+$0xE10]  }
0xed: {  	v59 =	vadd.f32 v5, v4;
	v4 =	vld [tilespmem:$0x1FC40]  }
0xee: {  	v28 =	vadd.f32 v28, v54;
	v5 =	vld [tilespmem:$0x1FC50]  }
0xef: {  	v54 =	vld [tilespmem:s7+$0x6A0];
	v0 =	vadd.f32 v2, v0;
	v2 =	vadd.f32 v14, v3  }
0xf0: {  	v27 =	vld [tilespmem:s7+$0x500];
	v3 =	vadd.f32 v57, v30;
	v14 =	vadd.f32 v59, v58  }
0xf1: {  	v19 =	vld [tilespmem:s7+$0x570]  }
0xf2: {  	v0 =	vadd.f32 v2, v0;
	v2 =	vadd.f32 v14, v3;
	v3 =	vld [tilespmem:$0x1FC60]  }
0xf3: {  	v44 =	vadd.f32 v26, v24;
	v24 =	vadd.f32 v5, v4;
	v4 =	vld [tilespmem:$0x1FC70]  }
0xf4: {  	v9 =	vld [tilespmem:s7+$0x590]  }
0xf5: {  	v11 =	vld [tilespmem:s7+$0x5A0]  }
0xf6: {  	v20 =	vld [tilespmem:s7+$0x410]  }
0xf7: {  	v29 =	vadd.f32 v29, v33;
	v33 =	vld [tilespmem:s7+$0x430]  }
0xf8: {  	v31 =	vld [tilespmem:s7+$0x440];
	v3 =	vadd.f32 v4, v3  }
0xf9: {  	v34 =	vld [tilespmem:s7+$0x300]  }
0xfa: {  	v36 =	vld [tilespmem:s7+$0x320];
	v14 =	vadd.f32 v2, v0;
	v0 =	vadd.f32 v3, v24  }
0xfb: {  	v2 =	vld [tilespmem:$0x1FCE0]  }
0xfc: {  	[tilespmem:$0x1FCC0] =	vst v0;
	v0 =	vld [tilespmem:$0x1FCD0]  }
0xfd: {  	v37 =	vadd.f32 v47, v37;
	v47 =	vld [tilespmem:s7+$0x370]  }
0xfe: {  	v25 =	vadd.f32 v25, v29;
	v29 =	vld [tilespmem:s7+$0x420]  }
0xff: {  	v51 =	vld [tilespmem:s7+$0x3C0]  }
0x100: {  	v5 =	vld [tilespmem:$0x1FC90]  }
0x101: {  	v4 =	vld [tilespmem:$0x1FC80];
	v0 =	vadd.f32 v2, v0  }
0x102: {  	v2 =	vld [tilespmem:$0x1FD10]  }
0x103: {  	[tilespmem:$0x1FCF0] =	vst v0;
	v0 =	vld [tilespmem:$0x1FD00]  }
0x104: {  	v13 =	vld [tilespmem:s7+$0x280]  }
0x105: {  	v3 =	vld [tilespmem:$0x1FD30]  }
0x106: {  	v26 =	vadd.f32 v5, v4;
	v4 =	vld [tilespmem:$0x1FCA0]  }
0x107: {  	v5 =	vld [tilespmem:$0x1FCB0]  }
0x108: {  	v0 =	vadd.f32 v2, v0;
	v2 =	vld [tilespmem:$0x1FD20]  }
0x109: {  	[tilespmem:$0x1F8E0] =	vst v25;
	v25 =	vld [tilespmem:s7+$0x510]  }
0x10a: {  	[tilespmem:$0x1F8F0] =	vst v21;
	v21 =	vadd.f32 v22, v23;
	v22 =	vld [tilespmem:s7+$0x520]  }
0x10b: {  	v23 =	vld [tilespmem:s7+$0x5C0]  }
0x10c: {  	v30 =	vadd.f32 v5, v4;
	v4 =	vld [tilespmem:$0x1FD50]  }
0x10d: {  	v2 =	vadd.f32 v3, v2;
	v3 =	vld [tilespmem:$0x1FD40]  }
0x10e: {  	v39 =	vld [tilespmem:s7+$0x450]  }
0x10f: {  	[tilespmem:$0x1FF00] =	vst v27;
	v27 =	vadd.f32 v28, v37;
	v28 =	vld [tilespmem:s7+$0x5E0]  }
0x110: {  	v37 =	vld [tilespmem:s7+$0x5F0]  }
0x111: {  	v5 =	vld [tilespmem:$0x1FD70]  }
0x112: {  	v3 =	vadd.f32 v4, v3;
	v4 =	vld [tilespmem:$0x1FD60]  }
0x113: {  	v38 =	vld [tilespmem:s7+$0x330]  }
0x114: {  	v49 =	vld [tilespmem:s7+$0x380]  }
0x115: {  	v50 =	vld [tilespmem:s7+$0x3A0]  }
0x116: {  	[tilespmem:$0x1FFB0] =	vst v54;
	v54 =	vld [tilespmem:s7+$0x3F0]  }
0x117: {  	v24 =	vadd.f32 v5, v4;
	v4 =	vld [tilespmem:$0x1FD80]  }
0x118: {  	v5 =	vld [tilespmem:$0x1FD90]  }
0x119: {  	v46 =	vld [tilespmem:s7+$0x210]  }
0x11a: {  	v16 =	vadd.f32 v16, v21;
	v21 =	vld [tilespmem:s7+$0x560]  }
0x11b: {  	[tilespmem:$0x1F8D0] =	vst v27;
	v27 =	vld [tilespmem:s7+$0x5D0]  }
0x11c: {  	[tilespmem:$0x1F960] =	vst v16;
	v16 =	vld [tilespmem:s7+$0x580]  }
0x11d: {  	v32 =	vadd.f32 v5, v4;
	v4 =	vld [tilespmem:$0x1FDA0]  }
0x11e: {  	v5 =	vld [tilespmem:$0x1FDB0]  }
0x11f: {  	[tilespmem:$0x1FF10] =	vst v25;
	v25 =	vld [tilespmem:s7+$0x540]  }
0x120: {  	[tilespmem:$0x1FF20] =	vst v22;
	v22 =	vld [tilespmem:s7+$0x550]  }
0x121: {  	v10 =	vld [tilespmem:s7+$0x4A0]  }
0x122: {  	v19 =	vadd.f32 v19, v21;
	v21 =	vadd.f32 v37, v28;
	v37 =	vld [tilespmem:s7+$0x130]  }
0x123: {  	v43 =	vadd.f32 v5, v4;
	v4 =	vld [tilespmem:$0x1FDC0]  }
0x124: {  	v9 =	vadd.f32 v9, v16;
	v5 =	vld [tilespmem:$0x1FDD0]  }
0x125: {  	v16 =	vadd.f32 v27, v23;
	v23 =	vld [tilespmem:s7+$0x120];
	v22 =	vadd.f32 v22, v25  }
0x126: {  	v25 =	vld [tilespmem:s7+$0x1B0]  }
0x127: {  	v19 =	vadd.f32 v19, v22;
	v22 =	vld [tilespmem:s7+$0x100]  }
0x128: {  	v40 =	vld [tilespmem:s7+$0x340]  }
0x129: {  	v60 =	vadd.f32 v5, v4;
	v4 =	vld [tilespmem:$0x1FDE0]  }
0x12a: {  	v5 =	vld [tilespmem:$0x1FDF0]  }
0x12b: {  	v1 =	vld [tilespmem:s7+$0x5B0]  }
0x12c: {  	[tilespmem:$0x1F950] =	vst v17;
	v17 =	vld [tilespmem:s7+$0x480]  }
0x12d: {  	v15 =	vld [tilespmem:s7+$0x400]  }
0x12e: {  	v35 =	vld [tilespmem:s7+$0x310]  }
0x12f: {  	v63 =	vadd.f32 v5, v4;
	v4 =	vld [tilespmem:$0x1FE00]  }
0x130: {  	v11 =	vadd.f32 v1, v11;
	v5 =	vld [tilespmem:$0x1FE10]  }
0x131: {  	v42 =	vld [tilespmem:s7+$0x360]  }
0x132: {  	v1 =	vld [tilespmem:s7+$0x2D0];
	v9 =	vadd.f32 v11, v9;
	v11 =	vadd.f32 v21, v16  }
0x133: {  	v21 =	vld [tilespmem:s7+$0x110];
	v0 =	vadd.f32 v2, v0;
	v2 =	vadd.f32 v24, v3  }
0x134: {  	v18 =	vld [tilespmem:s7+$0x460];
	v3 =	vadd.f32 v43, v32;
	v24 =	vadd.f32 v63, v60  }
0x135: {  	v41 =	vld [tilespmem:s7+$0x350];
	v4 =	vadd.f32 v5, v4  }
0x136: {  	v0 =	vadd.f32 v2, v0;
	v2 =	vadd.f32 v24, v3;
	v3 =	vld [tilespmem:$0x1FE30]  }
0x137: {  	[tilespmem:$0x1FE20] =	vst v4;
	v4 =	vld [tilespmem:$0x1FE40]  }
0x138: {  	v48 =	vld [tilespmem:s7+$0x390]  }
0x139: {  	v12 =	vld [tilespmem:s7+$0x4B0]  }
0x13a: {  	v45 =	vadd.f32 v30, v26;
	v30 =	vadd.f32 v2, v0;
	v0 =	vld [tilespmem:$0x1FEA0]  }
0x13b: {  	v2 =	vld [tilespmem:$0x1FEB0]  }
0x13c: {  	v61 =	vld [tilespmem:s7+$0x3B0];
	v3 =	vadd.f32 v4, v3  }
0x13d: {  	v4 =	vld [tilespmem:$0x1FE70]  }
0x13e: {  	[tilespmem:$0x1FE50] =	vst v3;
	v3 =	vld [tilespmem:$0x1FE60]  }
0x13f: {  	v52 =	vld [tilespmem:s7+$0x3D0]  }
0x140: {  	v16 =	vld [tilespmem:$0x1FF60];
	v0 =	vadd.f32 v2, v0  }
0x141: {  	v2 =	vld [tilespmem:$0x1FEE0]  }
0x142: {  	[tilespmem:$0x1FEC0] =	vst v0;
	v0 =	vld [tilespmem:$0x1FED0]  }
0x143: {  	v32 =	vadd.f32 v4, v3;
	v3 =	vld [tilespmem:$0x1FE80]  }
0x144: {  	v4 =	vld [tilespmem:$0x1FE90]  }
0x145: {  	v7 =	vld [tilespmem:s7+$0x470]  }
0x146: {  	v55 =	vld [tilespmem:s7+$0x200]  }
0x147: {  	v8 =	vld [tilespmem:s7+$0x290]  }
0x148: {  	v53 =	vld [tilespmem:s7+$0x3E0];
	v0 =	vadd.f32 v2, v0  }
0x149: {  	v2 =	vld [tilespmem:$0x1FF10];
	v5 =	vadd.f32 v4, v3  }
0x14a: {  	[tilespmem:$0x1FEF0] =	vst v0;
	v0 =	vld [tilespmem:$0x1FF00]  }
0x14b: {  	v6 =	vld [tilespmem:s7+$0x490];
	v5 =	vadd.f32 v5, v32  }
0x14c: {  	v13 =	vadd.f32 v8, v13;
	v8 =	vadd.f32 v21, v22;
	v21 =	vld [tilespmem:s7+$0x50]  }
0x14d: {  	[tilespmem:$0x1FF40] =	vst v5;
	v5 =	vld [tilespmem:$0x1FF50]  }
0x14e: {  	v22 =	vld [tilespmem:s7+$0x60]  }
0x14f: {  	v4 =	vadd.f32 v2, v0;
	v0 =	vld [tilespmem:$0x1FF20]  }
0x150: {  	v2 =	vld [tilespmem:$0x1FF30]  }
0x151: {  	v57 =	vld [tilespmem:s7+$0x240]  }
0x152: {  	v58 =	vld [tilespmem:s7+$0x220];
	v5 =	vadd.f32 v16, v5  }
0x153: {  	v59 =	vld [tilespmem:s7+$0x230]  }
0x154: {  	[tilespmem:$0x1FF70] =	vst v5;
	v5 =	vadd.f32 v11, v9;
	v9 =	vld [tilespmem:$0x1FF80]  }
0x155: {  	v43 =	vadd.f32 v2, v0;
	v11 =	vld [tilespmem:$0x1FF90]  }
0x156: {  	v60 =	vld [tilespmem:s7+$0x250]  }
0x157: {  	v63 =	vld [tilespmem:s7+$0x270];
	v4 =	vadd.f32 v43, v4  }
0x158: {  	v24 =	vld [tilespmem:s7+$0x260]  }
0x159: {  	v3 =	vld [tilespmem:s7+$0x2C0];
	v4 =	vadd.f32 v19, v4  }
0x15a: {  	v32 =	vadd.f32 v39, v31;
	v39 =	vld [tilespmem:s7+$0x160];
	v9 =	vadd.f32 v11, v9  }
0x15b: {  	v5 =	vadd.f32 v5, v4;
	v4 =	vld [tilespmem:$0x1FFB0]  }
0x15c: {  	[tilespmem:$0x1FFA0] =	vst v9;
	v9 =	vadd.f32 v20, v15;
	v15 =	vld [tilespmem:$0x1FFC0]  }
0x15d: {  	v31 =	vadd.f32 v48, v49;
	v48 =	vld [tilespmem:s7+$0x190];
	v49 =	vadd.f32 v52, v51  }
0x15e: {  	v51 =	vld [tilespmem:s7+$0x1A0];
	v16 =	vadd.f32 v41, v40;
	v19 =	vadd.f32 v47, v42  }
0x15f: {  	v0 =	vld [tilespmem:s7+$0x2A0];
	v47 =	vadd.f32 v61, v50  }
0x160: {  	v2 =	vld [tilespmem:s7+$0x2B0];
	v50 =	vadd.f32 v54, v53;
	v16 =	vadd.f32 v19, v16  }
0x161: {  	v53 =	vld [tilespmem:s7+$0x1C0];
	v19 =	vadd.f32 v47, v31;
	v28 =	vadd.f32 v15, v4  }
0x162: {  	v54 =	vld [tilespmem:s7+$0x1E0];
	v4 =	vadd.f32 v35, v34;
	v15 =	vadd.f32 v38, v36  }
0x163: {  	v61 =	vld [tilespmem:s7+$0x1F0];
	v52 =	vadd.f32 v50, v49;
	v11 =	vadd.f32 v33, v29  }
0x164: {  	v33 =	vld [tilespmem:s7+$0x150];
	v15 =	vadd.f32 v15, v4  }
0x165: {  	v20 =	vld [tilespmem:s7+$0x140];
	v31 =	vadd.f32 v11, v9;
	v9 =	vadd.f32 v52, v19  }
0x166: {  	v34 =	vld [tilespmem:s7+$0x170];
	v4 =	vadd.f32 v7, v18;
	v7 =	vadd.f32 v16, v15  }
0x167: {  	v6 =	vadd.f32 v6, v17;
	v35 =	vld [tilespmem:s7+$0x180]  }
0x168: {  	v18 =	vld [tilespmem:s7+$0x1D0];
	v11 =	vadd.f32 v9, v7;
	v7 =	vadd.f32 v12, v10  }
0x169: {  	v15 =	vld [tilespmem:s7+$0x10];
	v12 =	vadd.f32 v63, v24;
	v63 =	vadd.f32 v37, v23  }
0x16a: {  	v17 =	vadd.f32 v46, v55;
	v19 =	vadd.f32 v59, v58;
	v16 =	vld [tilespmem:s7+$0x0]  }
0x16b: {  	v34 =	vadd.f32 v34, v39;
	v39 =	vadd.f32 v63, v8;
	v8 =	vld [tilespmem:$0x1FFE0]  }
0x16c: {  	v36 =	vadd.f32 v48, v35;
	v35 =	vld [tilespmem:s7+$0xA0]  }
0x16d: {  	v9 =	vadd.f32 v19, v17;
	v17 =	vld [tilespmem:s7+$0x20]  }
0x16e: {  	v19 =	vld [tilespmem:s7+$0x30]  }
0x16f: {  	vm15 =	vmmov $0x1;
	vm14 =	vcmask $0x704;
	v24 =	vadd.f32 v33, v20;
	v20 =	vld [tilespmem:s7+$0x40]  }
0x170: {  	vm13 =	vcmask $0xB08;
	vm12 =	vcmask $0xF0C;
	vm11 =	vcmask $0x1310;
	(xrf2) =	vadd.scan.msk.f32 $0xffff, v8;
	v8 =	vld [tilespmem:$0x1FFF0]  }
0x171: {  	vm10 =	vcmask $0x1714;
	vm9 =	vcmask $0x1B18;
	vm8 =	vcmask $0x1F1C;
	v23 =	vld [tilespmem:s7+$0x70]  }
0x172: {  	vm7 =	vcmask $0x2320;
	vm6 =	vcmask $0x2724;
	vm5 =	vcmask $0x2B28;
	v33 =	vld [tilespmem:s7+$0x80]  }
0x173: {  	v38 =	vadd.f32 v18, v53;
	v18 =	vmov s8;
	v41 =	vadd.f32 v34, v24;
	v34 =	vld [tilespmem:s7+$0x90]  }
0x174: {  	vm4 =	vcmask $0x2F2C;
	vm3 =	vcmask $0x3330;
	vm1 =	vcmask $0x3734;
	[tilespmem:$0x1FFD0] =	vst v18;
	v18 =	vld [tilespmem:s7+$0xB0]  }
0x175: {  	vm2 =	vcmask $0x3B38;
	vm0 =	vmmov $0x7fff;
	v10 =	vadd.f32 v60, v57;
	(xrf2) =	vadd.scan.msk.f32 $0xffff, v8;
	v8 =	vld [tilespmem:s7+$0xC0]  }
0x176: {  	s9 =	simm.s32 $0x1;
	v27 =	vimm.f32 $0.0e+00;
	v40 =	vadd.f32 v61, v54;
	v37 =	vadd.f32 v25, v51;
	s8 =	sadd.s32 s6, s4;
	s6 =	sadd.s32 s6, s2;
	(xrf2) =	vadd.scan.msk.f32 $0xffff, v14;
	v14 =	vld [tilespmem:s7+$0xD0]  }
.LBB2_8:
0x177: {  	v10 =	vadd.f32 v12, v10  }
0x178: {  	v42 =	vld [tilespmem:s7+$0xE0];
	v36 =	vadd.f32 v37, v36;
	v58 =	vadd.f32 v40, v38  }
0x179: {  	v59 =	vld [tilespmem:s7+$0xF0];
	v9 =	vadd.f32 v10, v9;
	v60 =	vadd.f32 v2, v0  }
0x17a: {  	v10 =	vld [tilespmem:s7+$0x8D0];
	v15 =	vadd.f32 v15, v16;
	v16 =	vadd.f32 v19, v17  }
0x17b: {  	v17 =	vld [tilespmem:s7+$0x2E0];
	v19 =	vadd.f32 v21, v20;
	v20 =	vadd.f32 v23, v22  }
0x17c: {  	v21 =	vld [tilespmem:s7+$0x2F0];
	v22 =	vadd.f32 v34, v33;
	v18 =	vadd.f32 v18, v35  }
0x17d: {  	(xrf2) =	vadd.scan.msk.f32 $0xffff, v30;
	v23 =	vld [tilespmem:s7+$0x4C0];
	v15 =	vadd.f32 v16, v15;
	v16 =	vadd.f32 v20, v19  }
0x17e: {  	v19 =	vld [tilespmem:s7+$0x4E0];
	v0, _, _ =	vpop (xrf2);
	(xrf2) =	vadd.scan.msk.f32 $0xffff, v5;
	v5 =	vadd.f32 v14, v8;
	v8 =	vadd.f32 v59, v42  }
0x17f: {  	v36 =	vadd.f32 v58, v36;
	v2 =	vadd.f32 v41, v39;
	v20 =	vld [tilespmem:s7+$0x6C0]  }
0x180: {  	v18 =	vadd.f32 v18, v22;
	v14 =	vld [tilespmem:s7+$0x4D0];
	v5 =	vadd.f32 v8, v5  }
0x181: {  	v17 =	vadd.f32 v21, v17;
	v21 =	vadd.f32 v16, v15;
	v16 =	vld [tilespmem:s7+$0x6D0]  }
0x182: {  	v3 =	vadd.f32 v1, v3;
	v1, _, _ =	vpop (xrf2);
	(xrf2) =	vadd.scan.msk.f32 $0xffff, v11;
	v11 =	vadd.f32 v36, v2;
	v8 =	vld [tilespmem:s7+$0x4F0]  }
0x183: {  	v12 =	vadd.f32 v60, v13;
	v13 =	vld [tilespmem:s7+$0x6E0];
	v5 =	vadd.f32 v5, v18  }
0x184: {  	v2, _, _ =	vpop (xrf2);
	(xrf2) =	vadd.scan.msk.f32 $0xffff, v11;
	v11 =	vld [tilespmem:s7+$0x6F0];
	v3 =	vadd.f32 v17, v3  }
0x185: {  	v17 =	vld [tilespmem:s7+$0x8C0];
	v14 =	vadd.f32 v14, v23;
	v5 =	vadd.f32 v5, v21  }
0x186: {  	v3 =	vadd.f32 v3, v12;
	v12 =	vadd.f32 v16, v20;
	v16 =	vld [tilespmem:$0x1FF70]  }
0x187: {  	v15, _, _ =	vpop (xrf2);
	v8 =	vadd.f32 v8, v19;
	(xrf2) =	vadd.scan.msk.f32 $0xffff, v5;
	v5 =	vadd.f32 v7, v6;
	v6 =	vld [tilespmem:s7+$0x8E0]  }
0x188: {  	v18 =	vadd.f32 v3, v9;
	v9 =	vld [tilespmem:s7+$0x8F0]  }
0x189: {  	v4 =	vadd.f32 v4, v32;
	v8 =	vadd.f32 v8, v14;
	v14 =	vld [tilespmem:$0x1FEF0]  }
0x18a: {  	v11 =	vadd.f32 v11, v13;
	v13 =	vld [tilespmem:s7+$0xAC0]  }
0x18b: {  	v4 =	vadd.f32 v4, v31;
	v7, _, _ =	vpop (xrf2);
	(xrf2) =	vadd.scan.msk.f32 $0xffff, v18;
	v18 =	vld [tilespmem:s7+$0xAE0];
	v5 =	vadd.f32 v8, v5  }
0x18c: {  	v8 =	vld [tilespmem:s7+$0xAD0]  }
0x18d: {  	v3, _, _ =	vpop (xrf2);
	v4 =	vadd.f32 v5, v4;
	v5 =	vadd.f32 v11, v12;
	v11 =	vld [tilespmem:s7+$0xAF0]  }
0x18e: {  	v6 =	vadd.f32 v9, v6;
	v14 =	vadd.f32 v16, v14;
	v16 =	vld [tilespmem:$0x1FFA0];
	v9, _, _ =	vpop (xrf2)  }
0x18f: {  	v12 =	vld [tilespmem:$0x1FF40];
	_ =	sdelay $0x3  }
0x190: {  	(xrf2) =	vadd.scan.msk.f32 $0xffff, v4;
	v4 =	vld [tilespmem:$0x1FCF0]  }
0x191: {  	v12 =	vadd.f32 v14, v12;
	v14 =	vld [tilespmem:$0x1FE20]  }
0x192: {  	v16 =	vadd.f32 v28, v16;
	_ =	sdelay $0x1  }
0x193: {  	v5 =	vadd.f32 v5, v16  }
0x194: {  	v17 =	vadd.f32 v10, v17;
	v10, _, _ =	vpop (xrf2);
	v16 =	vld [tilespmem:$0x1FEC0]  }
0x195: {  	v10 =	vbroadcast v10, $0xF;
	v5 =	vadd.f32 v5, v12;
	v4 =	vadd.f32 v14, v4;
	v14 =	vld [tilespmem:$0x1FE50];
	_ =	sdelay $0x1  }
0x196: {  	v9 =	vbroadcast v9, $0xF;
	(xrf2) =	vadd.scan.msk.f32 $0xffff, v5;
	v5 =	vnsel vm15, $0x0, v10  }
0x197: {  	v5 =	vadd.f32 $0.0e+00, v5  }
0x198: {  	v6 =	vadd.f32 v6, v17;
	v9 =	vnsel vm14, $0x0, v9  }
0x199: {  	v5 =	vadd.f32 v9, v5;
	v9 =	vld [tilespmem:$0x1FCC0];
	v14 =	vadd.f32 v16, v14  }
0x19a: {  	v8 =	vadd.f32 v8, v13;
	v11 =	vadd.f32 v11, v18  }
0x19b: {  	v4 =	vadd.f32 v4, v45;
	v12 =	vadd.f32 v6, v14  }
0x19c: {  	v8 =	vadd.f32 v11, v8;
	v10 =	vld [tilespmem:$0x1FB30];
	v6, _, _ =	vpop (xrf2)  }
0x19d: {  	v6 =	vbroadcast v6, $0xF;
	v4 =	vadd.f32 v12, v4  }
0x19e: {  	v11 =	vadd.f32 v8, v9;
	v9 =	vld [tilespmem:$0x1FB20]  }
0x19f: {  	(xrf2) =	vadd.scan.msk.f32 $0xffff, v4;
	v4 =	vnsel vm13, $0x0, v6;
	v6 =	vld [tilespmem:$0x1FA70];
	_ =	sdelay $0x1  }
0x1a0: {  	v10 =	vadd.f32 v44, v10;
	_ =	sdelay $0x1  }
0x1a1: {  	v3 =	vbroadcast v3, $0xF;
	v4 =	vadd.f32 v4, v5;
	v5 =	vadd.f32 v11, v10;
	v10 =	vld [tilespmem:$0x1FA00]  }
0x1a2: {  	v8, _, _ =	vpop (xrf2);
	v6 =	vadd.f32 v9, v6;
	v9 =	vld [tilespmem:$0x1F9F0]  }
0x1a3: {  	v3 =	vnsel vm12, $0x0, v3;
	v8 =	vbroadcast v8, $0xF  }
0x1a4: {  	v3 =	vadd.f32 v3, v4  }
0x1a5: {  	v8 =	vnsel vm11, $0x0, v8;
	v4 =	vadd.f32 v6, v56;
	v6 =	vbroadcast v7, $0xF  }
0x1a6: {  	v3 =	vadd.f32 v8, v3;
	v7 =	vld [tilespmem:$0x1F9A0]  }
0x1a7: {  	v8 =	vld [tilespmem:$0x1F960];
	v6 =	vnsel vm10, $0x0, v6;
	v9 =	vadd.f32 v10, v9  }
0x1a8: {  	v3 =	vadd.f32 v6, v3;
	v6 =	vld [tilespmem:$0x1F9B0]  }
0x1a9: {  	v4 =	vadd.f32 v4, v9;
	v9 =	vld [tilespmem:$0x1F970];
	_ =	sdelay $0x1  }
0x1aa: {  	(xrf2) =	vadd.scan.msk.f32 $0xffff, v5;
	v5, _, _ =	vpop (xrf2);
	v7 =	vadd.f32 v62, v7  }
0x1ab: {  	v5 =	vbroadcast v5, $0xF  }
0x1ac: {  	v10 =	vadd.f32 v7, v6;
	v7 =	vld [tilespmem:$0x1F920]  }
0x1ad: {  	(xrf2) =	vadd.scan.msk.f32 $0xffff, v4;
	v4 =	vnsel vm9, $0x0, v5;
	v5 =	vbroadcast v15, $0xF;
	v8 =	vadd.f32 v9, v8;
	v9 =	vld [tilespmem:$0x1F950]  }
0x1ae: {  	v3 =	vadd.f32 v4, v3  }
0x1af: {  	v5 =	vnsel vm8, $0x0, v5  }
0x1b0: {  	v3 =	vadd.f32 v5, v3;
	v5 =	vld [tilespmem:$0x1F8F0]  }
0x1b1: {  	v4 =	vadd.f32 v10, v8;
	v8 =	vld [tilespmem:$0x1F8D0]  }
0x1b2: {  	v7 =	vadd.f32 v9, v7;
	v9 =	vld [tilespmem:$0x1F8E0];
	_ =	sdelay $0x2  }
0x1b3: {  	v6, _, _ =	vpop (xrf2)  }
0x1b4: {  	v6 =	vbroadcast v6, $0xF  }
0x1b5: {  	(xrf2) =	vadd.scan.msk.f32 $0xffff, v4;
	v7 =	vadd.f32 v7, v5;
	v8 =	vadd.f32 v9, v8  }
0x1b6: {  	v2 =	vbroadcast v2, $0xF;
	v4 =	vnsel vm7, $0x0, v6  }
0x1b7: {  	v3 =	vadd.f32 v4, v3;
	v5, _, _ =	vpop (xrf2);
	v4 =	vadd.f32 v7, v8  }
0x1b8: {  	v2 =	vnsel vm6, $0x0, v2;
	v5 =	vbroadcast v5, $0xF  }
0x1b9: {  	v2 =	vadd.f32 v2, v3;
	(xrf2) =	vadd.scan.msk.f32 $0xffff, v4  }
0x1ba: {  	v1 =	vbroadcast v1, $0xF;
	v4 =	vnsel vm5, $0x0, v5  }
0x1bb: {  	v3, _, _ =	vpop (xrf2);
	v2 =	vadd.f32 v4, v2  }
0x1bc: {  	v1 =	vnsel vm4, $0x0, v1;
	v3 =	vbroadcast v3, $0xF  }
0x1bd: {  	v1 =	vadd.f32 v1, v2  }
0x1be: {  	v0 =	vbroadcast v0, $0xF;
	v3 =	vnsel vm3, $0x0, v3  }
0x1bf: {  	v1 =	vadd.f32 v3, v1;
	v2, _, _ =	vpop (xrf2)  }
0x1c0: {  	v0 =	vnsel vm1, $0x0, v0;
	v2 =	vbroadcast v2, $0xF  }
0x1c1: {  	v0 =	vadd.f32 v0, v1  }
0x1c2: {  	v2 =	vnsel vm2, $0x0, v2  }
0x1c3: {  	v0 =	vadd.f32 v2, v0;
	v1, _, _ =	vpop (xrf2)  }
0x1c4: {  	v1 =	vsel vm0, $0x0, v1  }
0x1c5: {  	s31 =	sshll.u32 s5, $0x4;
	v0 =	vadd.f32 v1, v0  }
0x1c6: {  	s10 =	sshll.u32 s9, $0xC;
	s11 =	sand.u32 $0x3FFFFFF0, s31  }
0x1c7: {  	s7 =	sand.u32 $0x3FFFF000, s10;
	[tilespmem:s11+$0x10080] =	vst v0  }
0x1c8: {  	v1 =	vld [tilespmem:s7+$0xF00]  }
0x1c9: {  	v4 =	vld [tilespmem:s7+$0xF10]  }
0x1ca: {  	v5 =	vld [tilespmem:s7+$0xF20]  }
0x1cb: {  	v7 =	vld [tilespmem:s7+$0xF30]  }
0x1cc: {  	v6 =	vld [tilespmem:s7+$0xF40]  }
0x1cd: {  	v8 =	vld [tilespmem:s7+$0xF50]  }
0x1ce: {  	v9 =	vld [tilespmem:s7+$0xF60]  }
0x1cf: {  	v19 =	vld [tilespmem:s7+$0xF70]  }
0x1d0: {  	v27 =	vadd.f32 v0, v27;
	v0 =	vld [tilespmem:s7+$0xD20]  }
0x1d1: {  	v14 =	vld [tilespmem:s7+$0xF80]  }
0x1d2: {  	v20 =	vld [tilespmem:s7+$0xF90]  }
0x1d3: {  	v21 =	vld [tilespmem:s7+$0xFA0]  }
0x1d4: {  	v10 =	vld [tilespmem:s7+$0xFC0]  }
0x1d5: {  	[tilespmem:$0x1F290] =	vst v0;
	v0 =	vld [tilespmem:s7+$0xD30]  }
0x1d6: {  	v4 =	vadd.f32 v4, v1;
	v1 =	vld [tilespmem:s7+$0x540]  }
0x1d7: {  	v11 =	vld [tilespmem:s7+$0xFD0]  }
0x1d8: {  	v12 =	vld [tilespmem:s7+$0xFE0]  }
0x1d9: {  	v13 =	vld [tilespmem:s7+$0xFF0]  }
0x1da: {  	[tilespmem:$0x1F2A0] =	vst v0;
	v0 =	vld [tilespmem:s7+$0xD40]  }
0x1db: {  	[tilespmem:$0x1F7D0] =	vst v1;
	v1 =	vld [tilespmem:s7+$0x550]  }
0x1dc: {  	v22 =	vld [tilespmem:s7+$0xE00]  }
0x1dd: {  	v28 =	vld [tilespmem:s7+$0xE10]  }
0x1de: {  	v32 =	vld [tilespmem:s7+$0xE20]  }
0x1df: {  	[tilespmem:$0x1F2B0] =	vst v0;
	v0 =	vld [tilespmem:s7+$0xD50]  }
0x1e0: {  	[tilespmem:$0x1F7E0] =	vst v1;
	v1 =	vld [tilespmem:s7+$0x560]  }
0x1e1: {  	v35 =	vld [tilespmem:s7+$0xE30]  }
0x1e2: {  	[tilespmem:$0x1F8B0] =	vst v27;
	v27 =	vld [tilespmem:s7+$0xFB0]  }
0x1e3: {  	v34 =	vld [tilespmem:s7+$0xE40];
	v5 =	vadd.f32 v7, v5  }
0x1e4: {  	v41 =	vld [tilespmem:s7+$0xE50];
	v6 =	vadd.f32 v8, v6;
	[tilespmem:$0x1F2C0] =	vst v0  }
0x1e5: {  	v7 =	vadd.f32 v19, v9;
	v0 =	vld [tilespmem:s7+$0xD60];
	[tilespmem:$0x1F7F0] =	vst v1;
	v1 =	vadd.f32 v5, v4  }
0x1e6: {  	v51 =	vld [tilespmem:s7+$0xE60];
	v8 =	vadd.f32 v20, v14  }
0x1e7: {  	v52 =	vld [tilespmem:s7+$0xE70];
	v9 =	vadd.f32 v27, v21;
	[tilespmem:$0x1F8D0] =	vst v1;
	v1 =	vadd.f32 v7, v6  }
0x1e8: {  	v23 =	vld [tilespmem:s7+$0xE80]  }
0x1e9: {  	v2 =	vld [tilespmem:s7+$0xC20];
	[tilespmem:$0x1F8E0] =	vst v1;
	v1 =	vadd.f32 v9, v8  }
0x1ea: {  	v31 =	vld [tilespmem:s7+$0xE90];
	[tilespmem:$0x1F2D0] =	vst v0  }
0x1eb: {  	v0 =	vld [tilespmem:s7+$0xD70];
	[tilespmem:$0x1F8F0] =	vst v1;
	v1 =	vadd.f32 v11, v10  }
0x1ec: {  	v33 =	vld [tilespmem:s7+$0xEA0];
	v4 =	vadd.f32 v28, v22  }
0x1ed: {  	v37 =	vld [tilespmem:s7+$0xEB0];
	v5 =	vadd.f32 v35, v32;
	[tilespmem:$0x1F920] =	vst v1;
	v1 =	vadd.f32 v13, v12  }
0x1ee: {  	v17 =	vld [tilespmem:s7+$0xEC0];
	[tilespmem:$0x1F360] =	vst v2;
	v6 =	vadd.f32 v41, v34  }
0x1ef: {  	v3 =	vld [tilespmem:s7+$0xA00];
	v7 =	vadd.f32 v52, v51;
	[tilespmem:$0x1F950] =	vst v1;
	v1 =	vadd.f32 v5, v4  }
0x1f0: {  	v2 =	vld [tilespmem:s7+$0xC30];
	[tilespmem:$0x1F2E0] =	vst v0  }
0x1f1: {  	v0 =	vld [tilespmem:s7+$0xD80];
	[tilespmem:$0x1F960] =	vst v1;
	v1 =	vadd.f32 v7, v6  }
0x1f2: {  	v5 =	vld [tilespmem:$0x1F2A0]  }
0x1f3: {  	[tilespmem:$0x1F970] =	vst v1;
	v1 =	vld [tilespmem:$0x1F290]  }
0x1f4: {  	v18 =	vld [tilespmem:s7+$0xED0]  }
0x1f5: {  	[tilespmem:$0x1F4D0] =	vst v3;
	v3 =	vld [tilespmem:s7+$0xA10]  }
0x1f6: {  	[tilespmem:$0x1F2F0] =	vst v0;
	v0 =	vld [tilespmem:s7+$0xD90]  }
0x1f7: {  	[tilespmem:$0x1F370] =	vst v2;
	v2 =	vld [tilespmem:s7+$0xC40]  }
0x1f8: {  	v8 =	vadd.f32 v5, v1;
	v1 =	vld [tilespmem:$0x1F2B0]  }
0x1f9: {  	v5 =	vld [tilespmem:$0x1F2C0]  }
0x1fa: {  	v15 =	vld [tilespmem:s7+$0xEE0]  }
0x1fb: {  	[tilespmem:$0x1F300] =	vst v0;
	v0 =	vld [tilespmem:s7+$0xDA0]  }
0x1fc: {  	[tilespmem:$0x1F4E0] =	vst v3;
	v3 =	vld [tilespmem:s7+$0xA20]  }
0x1fd: {  	[tilespmem:$0x1F380] =	vst v2;
	v2 =	vld [tilespmem:s7+$0xC50]  }
0x1fe: {  	v9 =	vadd.f32 v5, v1;
	v1 =	vld [tilespmem:$0x1F2D0]  }
0x1ff: {  	v5 =	vld [tilespmem:$0x1F2E0]  }
0x200: {  	[tilespmem:$0x1F310] =	vst v0;
	v0 =	vld [tilespmem:s7+$0xDB0]  }
0x201: {  	[tilespmem:$0x1F4F0] =	vst v3;
	v3 =	vld [tilespmem:s7+$0xA30]  }
0x202: {  	[tilespmem:$0x1F390] =	vst v2;
	v2 =	vld [tilespmem:s7+$0xC60]  }
0x203: {  	v11 =	vld [tilespmem:$0x1F300]  }
0x204: {  	v10 =	vadd.f32 v5, v1;
	v1 =	vld [tilespmem:$0x1F2F0]  }
0x205: {  	[tilespmem:$0x1F320] =	vst v0;
	v0 =	vld [tilespmem:s7+$0xDC0]  }
0x206: {  	[tilespmem:$0x1F500] =	vst v3;
	v3 =	vld [tilespmem:s7+$0xA40]  }
0x207: {  	[tilespmem:$0x1F3A0] =	vst v2;
	v2 =	vld [tilespmem:s7+$0xC70]  }
0x208: {  	v12 =	vld [tilespmem:$0x1F320]  }
0x209: {  	v11 =	vadd.f32 v11, v1;
	v1 =	vld [tilespmem:$0x1F310]  }
0x20a: {  	[tilespmem:$0x1F330] =	vst v0;
	v0 =	vld [tilespmem:s7+$0xDD0]  }
0x20b: {  	v16 =	vld [tilespmem:s7+$0xEF0]  }
0x20c: {  	[tilespmem:$0x1F510] =	vst v3;
	v3 =	vld [tilespmem:s7+$0xA50]  }
0x20d: {  	[tilespmem:$0x1F3B0] =	vst v2;
	v2 =	vld [tilespmem:s7+$0xCA0]  }
0x20e: {  	v12 =	vadd.f32 v12, v1;
	v1 =	vld [tilespmem:$0x1F330]  }
0x20f: {  	[tilespmem:$0x1F340] =	vst v0;
	v0 =	vld [tilespmem:s7+$0xDE0]  }
0x210: {  	v13 =	vld [tilespmem:$0x1F340]  }
0x211: {  	[tilespmem:$0x1F520] =	vst v3;
	v3 =	vld [tilespmem:s7+$0xA60]  }
0x212: {  	v56 =	vld [tilespmem:s7+$0xD00]  }
0x213: {  	[tilespmem:$0x1F3C0] =	vst v2;
	v2 =	vld [tilespmem:s7+$0xCB0]  }
0x214: {  	[tilespmem:$0x1F350] =	vst v0;
	v0 =	vld [tilespmem:s7+$0xDF0]  }
0x215: {  	v13 =	vadd.f32 v13, v1;
	v1 =	vld [tilespmem:$0x1F350]  }
0x216: {  	[tilespmem:$0x1F530] =	vst v3;
	v3 =	vld [tilespmem:s7+$0xA70]  }
0x217: {  	v63 =	vld [tilespmem:s7+$0xD10]  }
0x218: {  	v54 =	vld [tilespmem:s7+$0xC00]  }
0x219: {  	v60 =	vld [tilespmem:s7+$0xC10];
	v4 =	vadd.f32 v31, v23;
	v6 =	vadd.f32 v37, v33  }
0x21a: {  	v55 =	vld [tilespmem:s7+$0xC80];
	[tilespmem:$0x1F3D0] =	vst v2;
	v14 =	vadd.f32 v0, v1;
	v0 =	vadd.f32 v18, v17  }
0x21b: {  	v2 =	vld [tilespmem:s7+$0xB00];
	[tilespmem:$0x1F540] =	vst v3  }
0x21c: {  	v3 =	vld [tilespmem:s7+$0x900];
	[tilespmem:$0x1F9A0] =	vst v0;
	v0 =	vadd.f32 v6, v4  }
0x21d: {  	v1 =	vld [tilespmem:$0x1F370]  }
0x21e: {  	[tilespmem:$0x1F9B0] =	vst v0;
	v0 =	vld [tilespmem:$0x1F360]  }
0x21f: {  	v61 =	vld [tilespmem:s7+$0xC90];
	v7 =	vadd.f32 v63, v56  }
0x220: {  	[tilespmem:$0x1F3E0] =	vst v2;
	v2 =	vld [tilespmem:s7+$0xB10]  }
0x221: {  	v7 =	vadd.f32 v8, v7;
	[tilespmem:$0x1F550] =	vst v3;
	v3 =	vld [tilespmem:s7+$0x910];
	v8 =	vadd.f32 v10, v9  }
0x222: {  	v36 =	vld [tilespmem:s7+$0xCC0]  }
0x223: {  	v4 =	vadd.f32 v8, v7;
	v8 =	vadd.f32 v1, v0;
	v0 =	vld [tilespmem:s7+$0x460]  }
0x224: {  	v38 =	vld [tilespmem:s7+$0xCD0]  }
0x225: {  	[tilespmem:$0x1F3F0] =	vst v2;
	v2 =	vld [tilespmem:s7+$0xB20]  }
0x226: {  	[tilespmem:$0x1F560] =	vst v3;
	v3 =	vld [tilespmem:s7+$0x920]  }
0x227: {  	v1 =	vld [tilespmem:$0x1F390]  }
0x228: {  	[tilespmem:$0x1F860] =	vst v0;
	v0 =	vld [tilespmem:$0x1F380]  }
0x229: {  	v29 =	vld [tilespmem:s7+$0xCE0]  }
0x22a: {  	v42 =	vld [tilespmem:s7+$0xCF0]  }
0x22b: {  	[tilespmem:$0x1F400] =	vst v2;
	v2 =	vld [tilespmem:s7+$0xB30];
	v9 =	vadd.f32 v12, v11;
	v10 =	vadd.f32 v14, v13  }
0x22c: {  	[tilespmem:$0x1F570] =	vst v3;
	v3 =	vld [tilespmem:s7+$0x930]  }
0x22d: {  	v6 =	vadd.f32 v10, v9;
	v9 =	vadd.f32 v1, v0;
	v0 =	vld [tilespmem:$0x1F3A0]  }
0x22e: {  	v1 =	vld [tilespmem:$0x1F3B0]  }
0x22f: {  	v46 =	vld [tilespmem:s7+$0xA80]  }
0x230: {  	v47 =	vld [tilespmem:s7+$0xA90]  }
0x231: {  	[tilespmem:$0x1F410] =	vst v2;
	v2 =	vld [tilespmem:s7+$0xB40]  }
0x232: {  	[tilespmem:$0x1F580] =	vst v3;
	v3 =	vld [tilespmem:s7+$0x940]  }
0x233: {  	v10 =	vadd.f32 v1, v0;
	v0 =	vld [tilespmem:s7+$0x470]  }
0x234: {  	v49 =	vld [tilespmem:s7+$0xAA0]  }
0x235: {  	v50 =	vld [tilespmem:s7+$0xAB0]  }
0x236: {  	[tilespmem:$0x1F420] =	vst v2;
	v2 =	vld [tilespmem:s7+$0xB50]  }
0x237: {  	v59 =	vld [tilespmem:s7+$0x9B0];
	[tilespmem:$0x1F590] =	vst v3  }
0x238: {  	v3 =	vld [tilespmem:s7+$0x950];
	[tilespmem:$0x1F870] =	vst v0;
	v0 =	vadd.f32 v6, v4  }
0x239: {  	v58 =	vld [tilespmem:s7+$0x9D0]  }
0x23a: {  	v57 =	vld [tilespmem:s7+$0x9E0];
	v7 =	vadd.f32 v60, v54;
	[tilespmem:$0x1F890] =	vst v0;
	v0 =	vadd.f32 v16, v15  }
0x23b: {  	v44 =	vld [tilespmem:s7+$0x9F0];
	[tilespmem:$0x1F430] =	vst v2  }
0x23c: {  	v48 =	vld [tilespmem:s7+$0x8A0];
	[tilespmem:$0x1F8A0] =	vst v0;
	v0 =	vadd.f32 v8, v7  }
0x23d: {  	v2 =	vld [tilespmem:s7+$0xB60];
	[tilespmem:$0x1F5A0] =	vst v3  }
0x23e: {  	v3 =	vld [tilespmem:s7+$0x960];
	[tilespmem:$0x1F9F0] =	vst v0;
	v0 =	vadd.f32 v10, v9  }
0x23f: {  	v1 =	vld [tilespmem:$0x1F3D0]  }
0x240: {  	[tilespmem:$0x1FA00] =	vst v0;
	v0 =	vld [tilespmem:$0x1F3C0]  }
0x241: {  	v62 =	vld [tilespmem:s7+$0x8B0]  }
0x242: {  	[tilespmem:$0x1F440] =	vst v2;
	v2 =	vld [tilespmem:s7+$0xB70]  }
0x243: {  	[tilespmem:$0x1F5B0] =	vst v3;
	v3 =	vld [tilespmem:s7+$0x970]  }
0x244: {  	v53 =	vld [tilespmem:s7+$0x730]  }
0x245: {  	v6 =	vadd.f32 v1, v0;
	v0 =	vld [tilespmem:s7+$0x4A0]  }
0x246: {  	v45 =	vld [tilespmem:s7+$0x790]  }
0x247: {  	[tilespmem:$0x1F450] =	vst v2;
	v2 =	vld [tilespmem:s7+$0xB80]  }
0x248: {  	[tilespmem:$0x1F5C0] =	vst v3;
	v3 =	vld [tilespmem:s7+$0x980]  }
0x249: {  	v1 =	vld [tilespmem:$0x1F3F0]  }
0x24a: {  	[tilespmem:$0x1F880] =	vst v0;
	v0 =	vld [tilespmem:$0x1F3E0]  }
0x24b: {  	v43 =	vld [tilespmem:s7+$0x7A0]  }
0x24c: {  	v26 =	vld [tilespmem:s7+$0x7B0]  }
0x24d: {  	[tilespmem:$0x1F460] =	vst v2;
	v2 =	vld [tilespmem:s7+$0xB90]  }
0x24e: {  	[tilespmem:$0x1F5D0] =	vst v3;
	v3 =	vld [tilespmem:s7+$0x990]  }
0x24f: {  	v7 =	vadd.f32 v1, v0;
	v0 =	vld [tilespmem:$0x1F400]  }
0x250: {  	v1 =	vld [tilespmem:$0x1F410]  }
0x251: {  	v30 =	vld [tilespmem:s7+$0x7C0]  }
0x252: {  	v39 =	vld [tilespmem:s7+$0x600]  }
0x253: {  	[tilespmem:$0x1F470] =	vst v2;
	v2 =	vld [tilespmem:s7+$0xBA0]  }
0x254: {  	[tilespmem:$0x1F5E0] =	vst v3;
	v3 =	vld [tilespmem:s7+$0x9A0]  }
0x255: {  	v8 =	vadd.f32 v1, v0;
	v0 =	vld [tilespmem:$0x1F420]  }
0x256: {  	v1 =	vld [tilespmem:$0x1F430]  }
0x257: {  	v25 =	vld [tilespmem:s7+$0x7D0]  }
0x258: {  	[tilespmem:$0x1F730] =	vst v39;
	v39 =	vld [tilespmem:s7+$0x610]  }
0x259: {  	[tilespmem:$0x1F480] =	vst v2;
	v2 =	vld [tilespmem:s7+$0xBB0]  }
0x25a: {  	[tilespmem:$0x1F5F0] =	vst v3;
	v3 =	vld [tilespmem:s7+$0x9C0]  }
0x25b: {  	v9 =	vadd.f32 v1, v0;
	v0 =	vld [tilespmem:$0x1F440]  }
0x25c: {  	v1 =	vld [tilespmem:$0x1F450]  }
0x25d: {  	v24 =	vld [tilespmem:s7+$0x7E0]  }
0x25e: {  	[tilespmem:$0x1F740] =	vst v39;
	v39 =	vld [tilespmem:s7+$0x620]  }
0x25f: {  	[tilespmem:$0x1F490] =	vst v2;
	v2 =	vld [tilespmem:s7+$0xBC0]  }
0x260: {  	[tilespmem:$0x1F600] =	vst v3;
	v3 =	vld [tilespmem:s7+$0x800]  }
0x261: {  	v10 =	vadd.f32 v1, v0;
	v0 =	vld [tilespmem:$0x1F460]  }
0x262: {  	v1 =	vld [tilespmem:$0x1F470]  }
0x263: {  	v40 =	vld [tilespmem:s7+$0x570]  }
0x264: {  	[tilespmem:$0x1F750] =	vst v39;
	v39 =	vld [tilespmem:s7+$0x630]  }
0x265: {  	[tilespmem:$0x1F4A0] =	vst v2;
	v2 =	vld [tilespmem:s7+$0xBD0]  }
0x266: {  	[tilespmem:$0x1F610] =	vst v3;
	v3 =	vld [tilespmem:s7+$0x810]  }
0x267: {  	v11 =	vadd.f32 v1, v0;
	v0 =	vld [tilespmem:$0x1F480]  }
0x268: {  	v1 =	vld [tilespmem:$0x1F490]  }
0x269: {  	v20 =	vld [tilespmem:s7+$0x5E0]  }
0x26a: {  	[tilespmem:$0x1F760] =	vst v39;
	v39 =	vld [tilespmem:s7+$0x640]  }
0x26b: {  	[tilespmem:$0x1F4B0] =	vst v2;
	v2 =	vld [tilespmem:s7+$0xBE0]  }
0x26c: {  	[tilespmem:$0x1F620] =	vst v3;
	v3 =	vld [tilespmem:s7+$0x820]  }
0x26d: {  	v12 =	vadd.f32 v1, v0;
	v0 =	vld [tilespmem:$0x1F4A0]  }
0x26e: {  	v1 =	vld [tilespmem:$0x1F4B0]  }
0x26f: {  	v19 =	vld [tilespmem:s7+$0x450]  }
0x270: {  	[tilespmem:$0x1F770] =	vst v39;
	v39 =	vld [tilespmem:s7+$0x650]  }
0x271: {  	[tilespmem:$0x1F4C0] =	vst v2;
	v2 =	vld [tilespmem:s7+$0xBF0]  }
0x272: {  	[tilespmem:$0x1F630] =	vst v3;
	v3 =	vld [tilespmem:s7+$0x830]  }
0x273: {  	v4 =	vadd.f32 v61, v55;
	v61 =	vadd.f32 v1, v0;
	v0 =	vld [tilespmem:$0x1F4C0]  }
0x274: {  	v44 =	vadd.f32 v44, v57;
	v57 =	vld [tilespmem:s7+$0x200]  }
0x275: {  	v26 =	vadd.f32 v26, v43;
	v43 =	vld [tilespmem:s7+$0x280]  }
0x276: {  	v27 =	vld [tilespmem:s7+$0x5C0]  }
0x277: {  	[tilespmem:$0x1F780] =	vst v39;
	v39 =	vld [tilespmem:s7+$0x660]  }
0x278: {  	[tilespmem:$0x1F640] =	vst v3;
	v3 =	vld [tilespmem:s7+$0x840];
	v63 =	vadd.f32 v2, v0;
	v0 =	vadd.f32 v38, v36  }
0x279: {  	v1 =	vld [tilespmem:$0x1F4E0]  }
0x27a: {  	[tilespmem:$0x1FA70] =	vst v0;
	v0 =	vld [tilespmem:$0x1F4D0]  }
0x27b: {  	v21 =	vld [tilespmem:s7+$0x430]  }
0x27c: {  	v35 =	vld [tilespmem:s7+$0x590]  }
0x27d: {  	[tilespmem:$0x1F800] =	vst v39;
	v39 =	vld [tilespmem:s7+$0x670]  }
0x27e: {  	[tilespmem:$0x1F650] =	vst v3;
	v3 =	vld [tilespmem:s7+$0x850]  }
0x27f: {  	v51 =	vadd.f32 v1, v0;
	v0 =	vld [tilespmem:$0x1F4F0]  }
0x280: {  	v1 =	vld [tilespmem:$0x1F500]  }
0x281: {  	v28 =	vld [tilespmem:s7+$0x5B0]  }
0x282: {  	v32 =	vld [tilespmem:s7+$0x400]  }
0x283: {  	[tilespmem:$0x1F810] =	vst v39;
	v39 =	vld [tilespmem:s7+$0x680]  }
0x284: {  	[tilespmem:$0x1F660] =	vst v3;
	v3 =	vld [tilespmem:s7+$0x860]  }
0x285: {  	v60 =	vadd.f32 v1, v0;
	v0 =	vld [tilespmem:$0x1F510]  }
0x286: {  	v1 =	vld [tilespmem:$0x1F520]  }
0x287: {  	v22 =	vld [tilespmem:s7+$0x440]  }
0x288: {  	[tilespmem:$0x1F820] =	vst v39;
	v39 =	vld [tilespmem:s7+$0x690]  }
0x289: {  	v34 =	vld [tilespmem:s7+$0x5A0]  }
0x28a: {  	v7 =	vadd.f32 v8, v7;
	[tilespmem:$0x1F6F0] =	vst v3;
	v3 =	vld [tilespmem:s7+$0x870];
	v8 =	vadd.f32 v10, v9  }
0x28b: {  	v10 =	vadd.f32 v63, v61;
	v61 =	vadd.f32 v1, v0;
	v0 =	vld [tilespmem:$0x1F530]  }
0x28c: {  	v1 =	vld [tilespmem:$0x1F540]  }
0x28d: {  	[tilespmem:$0x1F830] =	vst v39;
	v39 =	vld [tilespmem:s7+$0x6A0]  }
0x28e: {  	v41 =	vld [tilespmem:s7+$0x4B0]  }
0x28f: {  	[tilespmem:$0x1F700] =	vst v3;
	v3 =	vld [tilespmem:s7+$0x880]  }
0x290: {  	v52 =	vld [tilespmem:s7+$0x3E0];
	v28 =	vadd.f32 v28, v34  }
0x291: {  	v34 =	vld [tilespmem:s7+$0x90];
	v63 =	vadd.f32 v1, v0;
	v0 =	vadd.f32 v42, v29  }
0x292: {  	v23 =	vld [tilespmem:s7+$0x5D0];
	[tilespmem:$0x1F840] =	vst v39  }
0x293: {  	v31 =	vld [tilespmem:s7+$0x410];
	[tilespmem:$0x1FB20] =	vst v0;
	v0 =	vadd.f32 v60, v51  }
0x294: {  	v39 =	vld [tilespmem:s7+$0x6B0];
	[tilespmem:$0x1F710] =	vst v3  }
0x295: {  	v3 =	vld [tilespmem:s7+$0x890];
	[tilespmem:$0x1FB30] =	vst v0;
	v0 =	vadd.f32 v63, v61  }
0x296: {  	v1 =	vld [tilespmem:$0x1F560]  }
0x297: {  	[tilespmem:$0x1F8C0] =	vst v0;
	v0 =	vld [tilespmem:$0x1F550]  }
0x298: {  	v56 =	vld [tilespmem:s7+$0x420]  }
0x299: {  	v37 =	vld [tilespmem:s7+$0x480]  }
0x29a: {  	[tilespmem:$0x1F850] =	vst v39;
	v39 =	vld [tilespmem:s7+$0x500]  }
0x29b: {  	[tilespmem:$0x1F720] =	vst v3;
	v3 =	vld [tilespmem:s7+$0x700]  }
0x29c: {  	v51 =	vadd.f32 v1, v0;
	v0 =	vld [tilespmem:$0x1F570]  }
0x29d: {  	v1 =	vld [tilespmem:$0x1F580]  }
0x29e: {  	v33 =	vld [tilespmem:s7+$0x490]  }
0x29f: {  	v5 =	vld [tilespmem:s7+$0x5F0]  }
0x2a0: {  	[tilespmem:$0x1F790] =	vst v39;
	v39 =	vld [tilespmem:s7+$0x510]  }
0x2a1: {  	[tilespmem:$0x1F670] =	vst v3;
	v3 =	vld [tilespmem:s7+$0x710]  }
0x2a2: {  	v54 =	vadd.f32 v1, v0;
	v0 =	vld [tilespmem:$0x1F590]  }
0x2a3: {  	v1 =	vld [tilespmem:$0x1F5A0]  }
0x2a4: {  	v23 =	vadd.f32 v23, v27;
	v27 =	vld [tilespmem:s7+$0x1D0]  }
0x2a5: {  	v21 =	vadd.f32 v21, v56;
	v56 =	vld [tilespmem:s7+$0x1B0]  }
0x2a6: {  	[tilespmem:$0x1F7A0] =	vst v39;
	v39 =	vld [tilespmem:s7+$0x520]  }
0x2a7: {  	[tilespmem:$0x1F680] =	vst v3;
	v3 =	vld [tilespmem:s7+$0x720]  }
0x2a8: {  	v5 =	vadd.f32 v5, v20;
	v55 =	vadd.f32 v1, v0;
	v0 =	vld [tilespmem:$0x1F5B0]  }
0x2a9: {  	v1 =	vld [tilespmem:$0x1F5C0]  }
0x2aa: {  	v5 =	vadd.f32 v5, v23;
	v23 =	vld [tilespmem:$0x1F800]  }
0x2ab: {  	v18 =	vld [tilespmem:s7+$0x300]  }
0x2ac: {  	[tilespmem:$0x1F7B0] =	vst v39;
	v39 =	vld [tilespmem:s7+$0x530]  }
0x2ad: {  	[tilespmem:$0x1F690] =	vst v3;
	v3 =	vld [tilespmem:s7+$0x740]  }
0x2ae: {  	v63 =	vadd.f32 v1, v0;
	v0 =	vld [tilespmem:$0x1F5D0]  }
0x2af: {  	v1 =	vld [tilespmem:$0x1F5E0]  }
0x2b0: {  	v14 =	vld [tilespmem:s7+$0x340]  }
0x2b1: {  	v13 =	vld [tilespmem:s7+$0x350]  }
0x2b2: {  	[tilespmem:$0x1F7C0] =	vst v39;
	v39 =	vld [tilespmem:s7+$0x580]  }
0x2b3: {  	[tilespmem:$0x1F6A0] =	vst v3;
	v3 =	vld [tilespmem:s7+$0x750]  }
0x2b4: {  	v61 =	vadd.f32 v1, v0;
	v1 =	vld [tilespmem:$0x1F600]  }
0x2b5: {  	v0 =	vld [tilespmem:$0x1F5F0]  }
0x2b6: {  	v17 =	vld [tilespmem:s7+$0x310]  }
0x2b7: {  	v13 =	vadd.f32 v13, v14;
	v14 =	vld [tilespmem:s7+$0x1F0]  }
0x2b8: {  	v46 =	vadd.f32 v47, v46;
	v47 =	vadd.f32 v50, v49;
	v2 =	vld [tilespmem:$0x1F620]  }
0x2b9: {  	v35 =	vadd.f32 v35, v39;
	v58 =	vadd.f32 v58, v1;
	v1 =	vld [tilespmem:$0x1F610]  }
0x2ba: {  	v38 =	vadd.f32 v6, v4;
	[tilespmem:$0x1F6B0] =	vst v3;
	v3 =	vld [tilespmem:s7+$0x760];
	v0 =	vadd.f32 v59, v0  }
0x2bb: {  	v39 =	vld [tilespmem:s7+$0x150];
	v51 =	vadd.f32 v54, v51;
	v54 =	vadd.f32 v63, v55  }
0x2bc: {  	v16 =	vld [tilespmem:s7+$0x320];
	v0 =	vadd.f32 v0, v61;
	v44 =	vadd.f32 v44, v58  }
0x2bd: {  	v4 =	vadd.f32 v8, v7;
	v8 =	vld [tilespmem:$0x1F640];
	v51 =	vadd.f32 v54, v51  }
0x2be: {  	v0 =	vadd.f32 v44, v0;
	v2 =	vadd.f32 v2, v1;
	v1 =	vld [tilespmem:$0x1F630]  }
0x2bf: {  	v35 =	vadd.f32 v28, v35;
	[tilespmem:$0x1F6C0] =	vst v3;
	v3 =	vld [tilespmem:s7+$0x770]  }
0x2c0: {  	v15 =	vld [tilespmem:s7+$0x330];
	v42 =	vadd.f32 v0, v51;
	v0 =	vadd.f32 v47, v46  }
0x2c1: {  	v5 =	vadd.f32 v5, v35;
	v35 =	vld [tilespmem:s7+$0xA0]  }
0x2c2: {  	[tilespmem:$0x1FCC0] =	vst v0;
	v0 =	vld [tilespmem:$0x1F650]  }
0x2c3: {  	v1 =	vadd.f32 v8, v1;
	v8 =	vld [tilespmem:$0x1F660]  }
0x2c4: {  	[tilespmem:$0x1F6D0] =	vst v3;
	v3 =	vld [tilespmem:s7+$0x780]  }
0x2c5: {  	v17 =	vadd.f32 v17, v18;
	v18 =	vadd.f32 v15, v16;
	v15 =	vld [tilespmem:s7+$0x10]  }
0x2c6: {  	v16 =	vld [tilespmem:s7+$0x0]  }
0x2c7: {  	v29 =	vadd.f32 v1, v2;
	v2 =	vld [tilespmem:$0x1F6A0]  }
0x2c8: {  	v0 =	vadd.f32 v8, v0;
	v8 =	vld [tilespmem:$0x1F6B0]  }
0x2c9: {  	[tilespmem:$0x1F6E0] =	vst v3;
	v3 =	vld [tilespmem:s7+$0x7F0]  }
0x2ca: {  	v9 =	vadd.f32 v12, v11;
	v12 =	vld [tilespmem:s7+$0x360]  }
0x2cb: {  	v11 =	vld [tilespmem:s7+$0x370]  }
0x2cc: {  	v49 =	vld [tilespmem:$0x1F6D0]  }
0x2cd: {  	v2 =	vadd.f32 v8, v2;
	v8 =	vld [tilespmem:$0x1F6C0]  }
0x2ce: {  	v25 =	vadd.f32 v25, v30;
	v7 =	vld [tilespmem:s7+$0x3A0];
	v3 =	vadd.f32 v3, v24  }
0x2cf: {  	v6 =	vadd.f32 v10, v9;
	v10 =	vld [tilespmem:s7+$0x380]  }
0x2d0: {  	v25 =	vadd.f32 v3, v25;
	v3 =	vld [tilespmem:$0x1F6F0]  }
0x2d1: {  	v1 =	vld [tilespmem:$0x1F680]  }
0x2d2: {  	[tilespmem:$0x1FCF0] =	vst v0;
	v0 =	vld [tilespmem:$0x1F670];
	v50 =	vadd.f32 v49, v8  }
0x2d3: {  	v49 =	vld [tilespmem:$0x1F6E0]  }
0x2d4: {  	v30 =	vadd.f32 v50, v2;
	v50 =	vld [tilespmem:$0x1F700]  }
0x2d5: {  	v9 =	vld [tilespmem:s7+$0x390]  }
0x2d6: {  	v36 =	vadd.f32 v6, v4;
	v6 =	vld [tilespmem:s7+$0x3B0]  }
0x2d7: {  	v0 =	vadd.f32 v1, v0;
	v1 =	vld [tilespmem:$0x1F690]  }
0x2d8: {  	v4 =	vld [tilespmem:s7+$0x3F0];
	v45 =	vadd.f32 v45, v49  }
0x2d9: {  	v61 =	vld [tilespmem:$0x1F720];
	v3 =	vadd.f32 v50, v3  }
0x2da: {  	v49 =	vld [tilespmem:$0x1F740];
	v26 =	vadd.f32 v26, v45  }
0x2db: {  	v9 =	vadd.f32 v9, v10;
	[tilespmem:$0x1FE20] =	vst v3;
	v3 =	vld [tilespmem:$0x1F710]  }
0x2dc: {  	v1 =	vadd.f32 v53, v1;
	v25 =	vadd.f32 v25, v26;
	v26 =	vld [tilespmem:$0x1F730]  }
0x2dd: {  	v10 =	vadd.f32 v18, v17;
	v17 =	vld [tilespmem:s7+$0x20];
	v6 =	vadd.f32 v6, v7  }
0x2de: {  	v18 =	vld [tilespmem:s7+$0xB0];
	v1 =	vadd.f32 v1, v0  }
0x2df: {  	v9 =	vadd.f32 v6, v9;
	v6 =	vld [tilespmem:$0x1F870]  }
0x2e0: {  	v30 =	vadd.f32 v30, v1;
	v50 =	vld [tilespmem:$0x1F760]  }
0x2e1: {  	v3 =	vadd.f32 v61, v3;
	v61 =	vadd.f32 v49, v26;
	v26 =	vld [tilespmem:$0x1F750]  }
0x2e2: {  	v60 =	vld [tilespmem:s7+$0x3C0]  }
0x2e3: {  	v24 =	vld [tilespmem:s7+$0x290];
	v30 =	vadd.f32 v25, v30;
	v25 =	vadd.f32 v62, v48  }
0x2e4: {  	v59 =	vld [tilespmem:s7+$0x3D0]  }
0x2e5: {  	[tilespmem:$0x1FEC0] =	vst v25;
	v25 =	vld [tilespmem:$0x1F770]  }
0x2e6: {  	v47 =	vadd.f32 v50, v26;
	v26 =	vld [tilespmem:$0x1F780]  }
0x2e7: {  	v63 =	vld [tilespmem:s7+$0x220]  }
0x2e8: {  	v55 =	vld [tilespmem:s7+$0x240]  }
0x2e9: {  	v54 =	vld [tilespmem:s7+$0x230]  }
0x2ea: {  	v11 =	vadd.f32 v11, v12;
	v4 =	vadd.f32 v4, v52;
	v58 =	vld [tilespmem:s7+$0x210]  }
0x2eb: {  	v44 =	vld [tilespmem:s7+$0x1E0];
	v7 =	vadd.f32 v59, v60;
	v25 =	vadd.f32 v26, v25  }
0x2ec: {  	v11 =	vadd.f32 v11, v13;
	v51 =	vld [tilespmem:s7+$0x250]  }
0x2ed: {  	v7 =	vadd.f32 v4, v7;
	v4 =	vld [tilespmem:$0x1F860];
	[tilespmem:$0x1FEF0] =	vst v25;
	v25 =	vadd.f32 v47, v61  }
0x2ee: {  	v26 =	vld [tilespmem:$0x1F7A0]  }
0x2ef: {  	v10 =	vadd.f32 v11, v10;
	v7 =	vadd.f32 v7, v9;
	[tilespmem:$0x1FF40] =	vst v25;
	v25 =	vld [tilespmem:$0x1F790]  }
0x2f0: {  	v12 =	vadd.f32 v54, v63;
	v46 =	vld [tilespmem:s7+$0x130];
	v9 =	vadd.f32 v58, v57  }
0x2f1: {  	v11 =	vadd.f32 v7, v10;
	v7 =	vld [tilespmem:$0x1F880]  }
0x2f2: {  	v9 =	vadd.f32 v12, v9;
	v12 =	vld [tilespmem:$0x1F890]  }
0x2f3: {  	v4 =	vadd.f32 v6, v4;
	v6 =	vadd.f32 v33, v37;
	v33 =	vld [tilespmem:s7+$0x80]  }
0x2f4: {  	v61 =	vadd.f32 v26, v25;
	v25 =	vld [tilespmem:$0x1F7B0]  }
0x2f5: {  	v26 =	vld [tilespmem:$0x1F7C0]  }
0x2f6: {  	v8 =	vld [tilespmem:s7+$0x270]  }
0x2f7: {  	v53 =	vld [tilespmem:s7+$0x260]  }
0x2f8: {  	v2 =	vld [tilespmem:s7+$0x2B0]  }
0x2f9: {  	v0 =	vld [tilespmem:s7+$0x2A0]  }
0x2fa: {  	v47 =	vadd.f32 v26, v25;
	v25 =	vld [tilespmem:$0x1F7D0]  }
0x2fb: {  	v26 =	vld [tilespmem:$0x1F7E0]  }
0x2fc: {  	v1 =	vld [tilespmem:s7+$0x2D0]  }
0x2fd: {  	(xrf2) =	vadd.scan.msk.f32 $0xffff, v12;
	v12 =	vadd.f32 v8, v53;
	v8 =	vld [tilespmem:s7+$0xC0]  }
0x2fe: {  	v48 =	vld [tilespmem:s7+$0x110]  }
0x2ff: {  	v62 =	vld [tilespmem:s7+$0x140]  }
0x300: {  	v45 =	vadd.f32 v26, v25;
	v25 =	vld [tilespmem:$0x1F7F0]  }
0x301: {  	v26 =	vld [tilespmem:$0x1F810]  }
0x302: {  	v49 =	vld [tilespmem:s7+$0x100]  }
0x303: {  	[tilespmem:$0x1FE50] =	vst v3;
	v3 =	vld [tilespmem:s7+$0x2C0]  }
0x304: {  	v53 =	vadd.f32 v39, v62;
	v62 =	vld [tilespmem:$0x1F8A0]  }
0x305: {  	v50 =	vld [tilespmem:s7+$0x120];
	v20 =	vadd.f32 v47, v61  }
0x306: {  	v47 =	vld [tilespmem:s7+$0x190];
	v40 =	vadd.f32 v40, v25;
	v23 =	vadd.f32 v26, v23  }
0x307: {  	v26 =	vld [tilespmem:$0x1F830]  }
0x308: {  	v61 =	vadd.f32 v40, v45;
	[tilespmem:$0x1FF70] =	vst v23;
	v23 =	vld [tilespmem:$0x1F820]  }
0x309: {  	v25 =	vld [tilespmem:s7+$0x160]  }
0x30a: {  	v40 =	vld [tilespmem:s7+$0x170];
	v20 =	vadd.f32 v61, v20  }
0x30b: {  	v45 =	vld [tilespmem:s7+$0x180]  }
0x30c: {  	v5 =	vadd.f32 v5, v20;
	v20 =	vld [tilespmem:$0x1F840]  }
0x30d: {  	v23 =	vadd.f32 v26, v23;
	v26 =	vld [tilespmem:$0x1F850]  }
0x30e: {  	v61 =	vld [tilespmem:s7+$0x1A0]  }
0x30f: {  	v25 =	vadd.f32 v40, v25;
	v40 =	vadd.f32 v14, v44;
	v44 =	vld [tilespmem:$0x1F8C0]  }
0x310: {  	v14 =	vld [tilespmem:s7+$0xD0]  }
0x311: {  	[tilespmem:$0x1FFA0] =	vst v23;
	v23 =	vadd.f32 v31, v32;
	v32 =	vadd.f32 v19, v22;
	v19 =	vld [tilespmem:s7+$0x30]  }
0x312: {  	p1 =	sne.s32 s9, $0xF;
	v13 =	vadd.f32 v24, v43;
	v28 =	vadd.f32 v26, v20;
	v26 =	vld [tilespmem:s7+$0x1C0]  }
.Ltmp4:
0x313: {  	v24 =	vadd.f32 v48, v49;
	v52 =	vadd.f32 v46, v50;
	v22 =	vld [tilespmem:s7+$0x60];
	(pc) =	sbr.rel @p1 .LBB2_8-.Ltmp4, $4  }
0x314: {  	v10 =	vadd.f32 v51, v55;
	v31 =	vadd.f32 v21, v23;
	v21 =	vld [tilespmem:s7+$0x50]  }
0x315: {  	v7 =	vadd.f32 v41, v7;
	v39 =	vadd.f32 v52, v24;
	v23 =	vld [tilespmem:s7+$0x70]  }
0x316: {  	(xrf2) =	vadd.scan.msk.f32 $0xffff, v36;
	v36 =	vadd.f32 v47, v45;
	v37 =	vadd.f32 v56, v61;
	v20 =	vld [tilespmem:s7+$0x40]  }
0x317: {  	s5 =	smov.u32 s9;
	s9 =	sadd.s32 $0x1, s9;
	(xrf2) =	vadd.scan.msk.f32 $0xffff, v42;
	v45 =	vmovc v29;
	v56 =	vmov v38;
	v41 =	vadd.f32 v25, v53;
	v38 =	vadd.f32 v27, v26;
	v27 =	vld [tilespmem:$0x1F8B0]  }
0x318: {  	v26 =	vld [tilespmem:s7+$0xE0]  }
0x319: {  	v58 =	vld [tilespmem:s7+$0xF0]  }
0x31a: {  	v61 =	vld [tilespmem:s7+$0x2E0]  }
0x31b: {  	v29 =	vld [tilespmem:s7+$0x2F0]  }
0x31c: {  	v18 =	vadd.f32 v18, v35;
	v35 =	vld [tilespmem:s7+$0x4C0]  }
0x31d: {  	v24 =	vadd.f32 v37, v36;
	v36 =	vld [tilespmem:s7+$0x4D0]  }
0x31e: {  	v43 =	vld [tilespmem:s7+$0x6E0]  }
0x31f: {  	v46 =	vld [tilespmem:s7+$0x6F0]  }
0x320: {  	v0 =	vadd.f32 v2, v0;
	v1 =	vadd.f32 v1, v3;
	v48 =	vld [tilespmem:s7+$0x8C0]  }
0x321: {  	v15 =	vadd.f32 v15, v16;
	v60 =	vadd.f32 v19, v17;
	v49 =	vld [tilespmem:s7+$0x8D0]  }
0x322: {  	v34 =	vadd.f32 v34, v33;
	v8 =	vadd.f32 v14, v8;
	v52 =	vld [tilespmem:s7+$0x8E0]  }
0x323: {  	v42 =	vadd.f32 v12, v10;
	v53 =	vld [tilespmem:s7+$0x8F0];
	v25 =	vadd.f32 v40, v38  }
0x324: {  	v50 =	vadd.f32 v4, v32;
	v57 =	vld [tilespmem:s7+$0xAC0];
	v59 =	vadd.f32 v41, v39  }
0x325: {  	v38 =	vld [tilespmem:s7+$0x4E0];
	v24 =	vadd.f32 v25, v24;
	v63 =	vadd.f32 v21, v20  }
0x326: {  	v39 =	vld [tilespmem:s7+$0x4F0];
	v25 =	vadd.f32 v23, v22;
	v2 =	vadd.f32 v58, v26  }
0x327: {  	v40 =	vld [tilespmem:s7+$0x6C0];
	v15 =	vadd.f32 v60, v15;
	v18 =	vadd.f32 v18, v34  }
0x328: {  	v41 =	vld [tilespmem:s7+$0x6D0];
	v37 =	vadd.f32 v25, v63;
	v2 =	vadd.f32 v2, v8  }
0x329: {  	v51 =	vadd.f32 v7, v6;
	v60 =	vld [tilespmem:$0x1FF70];
	v17 =	vadd.f32 v29, v61  }
0x32a: {  	(xrf2) =	vadd.scan.msk.f32 $0xffff, v30;
	v21 =	vld [tilespmem:s7+$0xAF0];
	v15 =	vadd.f32 v37, v15;
	v2 =	vadd.f32 v2, v18  }
0x32b: {  	(xrf2) =	vadd.scan.msk.f32 $0xffff, v5;
	v0 =	vadd.f32 v0, v13;
	v23 =	vld [tilespmem:$0x1FF40];
	v3 =	vadd.f32 v24, v59  }
0x32c: {  	(xrf2) =	vadd.scan.msk.f32 $0xffff, v11;
	v58 =	vld [tilespmem:s7+$0xAD0];
	v1 =	vadd.f32 v17, v1;
	v2 =	vadd.f32 v2, v15  }
0x32d: {  	v5 =	vadd.f32 v42, v9;
	v59 =	vld [tilespmem:$0x1FEF0];
	(xrf2) =	vadd.scan.msk.f32 $0xffff, v3;
	v8 =	vadd.f32 v39, v38  }
0x32e: {  	v47 =	vadd.f32 v36, v35;
	v61 =	vld [tilespmem:$0x1FFA0];
	v0 =	vadd.f32 v1, v0;
	(xrf2) =	vadd.scan.msk.f32 $0xffff, v2  }
0x32f: {  	v55 =	vadd.f32 v46, v43;
	v25 =	vld [tilespmem:$0x1FCF0];
	v54 =	vadd.f32 v41, v40  }
0x330: {  	v26 =	vld [tilespmem:$0x1FE20];
	v3 =	vadd.f32 v8, v47;
	v0 =	vadd.f32 v0, v5  }
0x331: {  	v63 =	vld [tilespmem:s7+$0xAE0];
	v7 =	vadd.f32 v55, v54;
	v8, _, _ =	vpop (xrf2)  }
0x332: {  	v29 =	vld [tilespmem:$0x1FEC0];
	v3 =	vadd.f32 v3, v51;
	v4, _, _ =	vpop (xrf2);
	v2 =	vadd.f32 v50, v31;
	(xrf2) =	vadd.scan.msk.f32 $0xffff, v0  }
0x333: {  	v1 =	vadd.f32 v49, v48;
	v14 =	vadd.f32 v28, v61;
	v28 =	vld [tilespmem:$0x1FE50];
	v13, _, _ =	vpop (xrf2)  }
0x334: {  	v35 =	vld [tilespmem:$0x1FB30];
	v11 =	vadd.f32 v60, v59;
	v20, _, _ =	vpop (xrf2);
	v2 =	vadd.f32 v3, v2  }
0x335: {  	v12 =	vadd.f32 v26, v25;
	v5 =	vadd.f32 v53, v52;
	v22, _, _ =	vpop (xrf2)  }
0x336: {  	v42 =	vld [tilespmem:$0x1FA00];
	v11 =	vadd.f32 v11, v23;
	v7 =	vadd.f32 v7, v14;
	v24, _, _ =	vpop (xrf2);
	(xrf2) =	vadd.scan.msk.f32 $0xffff, v2  }
0x337: {  	v36 =	vld [tilespmem:$0x1FCC0];
	v9 =	vadd.f32 v21, v63;
	v1 =	vadd.f32 v5, v1;
	v30, _, _ =	vpop (xrf2)  }
0x338: {  	v46 =	vld [tilespmem:$0x1F9A0];
	v7 =	vadd.f32 v7, v11;
	v14 =	vadd.f32 v29, v28;
	v31, _, _ =	vpop (xrf2)  }
0x339: {  	v41 =	vld [tilespmem:$0x1F9F0];
	v10 =	vadd.f32 v44, v35;
	v0 =	vadd.f32 v58, v57;
	v5 =	vbroadcast v31, $0xF  }
0x33a: {  	v38 =	vld [tilespmem:$0x1FA70];
	v32 =	vadd.f32 v12, v45;
	v1 =	vadd.f32 v1, v14;
	(xrf2) =	vadd.scan.msk.f32 $0xffff, v7  }
0x33b: {  	v39 =	vld [tilespmem:$0x1FB20];
	v0 =	vadd.f32 v9, v0;
	v33 =	vbroadcast v30, $0xF;
	v5 =	vnsel vm15, $0x0, v5  }
0x33c: {  	v54 =	vld [tilespmem:$0x1F920];
	v1 =	vadd.f32 v1, v32;
	v34, _, _ =	vpop (xrf2);
	v5 =	vadd.f32 $0.0e+00, v5  }
0x33d: {  	v55 =	vld [tilespmem:$0x1F950];
	v0 =	vadd.f32 v0, v36;
	v7 =	vnsel vm14, $0x0, v33;
	v9 =	vbroadcast v34, $0xF  }
0x33e: {  	v49 =	vld [tilespmem:$0x1F960];
	(xrf2) =	vadd.scan.msk.f32 $0xffff, v1;
	v5 =	vadd.f32 v7, v5  }
0x33f: {  	v59 =	vld [tilespmem:$0x1F8E0];
	v2 =	vbroadcast v24, $0xF;
	v0 =	vadd.f32 v0, v10;
	v37 =	vnsel vm13, $0x0, v9  }
0x340: {  	v50 =	vld [tilespmem:$0x1F970];
	v40, _, _ =	vpop (xrf2);
	v7 =	vadd.f32 v39, v38;
	v1 =	vadd.f32 v37, v5  }
0x341: {  	v51 =	vld [tilespmem:$0x1F9B0];
	v2 =	vnsel vm12, $0x0, v2;
	v9 =	vadd.f32 v42, v41;
	v5 =	vbroadcast v40, $0xF  }
0x342: {  	v58 =	vld [tilespmem:$0x1F8D0];
	(xrf2) =	vadd.scan.msk.f32 $0xffff, v0;
	v43 =	vadd.f32 v7, v56;
	v1 =	vadd.f32 v2, v1  }
0x343: {  	v6 =	vadd.f32 v62, v46;
	v45 =	vbroadcast v22, $0xF;
	v44 =	vnsel vm11, $0x0, v5  }
0x344: {  	v48, _, _ =	vpop (xrf2);
	v47 =	vadd.f32 v43, v9;
	v0 =	vadd.f32 v44, v1  }
0x345: {  	v60 =	vld [tilespmem:$0x1F8F0];
	v7 =	vadd.f32 v50, v49;
	v5 =	vnsel vm10, $0x0, v45;
	v2 =	vbroadcast v48, $0xF  }
0x346: {  	v53 =	vbroadcast v20, $0xF;
	(xrf2) =	vadd.scan.msk.f32 $0xffff, v47;
	v0 =	vadd.f32 v5, v0;
	v5 =	vadd.f32 v6, v51  }
0x347: {  	v3 =	vadd.f32 v55, v54;
	v52 =	vnsel vm9, $0x0, v2;
	v6 =	vadd.f32 v59, v58  }
0x348: {  	v57, _, _ =	vpop (xrf2);
	v0 =	vadd.f32 v52, v0;
	v56 =	vadd.f32 v5, v7  }
0x349: {  	v2 =	vnsel vm8, $0x0, v53;
	v5 =	vbroadcast v57, $0xF  }
0x34a: {  	v0 =	vadd.f32 v2, v0;
	v2 =	vadd.f32 v3, v60;
	(xrf2) =	vadd.scan.msk.f32 $0xffff, v56  }
0x34b: {  	v62 =	vbroadcast v13, $0xF;
	v61 =	vnsel vm7, $0x0, v5  }
0x34c: {  	v0 =	vadd.f32 v61, v0;
	v63 =	vadd.f32 v2, v6;
	v6, _, _ =	vpop (xrf2)  }
0x34d: {  	v3 =	vnsel vm6, $0x0, v62;
	v2 =	vbroadcast v6, $0xF  }
0x34e: {  	v0 =	vadd.f32 v3, v0;
	(xrf2) =	vadd.scan.msk.f32 $0xffff, v63  }
0x34f: {  	v9 =	vbroadcast v4, $0xF;
	v7 =	vnsel vm5, $0x0, v2  }
0x350: {  	v10, _, _ =	vpop (xrf2);
	v0 =	vadd.f32 v7, v0  }
0x351: {  	v2 =	vnsel vm4, $0x0, v9;
	v1 =	vbroadcast v10, $0xF  }
0x352: {  	v0 =	vadd.f32 v2, v0  }
0x353: {  	v11 =	vbroadcast v8, $0xF;
	v1 =	vnsel vm3, $0x0, v1  }
0x354: {  	v0 =	vadd.f32 v1, v0;
	v12, _, _ =	vpop (xrf2)  }
0x355: {  	v2 =	vnsel vm1, $0x0, v11;
	v1 =	vbroadcast v12, $0xF  }
0x356: {  	v13 =	vimm.s32 $0xEFCDAB89;
	v14 =	vimm.s32 $0x67452301;
	v0 =	vadd.f32 v2, v0  }
0x357: {  	v3 =	vunpack.c.l.s4.s8 v14;
	v2 =	vunpack.c.l.s4.s8 v13;
	v1 =	vnsel vm2, $0x0, v1  }
0x358: {  	v0 =	vadd.f32 v1, v0;
	v15, _, _ =	vpop (xrf2)  }
0x359: {  	v3 =	vunpack.c.0.s8.s32 v3;
	v2 =	vunpack.c.0.s8.s32 v2;
	v1 =	vsel vm0, $0x0, v15  }
0x35a: {  	v16 =	vimm.s32 $0xDCFE98BA;
	v17 =	vimm.s32 $0x54761032;
	v0 =	vadd.f32 v1, v0  }
0x35b: {  	v18 =	vunpack.c.l.s4.s8 v17;
	v2 =	vcombine.low v3, v2;
	v1 =	vunpack.c.l.s4.s8 v16  }
0x35c: {  	v19 =	vadd.f32 v0, v27  }
0x35d: {  	v3 =	vunpack.c.0.s8.s32 v18;
	v2 =	vand.u32 $0xF, v2;
	v1 =	vunpack.c.0.s8.s32 v1  }
0x35e: {  	v21 =	vimm.s32 $0xBA98FEDC;
	v22 =	vimm.s32 $0x32107654;
	v20 =	vperm.xlane v19, v2  }
0x35f: {  	v6 =	vunpack.c.l.s4.s8 v21;
	v7 =	vunpack.c.l.s4.s8 v22;
	v1 =	vcombine.low v3, v1  }
0x360: {  	v4 =	vadd.f32 v20, v19  }
0x361: {  	v23 =	vunpack.c.0.s8.s32 v6;
	v24 =	vunpack.c.0.s8.s32 v7;
	v3 =	vand.u32 $0xF, v1  }
0x362: {  	v26 =	vimm.s32 $0xFEDCBA98;
	v25 =	vperm.xlane v4, v3  }
0x363: {  	v7 =	vunpack.c.l.s4.s8 v26;
	v27 =	vimm.s32 $0x76543210;
	v1 =	vcombine.low v24, v23  }
0x364: {  	v5 =	vunpack.c.l.s4.s8 v27;
	v6 =	vadd.f32 v25, v4  }
0x365: {  	v28 =	vunpack.c.0.s8.s32 v7;
	v4 =	vand.u32 $0xF, v1  }
0x366: {  	v5 =	vunpack.c.0.s8.s32 v5;
	v29 =	vperm.xlane v6, v4  }
0x367: {  	v1 =	vand.u32 $0xF, v28  }
0x368: {  	v5 =	vcombine.low v1, v5;
	v6 =	vadd.f32 v29, v6;
	_ =	sdelay $0x1  }
0x369: {  	v1 =	vperm.xlane v6, v5  }
0x36a: {  	s5 =	sshll.u32 s5, $0x4  }
0x36b: {  	s5 =	sand.u32 $0x3FFFFFF0, s5;
	v1 =	vadd.f32 v1, v6  }
0x36c: {  	[tilespmem:s5+$0x10080] =	vst v0  }
0x36d: {  	s25 =	simm.s32 $0x10380;
	s26 =	simm.s32 $0x1;
	[tilespmem:$0x10380] =	vst v1  }
0x36e: {  	[spmem:s8] =	stream.linear.scatter [tilespmem:s25], [sflag:$0x1], $0x10, $0x38;
	[tilespmem:$0x104A0] =	vst v63  }
0x36f: {  	_ =	swait.ge [sflag:s26], $0x10  }
0x370: {  	[sflag:s26] =	ssyncset.done $0x0  }
0x371: {  	[sflag:s26] =	ssyncadd.s32 $0xFFFFFFF0  }
0x372: {  	s28 =	simm.s32 $0x10180;
	[bflag:$0x0] =	sbarrier.arrive $0xFFFF  }
0x373: {  	[tilespmem:s28], [sflag:$0x1] =	stream.linear.gather [spmem:s4], $0x100, $0x38;
	[tilespmem:$0x104A0] =	vst v63  }
0x374: {  	_ =	swait.ge [sflag:s26], $0x100  }
0x375: {  	[sflag:s26] =	ssyncset.done $0x0  }
0x376: {  	[sflag:s26] =	ssyncadd.s32 $0xFFFFFF00  }
0x377: {  	v11 =	vld [tilespmem:$0x10080];
	_ =	sdelay $0x3  }
0x378: {  	v9 =	vld [tilespmem:$0x10090]  }
0x379: {  	(xrf2) =	vadd.scan.msk.f32 $0xffff, v11;
	_ =	sdelay $0x2  }
0x37a: {  	v7 =	vld [tilespmem:$0x100A0]  }
0x37b: {  	(xrf2) =	vadd.scan.msk.f32 $0xffff, v9;
	_ =	sdelay $0x2  }
0x37c: {  	v6 =	vld [tilespmem:$0x100B0]  }
0x37d: {  	(xrf2) =	vadd.scan.msk.f32 $0xffff, v7;
	_ =	sdelay $0x1  }
0x37e: {  	v17, _, _ =	vpop (xrf2)  }
0x37f: {  	v8 =	vld [tilespmem:$0x100C0];
	v30 =	vadd.f32 $0.0e+00, v17  }
0x380: {  	v1 =	vimm.s32 $0xF;
	(xrf2) =	vadd.scan.msk.f32 $0xffff, v6  }
0x381: {  	v31 =	vld [tilespmem:$0x10180];
	v0 =	vperm.xlane v30, v1  }
0x382: {  	v10 =	vld [tilespmem:$0x100D0];
	v32, _, _ =	vpop (xrf2)  }
0x383: {  	v33 =	vld [tilespmem:$0x10190];
	v19 =	vadd.f32 v32, v0  }
0x384: {  	(xrf2) =	vadd.scan.msk.f32 $0xffff, v8  }
0x385: {  	v36 =	vld [tilespmem:$0x101A0];
	v34 =	vperm.xlane v19, v1  }
0x386: {  	v12 =	vld [tilespmem:$0x100E0];
	v35 =	vadd.f32 $0.0e+00, v31;
	v37, _, _ =	vpop (xrf2)  }
0x387: {  	v39 =	vld [tilespmem:$0x101B0];
	v20 =	vadd.f32 v37, v34  }
0x388: {  	v14 =	vadd.f32 v33, v35;
	(xrf2) =	vadd.scan.msk.f32 $0xffff, v10  }
0x389: {  	p1 =	seq.s32 s3, $0x0;
	p4 =	sgt.u32 s3, $0x1;
	v41 =	vld [tilespmem:$0x101C0];
	v40 =	vperm.xlane v20, v1  }
0x38a: {  	v38 =	vpsel p1, $0x0, v35;
	v14 =	vadd.f32 v36, v14;
	v0 =	vpsel !p4, $0x0, v33;
	v42, _, _ =	vpop (xrf2)  }
0x38b: {  	p5 =	sgt.u32 s3, $0x2;
	v13 =	vld [tilespmem:$0x100F0];
	v0 =	vadd.f32 v0, v38;
	v22 =	vadd.f32 v42, v40  }
0x38c: {  	v15 =	vpsel !p5, $0x0, v36;
	v14 =	vadd.f32 v39, v14;
	(xrf2) =	vadd.scan.msk.f32 $0xffff, v12  }
0x38d: {  	p6 =	sgt.u32 s3, $0x3;
	v43 =	vld [tilespmem:$0x101D0];
	v0 =	vadd.f32 v15, v0;
	v18 =	vperm.xlane v22, v1  }
0x38e: {  	v44 =	vld [tilespmem:$0x101E0];
	v16 =	vpsel !p6, $0x0, v39;
	v46 =	vadd.f32 v41, v14;
	v45, _, _ =	vpop (xrf2)  }
0x38f: {  	p2 =	sgt.u32 s3, $0x4;
	v14 =	vld [tilespmem:$0x10100];
	v0 =	vadd.f32 v16, v0;
	v23 =	vadd.f32 v45, v18  }
0x390: {  	v21 =	vpsel !p2, $0x0, v41;
	(xrf2) =	vadd.scan.msk.f32 $0xffff, v13  }
0x391: {  	p3 =	sgt.u32 s3, $0x5;
	v47 =	vld [tilespmem:$0x101F0];
	v0 =	vadd.f32 v21, v0;
	v49 =	vperm.xlane v23, v1  }
0x392: {  	v50 =	vld [tilespmem:$0x10200];
	v48 =	vadd.f32 v43, v46;
	v15 =	vpsel !p3, $0x0, v43;
	v51, _, _ =	vpop (xrf2)  }
0x393: {  	v0 =	vadd.f32 v15, v0;
	v15 =	vld [tilespmem:$0x10110];
	v24 =	vadd.f32 v51, v49  }
0x394: {  	p4 =	sgt.u32 s3, $0x6;
	v21 =	vadd.f32 v44, v48;
	(xrf2) =	vadd.scan.msk.f32 $0xffff, v14  }
0x395: {  	v52 =	vld [tilespmem:$0x10210];
	v16 =	vpsel !p4, $0x0, v44;
	v54 =	vperm.xlane v24, v1  }
0x396: {  	v55 =	vld [tilespmem:$0x10220];
	p5 =	sgt.u32 s3, $0x7;
	v53 =	vadd.f32 v47, v21;
	v0 =	vadd.f32 v16, v0;
	v56, _, _ =	vpop (xrf2)  }
0x397: {  	v16 =	vld [tilespmem:$0x10120];
	v18 =	vpsel !p5, $0x0, v47;
	v21 =	vadd.f32 v56, v54  }
0x398: {  	p6 =	sgt.u32 s3, $0x8;
	v57 =	vadd.f32 v50, v53;
	v0 =	vadd.f32 v18, v0;
	(xrf2) =	vadd.scan.msk.f32 $0xffff, v15  }
0x399: {  	v58 =	vld [tilespmem:$0x10230];
	v25 =	vpsel !p6, $0x0, v50;
	v60 =	vperm.xlane v21, v1  }
0x39a: {  	v61 =	vld [tilespmem:$0x10240];
	p2 =	sgt.u32 s3, $0x9;
	v59 =	vadd.f32 v52, v57;
	v0 =	vadd.f32 v25, v0;
	v29, _, _ =	vpop (xrf2)  }
0x39b: {  	v26 =	vpsel !p2, $0x0, v52;
	v18 =	vld [tilespmem:$0x10130];
	v28 =	vadd.f32 v29, v60  }
0x39c: {  	p3 =	sgt.u32 s3, $0xA;
	v27 =	vadd.f32 v55, v59;
	(xrf2) =	vadd.scan.msk.f32 $0xffff, v16;
	v0 =	vadd.f32 v26, v0  }
0x39d: {  	v63 =	vld [tilespmem:$0x10250];
	v62 =	vpsel !p3, $0x0, v55;
	v36 =	vperm.xlane v28, v1  }
0x39e: {  	v31 =	vld [tilespmem:$0x10140];
	p4 =	sgt.u32 s3, $0xB;
	v27 =	vadd.f32 v58, v27;
	v38, _, _ =	vpop (xrf2);
	v0 =	vadd.f32 v62, v0  }
0x39f: {  	v37 =	vld [tilespmem:$0x10260];
	v25 =	vpsel !p4, $0x0, v58;
	v30 =	vadd.f32 v38, v36  }
0x3a0: {  	p5 =	sgt.u32 s3, $0xC;
	(xrf2) =	vadd.scan.msk.f32 $0xffff, v18;
	v27 =	vadd.f32 v61, v27;
	v0 =	vadd.f32 v25, v0  }
0x3a1: {  	v39 =	vld [tilespmem:$0x10270];
	v26 =	vpsel !p5, $0x0, v61;
	v41 =	vperm.xlane v30, v1  }
0x3a2: {  	p6 =	sgt.u32 s3, $0xD;
	v33 =	vld [tilespmem:$0x10150];
	v27 =	vadd.f32 v63, v27;
	v0 =	vadd.f32 v26, v0;
	v43, _, _ =	vpop (xrf2)  }
0x3a3: {  	v40 =	vpsel !p6, $0x0, v63;
	v42 =	vld [tilespmem:$0x10000];
	v29 =	vadd.f32 v43, v41  }
0x3a4: {  	v27 =	vadd.f32 v37, v27;
	v0 =	vadd.f32 v40, v0;
	(xrf2) =	vadd.scan.msk.f32 $0xffff, v31  }
0x3a5: {  	v25 =	vpsel !p0, $0x0, v37;
	v45 =	vperm.xlane v29, v1  }
0x3a6: {  	v44 =	vadd.f32 v39, v27;
	v46, _, _ =	vpop (xrf2);
	v0 =	vadd.f32 v25, v0  }
0x3a7: {  	v27 =	vld [tilespmem:$0x10160];
	v26 =	vadd.f32 v46, v45  }
0x3a8: {  	(xrf2) =	vadd.scan.msk.f32 $0xffff, v33;
	v25 =	vmul.f32 v44, v42;
	v0 =	vadd.f32 $0.0e+00, v0  }
0x3a9: {  	v47 =	vperm.xlane v26, v1  }
0x3aa: {  	v48, _, _ =	vpop (xrf2);
	v0 =	vsub.f32 v25, v0  }
0x3ab: {  	v50 =	vld [tilespmem:$0x10170];
	v49 =	vadd.f32 v48, v47  }
0x3ac: {  	(xrf2) =	vadd.scan.msk.f32 $0xffff, v27;
	vm0 =	vle.f32 v17, v0  }
0x3ad: {  	vm1 =	vle.f32 v19, v0;
	vm3 =	vle.f32 v20, v0;
	v53 =	vperm.xlane v49, v1  }
0x3ae: {  	vm2 =	vle.f32 v22, v0;
	vm4 =	vle.f32 v23, v0;
	vm6 =	vle.f32 v24, v0;
	v55, _, _ =	vpop (xrf2)  }
0x3af: {  	v51 =	vmpcnt.ones.xlane vm0;
	v52 =	vmpcnt.ones.xlane vm1;
	v22 =	vadd.f32 v55, v53  }
0x3b0: {  	vm5 =	vle.f32 v21, v0;
	vm7 =	vle.f32 v28, v0;
	v20 =	vmpcnt.ones.xlane vm3;
	(xrf2) =	vadd.scan.msk.f32 $0xffff, v50  }
0x3b1: {  	v54 =	vmpcnt.ones.xlane vm2;
	v25 =	vadd.s32 v51, v52;
	v56 =	vperm.xlane v22, v1  }
0x3b2: {  	vm8 =	vle.f32 v30, v0;
	v23 =	vmpcnt.ones.xlane vm4;
	v58, _, _ =	vpop (xrf2);
	v20 =	vadd.s32 v20, v25  }
0x3b3: {  	v24 =	vmpcnt.ones.xlane vm6;
	v20 =	vadd.s32 v54, v20;
	v21 =	vadd.f32 v58, v56  }
0x3b4: {  	v57 =	vmpcnt.ones.xlane vm5;
	v59 =	vmpcnt.ones.xlane vm7;
	v20 =	vadd.s32 v23, v20  }
0x3b5: {  	vm9 =	vle.f32 v29, v0;
	v20 =	vadd.s32 v24, v20;
	v25 =	vperm.xlane v21, v1  }
0x3b6: {  	v60 =	vmpcnt.ones.xlane vm8;
	v61 =	vmpcnt.ones.xlane vm9;
	v62, _, _ =	vpop (xrf2);
	v20 =	vadd.s32 v57, v20  }
0x3b7: {  	vm10 =	vle.f32 v26, v0;
	v20 =	vadd.s32 v59, v20;
	v63 =	vadd.f32 v62, v25  }
0x3b8: {  	v11 =	vadd.f32 $0.0e+00, v11;
	v26 =	vmpcnt.ones.xlane vm10;
	v20 =	vadd.s32 v60, v20  }
0x3b9: {  	vm11 =	vle.f32 v49, v0;
	v20 =	vadd.s32 v61, v20;
	v28 =	vperm.xlane v63, v1  }
0x3ba: {  	v17 =	vmpcnt.ones.xlane vm11;
	v20 =	vadd.s32 v26, v20;
	v30, _, _ =	vpop (xrf2);
	vm12 =	vle.f32 v22, v0  }
0x3bb: {  	v29 =	vmpcnt.ones.xlane vm12;
	vm14 =	vle.f32 v21, v0;
	v32 =	vadd.f32 v30, v28  }
0x3bc: {  	v17 =	vadd.s32 v17, v20;
	v21 =	vmpcnt.ones.xlane vm14;
	vm15 =	vle.f32 v63, v0  }
0x3bd: {  	v17 =	vadd.s32 v29, v17;
	v34 =	vmpcnt.ones.xlane vm15;
	vm13 =	vle.f32 v32, v0  }
0x3be: {  	v17 =	vadd.s32 v21, v17;
	v35 =	vmpcnt.ones.xlane vm13  }
0x3bf: {  	v11 =	vnsel vm0, $0x0, v11;
	v9 =	vnsel vm1, $0x0, v9;
	v17 =	vadd.s32 v34, v17  }
0x3c0: {  	v11 =	vadd.f32 v9, v11;
	v9 =	vadd.s32 v35, v17  }
0x3c1: {  	v7 =	vnsel vm3, $0x0, v7;
	v17 =	vxor.u32 $0x80000000, v9  }
0x3c2: {  	v7 =	vadd.f32 v7, v11;
	(xrf0) =	vmax.scan.msk.u32 $0xffff, v17  }
0x3c3: {  	v6 =	vnsel vm2, $0x0, v6  }
0x3c4: {  	v6 =	vadd.f32 v6, v7  }
0x3c5: {  	v36 =	vnsel vm4, $0x0, v8  }
0x3c6: {  	v6 =	vadd.f32 v36, v6  }
0x3c7: {  	v37 =	vnsel vm6, $0x0, v10  }
0x3c8: {  	v6 =	vadd.f32 v37, v6;
	v38, _, _ =	vpop (xrf0)  }
0x3c9: {  	v39 =	vnsel vm5, $0x0, v12;
	(v2sf) =	vpush v38, $0xF  }
0x3ca: {  	v6 =	vadd.f32 v39, v6  }
0x3cb: {  	v40 =	vnsel vm7, $0x0, v13  }
0x3cc: {  	v6 =	vadd.f32 v40, v6  }
0x3cd: {  	v41 =	vnsel vm8, $0x0, v14  }
0x3ce: {  	v6 =	vadd.f32 v41, v6  }
0x3cf: {  	v42 =	vnsel vm9, $0x0, v15  }
0x3d0: {  	v6 =	vadd.f32 v42, v6  }
0x3d1: {  	v43 =	vnsel vm10, $0x0, v16  }
0x3d2: {  	v6 =	vadd.f32 v43, v6  }
0x3d3: {  	v44 =	vnsel vm11, $0x0, v18  }
0x3d4: {  	v6 =	vadd.f32 v44, v6  }
0x3d5: {  	v45 =	vnsel vm12, $0x0, v31  }
0x3d6: {  	v6 =	vadd.f32 v45, v6  }
0x3d7: {  	v46 =	vnsel vm14, $0x0, v33  }
0x3d8: {  	v6 =	vadd.f32 v46, v6;
	s29 =	spop (v2sf)  }
0x3d9: {  	v47 =	vnsel vm15, $0x0, v27;
	s4 =	sxor.u32 $0x80000000, s29  }
0x3da: {  	v6 =	vadd.f32 v47, v6;
	p0 =	slt.s32 s4, $0xF6  }
0x3db: {  	v48 =	vnsel vm13, $0x0, v50;
	s4 =	simm.s32 @!p0 $0xF6  }
0x3dc: {  	v6 =	vadd.f32 v48, v6;
	s4 =	sshll.u32 s4, $0xA  }
0x3dd: {  	s4 =	sshra.s32 s4, $0x2  }
0x3de: {  	v2 =	vperm.xlane v6, v2;
	v49 =	vld [tilespmem:s4+$0x0];
	_ =	sdelay $0x1  }
0x3df: {  	v2 =	vadd.f32 v6, v2;
	_ =	sdelay $0x1  }
0x3e0: {  	v3 =	vperm.xlane v2, v3;
	v50 =	vld [tilespmem:s4+$0x10]  }
0x3e1: {  	(xrf2) =	vadd.scan.msk.f32 $0xffff, v49  }
0x3e2: {  	v2 =	vadd.f32 v2, v3;
	_ =	sdelay $0x1  }
0x3e3: {  	v3 =	vperm.xlane v2, v4;
	v51 =	vld [tilespmem:s4+$0x20]  }
0x3e4: {  	(xrf2) =	vadd.scan.msk.f32 $0xffff, v50  }
0x3e5: {  	v2 =	vadd.f32 v2, v3;
	_ =	sdelay $0x1  }
0x3e6: {  	v3 =	vperm.xlane v2, v5;
	v52 =	vld [tilespmem:s4+$0x30]  }
0x3e7: {  	(xrf2) =	vadd.scan.msk.f32 $0xffff, v51  }
0x3e8: {  	v2 =	vadd.f32 v2, v3  }
0x3e9: {  	v53, _, _ =	vpop (xrf2)  }
0x3ea: {  	v54 =	vld [tilespmem:s4+$0x40];
	v2 =	vadd.f32 v2, v53  }
0x3eb: {  	(xrf2) =	vadd.scan.msk.f32 $0xffff, v52  }
0x3ec: {  	v55 =	vperm.xlane v2, v1  }
0x3ed: {  	v56, _, _ =	vpop (xrf2)  }
0x3ee: {  	v57 =	vld [tilespmem:s4+$0x50];
	v4 =	vadd.f32 v56, v55  }
0x3ef: {  	(xrf2) =	vadd.scan.msk.f32 $0xffff, v54  }
0x3f0: {  	v58 =	vperm.xlane v4, v1  }
0x3f1: {  	v59, _, _ =	vpop (xrf2)  }
0x3f2: {  	v60 =	vld [tilespmem:s4+$0x60];
	v3 =	vadd.f32 v59, v58  }
0x3f3: {  	(xrf2) =	vadd.scan.msk.f32 $0xffff, v57  }
0x3f4: {  	v61 =	vperm.xlane v3, v1  }
0x3f5: {  	v62, _, _ =	vpop (xrf2)  }
0x3f6: {  	v63 =	vld [tilespmem:s4+$0x70];
	v5 =	vadd.f32 v62, v61  }
0x3f7: {  	(xrf2) =	vadd.scan.msk.f32 $0xffff, v60  }
0x3f8: {  	v12 =	vperm.xlane v5, v1  }
0x3f9: {  	v13, _, _ =	vpop (xrf2)  }
0x3fa: {  	v14 =	vld [tilespmem:s4+$0x80];
	v6 =	vadd.f32 v13, v12  }
0x3fb: {  	(xrf2) =	vadd.scan.msk.f32 $0xffff, v63  }
0x3fc: {  	v15 =	vperm.xlane v6, v1  }
0x3fd: {  	v16, _, _ =	vpop (xrf2)  }
0x3fe: {  	v17 =	vld [tilespmem:s4+$0x90];
	v7 =	vadd.f32 v16, v15  }
0x3ff: {  	(xrf2) =	vadd.scan.msk.f32 $0xffff, v14  }
0x400: {  	v18 =	vperm.xlane v7, v1  }
0x401: {  	v19, _, _ =	vpop (xrf2)  }
0x402: {  	v20 =	vld [tilespmem:s4+$0xA0];
	v8 =	vadd.f32 v19, v18  }
0x403: {  	(xrf2) =	vadd.scan.msk.f32 $0xffff, v17  }
0x404: {  	v21 =	vperm.xlane v8, v1  }
0x405: {  	v22, _, _ =	vpop (xrf2)  }
0x406: {  	v23 =	vld [tilespmem:s4+$0xB0];
	v10 =	vadd.f32 v22, v21  }
0x407: {  	(xrf2) =	vadd.scan.msk.f32 $0xffff, v20  }
0x408: {  	v24 =	vperm.xlane v10, v1  }
0x409: {  	v25, _, _ =	vpop (xrf2)  }
0x40a: {  	v26 =	vld [tilespmem:s4+$0xC0];
	v11 =	vadd.f32 v25, v24  }
0x40b: {  	(xrf2) =	vadd.scan.msk.f32 $0xffff, v23  }
0x40c: {  	v27 =	vperm.xlane v11, v1  }
0x40d: {  	v28, _, _ =	vpop (xrf2)  }
0x40e: {  	v29 =	vld [tilespmem:s4+$0xD0];
	v12 =	vadd.f32 v28, v27  }
0x40f: {  	(xrf2) =	vadd.scan.msk.f32 $0xffff, v26  }
0x410: {  	v30 =	vperm.xlane v12, v1  }
0x411: {  	v31, _, _ =	vpop (xrf2)  }
0x412: {  	v32 =	vld [tilespmem:s4+$0xE0];
	v13 =	vadd.f32 v31, v30  }
0x413: {  	(xrf2) =	vadd.scan.msk.f32 $0xffff, v29  }
0x414: {  	v33 =	vperm.xlane v13, v1  }
0x415: {  	v34, _, _ =	vpop (xrf2)  }
0x416: {  	v36 =	vld [tilespmem:s4+$0xF0];
	vm11 =	vle.f32 v2, v0;
	vm12 =	vle.f32 v4, v0;
	v35 =	vadd.f32 v34, v33  }
0x417: {  	v37 =	vmpcnt.ones.xlane vm11;
	v38 =	vmpcnt.ones.xlane vm12;
	(xrf2) =	vadd.scan.msk.f32 $0xffff, v32  }
0x418: {  	vm13 =	vle.f32 v3, v0;
	v39 =	vperm.xlane v35, v1  }
0x419: {  	v14 =	vadd.s32 v37, v38;
	v40 =	vmpcnt.ones.xlane vm13;
	vm14 =	vle.f32 v5, v0;
	v41, _, _ =	vpop (xrf2)  }
0x41a: {  	v42 =	vmpcnt.ones.xlane vm14;
	vm15 =	vle.f32 v6, v0;
	v3 =	vadd.f32 v41, v39  }
0x41b: {  	v43 =	vadd.s32 v40, v14;
	v44 =	vmpcnt.ones.xlane vm15;
	(xrf2) =	vadd.scan.msk.f32 $0xffff, v36  }
0x41c: {  	v5 =	vadd.s32 v42, v43;
	vm4 =	vle.f32 v7, v0;
	v45 =	vperm.xlane v3, v1  }
0x41d: {  	v4 =	vadd.s32 v44, v5;
	v46 =	vmpcnt.ones.xlane vm4;
	vm5 =	vle.f32 v8, v0;
	v47, _, _ =	vpop (xrf2)  }
0x41e: {  	v48 =	vmpcnt.ones.xlane vm5;
	vm6 =	vle.f32 v10, v0;
	v6 =	vadd.f32 v47, v45  }
0x41f: {  	v4 =	vadd.s32 v46, v4;
	v49 =	vmpcnt.ones.xlane vm6  }
0x420: {  	v4 =	vadd.s32 v48, v4;
	vm7 =	vle.f32 v11, v0;
	v50 =	vperm.xlane v6, v1  }
0x421: {  	v4 =	vadd.s32 v49, v4;
	v51 =	vmpcnt.ones.xlane vm7;
	vm8 =	vle.f32 v12, v0;
	v52, _, _ =	vpop (xrf2)  }
0x422: {  	v53 =	vmpcnt.ones.xlane vm8;
	vm9 =	vle.f32 v13, v0;
	v7 =	vadd.f32 v52, v50  }
0x423: {  	v4 =	vadd.s32 v51, v4;
	v54 =	vmpcnt.ones.xlane vm9  }
0x424: {  	v4 =	vadd.s32 v53, v4;
	vm10 =	vle.f32 v35, v0;
	v1 =	vperm.xlane v7, v1  }
0x425: {  	v63 =	vld [tilespmem:$0x1FFD0];
	v55 =	vadd.s32 v54, v4;
	v56 =	vmpcnt.ones.xlane vm10;
	v57, _, _ =	vpop (xrf2);
	vm11 =	vle.f32 v3, v0  }
0x426: {  	v58 =	vmpcnt.ones.xlane vm11;
	vm12 =	vle.f32 v6, v0;
	v1 =	vadd.f32 v57, v1  }
0x427: {  	v2 =	vadd.s32 v56, v55;
	v59 =	vmpcnt.ones.xlane vm12;
	vm13 =	vle.f32 v7, v0  }
0x428: {  	v2 =	vadd.s32 v58, v2;
	v60 =	vmpcnt.ones.xlane vm13;
	vm14 =	vle.f32 v1, v0  }
0x429: {  	v61 =	vadd.s32 v59, v2;
	v62 =	vmpcnt.ones.xlane vm14  }
0x42a: {  	vm15 =	vlt.s32 v9, v63;
	v0 =	vadd.s32 v60, v61  }
0x42b: {  	v1 =	vsel vm15, v9, v63;
	v0 =	vadd.s32 v62, v0  }
0x42c: {  	v1 =	vshll.u32 v1, $0x8;
	v0 =	vnsel vm15, $0x0, v0  }
0x42d: {  	v0 =	vadd.s32 v1, v0  }
0x42e: {  	s30 =	simm.s32 $0x10400;
	[tilespmem:$0x10400] =	vst v0  }
0x42f: {  	[spmem:s6] =	stream.linear.scatter [tilespmem:s30], [sflag:$0x1], $0x10, $0x38;
	[tilespmem:$0x104A0] =	vst v63  }
0x430: {  	_ =	swait.ge [sflag:s26], $0x10  }
0x431: {  	[sflag:s26] =	ssyncset.done $0x0  }
0x432: {  	[sflag:s26] =	ssyncadd.s32 $0xFFFFFFF0  }
0x433: {  	s31 =	simm.s32 $0x10280;
	[bflag:$0x0] =	sbarrier.arrive $0xFFFF  }
0x434: {  	[tilespmem:s31], [sflag:$0x1] =	stream.linear.gather [spmem:s2], $0x100, $0x38;
	[tilespmem:$0x104A0] =	vst v63  }
0x435: {  	_ =	swait.ge [sflag:s26], $0x100  }
0x436: {  	[sflag:s26] =	ssyncset.done $0x0  }
0x437: {  	p0 =	sne.s32 s3, $0x0;
	[sflag:s26] =	ssyncadd.s32 $0xFFFFFF00  }
0x438: {  	_ =	sfence.sel @p0 $0x180000  }
0x439: {  	[bflag:$0x0] =	sbarrier.arrive @p0 $0xFFFF  }
0x43a: {  	_ =	strace @p0 $0x90000047  }
0x43b: {  	[bflag:$0x2] =	sbarrier.arrive @p0 $0xFFFF  }
0x43c: {  	v0 =	vld @!p0 [tilespmem:$0x10280]  }
0x43d: {  	v1 =	vld @!p0 [tilespmem:$0x10290]  }
0x43e: {  	v2 =	vld @!p0 [tilespmem:$0x102A0]  }
0x43f: {  	v3 =	vld @!p0 [tilespmem:$0x102B0]  }
0x440: {  	v4 =	vld @!p0 [tilespmem:$0x102C0]  }
0x441: {  	v5 =	vld @!p0 [tilespmem:$0x102D0]  }
0x442: {  	v0 =	vadd.s32 @!p0 v0, v1;
	v1 =	vld @!p0 [tilespmem:$0x102E0]  }
0x443: {  	v0 =	vadd.s32 @!p0 v2, v0;
	v2 =	vld @!p0 [tilespmem:$0x102F0]  }
0x444: {  	v0 =	vadd.s32 @!p0 v3, v0;
	v3 =	vld @!p0 [tilespmem:$0x10300]  }
0x445: {  	v0 =	vadd.s32 @!p0 v4, v0;
	v4 =	vld @!p0 [tilespmem:$0x10310]  }
0x446: {  	v0 =	vadd.s32 @!p0 v5, v0;
	v5 =	vld @!p0 [tilespmem:$0x10320]  }
0x447: {  	v0 =	vadd.s32 @!p0 v1, v0;
	v1 =	vld @!p0 [tilespmem:$0x10330]  }
0x448: {  	v0 =	vadd.s32 @!p0 v2, v0;
	v2 =	vld @!p0 [tilespmem:$0x10340]  }
0x449: {  	v0 =	vadd.s32 @!p0 v3, v0;
	v3 =	vld @!p0 [tilespmem:$0x10350]  }
0x44a: {  	v0 =	vadd.s32 @!p0 v4, v0;
	v4 =	vld @!p0 [tilespmem:$0x10360]  }
0x44b: {  	v0 =	vadd.s32 @!p0 v5, v0;
	v5 =	vld @!p0 [tilespmem:$0x10370]  }
0x44c: {  	v0 =	vadd.s32 @!p0 v1, v0  }
0x44d: {  	v0 =	vadd.s32 @!p0 v2, v0  }
0x44e: {  	v0 =	vadd.s32 @!p0 v3, v0  }
0x44f: {  	v0 =	vadd.s32 @!p0 v4, v0  }
0x450: {  	v0 =	vadd.s32 @!p0 v5, v0  }
0x451: {  	vm0 =	vlt.s32 @!p0 v0, $0xF423F  }
0x452: {  	v0 =	vnsel @!p0 vm0, $0xF423F, v0  }
0x453: {  	s3 =	simm.s32 @!p0 $0x10400;
	s2 =	simm.s32 @!p0 $0x0;
	[tilespmem:$0x10400] =	vst @!p0 v0  }
0x454: {  	[hbm4b:s1+s2] =	stream.linear.scatter @!p0 [tilespmem:s3], [sflag:$0x1], $0x80, $0x38;
	[tilespmem:$0x104A0] =	vst v63  }
0x455: {  	s1 =	simm.s32 @!p0 $0x1  }
0x456: {  	_ =	swait.ge @!p0 [sflag:s1], $0x80  }
0x457: {  	[sflag:s1] =	ssyncset.done @!p0 $0x0  }
0x458: {  	[sflag:s1] =	ssyncadd.s32 @!p0 $0xFFFFFF80  }
0x459: {  	_ =	sfence.sel @!p0 $0x180000  }
0x45a: {  	[bflag:$0x0] =	sbarrier.arrive @!p0 $0xFFFF  }
0x45b: {  	_ =	strace @!p0 $0x90000047  }
0x45c: {  	s0 =	sadd.s32 @!p0 $0x100000, s0;
	[bflag:$0x2] =	sbarrier.arrive @!p0 $0xFFFF  }
0x45d: {  	[sflag:s0] =	ssyncadd.tile.s32 @!p0 $0x1;
	_ =	shalt  }
.Lfunc_end2:
_tile_overlayer_lowered:
.L_overlay_start_2:
0x45e: {  	(tag) =	ssettag $0x2  }
0x45f: {  	s0 =	rddreg [dreg:$0x0];
	s2 =	stileid.u32  }
0x460: {  	s1 =	rddreg [dreg:$0x1];
	p0 =	sne.s32 s2, $0x0  }
0x461: {  	s3 =	rddreg [dreg:$0x2];
	[bflag:$0x3] =	sbarrier.arrive $0xFFFF;
	s2 =	simm.s32 @!p0 $0x1C01  }
0x462: {  	[timem:s3], [sflag:s2] =	dma.local @!p0 [hbm:s0], s1  }
0x463: {  	s0 =	simm.s32 @!p0 $0x1  }
0x464: {  	_ =	swait.ge @!p0 [sflag:s0], s1  }
0x465: {  	s1 =	ssub.s32 @!p0 $0x0, s1;
	[sflag:s0] =	ssyncset.done @!p0 $0x0  }
0x466: {  	[sflag:s0] =	ssyncadd.s32 @!p0 s1  }
0x467: {  	[bflag:$0x3] =	sbarrier.arrive $0xFFFF  }
0x468: {  	_ =	shalt  }

</sc_bundles>
